<compile_context>
chip_gen: v7x
topology: tpu7x:2x2x1
jax: 0.10.2.dev20260603
libtpu: 0.0.44.dev20260713+nightly
codegen_flags: <defaults>
</compile_context>

<pallas_src>
import jax
import jax.numpy as jnp
from jax import lax
from jax.experimental import pallas as pl
from jax.experimental.pallas import tpu as pltpu
import jax.experimental.pallas.tpu_sc as plsc

N = 10000
E = 320000
D = 128
G = 32
F1 = 32
F2P = 32

NC = 2
NS = 16
NW = NC * NS
CH = 128
K = 80
E_PAD = NW * K * CH
ACC_ROWS = 10240
RPT = ACC_ROWS // NS
NB = 8


def _seg_body(h_hbm, src_hbm, dst_hbm, out_hbm,
              src_all, dst_all, bufs, zbuf, acc, sem_g, sem_s):
    cid = lax.axis_index("c")
    sid = lax.axis_index("s")
    wid = cid * NS + sid

    z16 = jnp.zeros((16,), jnp.float32)

    def zrow(i, carry):
        zbuf[i, pl.ds(0, 16)] = z16
        zbuf[i, pl.ds(16, 16)] = z16
        return carry

    lax.fori_loop(0, RPT, zrow, 0)
    pltpu.sync_copy(zbuf, acc.at[pl.ds(sid * RPT, RPT)])

    pltpu.sync_copy(src_hbm.at[pl.ds(wid * K, K)], src_all)
    pltpu.sync_copy(dst_hbm.at[pl.ds(wid * K, K)], dst_all)
    plsc.subcore_barrier()

    ba = [bufs.at[i] for i in range(NB)]
    bb = [bufs.at[NB + i] for i in range(NB)]

    def gather(j, b):
        pltpu.async_copy(h_hbm.at[src_all.at[j]], b, sem_g)

    def wait_gather(j, b):
        pltpu.make_async_copy(h_hbm.at[src_all.at[j]], b, sem_g).wait()

    def scatter(j, b):
        pltpu.async_copy(b, acc.at[dst_all.at[j]], sem_s, add=True)

    def wait_scatter(j, b):
        pltpu.make_async_copy(b, acc.at[dst_all.at[j]], sem_s).wait()

    for i in range(NB):
        gather(i, ba[i])

    def group(g, carry):
        for i in range(NB):
            wait_gather(g * NB + i, ba[i])
        for i in range(NB):
            gather((g + 1) * NB + i, bb[i])
        for i in range(NB):
            scatter(g * NB + i, ba[i])
        for i in range(NB):
            wait_gather((g + 1) * NB + i, bb[i])
        for i in range(NB):
            wait_scatter(g * NB + i, ba[i])

        @pl.when(g + 2 < K // NB)
        def _():
            for i in range(NB):
                gather((g + 2) * NB + i, ba[i])

        for i in range(NB):
            scatter((g + 1) * NB + i, bb[i])
        for i in range(NB):
            wait_scatter((g + 1) * NB + i, bb[i])
        return carry

    lax.fori_loop(0, K // (2 * NB), lambda t, c: group(t * 2, c), 0)
    plsc.subcore_barrier()

    pltpu.sync_copy(acc.at[pl.ds(sid * RPT, RPT)],
                    out_hbm.at[cid, pl.ds(sid * RPT, RPT)])


def _make_seg_kernel():
    return pl.kernel(
        _seg_body,
        out_type=jax.ShapeDtypeStruct((NC, ACC_ROWS, F1), jnp.float32),
        mesh=plsc.VectorSubcoreMesh(core_axis_name="c", subcore_axis_name="s"),
        compiler_params=pltpu.CompilerParams(use_tc_tiling_on_sc=False),
        scratch_types=[
            pltpu.VMEM((K, CH), jnp.int32),
            pltpu.VMEM((K, CH), jnp.int32),
            pltpu.VMEM((2 * NB, CH, F1), jnp.float32),
            pltpu.VMEM((RPT, F1), jnp.float32),
            pltpu.VMEM_SHARED((ACC_ROWS, F1), jnp.float32),
            pltpu.SemaphoreType.DMA,
            pltpu.SemaphoreType.DMA,
        ],
    )


PK = 128 // F1
HP = N // PK
PP = ACC_ROWS // PK


def _mm1_body(x_ref, w_ref, o_ref):
    xa = x_ref[...].reshape(-1, PK, D)
    parts = [jnp.dot(xa[:, j, :], w_ref[...],
                     preferred_element_type=jnp.float32) for j in range(PK)]
    o_ref[...] = jnp.concatenate(parts, axis=1)


def _mid_body(p_ref, b1_ref, o_ref):
    b1t = jnp.concatenate([b1_ref[...]] * PK, axis=1)
    h = p_ref[0, :HP, :] + p_ref[1, :HP, :] + b1t
    o_ref[...] = jnp.where(h > 0, h, 0.01 * h)


def _tail_body(p_ref, batch_ref, w2_ref, b2_ref, g_ref, be_ref,
               wf1_ref, bf1_ref, wf2_ref, bf2_ref, o_ref):
    q = p_ref[0, :HP, :] + p_ref[1, :HP, :]
    w2big = jnp.concatenate(
        [jnp.pad(w2_ref[...], ((0, 0), (20 * j, 60 - 20 * j)))
         for j in range(PK)], axis=0)
    b2t = jnp.concatenate([b2_ref[...]] * PK, axis=1)
    hh = jnp.dot(q, w2big, preferred_element_type=jnp.float32) + b2t
    s = jnp.sum(hh, axis=0, keepdims=True)
    mean = (s[:, :20] + s[:, 20:40] + s[:, 40:60] + s[:, 60:]) * (1.0 / N)
    hc = hh - jnp.concatenate([mean] * PK, axis=1)
    s2 = jnp.sum(hc * hc, axis=0, keepdims=True)
    var = (s2[:, :20] + s2[:, 20:40] + s2[:, 40:60] + s2[:, 60:]) * (1.0 / N)
    scale = lax.rsqrt(var + 1e-5) * g_ref[...]
    shift = be_ref[...] - mean * scale
    sc = jnp.concatenate([scale] * PK, axis=1)
    sh = jnp.concatenate([shift] * PK, axis=1)
    hn = hh * sc + sh
    hn = jnp.where(hn > 0, hn, 0.01 * hn)
    bt = batch_ref[...]
    gid = lax.broadcasted_iota(jnp.int32, (HP, G), 1)
    pooled = jnp.zeros((G, 20), jnp.float32)
    for j in range(PK):
        m = (bt[:, j:j + 1] == gid).astype(jnp.float32)
        pooled = pooled + lax.dot_general(
            m, hn[:, 20 * j:20 * j + 20], (((0,), (0,)), ((), ())),
            preferred_element_type=jnp.float32)
    z = jnp.dot(pooled, wf1_ref[...],
                preferred_element_type=jnp.float32) + bf1_ref[...]
    z = jnp.where(z > 0, z, 0.01 * z)
    z = jnp.dot(z, wf2_ref[...],
                preferred_element_type=jnp.float32) + bf2_ref[...]
    zmax = jnp.max(z, axis=-1, keepdims=True)
    ze = z - zmax
    o_ref[...] = ze - jnp.log(jnp.sum(jnp.exp(ze), axis=-1, keepdims=True))


def kernel(x, edge_index, batch, W1, b1, W2, b2, gamma, beta,
           Wf1, bf1, Wf2, bf2):
    pad_pos = jnp.arange(E_PAD - E, dtype=jnp.int32)
    srcp = jnp.concatenate(
        [edge_index[0], pad_pos % N]).reshape(E_PAD // CH, CH)
    dstp = jnp.concatenate(
        [edge_index[1], N + pad_pos % (ACC_ROWS - N)]).reshape(E_PAD // CH, CH)

    mm1 = pl.pallas_call(
        _mm1_body,
        in_specs=[pl.BlockSpec((N, D), lambda: (0, 0)),
                  pl.BlockSpec((D, F1), lambda: (0, 0))],
        out_specs=pl.BlockSpec((HP, 128), lambda: (0, 0)),
        out_shape=jax.ShapeDtypeStruct((HP, 128), jnp.float32),
    )
    h = mm1(x, W1)

    seg = _make_seg_kernel()
    p1 = seg(h.reshape(N, F1), srcp, dstp)

    mid = pl.pallas_call(
        _mid_body,
        in_specs=[pl.BlockSpec((2, PP, 128), lambda: (0, 0, 0)),
                  pl.BlockSpec((1, F1), lambda: (0, 0))],
        out_specs=pl.BlockSpec((HP, 128), lambda: (0, 0)),
        out_shape=jax.ShapeDtypeStruct((HP, 128), jnp.float32),
    )
    h2 = mid(p1.reshape(NC, PP, 128), b1.reshape(1, F1))

    p2 = seg(h2.reshape(N, F1), srcp, dstp)

    tail = pl.pallas_call(
        _tail_body,
        in_specs=[pl.BlockSpec((2, PP, 128), lambda: (0, 0, 0)),
                  pl.BlockSpec((HP, PK), lambda: (0, 0)),
                  pl.BlockSpec((F1, 20), lambda: (0, 0)),
                  pl.BlockSpec((1, 20), lambda: (0, 0)),
                  pl.BlockSpec((1, 20), lambda: (0, 0)),
                  pl.BlockSpec((1, 20), lambda: (0, 0)),
                  pl.BlockSpec((20, 10), lambda: (0, 0)),
                  pl.BlockSpec((1, 10), lambda: (0, 0)),
                  pl.BlockSpec((10, 2), lambda: (0, 0)),
                  pl.BlockSpec((1, 2), lambda: (0, 0))],
        out_specs=pl.BlockSpec((G, 2), lambda: (0, 0)),
        out_shape=jax.ShapeDtypeStruct((G, 2), jnp.float32),
    )
    return tail(p2.reshape(NC, PP, 128), batch.reshape(HP, PK), W2,
                b2.reshape(1, 20), gamma.reshape(1, 20), beta.reshape(1, 20),
                Wf1, bf1.reshape(1, 10), Wf2, bf2.reshape(1, 2))

# --- scband reference (transcript-rebuilt; emitter-appended) ---
"""Pipeline reference for scband-eeggraph-conv-net-61409442398713 (READ-ONLY COPY).

The authoritative reference and input builder live on the scoring server;
editing this copy changes nothing except your own understanding.
"""

import jax, jax.numpy as jnp
import numpy as np

N = 10000
E = 320000
D = 128
G = 32

def setup_inputs(seed: int = 0) -> dict:
    key = jax.random.key(seed)
    ks = jax.random.split(key, 13)
    x = jax.random.normal(ks[0], (N, D), dtype=jnp.float32)
    edge_index = jax.random.randint(ks[1], (2, E), 0, N, dtype=jnp.int32)
    batch = jnp.sort(jax.random.randint(ks[2], (N,), 0, G, dtype=jnp.int32))
    # GCNConv1: 128 -> 32 (lin weight, bias added after aggregation)
    W1 = jax.random.normal(ks[3], (D, 32), dtype=jnp.float32) * (1.0 / np.sqrt(D))
    b1 = jnp.zeros((32,), dtype=jnp.float32)
    # GCNConv2: 32 -> 20
    W2 = jax.random.normal(ks[4], (32, 20), dtype=jnp.float32) * (1.0 / np.sqrt(32))
    b2 = jnp.zeros((20,), dtype=jnp.float32)
    # BatchNorm(20)
    gamma = jnp.ones((20,), dtype=jnp.float32)
    beta = jnp.zeros((20,), dtype=jnp.float32)
    # fc_block1: 20 -> 10, fc_block2: 10 -> 2
    Wf1 = jax.random.normal(ks[5], (20, 10), dtype=jnp.float32) * (1.0 / np.sqrt(20))
    bf1 = jnp.zeros((10,), dtype=jnp.float32)
    Wf2 = jax.random.normal(ks[6], (10, 2), dtype=jnp.float32) * (1.0 / np.sqrt(10))
    bf2 = jnp.zeros((2,), dtype=jnp.float32)
    return {"x": x, "edge_index": edge_index, "batch": batch,
            "W1": W1, "b1": b1, "W2": W2, "b2": b2,
            "gamma": gamma, "beta": beta,
            "Wf1": Wf1, "bf1": bf1, "Wf2": Wf2, "bf2": bf2}

def _gcn_conv(x, src, dst, W, b, n_nodes):
    # PyG GCNConv with normalize=False: no self-loops, no norm; linear -> scatter-add -> +bias
    h = x @ W
    agg = jax.ops.segment_sum(h[src], dst, num_segments=n_nodes)
    return agg + b

def reference(x, edge_index, batch, W1, b1, W2, b2, gamma, beta, Wf1, bf1, Wf2, bf2):
    n_nodes = x.shape[0]
    src = edge_index[0]
    dst = edge_index[1]
    h = jax.nn.leaky_relu(_gcn_conv(x, src, dst, W1, b1, n_nodes))
    h = _gcn_conv(h, src, dst, W2, b2, n_nodes)
    # BatchNorm over node dimension (batch statistics, training-mode forward)
    mean = jnp.mean(h, axis=0)
    var = jnp.var(h, axis=0)
    h = (h - mean) / jnp.sqrt(var + 1e-5) * gamma + beta
    h = jax.nn.leaky_relu(h)
    # global_add_pool over per-node graph ids
    pooled = jax.ops.segment_sum(h, batch, num_segments=G)
    # dropout (p=0.2) treated as identity for deterministic reference
    out = jax.nn.leaky_relu(pooled @ Wf1 + bf1)
    out = out @ Wf2 + bf2
    return jax.nn.log_softmax(out, axis=-1)

if __name__ == "__main__":
    import jax
    _d = setup_inputs()
    print(jax.jit(kernel)(*tuple(_d.values())))

</pallas_src>

<mosaic_0001>
#map = affine_map<(d0, d1) -> (0, 0)>
#map1 = affine_map<(d0, d1) -> (0, 0, 0)>
module attributes {stable_mosaic.version = 14 : i64} {
  func.func @_seg_body(%arg0: i32, %arg1: i32, %arg2: memref<10000x32xf32, #tpu.memory_space<hbm>>, %arg3: memref<2560x128xi32, #tpu.memory_space<hbm>>, %arg4: memref<2560x128xi32, #tpu.memory_space<hbm>>, %arg5: memref<2x10240x32xf32, #tpu.memory_space<hbm>>, %arg6: memref<80x128xi32, #tpu.memory_space<vmem>>, %arg7: memref<80x128xi32, #tpu.memory_space<vmem>>, %arg8: memref<16x128x32xf32, #tpu.memory_space<vmem>>, %arg9: memref<640x32xf32, #tpu.memory_space<vmem>>, %arg10: memref<10240x32xf32, #tpu.memory_space<vmem_shared>>, %arg11: memref<!tpu.dma_semaphore, #tpu.memory_space<semaphore_mem>>, %arg12: memref<!tpu.dma_semaphore, #tpu.memory_space<semaphore_mem>>) attributes {dimension_semantics = [#tpu.dimension_semantics<core_parallel>, #tpu.dimension_semantics<subcore_parallel>], iteration_bounds = array<i64: 2, 16>, scalar_prefetch = 0 : i64, scratch_operands = 7 : i64, tpu.core_type = #tpu.core_type<sc_vector_subcore>, window_params = [{transform_indices = #map}, {transform_indices = #map}, {transform_indices = #map}, {transform_indices = #map1}]} {
    %mul3A = arith.constant 16 : i32
    %mul3A_0 = arith.muli %arg0, %mul3A : i32
    %add3A = arith.addi %mul3A_0, %arg1 : i32
    %broadcast_in_dim3A = arith.constant 0.000000e+00 : f32
    %broadcast_in_dim3A_1 = vector.broadcast %broadcast_in_dim3A : f32 to vector<16xf32>
    %scan3A = arith.constant 0 : i32
    %scan3A_2 = arith.constant 0 : i32
    %scan3A_3 = arith.constant 640 : i32
    %scan3A_4 = arith.addi %scan3A_2, %scan3A_3 : i32
    %scan3A_5 = arith.constant 1 : i32
    scf.for %scan3A_135 = %scan3A_2 to %scan3A_4 step %scan3A_5  : i32 {
      %swap3A = arith.index_cast %scan3A_135 : i32 to index
      %swap3A_136 = arith.constant 0 : index
      %swap3A_137 = tpu.vector_load %arg9[%swap3A, %swap3A_136] {strides = array<i32>} : memref<640x32xf32, #tpu.memory_space<vmem>>, vector<1x16xf32>,
      %swap3A_138 = vector.shape_cast %swap3A_137 : vector<1x16xf32> to vector<16xf32>
      %swap3A_139 = vector.shape_cast %broadcast_in_dim3A_1 : vector<16xf32> to vector<1x16xf32>
      tpu.vector_store %arg9[%swap3A, %swap3A_136], %swap3A_139 {strides = array<i32>} : memref<640x32xf32, #tpu.memory_space<vmem>>, vector<1x16xf32>,
      %swap3A_140 = arith.index_cast %scan3A_135 : i32 to index
      %swap3A_141 = arith.constant 16 : index
      %swap3A_142 = tpu.vector_load %arg9[%swap3A_140, %swap3A_141] {strides = array<i32>} : memref<640x32xf32, #tpu.memory_space<vmem>>, vector<1x16xf32>,
      %swap3A_143 = vector.shape_cast %swap3A_142 : vector<1x16xf32> to vector<16xf32>
      %swap3A_144 = vector.shape_cast %broadcast_in_dim3A_1 : vector<16xf32> to vector<1x16xf32>
      tpu.vector_store %arg9[%swap3A_140, %swap3A_141], %swap3A_144 {strides = array<i32>} : memref<640x32xf32, #tpu.memory_space<vmem>>, vector<1x16xf32>,
    }
    %scan3A_6 = arith.constant 640 : i32
    %mul3A_7 = arith.constant 640 : i32
    %mul3A_8 = arith.muli %arg1, %mul3A_7 : i32
    "tpu.region"() ({
      %run_scoped3A = tpu.sem_alloc : memref<!tpu.dma_semaphore, #tpu.memory_space<semaphore_mem>>
      %dma_start3A_135 = arith.constant 0 : i32
      %dma_start3A_136 = tpu.memref_slice %arg10[%mul3A_8, %dma_start3A_135] : memref<10240x32xf32, #tpu.memory_space<vmem_shared>> -> memref<640x32xf32, #tpu.memory_space<vmem_shared>>
      %dma_start3A_137 = arith.constant 0 : i32
      %dma_start3A_138 = tpu.memref_slice %arg10[%mul3A_8, %dma_start3A_137] : memref<10240x32xf32, #tpu.memory_space<vmem_shared>> -> memref<640x32xf32, #tpu.memory_space<vmem_shared>>
      tpu.enqueue_dma source(%arg9 : memref<640x32xf32, #tpu.memory_space<vmem>>) target(%dma_start3A_138 : memref<640x32xf32, #tpu.memory_space<vmem_shared>>) target_semaphore(%run_scoped3A : memref<!tpu.dma_semaphore, #tpu.memory_space<semaphore_mem>>)
      %dma_wait3A = arith.constant 0 : i32
      %dma_wait3A_139 = tpu.memref_slice %arg10[%mul3A_8, %dma_wait3A] : memref<10240x32xf32, #tpu.memory_space<vmem_shared>> -> memref<640x32xf32, #tpu.memory_space<vmem_shared>>
      %dma_wait3A_140 = arith.constant 0 : i32
      %dma_wait3A_141 = tpu.memref_slice %arg10[%mul3A_8, %dma_wait3A_140] : memref<10240x32xf32, #tpu.memory_space<vmem_shared>> -> memref<640x32xf32, #tpu.memory_space<vmem_shared>>
      tpu.wait_dma2 semaphore(%run_scoped3A : memref<!tpu.dma_semaphore, #tpu.memory_space<semaphore_mem>>) src(%arg9 : memref<640x32xf32, #tpu.memory_space<vmem>>) dst(%dma_wait3A_141 : memref<640x32xf32, #tpu.memory_space<vmem_shared>>)
      tpu.yield
    }) : () -> ()
    %mul3A_9 = arith.constant 80 : i32
    %mul3A_10 = arith.muli %add3A, %mul3A_9 : i32
    "tpu.region"() ({
      %run_scoped3A = tpu.sem_alloc : memref<!tpu.dma_semaphore, #tpu.memory_space<semaphore_mem>>
      %dma_start3A_135 = arith.constant 0 : i32
      %dma_start3A_136 = tpu.memref_slice %arg3[%mul3A_10, %dma_start3A_135] : memref<2560x128xi32, #tpu.memory_space<hbm>> -> memref<80x128xi32, #tpu.memory_space<hbm>>
      %dma_start3A_137 = arith.constant 0 : i32
      %dma_start3A_138 = tpu.memref_slice %arg3[%mul3A_10, %dma_start3A_137] : memref<2560x128xi32, #tpu.memory_space<hbm>> -> memref<80x128xi32, #tpu.memory_space<hbm>>
      tpu.enqueue_dma source(%dma_start3A_138 : memref<80x128xi32, #tpu.memory_space<hbm>>) target(%arg6 : memref<80x128xi32, #tpu.memory_space<vmem>>) target_semaphore(%run_scoped3A : memref<!tpu.dma_semaphore, #tpu.memory_space<semaphore_mem>>)
      %dma_wait3A = arith.constant 0 : i32
      %dma_wait3A_139 = tpu.memref_slice %arg3[%mul3A_10, %dma_wait3A] : memref<2560x128xi32, #tpu.memory_space<hbm>> -> memref<80x128xi32, #tpu.memory_space<hbm>>
      %dma_wait3A_140 = arith.constant 0 : i32
      %dma_wait3A_141 = tpu.memref_slice %arg3[%mul3A_10, %dma_wait3A_140] : memref<2560x128xi32, #tpu.memory_space<hbm>> -> memref<80x128xi32, #tpu.memory_space<hbm>>
      tpu.wait_dma2 semaphore(%run_scoped3A : memref<!tpu.dma_semaphore, #tpu.memory_space<semaphore_mem>>) src(%dma_wait3A_141 : memref<80x128xi32, #tpu.memory_space<hbm>>) dst(%arg6 : memref<80x128xi32, #tpu.memory_space<vmem>>)
      tpu.yield
    }) : () -> ()
    %mul3A_11 = arith.constant 80 : i32
    %mul3A_12 = arith.muli %add3A, %mul3A_11 : i32
    "tpu.region"() ({
      %run_scoped3A = tpu.sem_alloc : memref<!tpu.dma_semaphore, #tpu.memory_space<semaphore_mem>>
      %dma_start3A_135 = arith.constant 0 : i32
      %dma_start3A_136 = tpu.memref_slice %arg4[%mul3A_12, %dma_start3A_135] : memref<2560x128xi32, #tpu.memory_space<hbm>> -> memref<80x128xi32, #tpu.memory_space<hbm>>
      %dma_start3A_137 = arith.constant 0 : i32
      %dma_start3A_138 = tpu.memref_slice %arg4[%mul3A_12, %dma_start3A_137] : memref<2560x128xi32, #tpu.memory_space<hbm>> -> memref<80x128xi32, #tpu.memory_space<hbm>>
      tpu.enqueue_dma source(%dma_start3A_138 : memref<80x128xi32, #tpu.memory_space<hbm>>) target(%arg7 : memref<80x128xi32, #tpu.memory_space<vmem>>) target_semaphore(%run_scoped3A : memref<!tpu.dma_semaphore, #tpu.memory_space<semaphore_mem>>)
      %dma_wait3A = arith.constant 0 : i32
      %dma_wait3A_139 = tpu.memref_slice %arg4[%mul3A_12, %dma_wait3A] : memref<2560x128xi32, #tpu.memory_space<hbm>> -> memref<80x128xi32, #tpu.memory_space<hbm>>
      %dma_wait3A_140 = arith.constant 0 : i32
      %dma_wait3A_141 = tpu.memref_slice %arg4[%mul3A_12, %dma_wait3A_140] : memref<2560x128xi32, #tpu.memory_space<hbm>> -> memref<80x128xi32, #tpu.memory_space<hbm>>
      tpu.wait_dma2 semaphore(%run_scoped3A : memref<!tpu.dma_semaphore, #tpu.memory_space<semaphore_mem>>) src(%dma_wait3A_141 : memref<80x128xi32, #tpu.memory_space<hbm>>) dst(%arg7 : memref<80x128xi32, #tpu.memory_space<vmem>>)
      tpu.yield
    }) : () -> ()
    %barrier3A = arith.constant 0 : index
    tpu.barrier barrier_id(%barrier3A)
    %dma_start3A = arith.constant 0 : i32
    %dma_start3A_13 = arith.constant 0 : i32
    %dma_start3A_14 = arith.constant 0 : i32
    %dma_start3A_15 = arith.constant 0 : i32
    %dma_start3A_16 = tpu.memref_slice %arg8[%dma_start3A_13, %dma_start3A_14, %dma_start3A_15] : memref<16x128x32xf32, #tpu.memory_space<vmem>> -> memref<1x128x32xf32, #tpu.memory_space<vmem>>
    %dma_start3A_17 = tpu.memref_squeeze %dma_start3A_16 : memref<1x128x32xf32, #tpu.memory_space<vmem>> -> memref<128x32xf32, #tpu.memory_space<vmem>>
    %dma_start3A_18 = arith.constant 0 : i32
    %dma_start3A_19 = tpu.memref_slice %arg6[%dma_start3A, %dma_start3A_18] : memref<80x128xi32, #tpu.memory_space<vmem>> -> memref<1x128xi32, #tpu.memory_space<vmem>>
    %dma_start3A_20 = tpu.memref_squeeze %dma_start3A_19 : memref<1x128xi32, #tpu.memory_space<vmem>> -> memref<128xi32, #tpu.memory_space<vmem>>
    %dma_start3A_21 = arith.constant 0 : i32
    %dma_start3A_22 = arith.constant 0 : i32
    %dma_start3A_23 = tpu.memref_slice %arg2[%dma_start3A_21, %dma_start3A_22] : memref<10000x32xf32, #tpu.memory_space<hbm>> -> memref<10000x32xf32, #tpu.memory_space<hbm>>
    tpu.enqueue_indirect_dma source(%dma_start3A_23 : memref<10000x32xf32, #tpu.memory_space<hbm>>) target(%dma_start3A_17 : memref<128x32xf32, #tpu.memory_space<vmem>>) offsets(%dma_start3A_20 : memref<128xi32, #tpu.memory_space<vmem>>) semaphore(%arg11 : memref<!tpu.dma_semaphore, #tpu.memory_space<semaphore_mem>>)
    %dma_start3A_24 = arith.constant 1 : i32
    %dma_start3A_25 = arith.constant 1 : i32
    %dma_start3A_26 = arith.constant 0 : i32
    %dma_start3A_27 = arith.constant 0 : i32
    %dma_start3A_28 = tpu.memref_slice %arg8[%dma_start3A_25, %dma_start3A_26, %dma_start3A_27] : memref<16x128x32xf32, #tpu.memory_space<vmem>> -> memref<1x128x32xf32, #tpu.memory_space<vmem>>
    %dma_start3A_29 = tpu.memref_squeeze %dma_start3A_28 : memref<1x128x32xf32, #tpu.memory_space<vmem>> -> memref<128x32xf32, #tpu.memory_space<vmem>>
    %dma_start3A_30 = arith.constant 0 : i32
    %dma_start3A_31 = tpu.memref_slice %arg6[%dma_start3A_24, %dma_start3A_30] : memref<80x128xi32, #tpu.memory_space<vmem>> -> memref<1x128xi32, #tpu.memory_space<vmem>>
    %dma_start3A_32 = tpu.memref_squeeze %dma_start3A_31 : memref<1x128xi32, #tpu.memory_space<vmem>> -> memref<128xi32, #tpu.memory_space<vmem>>
    %dma_start3A_33 = arith.constant 0 : i32
    %dma_start3A_34 = arith.constant 0 : i32
    %dma_start3A_35 = tpu.memref_slice %arg2[%dma_start3A_33, %dma_start3A_34] : memref<10000x32xf32, #tpu.memory_space<hbm>> -> memref<10000x32xf32, #tpu.memory_space<hbm>>
    tpu.enqueue_indirect_dma source(%dma_start3A_35 : memref<10000x32xf32, #tpu.memory_space<hbm>>) target(%dma_start3A_29 : memref<128x32xf32, #tpu.memory_space<vmem>>) offsets(%dma_start3A_32 : memref<128xi32, #tpu.memory_space<vmem>>) semaphore(%arg11 : memref<!tpu.dma_semaphore, #tpu.memory_space<semaphore_mem>>)
    %dma_start3A_36 = arith.constant 2 : i32
    %dma_start3A_37 = arith.constant 2 : i32
    %dma_start3A_38 = arith.constant 0 : i32
    %dma_start3A_39 = arith.constant 0 : i32
    %dma_start3A_40 = tpu.memref_slice %arg8[%dma_start3A_37, %dma_start3A_38, %dma_start3A_39] : memref<16x128x32xf32, #tpu.memory_space<vmem>> -> memref<1x128x32xf32, #tpu.memory_space<vmem>>
    %dma_start3A_41 = tpu.memref_squeeze %dma_start3A_40 : memref<1x128x32xf32, #tpu.memory_space<vmem>> -> memref<128x32xf32, #tpu.memory_space<vmem>>
    %dma_start3A_42 = arith.constant 0 : i32
    %dma_start3A_43 = tpu.memref_slice %arg6[%dma_start3A_36, %dma_start3A_42] : memref<80x128xi32, #tpu.memory_space<vmem>> -> memref<1x128xi32, #tpu.memory_space<vmem>>
    %dma_start3A_44 = tpu.memref_squeeze %dma_start3A_43 : memref<1x128xi32, #tpu.memory_space<vmem>> -> memref<128xi32, #tpu.memory_space<vmem>>
    %dma_start3A_45 = arith.constant 0 : i32
    %dma_start3A_46 = arith.constant 0 : i32
    %dma_start3A_47 = tpu.memref_slice %arg2[%dma_start3A_45, %dma_start3A_46] : memref<10000x32xf32, #tpu.memory_space<hbm>> -> memref<10000x32xf32, #tpu.memory_space<hbm>>
    tpu.enqueue_indirect_dma source(%dma_start3A_47 : memref<10000x32xf32, #tpu.memory_space<hbm>>) target(%dma_start3A_41 : memref<128x32xf32, #tpu.memory_space<vmem>>) offsets(%dma_start3A_44 : memref<128xi32, #tpu.memory_space<vmem>>) semaphore(%arg11 : memref<!tpu.dma_semaphore, #tpu.memory_space<semaphore_mem>>)
    %dma_start3A_48 = arith.constant 3 : i32
    %dma_start3A_49 = arith.constant 3 : i32
    %dma_start3A_50 = arith.constant 0 : i32
    %dma_start3A_51 = arith.constant 0 : i32
    %dma_start3A_52 = tpu.memref_slice %arg8[%dma_start3A_49, %dma_start3A_50, %dma_start3A_51] : memref<16x128x32xf32, #tpu.memory_space<vmem>> -> memref<1x128x32xf32, #tpu.memory_space<vmem>>
    %dma_start3A_53 = tpu.memref_squeeze %dma_start3A_52 : memref<1x128x32xf32, #tpu.memory_space<vmem>> -> memref<128x32xf32, #tpu.memory_space<vmem>>
    %dma_start3A_54 = arith.constant 0 : i32
    %dma_start3A_55 = tpu.memref_slice %arg6[%dma_start3A_48, %dma_start3A_54] : memref<80x128xi32, #tpu.memory_space<vmem>> -> memref<1x128xi32, #tpu.memory_space<vmem>>
    %dma_start3A_56 = tpu.memref_squeeze %dma_start3A_55 : memref<1x128xi32, #tpu.memory_space<vmem>> -> memref<128xi32, #tpu.memory_space<vmem>>
    %dma_start3A_57 = arith.constant 0 : i32
    %dma_start3A_58 = arith.constant 0 : i32
    %dma_start3A_59 = tpu.memref_slice %arg2[%dma_start3A_57, %dma_start3A_58] : memref<10000x32xf32, #tpu.memory_space<hbm>> -> memref<10000x32xf32, #tpu.memory_space<hbm>>
    tpu.enqueue_indirect_dma source(%dma_start3A_59 : memref<10000x32xf32, #tpu.memory_space<hbm>>) target(%dma_start3A_53 : memref<128x32xf32, #tpu.memory_space<vmem>>) offsets(%dma_start3A_56 : memref<128xi32, #tpu.memory_space<vmem>>) semaphore(%arg11 : memref<!tpu.dma_semaphore, #tpu.memory_space<semaphore_mem>>)
    %dma_start3A_60 = arith.constant 4 : i32
    %dma_start3A_61 = arith.constant 4 : i32
    %dma_start3A_62 = arith.constant 0 : i32
    %dma_start3A_63 = arith.constant 0 : i32
    %dma_start3A_64 = tpu.memref_slice %arg8[%dma_start3A_61, %dma_start3A_62, %dma_start3A_63] : memref<16x128x32xf32, #tpu.memory_space<vmem>> -> memref<1x128x32xf32, #tpu.memory_space<vmem>>
    %dma_start3A_65 = tpu.memref_squeeze %dma_start3A_64 : memref<1x128x32xf32, #tpu.memory_space<vmem>> -> memref<128x32xf32, #tpu.memory_space<vmem>>
    %dma_start3A_66 = arith.constant 0 : i32
    %dma_start3A_67 = tpu.memref_slice %arg6[%dma_start3A_60, %dma_start3A_66] : memref<80x128xi32, #tpu.memory_space<vmem>> -> memref<1x128xi32, #tpu.memory_space<vmem>>
    %dma_start3A_68 = tpu.memref_squeeze %dma_start3A_67 : memref<1x128xi32, #tpu.memory_space<vmem>> -> memref<128xi32, #tpu.memory_space<vmem>>
    %dma_start3A_69 = arith.constant 0 : i32
    %dma_start3A_70 = arith.constant 0 : i32
    %dma_start3A_71 = tpu.memref_slice %arg2[%dma_start3A_69, %dma_start3A_70] : memref<10000x32xf32, #tpu.memory_space<hbm>> -> memref<10000x32xf32, #tpu.memory_space<hbm>>
    tpu.enqueue_indirect_dma source(%dma_start3A_71 : memref<10000x32xf32, #tpu.memory_space<hbm>>) target(%dma_start3A_65 : memref<128x32xf32, #tpu.memory_space<vmem>>) offsets(%dma_start3A_68 : memref<128xi32, #tpu.memory_space<vmem>>) semaphore(%arg11 : memref<!tpu.dma_semaphore, #tpu.memory_space<semaphore_mem>>)
    %dma_start3A_72 = arith.constant 5 : i32
    %dma_start3A_73 = arith.constant 5 : i32
    %dma_start3A_74 = arith.constant 0 : i32
    %dma_start3A_75 = arith.constant 0 : i32
    %dma_start3A_76 = tpu.memref_slice %arg8[%dma_start3A_73, %dma_start3A_74, %dma_start3A_75] : memref<16x128x32xf32, #tpu.memory_space<vmem>> -> memref<1x128x32xf32, #tpu.memory_space<vmem>>
    %dma_start3A_77 = tpu.memref_squeeze %dma_start3A_76 : memref<1x128x32xf32, #tpu.memory_space<vmem>> -> memref<128x32xf32, #tpu.memory_space<vmem>>
    %dma_start3A_78 = arith.constant 0 : i32
    %dma_start3A_79 = tpu.memref_slice %arg6[%dma_start3A_72, %dma_start3A_78] : memref<80x128xi32, #tpu.memory_space<vmem>> -> memref<1x128xi32, #tpu.memory_space<vmem>>
    %dma_start3A_80 = tpu.memref_squeeze %dma_start3A_79 : memref<1x128xi32, #tpu.memory_space<vmem>> -> memref<128xi32, #tpu.memory_space<vmem>>
    %dma_start3A_81 = arith.constant 0 : i32
    %dma_start3A_82 = arith.constant 0 : i32
    %dma_start3A_83 = tpu.memref_slice %arg2[%dma_start3A_81, %dma_start3A_82] : memref<10000x32xf32, #tpu.memory_space<hbm>> -> memref<10000x32xf32, #tpu.memory_space<hbm>>
    tpu.enqueue_indirect_dma source(%dma_start3A_83 : memref<10000x32xf32, #tpu.memory_space<hbm>>) target(%dma_start3A_77 : memref<128x32xf32, #tpu.memory_space<vmem>>) offsets(%dma_start3A_80 : memref<128xi32, #tpu.memory_space<vmem>>) semaphore(%arg11 : memref<!tpu.dma_semaphore, #tpu.memory_space<semaphore_mem>>)
    %dma_start3A_84 = arith.constant 6 : i32
    %dma_start3A_85 = arith.constant 6 : i32
    %dma_start3A_86 = arith.constant 0 : i32
    %dma_start3A_87 = arith.constant 0 : i32
    %dma_start3A_88 = tpu.memref_slice %arg8[%dma_start3A_85, %dma_start3A_86, %dma_start3A_87] : memref<16x128x32xf32, #tpu.memory_space<vmem>> -> memref<1x128x32xf32, #tpu.memory_space<vmem>>
    %dma_start3A_89 = tpu.memref_squeeze %dma_start3A_88 : memref<1x128x32xf32, #tpu.memory_space<vmem>> -> memref<128x32xf32, #tpu.memory_space<vmem>>
    %dma_start3A_90 = arith.constant 0 : i32
    %dma_start3A_91 = tpu.memref_slice %arg6[%dma_start3A_84, %dma_start3A_90] : memref<80x128xi32, #tpu.memory_space<vmem>> -> memref<1x128xi32, #tpu.memory_space<vmem>>
    %dma_start3A_92 = tpu.memref_squeeze %dma_start3A_91 : memref<1x128xi32, #tpu.memory_space<vmem>> -> memref<128xi32, #tpu.memory_space<vmem>>
    %dma_start3A_93 = arith.constant 0 : i32
    %dma_start3A_94 = arith.constant 0 : i32
    %dma_start3A_95 = tpu.memref_slice %arg2[%dma_start3A_93, %dma_start3A_94] : memref<10000x32xf32, #tpu.memory_space<hbm>> -> memref<10000x32xf32, #tpu.memory_space<hbm>>
    tpu.enqueue_indirect_dma source(%dma_start3A_95 : memref<10000x32xf32, #tpu.memory_space<hbm>>) target(%dma_start3A_89 : memref<128x32xf32, #tpu.memory_space<vmem>>) offsets(%dma_start3A_92 : memref<128xi32, #tpu.memory_space<vmem>>) semaphore(%arg11 : memref<!tpu.dma_semaphore, #tpu.memory_space<semaphore_mem>>)
    %dma_start3A_96 = arith.constant 7 : i32
    %dma_start3A_97 = arith.constant 7 : i32
    %dma_start3A_98 = arith.constant 0 : i32
    %dma_start3A_99 = arith.constant 0 : i32
    %dma_start3A_100 = tpu.memref_slice %arg8[%dma_start3A_97, %dma_start3A_98, %dma_start3A_99] : memref<16x128x32xf32, #tpu.memory_space<vmem>> -> memref<1x128x32xf32, #tpu.memory_space<vmem>>
    %dma_start3A_101 = tpu.memref_squeeze %dma_start3A_100 : memref<1x128x32xf32, #tpu.memory_space<vmem>> -> memref<128x32xf32, #tpu.memory_space<vmem>>
    %dma_start3A_102 = arith.constant 0 : i32
    %dma_start3A_103 = tpu.memref_slice %arg6[%dma_start3A_96, %dma_start3A_102] : memref<80x128xi32, #tpu.memory_space<vmem>> -> memref<1x128xi32, #tpu.memory_space<vmem>>
    %dma_start3A_104 = tpu.memref_squeeze %dma_start3A_103 : memref<1x128xi32, #tpu.memory_space<vmem>> -> memref<128xi32, #tpu.memory_space<vmem>>
    %dma_start3A_105 = arith.constant 0 : i32
    %dma_start3A_106 = arith.constant 0 : i32
    %dma_start3A_107 = tpu.memref_slice %arg2[%dma_start3A_105, %dma_start3A_106] : memref<10000x32xf32, #tpu.memory_space<hbm>> -> memref<10000x32xf32, #tpu.memory_space<hbm>>
    tpu.enqueue_indirect_dma source(%dma_start3A_107 : memref<10000x32xf32, #tpu.memory_space<hbm>>) target(%dma_start3A_101 : memref<128x32xf32, #tpu.memory_space<vmem>>) offsets(%dma_start3A_104 : memref<128xi32, #tpu.memory_space<vmem>>) semaphore(%arg11 : memref<!tpu.dma_semaphore, #tpu.memory_space<semaphore_mem>>)
    %scan3A_108 = arith.constant 0 : i32
    %scan3A_109 = arith.constant 0 : i32
    %scan3A_110 = arith.constant 1 : i32
    %scan3A_111 = arith.constant 2 : i32
    %scan3A_112 = arith.constant 3 : i32
    %scan3A_113 = arith.constant 4 : i32
    %scan3A_114 = arith.constant 5 : i32
    %scan3A_115 = arith.constant 6 : i32
    %scan3A_116 = arith.constant 7 : i32
    %scan3A_117 = arith.constant 8 : i32
    %scan3A_118 = arith.constant 9 : i32
    %scan3A_119 = arith.constant 10 : i32
    %scan3A_120 = arith.constant 11 : i32
    %scan3A_121 = arith.constant 12 : i32
    %scan3A_122 = arith.constant 13 : i32
    %scan3A_123 = arith.constant 14 : i32
    %scan3A_124 = arith.constant 15 : i32
    %scan3A_125 = arith.constant 0 : i32
    %scan3A_126 = arith.constant 5 : i32
    %scan3A_127 = arith.addi %scan3A_125, %scan3A_126 : i32
    %scan3A_128 = arith.constant 1 : i32
    scf.for %scan3A_135 = %scan3A_125 to %scan3A_127 step %scan3A_128  : i32 {
      %mul3A_136 = arith.constant 2 : i32
      %mul3A_137 = arith.muli %scan3A_135, %mul3A_136 : i32
      %mul3A_138 = arith.constant 8 : i32
      %mul3A_139 = arith.muli %mul3A_137, %mul3A_138 : i32
      %add3A_140 = arith.constant 0 : i32
      %add3A_141 = arith.addi %mul3A_139, %add3A_140 : i32
      %dma_wait3A = arith.constant 0 : i32
      %dma_wait3A_142 = arith.constant 0 : i32
      %dma_wait3A_143 = tpu.memref_slice %arg8[%scan3A_109, %dma_wait3A, %dma_wait3A_142] : memref<16x128x32xf32, #tpu.memory_space<vmem>> -> memref<1x128x32xf32, #tpu.memory_space<vmem>>
      %dma_wait3A_144 = tpu.memref_squeeze %dma_wait3A_143 : memref<1x128x32xf32, #tpu.memory_space<vmem>> -> memref<128x32xf32, #tpu.memory_space<vmem>>
      %dma_wait3A_145 = arith.constant 0 : i32
      %dma_wait3A_146 = tpu.memref_slice %arg6[%add3A_141, %dma_wait3A_145] : memref<80x128xi32, #tpu.memory_space<vmem>> -> memref<1x128xi32, #tpu.memory_space<vmem>>
      %dma_wait3A_147 = tpu.memref_squeeze %dma_wait3A_146 : memref<1x128xi32, #tpu.memory_space<vmem>> -> memref<128xi32, #tpu.memory_space<vmem>>
      %dma_wait3A_148 = arith.constant 0 : i32
      %dma_wait3A_149 = arith.constant 0 : i32
      %dma_wait3A_150 = tpu.memref_slice %arg2[%dma_wait3A_148, %dma_wait3A_149] : memref<10000x32xf32, #tpu.memory_space<hbm>> -> memref<10000x32xf32, #tpu.memory_space<hbm>>
      tpu.wait_indirect_dma semaphore(%arg11 : memref<!tpu.dma_semaphore, #tpu.memory_space<semaphore_mem>>) src(%dma_wait3A_150 : memref<10000x32xf32, #tpu.memory_space<hbm>>) dst(%dma_wait3A_144 : memref<128x32xf32, #tpu.memory_space<vmem>>)
      %mul3A_151 = arith.constant 8 : i32
      %mul3A_152 = arith.muli %mul3A_137, %mul3A_151 : i32
      %add3A_153 = arith.constant 1 : i32
      %add3A_154 = arith.addi %mul3A_152, %add3A_153 : i32
      %dma_wait3A_155 = arith.constant 0 : i32
      %dma_wait3A_156 = arith.constant 0 : i32
      %dma_wait3A_157 = tpu.memref_slice %arg8[%scan3A_110, %dma_wait3A_155, %dma_wait3A_156] : memref<16x128x32xf32, #tpu.memory_space<vmem>> -> memref<1x128x32xf32, #tpu.memory_space<vmem>>
      %dma_wait3A_158 = tpu.memref_squeeze %dma_wait3A_157 : memref<1x128x32xf32, #tpu.memory_space<vmem>> -> memref<128x32xf32, #tpu.memory_space<vmem>>
      %dma_wait3A_159 = arith.constant 0 : i32
      %dma_wait3A_160 = tpu.memref_slice %arg6[%add3A_154, %dma_wait3A_159] : memref<80x128xi32, #tpu.memory_space<vmem>> -> memref<1x128xi32, #tpu.memory_space<vmem>>
      %dma_wait3A_161 = tpu.memref_squeeze %dma_wait3A_160 : memref<1x128xi32, #tpu.memory_space<vmem>> -> memref<128xi32, #tpu.memory_space<vmem>>
      %dma_wait3A_162 = arith.constant 0 : i32
      %dma_wait3A_163 = arith.constant 0 : i32
      %dma_wait3A_164 = tpu.memref_slice %arg2[%dma_wait3A_162, %dma_wait3A_163] : memref<10000x32xf32, #tpu.memory_space<hbm>> -> memref<10000x32xf32, #tpu.memory_space<hbm>>
      tpu.wait_indirect_dma semaphore(%arg11 : memref<!tpu.dma_semaphore, #tpu.memory_space<semaphore_mem>>) src(%dma_wait3A_164 : memref<10000x32xf32, #tpu.memory_space<hbm>>) dst(%dma_wait3A_158 : memref<128x32xf32, #tpu.memory_space<vmem>>)
      %mul3A_165 = arith.constant 8 : i32
      %mul3A_166 = arith.muli %mul3A_137, %mul3A_165 : i32
      %add3A_167 = arith.constant 2 : i32
      %add3A_168 = arith.addi %mul3A_166, %add3A_167 : i32
      %dma_wait3A_169 = arith.constant 0 : i32
      %dma_wait3A_170 = arith.constant 0 : i32
      %dma_wait3A_171 = tpu.memref_slice %arg8[%scan3A_111, %dma_wait3A_169, %dma_wait3A_170] : memref<16x128x32xf32, #tpu.memory_space<vmem>> -> memref<1x128x32xf32, #tpu.memory_space<vmem>>
      %dma_wait3A_172 = tpu.memref_squeeze %dma_wait3A_171 : memref<1x128x32xf32, #tpu.memory_space<vmem>> -> memref<128x32xf32, #tpu.memory_space<vmem>>
      %dma_wait3A_173 = arith.constant 0 : i32
      %dma_wait3A_174 = tpu.memref_slice %arg6[%add3A_168, %dma_wait3A_173] : memref<80x128xi32, #tpu.memory_space<vmem>> -> memref<1x128xi32, #tpu.memory_space<vmem>>
      %dma_wait3A_175 = tpu.memref_squeeze %dma_wait3A_174 : memref<1x128xi32, #tpu.memory_space<vmem>> -> memref<128xi32, #tpu.memory_space<vmem>>
      %dma_wait3A_176 = arith.constant 0 : i32
      %dma_wait3A_177 = arith.constant 0 : i32
      %dma_wait3A_178 = tpu.memref_slice %arg2[%dma_wait3A_176, %dma_wait3A_177] : memref<10000x32xf32, #tpu.memory_space<hbm>> -> memref<10000x32xf32, #tpu.memory_space<hbm>>
      tpu.wait_indirect_dma semaphore(%arg11 : memref<!tpu.dma_semaphore, #tpu.memory_space<semaphore_mem>>) src(%dma_wait3A_178 : memref<10000x32xf32, #tpu.memory_space<hbm>>) dst(%dma_wait3A_172 : memref<128x32xf32, #tpu.memory_space<vmem>>)
      %mul3A_179 = arith.constant 8 : i32
      %mul3A_180 = arith.muli %mul3A_137, %mul3A_179 : i32
      %add3A_181 = arith.constant 3 : i32
      %add3A_182 = arith.addi %mul3A_180, %add3A_181 : i32
      %dma_wait3A_183 = arith.constant 0 : i32
      %dma_wait3A_184 = arith.constant 0 : i32
      %dma_wait3A_185 = tpu.memref_slice %arg8[%scan3A_112, %dma_wait3A_183, %dma_wait3A_184] : memref<16x128x32xf32, #tpu.memory_space<vmem>> -> memref<1x128x32xf32, #tpu.memory_space<vmem>>
      %dma_wait3A_186 = tpu.memref_squeeze %dma_wait3A_185 : memref<1x128x32xf32, #tpu.memory_space<vmem>> -> memref<128x32xf32, #tpu.memory_space<vmem>>
      %dma_wait3A_187 = arith.constant 0 : i32
      %dma_wait3A_188 = tpu.memref_slice %arg6[%add3A_182, %dma_wait3A_187] : memref<80x128xi32, #tpu.memory_space<vmem>> -> memref<1x128xi32, #tpu.memory_space<vmem>>
      %dma_wait3A_189 = tpu.memref_squeeze %dma_wait3A_188 : memref<1x128xi32, #tpu.memory_space<vmem>> -> memref<128xi32, #tpu.memory_space<vmem>>
      %dma_wait3A_190 = arith.constant 0 : i32
      %dma_wait3A_191 = arith.constant 0 : i32
      %dma_wait3A_192 = tpu.memref_slice %arg2[%dma_wait3A_190, %dma_wait3A_191] : memref<10000x32xf32, #tpu.memory_space<hbm>> -> memref<10000x32xf32, #tpu.memory_space<hbm>>
      tpu.wait_indirect_dma semaphore(%arg11 : memref<!tpu.dma_semaphore, #tpu.memory_space<semaphore_mem>>) src(%dma_wait3A_192 : memref<10000x32xf32, #tpu.memory_space<hbm>>) dst(%dma_wait3A_186 : memref<128x32xf32, #tpu.memory_space<vmem>>)
      %mul3A_193 = arith.constant 8 : i32
      %mul3A_194 = arith.muli %mul3A_137, %mul3A_193 : i32
      %add3A_195 = arith.constant 4 : i32
      %add3A_196 = arith.addi %mul3A_194, %add3A_195 : i32
      %dma_wait3A_197 = arith.constant 0 : i32
      %dma_wait3A_198 = arith.constant 0 : i32
      %dma_wait3A_199 = tpu.memref_slice %arg8[%scan3A_113, %dma_wait3A_197, %dma_wait3A_198] : memref<16x128x32xf32, #tpu.memory_space<vmem>> -> memref<1x128x32xf32, #tpu.memory_space<vmem>>
      %dma_wait3A_200 = tpu.memref_squeeze %dma_wait3A_199 : memref<1x128x32xf32, #tpu.memory_space<vmem>> -> memref<128x32xf32, #tpu.memory_space<vmem>>
      %dma_wait3A_201 = arith.constant 0 : i32
      %dma_wait3A_202 = tpu.memref_slice %arg6[%add3A_196, %dma_wait3A_201] : memref<80x128xi32, #tpu.memory_space<vmem>> -> memref<1x128xi32, #tpu.memory_space<vmem>>
      %dma_wait3A_203 = tpu.memref_squeeze %dma_wait3A_202 : memref<1x128xi32, #tpu.memory_space<vmem>> -> memref<128xi32, #tpu.memory_space<vmem>>
      %dma_wait3A_204 = arith.constant 0 : i32
      %dma_wait3A_205 = arith.constant 0 : i32
      %dma_wait3A_206 = tpu.memref_slice %arg2[%dma_wait3A_204, %dma_wait3A_205] : memref<10000x32xf32, #tpu.memory_space<hbm>> -> memref<10000x32xf32, #tpu.memory_space<hbm>>
      tpu.wait_indirect_dma semaphore(%arg11 : memref<!tpu.dma_semaphore, #tpu.memory_space<semaphore_mem>>) src(%dma_wait3A_206 : memref<10000x32xf32, #tpu.memory_space<hbm>>) dst(%dma_wait3A_200 : memref<128x32xf32, #tpu.memory_space<vmem>>)
      %mul3A_207 = arith.constant 8 : i32
      %mul3A_208 = arith.muli %mul3A_137, %mul3A_207 : i32
      %add3A_209 = arith.constant 5 : i32
      %add3A_210 = arith.addi %mul3A_208, %add3A_209 : i32
      %dma_wait3A_211 = arith.constant 0 : i32
      %dma_wait3A_212 = arith.constant 0 : i32
      %dma_wait3A_213 = tpu.memref_slice %arg8[%scan3A_114, %dma_wait3A_211, %dma_wait3A_212] : memref<16x128x32xf32, #tpu.memory_space<vmem>> -> memref<1x128x32xf32, #tpu.memory_space<vmem>>
      %dma_wait3A_214 = tpu.memref_squeeze %dma_wait3A_213 : memref<1x128x32xf32, #tpu.memory_space<vmem>> -> memref<128x32xf32, #tpu.memory_space<vmem>>
      %dma_wait3A_215 = arith.constant 0 : i32
      %dma_wait3A_216 = tpu.memref_slice %arg6[%add3A_210, %dma_wait3A_215] : memref<80x128xi32, #tpu.memory_space<vmem>> -> memref<1x128xi32, #tpu.memory_space<vmem>>
      %dma_wait3A_217 = tpu.memref_squeeze %dma_wait3A_216 : memref<1x128xi32, #tpu.memory_space<vmem>> -> memref<128xi32, #tpu.memory_space<vmem>>
      %dma_wait3A_218 = arith.constant 0 : i32
      %dma_wait3A_219 = arith.constant 0 : i32
      %dma_wait3A_220 = tpu.memref_slice %arg2[%dma_wait3A_218, %dma_wait3A_219] : memref<10000x32xf32, #tpu.memory_space<hbm>> -> memref<10000x32xf32, #tpu.memory_space<hbm>>
      tpu.wait_indirect_dma semaphore(%arg11 : memref<!tpu.dma_semaphore, #tpu.memory_space<semaphore_mem>>) src(%dma_wait3A_220 : memref<10000x32xf32, #tpu.memory_space<hbm>>) dst(%dma_wait3A_214 : memref<128x32xf32, #tpu.memory_space<vmem>>)
      %mul3A_221 = arith.constant 8 : i32
      %mul3A_222 = arith.muli %mul3A_137, %mul3A_221 : i32
      %add3A_223 = arith.constant 6 : i32
      %add3A_224 = arith.addi %mul3A_222, %add3A_223 : i32
      %dma_wait3A_225 = arith.constant 0 : i32
      %dma_wait3A_226 = arith.constant 0 : i32
      %dma_wait3A_227 = tpu.memref_slice %arg8[%scan3A_115, %dma_wait3A_225, %dma_wait3A_226] : memref<16x128x32xf32, #tpu.memory_space<vmem>> -> memref<1x128x32xf32, #tpu.memory_space<vmem>>
      %dma_wait3A_228 = tpu.memref_squeeze %dma_wait3A_227 : memref<1x128x32xf32, #tpu.memory_space<vmem>> -> memref<128x32xf32, #tpu.memory_space<vmem>>
      %dma_wait3A_229 = arith.constant 0 : i32
      %dma_wait3A_230 = tpu.memref_slice %arg6[%add3A_224, %dma_wait3A_229] : memref<80x128xi32, #tpu.memory_space<vmem>> -> memref<1x128xi32, #tpu.memory_space<vmem>>
      %dma_wait3A_231 = tpu.memref_squeeze %dma_wait3A_230 : memref<1x128xi32, #tpu.memory_space<vmem>> -> memref<128xi32, #tpu.memory_space<vmem>>
      %dma_wait3A_232 = arith.constant 0 : i32
      %dma_wait3A_233 = arith.constant 0 : i32
      %dma_wait3A_234 = tpu.memref_slice %arg2[%dma_wait3A_232, %dma_wait3A_233] : memref<10000x32xf32, #tpu.memory_space<hbm>> -> memref<10000x32xf32, #tpu.memory_space<hbm>>
      tpu.wait_indirect_dma semaphore(%arg11 : memref<!tpu.dma_semaphore, #tpu.memory_space<semaphore_mem>>) src(%dma_wait3A_234 : memref<10000x32xf32, #tpu.memory_space<hbm>>) dst(%dma_wait3A_228 : memref<128x32xf32, #tpu.memory_space<vmem>>)
      %mul3A_235 = arith.constant 8 : i32
      %mul3A_236 = arith.muli %mul3A_137, %mul3A_235 : i32
      %add3A_237 = arith.constant 7 : i32
      %add3A_238 = arith.addi %mul3A_236, %add3A_237 : i32
      %dma_wait3A_239 = arith.constant 0 : i32
      %dma_wait3A_240 = arith.constant 0 : i32
      %dma_wait3A_241 = tpu.memref_slice %arg8[%scan3A_116, %dma_wait3A_239, %dma_wait3A_240] : memref<16x128x32xf32, #tpu.memory_space<vmem>> -> memref<1x128x32xf32, #tpu.memory_space<vmem>>
      %dma_wait3A_242 = tpu.memref_squeeze %dma_wait3A_241 : memref<1x128x32xf32, #tpu.memory_space<vmem>> -> memref<128x32xf32, #tpu.memory_space<vmem>>
      %dma_wait3A_243 = arith.constant 0 : i32
      %dma_wait3A_244 = tpu.memref_slice %arg6[%add3A_238, %dma_wait3A_243] : memref<80x128xi32, #tpu.memory_space<vmem>> -> memref<1x128xi32, #tpu.memory_space<vmem>>
      %dma_wait3A_245 = tpu.memref_squeeze %dma_wait3A_244 : memref<1x128xi32, #tpu.memory_space<vmem>> -> memref<128xi32, #tpu.memory_space<vmem>>
      %dma_wait3A_246 = arith.constant 0 : i32
      %dma_wait3A_247 = arith.constant 0 : i32
      %dma_wait3A_248 = tpu.memref_slice %arg2[%dma_wait3A_246, %dma_wait3A_247] : memref<10000x32xf32, #tpu.memory_space<hbm>> -> memref<10000x32xf32, #tpu.memory_space<hbm>>
      tpu.wait_indirect_dma semaphore(%arg11 : memref<!tpu.dma_semaphore, #tpu.memory_space<semaphore_mem>>) src(%dma_wait3A_248 : memref<10000x32xf32, #tpu.memory_space<hbm>>) dst(%dma_wait3A_242 : memref<128x32xf32, #tpu.memory_space<vmem>>)
      %add3A_249 = arith.constant 1 : i32
      %add3A_250 = arith.addi %mul3A_137, %add3A_249 : i32
      %mul3A_251 = arith.constant 8 : i32
      %mul3A_252 = arith.muli %add3A_250, %mul3A_251 : i32
      %add3A_253 = arith.constant 0 : i32
      %add3A_254 = arith.addi %mul3A_252, %add3A_253 : i32
      %dma_start3A_255 = arith.constant 0 : i32
      %dma_start3A_256 = arith.constant 0 : i32
      %dma_start3A_257 = tpu.memref_slice %arg8[%scan3A_117, %dma_start3A_255, %dma_start3A_256] : memref<16x128x32xf32, #tpu.memory_space<vmem>> -> memref<1x128x32xf32, #tpu.memory_space<vmem>>
      %dma_start3A_258 = tpu.memref_squeeze %dma_start3A_257 : memref<1x128x32xf32, #tpu.memory_space<vmem>> -> memref<128x32xf32, #tpu.memory_space<vmem>>
      %dma_start3A_259 = arith.constant 0 : i32
      %dma_start3A_260 = tpu.memref_slice %arg6[%add3A_254, %dma_start3A_259] : memref<80x128xi32, #tpu.memory_space<vmem>> -> memref<1x128xi32, #tpu.memory_space<vmem>>
      %dma_start3A_261 = tpu.memref_squeeze %dma_start3A_260 : memref<1x128xi32, #tpu.memory_space<vmem>> -> memref<128xi32, #tpu.memory_space<vmem>>
      %dma_start3A_262 = arith.constant 0 : i32
      %dma_start3A_263 = arith.constant 0 : i32
      %dma_start3A_264 = tpu.memref_slice %arg2[%dma_start3A_262, %dma_start3A_263] : memref<10000x32xf32, #tpu.memory_space<hbm>> -> memref<10000x32xf32, #tpu.memory_space<hbm>>
      tpu.enqueue_indirect_dma source(%dma_start3A_264 : memref<10000x32xf32, #tpu.memory_space<hbm>>) target(%dma_start3A_258 : memref<128x32xf32, #tpu.memory_space<vmem>>) offsets(%dma_start3A_261 : memref<128xi32, #tpu.memory_space<vmem>>) semaphore(%arg11 : memref<!tpu.dma_semaphore, #tpu.memory_space<semaphore_mem>>)
      %add3A_265 = arith.constant 1 : i32
      %add3A_266 = arith.addi %mul3A_137, %add3A_265 : i32
      %mul3A_267 = arith.constant 8 : i32
      %mul3A_268 = arith.muli %add3A_266, %mul3A_267 : i32
      %add3A_269 = arith.constant 1 : i32
      %add3A_270 = arith.addi %mul3A_268, %add3A_269 : i32
      %dma_start3A_271 = arith.constant 0 : i32
      %dma_start3A_272 = arith.constant 0 : i32
      %dma_start3A_273 = tpu.memref_slice %arg8[%scan3A_118, %dma_start3A_271, %dma_start3A_272] : memref<16x128x32xf32, #tpu.memory_space<vmem>> -> memref<1x128x32xf32, #tpu.memory_space<vmem>>
      %dma_start3A_274 = tpu.memref_squeeze %dma_start3A_273 : memref<1x128x32xf32, #tpu.memory_space<vmem>> -> memref<128x32xf32, #tpu.memory_space<vmem>>
      %dma_start3A_275 = arith.constant 0 : i32
      %dma_start3A_276 = tpu.memref_slice %arg6[%add3A_270, %dma_start3A_275] : memref<80x128xi32, #tpu.memory_space<vmem>> -> memref<1x128xi32, #tpu.memory_space<vmem>>
      %dma_start3A_277 = tpu.memref_squeeze %dma_start3A_276 : memref<1x128xi32, #tpu.memory_space<vmem>> -> memref<128xi32, #tpu.memory_space<vmem>>
      %dma_start3A_278 = arith.constant 0 : i32
      %dma_start3A_279 = arith.constant 0 : i32
      %dma_start3A_280 = tpu.memref_slice %arg2[%dma_start3A_278, %dma_start3A_279] : memref<10000x32xf32, #tpu.memory_space<hbm>> -> memref<10000x32xf32, #tpu.memory_space<hbm>>
      tpu.enqueue_indirect_dma source(%dma_start3A_280 : memref<10000x32xf32, #tpu.memory_space<hbm>>) target(%dma_start3A_274 : memref<128x32xf32, #tpu.memory_space<vmem>>) offsets(%dma_start3A_277 : memref<128xi32, #tpu.memory_space<vmem>>) semaphore(%arg11 : memref<!tpu.dma_semaphore, #tpu.memory_space<semaphore_mem>>)
      %add3A_281 = arith.constant 1 : i32
      %add3A_282 = arith.addi %mul3A_137, %add3A_281 : i32
      %mul3A_283 = arith.constant 8 : i32
      %mul3A_284 = arith.muli %add3A_282, %mul3A_283 : i32
      %add3A_285 = arith.constant 2 : i32
      %add3A_286 = arith.addi %mul3A_284, %add3A_285 : i32
      %dma_start3A_287 = arith.constant 0 : i32
      %dma_start3A_288 = arith.constant 0 : i32
      %dma_start3A_289 = tpu.memref_slice %arg8[%scan3A_119, %dma_start3A_287, %dma_start3A_288] : memref<16x128x32xf32, #tpu.memory_space<vmem>> -> memref<1x128x32xf32, #tpu.memory_space<vmem>>
      %dma_start3A_290 = tpu.memref_squeeze %dma_start3A_289 : memref<1x128x32xf32, #tpu.memory_space<vmem>> -> memref<128x32xf32, #tpu.memory_space<vmem>>
      %dma_start3A_291 = arith.constant 0 : i32
      %dma_start3A_292 = tpu.memref_slice %arg6[%add3A_286, %dma_start3A_291] : memref<80x128xi32, #tpu.memory_space<vmem>> -> memref<1x128xi32, #tpu.memory_space<vmem>>
      %dma_start3A_293 = tpu.memref_squeeze %dma_start3A_292 : memref<1x128xi32, #tpu.memory_space<vmem>> -> memref<128xi32, #tpu.memory_space<vmem>>
      %dma_start3A_294 = arith.constant 0 : i32
      %dma_start3A_295 = arith.constant 0 : i32
      %dma_start3A_296 = tpu.memref_slice %arg2[%dma_start3A_294, %dma_start3A_295] : memref<10000x32xf32, #tpu.memory_space<hbm>> -> memref<10000x32xf32, #tpu.memory_space<hbm>>
      tpu.enqueue_indirect_dma source(%dma_start3A_296 : memref<10000x32xf32, #tpu.memory_space<hbm>>) target(%dma_start3A_290 : memref<128x32xf32, #tpu.memory_space<vmem>>) offsets(%dma_start3A_293 : memref<128xi32, #tpu.memory_space<vmem>>) semaphore(%arg11 : memref<!tpu.dma_semaphore, #tpu.memory_space<semaphore_mem>>)
      %add3A_297 = arith.constant 1 : i32
      %add3A_298 = arith.addi %mul3A_137, %add3A_297 : i32
      %mul3A_299 = arith.constant 8 : i32
      %mul3A_300 = arith.muli %add3A_298, %mul3A_299 : i32
      %add3A_301 = arith.constant 3 : i32
      %add3A_302 = arith.addi %mul3A_300, %add3A_301 : i32
      %dma_start3A_303 = arith.constant 0 : i32
      %dma_start3A_304 = arith.constant 0 : i32
      %dma_start3A_305 = tpu.memref_slice %arg8[%scan3A_120, %dma_start3A_303, %dma_start3A_304] : memref<16x128x32xf32, #tpu.memory_space<vmem>> -> memref<1x128x32xf32, #tpu.memory_space<vmem>>
      %dma_start3A_306 = tpu.memref_squeeze %dma_start3A_305 : memref<1x128x32xf32, #tpu.memory_space<vmem>> -> memref<128x32xf32, #tpu.memory_space<vmem>>
      %dma_start3A_307 = arith.constant 0 : i32
      %dma_start3A_308 = tpu.memref_slice %arg6[%add3A_302, %dma_start3A_307] : memref<80x128xi32, #tpu.memory_space<vmem>> -> memref<1x128xi32, #tpu.memory_space<vmem>>
      %dma_start3A_309 = tpu.memref_squeeze %dma_start3A_308 : memref<1x128xi32, #tpu.memory_space<vmem>> -> memref<128xi32, #tpu.memory_space<vmem>>
      %dma_start3A_310 = arith.constant 0 : i32
      %dma_start3A_311 = arith.constant 0 : i32
      %dma_start3A_312 = tpu.memref_slice %arg2[%dma_start3A_310, %dma_start3A_311] : memref<10000x32xf32, #tpu.memory_space<hbm>> -> memref<10000x32xf32, #tpu.memory_space<hbm>>
      tpu.enqueue_indirect_dma source(%dma_start3A_312 : memref<10000x32xf32, #tpu.memory_space<hbm>>) target(%dma_start3A_306 : memref<128x32xf32, #tpu.memory_space<vmem>>) offsets(%dma_start3A_309 : memref<128xi32, #tpu.memory_space<vmem>>) semaphore(%arg11 : memref<!tpu.dma_semaphore, #tpu.memory_space<semaphore_mem>>)
      %add3A_313 = arith.constant 1 : i32
      %add3A_314 = arith.addi %mul3A_137, %add3A_313 : i32
      %mul3A_315 = arith.constant 8 : i32
      %mul3A_316 = arith.muli %add3A_314, %mul3A_315 : i32
      %add3A_317 = arith.constant 4 : i32
      %add3A_318 = arith.addi %mul3A_316, %add3A_317 : i32
      %dma_start3A_319 = arith.constant 0 : i32
      %dma_start3A_320 = arith.constant 0 : i32
      %dma_start3A_321 = tpu.memref_slice %arg8[%scan3A_121, %dma_start3A_319, %dma_start3A_320] : memref<16x128x32xf32, #tpu.memory_space<vmem>> -> memref<1x128x32xf32, #tpu.memory_space<vmem>>
      %dma_start3A_322 = tpu.memref_squeeze %dma_start3A_321 : memref<1x128x32xf32, #tpu.memory_space<vmem>> -> memref<128x32xf32, #tpu.memory_space<vmem>>
      %dma_start3A_323 = arith.constant 0 : i32
      %dma_start3A_324 = tpu.memref_slice %arg6[%add3A_318, %dma_start3A_323] : memref<80x128xi32, #tpu.memory_space<vmem>> -> memref<1x128xi32, #tpu.memory_space<vmem>>
      %dma_start3A_325 = tpu.memref_squeeze %dma_start3A_324 : memref<1x128xi32, #tpu.memory_space<vmem>> -> memref<128xi32, #tpu.memory_space<vmem>>
      %dma_start3A_326 = arith.constant 0 : i32
      %dma_start3A_327 = arith.constant 0 : i32
      %dma_start3A_328 = tpu.memref_slice %arg2[%dma_start3A_326, %dma_start3A_327] : memref<10000x32xf32, #tpu.memory_space<hbm>> -> memref<10000x32xf32, #tpu.memory_space<hbm>>
      tpu.enqueue_indirect_dma source(%dma_start3A_328 : memref<10000x32xf32, #tpu.memory_space<hbm>>) target(%dma_start3A_322 : memref<128x32xf32, #tpu.memory_space<vmem>>) offsets(%dma_start3A_325 : memref<128xi32, #tpu.memory_space<vmem>>) semaphore(%arg11 : memref<!tpu.dma_semaphore, #tpu.memory_space<semaphore_mem>>)
      %add3A_329 = arith.constant 1 : i32
      %add3A_330 = arith.addi %mul3A_137, %add3A_329 : i32
      %mul3A_331 = arith.constant 8 : i32
      %mul3A_332 = arith.muli %add3A_330, %mul3A_331 : i32
      %add3A_333 = arith.constant 5 : i32
      %add3A_334 = arith.addi %mul3A_332, %add3A_333 : i32
      %dma_start3A_335 = arith.constant 0 : i32
      %dma_start3A_336 = arith.constant 0 : i32
      %dma_start3A_337 = tpu.memref_slice %arg8[%scan3A_122, %dma_start3A_335, %dma_start3A_336] : memref<16x128x32xf32, #tpu.memory_space<vmem>> -> memref<1x128x32xf32, #tpu.memory_space<vmem>>
      %dma_start3A_338 = tpu.memref_squeeze %dma_start3A_337 : memref<1x128x32xf32, #tpu.memory_space<vmem>> -> memref<128x32xf32, #tpu.memory_space<vmem>>
      %dma_start3A_339 = arith.constant 0 : i32
      %dma_start3A_340 = tpu.memref_slice %arg6[%add3A_334, %dma_start3A_339] : memref<80x128xi32, #tpu.memory_space<vmem>> -> memref<1x128xi32, #tpu.memory_space<vmem>>
      %dma_start3A_341 = tpu.memref_squeeze %dma_start3A_340 : memref<1x128xi32, #tpu.memory_space<vmem>> -> memref<128xi32, #tpu.memory_space<vmem>>
      %dma_start3A_342 = arith.constant 0 : i32
      %dma_start3A_343 = arith.constant 0 : i32
      %dma_start3A_344 = tpu.memref_slice %arg2[%dma_start3A_342, %dma_start3A_343] : memref<10000x32xf32, #tpu.memory_space<hbm>> -> memref<10000x32xf32, #tpu.memory_space<hbm>>
      tpu.enqueue_indirect_dma source(%dma_start3A_344 : memref<10000x32xf32, #tpu.memory_space<hbm>>) target(%dma_start3A_338 : memref<128x32xf32, #tpu.memory_space<vmem>>) offsets(%dma_start3A_341 : memref<128xi32, #tpu.memory_space<vmem>>) semaphore(%arg11 : memref<!tpu.dma_semaphore, #tpu.memory_space<semaphore_mem>>)
      %add3A_345 = arith.constant 1 : i32
      %add3A_346 = arith.addi %mul3A_137, %add3A_345 : i32
      %mul3A_347 = arith.constant 8 : i32
      %mul3A_348 = arith.muli %add3A_346, %mul3A_347 : i32
      %add3A_349 = arith.constant 6 : i32
      %add3A_350 = arith.addi %mul3A_348, %add3A_349 : i32
      %dma_start3A_351 = arith.constant 0 : i32
      %dma_start3A_352 = arith.constant 0 : i32
      %dma_start3A_353 = tpu.memref_slice %arg8[%scan3A_123, %dma_start3A_351, %dma_start3A_352] : memref<16x128x32xf32, #tpu.memory_space<vmem>> -> memref<1x128x32xf32, #tpu.memory_space<vmem>>
      %dma_start3A_354 = tpu.memref_squeeze %dma_start3A_353 : memref<1x128x32xf32, #tpu.memory_space<vmem>> -> memref<128x32xf32, #tpu.memory_space<vmem>>
      %dma_start3A_355 = arith.constant 0 : i32
      %dma_start3A_356 = tpu.memref_slice %arg6[%add3A_350, %dma_start3A_355] : memref<80x128xi32, #tpu.memory_space<vmem>> -> memref<1x128xi32, #tpu.memory_space<vmem>>
      %dma_start3A_357 = tpu.memref_squeeze %dma_start3A_356 : memref<1x128xi32, #tpu.memory_space<vmem>> -> memref<128xi32, #tpu.memory_space<vmem>>
      %dma_start3A_358 = arith.constant 0 : i32
      %dma_start3A_359 = arith.constant 0 : i32
      %dma_start3A_360 = tpu.memref_slice %arg2[%dma_start3A_358, %dma_start3A_359] : memref<10000x32xf32, #tpu.memory_space<hbm>> -> memref<10000x32xf32, #tpu.memory_space<hbm>>
      tpu.enqueue_indirect_dma source(%dma_start3A_360 : memref<10000x32xf32, #tpu.memory_space<hbm>>) target(%dma_start3A_354 : memref<128x32xf32, #tpu.memory_space<vmem>>) offsets(%dma_start3A_357 : memref<128xi32, #tpu.memory_space<vmem>>) semaphore(%arg11 : memref<!tpu.dma_semaphore, #tpu.memory_space<semaphore_mem>>)
      %add3A_361 = arith.constant 1 : i32
      %add3A_362 = arith.addi %mul3A_137, %add3A_361 : i32
      %mul3A_363 = arith.constant 8 : i32
      %mul3A_364 = arith.muli %add3A_362, %mul3A_363 : i32
      %add3A_365 = arith.constant 7 : i32
      %add3A_366 = arith.addi %mul3A_364, %add3A_365 : i32
      %dma_start3A_367 = arith.constant 0 : i32
      %dma_start3A_368 = arith.constant 0 : i32
      %dma_start3A_369 = tpu.memref_slice %arg8[%scan3A_124, %dma_start3A_367, %dma_start3A_368] : memref<16x128x32xf32, #tpu.memory_space<vmem>> -> memref<1x128x32xf32, #tpu.memory_space<vmem>>
      %dma_start3A_370 = tpu.memref_squeeze %dma_start3A_369 : memref<1x128x32xf32, #tpu.memory_space<vmem>> -> memref<128x32xf32, #tpu.memory_space<vmem>>
      %dma_start3A_371 = arith.constant 0 : i32
      %dma_start3A_372 = tpu.memref_slice %arg6[%add3A_366, %dma_start3A_371] : memref<80x128xi32, #tpu.memory_space<vmem>> -> memref<1x128xi32, #tpu.memory_space<vmem>>
      %dma_start3A_373 = tpu.memref_squeeze %dma_start3A_372 : memref<1x128xi32, #tpu.memory_space<vmem>> -> memref<128xi32, #tpu.memory_space<vmem>>
      %dma_start3A_374 = arith.constant 0 : i32
      %dma_start3A_375 = arith.constant 0 : i32
      %dma_start3A_376 = tpu.memref_slice %arg2[%dma_start3A_374, %dma_start3A_375] : memref<10000x32xf32, #tpu.memory_space<hbm>> -> memref<10000x32xf32, #tpu.memory_space<hbm>>
      tpu.enqueue_indirect_dma source(%dma_start3A_376 : memref<10000x32xf32, #tpu.memory_space<hbm>>) target(%dma_start3A_370 : memref<128x32xf32, #tpu.memory_space<vmem>>) offsets(%dma_start3A_373 : memref<128xi32, #tpu.memory_space<vmem>>) semaphore(%arg11 : memref<!tpu.dma_semaphore, #tpu.memory_space<semaphore_mem>>)
      %mul3A_377 = arith.constant 8 : i32
      %mul3A_378 = arith.muli %mul3A_137, %mul3A_377 : i32
      %add3A_379 = arith.constant 0 : i32
      %add3A_380 = arith.addi %mul3A_378, %add3A_379 : i32
      %dma_start3A_381 = arith.constant 0 : i32
      %dma_start3A_382 = arith.constant 0 : i32
      %dma_start3A_383 = tpu.memref_slice %arg8[%scan3A_109, %dma_start3A_381, %dma_start3A_382] : memref<16x128x32xf32, #tpu.memory_space<vmem>> -> memref<1x128x32xf32, #tpu.memory_space<vmem>>
      %dma_start3A_384 = tpu.memref_squeeze %dma_start3A_383 : memref<1x128x32xf32, #tpu.memory_space<vmem>> -> memref<128x32xf32, #tpu.memory_space<vmem>>
      %dma_start3A_385 = arith.constant 0 : i32
      %dma_start3A_386 = tpu.memref_slice %arg7[%add3A_380, %dma_start3A_385] : memref<80x128xi32, #tpu.memory_space<vmem>> -> memref<1x128xi32, #tpu.memory_space<vmem>>
      %dma_start3A_387 = tpu.memref_squeeze %dma_start3A_386 : memref<1x128xi32, #tpu.memory_space<vmem>> -> memref<128xi32, #tpu.memory_space<vmem>>
      %dma_start3A_388 = arith.constant 0 : i32
      %dma_start3A_389 = arith.constant 0 : i32
      %dma_start3A_390 = tpu.memref_slice %arg10[%dma_start3A_388, %dma_start3A_389] : memref<10240x32xf32, #tpu.memory_space<vmem_shared>> -> memref<10240x32xf32, #tpu.memory_space<vmem_shared>>
      tpu.enqueue_indirect_dma source(%dma_start3A_384 : memref<128x32xf32, #tpu.memory_space<vmem>>) target(%dma_start3A_390 : memref<10240x32xf32, #tpu.memory_space<vmem_shared>>) offsets(%dma_start3A_387 : memref<128xi32, #tpu.memory_space<vmem>>) semaphore(%arg12 : memref<!tpu.dma_semaphore, #tpu.memory_space<semaphore_mem>>) {add = true}
      %mul3A_391 = arith.constant 8 : i32
      %mul3A_392 = arith.muli %mul3A_137, %mul3A_391 : i32
      %add3A_393 = arith.constant 1 : i32
      %add3A_394 = arith.addi %mul3A_392, %add3A_393 : i32
      %dma_start3A_395 = arith.constant 0 : i32
      %dma_start3A_396 = arith.constant 0 : i32
      %dma_start3A_397 = tpu.memref_slice %arg8[%scan3A_110, %dma_start3A_395, %dma_start3A_396] : memref<16x128x32xf32, #tpu.memory_space<vmem>> -> memref<1x128x32xf32, #tpu.memory_space<vmem>>
      %dma_start3A_398 = tpu.memref_squeeze %dma_start3A_397 : memref<1x128x32xf32, #tpu.memory_space<vmem>> -> memref<128x32xf32, #tpu.memory_space<vmem>>
      %dma_start3A_399 = arith.constant 0 : i32
      %dma_start3A_400 = tpu.memref_slice %arg7[%add3A_394, %dma_start3A_399] : memref<80x128xi32, #tpu.memory_space<vmem>> -> memref<1x128xi32, #tpu.memory_space<vmem>>
      %dma_start3A_401 = tpu.memref_squeeze %dma_start3A_400 : memref<1x128xi32, #tpu.memory_space<vmem>> -> memref<128xi32, #tpu.memory_space<vmem>>
      %dma_start3A_402 = arith.constant 0 : i32
      %dma_start3A_403 = arith.constant 0 : i32
      %dma_start3A_404 = tpu.memref_slice %arg10[%dma_start3A_402, %dma_start3A_403] : memref<10240x32xf32, #tpu.memory_space<vmem_shared>> -> memref<10240x32xf32, #tpu.memory_space<vmem_shared>>
      tpu.enqueue_indirect_dma source(%dma_start3A_398 : memref<128x32xf32, #tpu.memory_space<vmem>>) target(%dma_start3A_404 : memref<10240x32xf32, #tpu.memory_space<vmem_shared>>) offsets(%dma_start3A_401 : memref<128xi32, #tpu.memory_space<vmem>>) semaphore(%arg12 : memref<!tpu.dma_semaphore, #tpu.memory_space<semaphore_mem>>) {add = true}
      %mul3A_405 = arith.constant 8 : i32
      %mul3A_406 = arith.muli %mul3A_137, %mul3A_405 : i32
      %add3A_407 = arith.constant 2 : i32
      %add3A_408 = arith.addi %mul3A_406, %add3A_407 : i32
      %dma_start3A_409 = arith.constant 0 : i32
      %dma_start3A_410 = arith.constant 0 : i32
      %dma_start3A_411 = tpu.memref_slice %arg8[%scan3A_111, %dma_start3A_409, %dma_start3A_410] : memref<16x128x32xf32, #tpu.memory_space<vmem>> -> memref<1x128x32xf32, #tpu.memory_space<vmem>>
      %dma_start3A_412 = tpu.memref_squeeze %dma_start3A_411 : memref<1x128x32xf32, #tpu.memory_space<vmem>> -> memref<128x32xf32, #tpu.memory_space<vmem>>
      %dma_start3A_413 = arith.constant 0 : i32
      %dma_start3A_414 = tpu.memref_slice %arg7[%add3A_408, %dma_start3A_413] : memref<80x128xi32, #tpu.memory_space<vmem>> -> memref<1x128xi32, #tpu.memory_space<vmem>>
      %dma_start3A_415 = tpu.memref_squeeze %dma_start3A_414 : memref<1x128xi32, #tpu.memory_space<vmem>> -> memref<128xi32, #tpu.memory_space<vmem>>
      %dma_start3A_416 = arith.constant 0 : i32
      %dma_start3A_417 = arith.constant 0 : i32
      %dma_start3A_418 = tpu.memref_slice %arg10[%dma_start3A_416, %dma_start3A_417] : memref<10240x32xf32, #tpu.memory_space<vmem_shared>> -> memref<10240x32xf32, #tpu.memory_space<vmem_shared>>
      tpu.enqueue_indirect_dma source(%dma_start3A_412 : memref<128x32xf32, #tpu.memory_space<vmem>>) target(%dma_start3A_418 : memref<10240x32xf32, #tpu.memory_space<vmem_shared>>) offsets(%dma_start3A_415 : memref<128xi32, #tpu.memory_space<vmem>>) semaphore(%arg12 : memref<!tpu.dma_semaphore, #tpu.memory_space<semaphore_mem>>) {add = true}
      %mul3A_419 = arith.constant 8 : i32
      %mul3A_420 = arith.muli %mul3A_137, %mul3A_419 : i32
      %add3A_421 = arith.constant 3 : i32
      %add3A_422 = arith.addi %mul3A_420, %add3A_421 : i32
      %dma_start3A_423 = arith.constant 0 : i32
      %dma_start3A_424 = arith.constant 0 : i32
      %dma_start3A_425 = tpu.memref_slice %arg8[%scan3A_112, %dma_start3A_423, %dma_start3A_424] : memref<16x128x32xf32, #tpu.memory_space<vmem>> -> memref<1x128x32xf32, #tpu.memory_space<vmem>>
      %dma_start3A_426 = tpu.memref_squeeze %dma_start3A_425 : memref<1x128x32xf32, #tpu.memory_space<vmem>> -> memref<128x32xf32, #tpu.memory_space<vmem>>
      %dma_start3A_427 = arith.constant 0 : i32
      %dma_start3A_428 = tpu.memref_slice %arg7[%add3A_422, %dma_start3A_427] : memref<80x128xi32, #tpu.memory_space<vmem>> -> memref<1x128xi32, #tpu.memory_space<vmem>>
      %dma_start3A_429 = tpu.memref_squeeze %dma_start3A_428 : memref<1x128xi32, #tpu.memory_space<vmem>> -> memref<128xi32, #tpu.memory_space<vmem>>
      %dma_start3A_430 = arith.constant 0 : i32
      %dma_start3A_431 = arith.constant 0 : i32
      %dma_start3A_432 = tpu.memref_slice %arg10[%dma_start3A_430, %dma_start3A_431] : memref<10240x32xf32, #tpu.memory_space<vmem_shared>> -> memref<10240x32xf32, #tpu.memory_space<vmem_shared>>
      tpu.enqueue_indirect_dma source(%dma_start3A_426 : memref<128x32xf32, #tpu.memory_space<vmem>>) target(%dma_start3A_432 : memref<10240x32xf32, #tpu.memory_space<vmem_shared>>) offsets(%dma_start3A_429 : memref<128xi32, #tpu.memory_space<vmem>>) semaphore(%arg12 : memref<!tpu.dma_semaphore, #tpu.memory_space<semaphore_mem>>) {add = true}
      %mul3A_433 = arith.constant 8 : i32
      %mul3A_434 = arith.muli %mul3A_137, %mul3A_433 : i32
      %add3A_435 = arith.constant 4 : i32
      %add3A_436 = arith.addi %mul3A_434, %add3A_435 : i32
      %dma_start3A_437 = arith.constant 0 : i32
      %dma_start3A_438 = arith.constant 0 : i32
      %dma_start3A_439 = tpu.memref_slice %arg8[%scan3A_113, %dma_start3A_437, %dma_start3A_438] : memref<16x128x32xf32, #tpu.memory_space<vmem>> -> memref<1x128x32xf32, #tpu.memory_space<vmem>>
      %dma_start3A_440 = tpu.memref_squeeze %dma_start3A_439 : memref<1x128x32xf32, #tpu.memory_space<vmem>> -> memref<128x32xf32, #tpu.memory_space<vmem>>
      %dma_start3A_441 = arith.constant 0 : i32
      %dma_start3A_442 = tpu.memref_slice %arg7[%add3A_436, %dma_start3A_441] : memref<80x128xi32, #tpu.memory_space<vmem>> -> memref<1x128xi32, #tpu.memory_space<vmem>>
      %dma_start3A_443 = tpu.memref_squeeze %dma_start3A_442 : memref<1x128xi32, #tpu.memory_space<vmem>> -> memref<128xi32, #tpu.memory_space<vmem>>
      %dma_start3A_444 = arith.constant 0 : i32
      %dma_start3A_445 = arith.constant 0 : i32
      %dma_start3A_446 = tpu.memref_slice %arg10[%dma_start3A_444, %dma_start3A_445] : memref<10240x32xf32, #tpu.memory_space<vmem_shared>> -> memref<10240x32xf32, #tpu.memory_space<vmem_shared>>
      tpu.enqueue_indirect_dma source(%dma_start3A_440 : memref<128x32xf32, #tpu.memory_space<vmem>>) target(%dma_start3A_446 : memref<10240x32xf32, #tpu.memory_space<vmem_shared>>) offsets(%dma_start3A_443 : memref<128xi32, #tpu.memory_space<vmem>>) semaphore(%arg12 : memref<!tpu.dma_semaphore, #tpu.memory_space<semaphore_mem>>) {add = true}
      %mul3A_447 = arith.constant 8 : i32
      %mul3A_448 = arith.muli %mul3A_137, %mul3A_447 : i32
      %add3A_449 = arith.constant 5 : i32
      %add3A_450 = arith.addi %mul3A_448, %add3A_449 : i32
      %dma_start3A_451 = arith.constant 0 : i32
      %dma_start3A_452 = arith.constant 0 : i32
      %dma_start3A_453 = tpu.memref_slice %arg8[%scan3A_114, %dma_start3A_451, %dma_start3A_452] : memref<16x128x32xf32, #tpu.memory_space<vmem>> -> memref<1x128x32xf32, #tpu.memory_space<vmem>>
      %dma_start3A_454 = tpu.memref_squeeze %dma_start3A_453 : memref<1x128x32xf32, #tpu.memory_space<vmem>> -> memref<128x32xf32, #tpu.memory_space<vmem>>
      %dma_start3A_455 = arith.constant 0 : i32
      %dma_start3A_456 = tpu.memref_slice %arg7[%add3A_450, %dma_start3A_455] : memref<80x128xi32, #tpu.memory_space<vmem>> -> memref<1x128xi32, #tpu.memory_space<vmem>>
      %dma_start3A_457 = tpu.memref_squeeze %dma_start3A_456 : memref<1x128xi32, #tpu.memory_space<vmem>> -> memref<128xi32, #tpu.memory_space<vmem>>
      %dma_start3A_458 = arith.constant 0 : i32
      %dma_start3A_459 = arith.constant 0 : i32
      %dma_start3A_460 = tpu.memref_slice %arg10[%dma_start3A_458, %dma_start3A_459] : memref<10240x32xf32, #tpu.memory_space<vmem_shared>> -> memref<10240x32xf32, #tpu.memory_space<vmem_shared>>
      tpu.enqueue_indirect_dma source(%dma_start3A_454 : memref<128x32xf32, #tpu.memory_space<vmem>>) target(%dma_start3A_460 : memref<10240x32xf32, #tpu.memory_space<vmem_shared>>) offsets(%dma_start3A_457 : memref<128xi32, #tpu.memory_space<vmem>>) semaphore(%arg12 : memref<!tpu.dma_semaphore, #tpu.memory_space<semaphore_mem>>) {add = true}
      %mul3A_461 = arith.constant 8 : i32
      %mul3A_462 = arith.muli %mul3A_137, %mul3A_461 : i32
      %add3A_463 = arith.constant 6 : i32
      %add3A_464 = arith.addi %mul3A_462, %add3A_463 : i32
      %dma_start3A_465 = arith.constant 0 : i32
      %dma_start3A_466 = arith.constant 0 : i32
      %dma_start3A_467 = tpu.memref_slice %arg8[%scan3A_115, %dma_start3A_465, %dma_start3A_466] : memref<16x128x32xf32, #tpu.memory_space<vmem>> -> memref<1x128x32xf32, #tpu.memory_space<vmem>>
      %dma_start3A_468 = tpu.memref_squeeze %dma_start3A_467 : memref<1x128x32xf32, #tpu.memory_space<vmem>> -> memref<128x32xf32, #tpu.memory_space<vmem>>
      %dma_start3A_469 = arith.constant 0 : i32
      %dma_start3A_470 = tpu.memref_slice %arg7[%add3A_464, %dma_start3A_469] : memref<80x128xi32, #tpu.memory_space<vmem>> -> memref<1x128xi32, #tpu.memory_space<vmem>>
      %dma_start3A_471 = tpu.memref_squeeze %dma_start3A_470 : memref<1x128xi32, #tpu.memory_space<vmem>> -> memref<128xi32, #tpu.memory_space<vmem>>
      %dma_start3A_472 = arith.constant 0 : i32
      %dma_start3A_473 = arith.constant 0 : i32
      %dma_start3A_474 = tpu.memref_slice %arg10[%dma_start3A_472, %dma_start3A_473] : memref<10240x32xf32, #tpu.memory_space<vmem_shared>> -> memref<10240x32xf32, #tpu.memory_space<vmem_shared>>
      tpu.enqueue_indirect_dma source(%dma_start3A_468 : memref<128x32xf32, #tpu.memory_space<vmem>>) target(%dma_start3A_474 : memref<10240x32xf32, #tpu.memory_space<vmem_shared>>) offsets(%dma_start3A_471 : memref<128xi32, #tpu.memory_space<vmem>>) semaphore(%arg12 : memref<!tpu.dma_semaphore, #tpu.memory_space<semaphore_mem>>) {add = true}
      %mul3A_475 = arith.constant 8 : i32
      %mul3A_476 = arith.muli %mul3A_137, %mul3A_475 : i32
      %add3A_477 = arith.constant 7 : i32
      %add3A_478 = arith.addi %mul3A_476, %add3A_477 : i32
      %dma_start3A_479 = arith.constant 0 : i32
      %dma_start3A_480 = arith.constant 0 : i32
      %dma_start3A_481 = tpu.memref_slice %arg8[%scan3A_116, %dma_start3A_479, %dma_start3A_480] : memref<16x128x32xf32, #tpu.memory_space<vmem>> -> memref<1x128x32xf32, #tpu.memory_space<vmem>>
      %dma_start3A_482 = tpu.memref_squeeze %dma_start3A_481 : memref<1x128x32xf32, #tpu.memory_space<vmem>> -> memref<128x32xf32, #tpu.memory_space<vmem>>
      %dma_start3A_483 = arith.constant 0 : i32
      %dma_start3A_484 = tpu.memref_slice %arg7[%add3A_478, %dma_start3A_483] : memref<80x128xi32, #tpu.memory_space<vmem>> -> memref<1x128xi32, #tpu.memory_space<vmem>>
      %dma_start3A_485 = tpu.memref_squeeze %dma_start3A_484 : memref<1x128xi32, #tpu.memory_space<vmem>> -> memref<128xi32, #tpu.memory_space<vmem>>
      %dma_start3A_486 = arith.constant 0 : i32
      %dma_start3A_487 = arith.constant 0 : i32
      %dma_start3A_488 = tpu.memref_slice %arg10[%dma_start3A_486, %dma_start3A_487] : memref<10240x32xf32, #tpu.memory_space<vmem_shared>> -> memref<10240x32xf32, #tpu.memory_space<vmem_shared>>
      tpu.enqueue_indirect_dma source(%dma_start3A_482 : memref<128x32xf32, #tpu.memory_space<vmem>>) target(%dma_start3A_488 : memref<10240x32xf32, #tpu.memory_space<vmem_shared>>) offsets(%dma_start3A_485 : memref<128xi32, #tpu.memory_space<vmem>>) semaphore(%arg12 : memref<!tpu.dma_semaphore, #tpu.memory_space<semaphore_mem>>) {add = true}
      %add3A_489 = arith.constant 1 : i32
      %add3A_490 = arith.addi %mul3A_137, %add3A_489 : i32
      %mul3A_491 = arith.constant 8 : i32
      %mul3A_492 = arith.muli %add3A_490, %mul3A_491 : i32
      %add3A_493 = arith.constant 0 : i32
      %add3A_494 = arith.addi %mul3A_492, %add3A_493 : i32
      %dma_wait3A_495 = arith.constant 0 : i32
      %dma_wait3A_496 = arith.constant 0 : i32
      %dma_wait3A_497 = tpu.memref_slice %arg8[%scan3A_117, %dma_wait3A_495, %dma_wait3A_496] : memref<16x128x32xf32, #tpu.memory_space<vmem>> -> memref<1x128x32xf32, #tpu.memory_space<vmem>>
      %dma_wait3A_498 = tpu.memref_squeeze %dma_wait3A_497 : memref<1x128x32xf32, #tpu.memory_space<vmem>> -> memref<128x32xf32, #tpu.memory_space<vmem>>
      %dma_wait3A_499 = arith.constant 0 : i32
      %dma_wait3A_500 = tpu.memref_slice %arg6[%add3A_494, %dma_wait3A_499] : memref<80x128xi32, #tpu.memory_space<vmem>> -> memref<1x128xi32, #tpu.memory_space<vmem>>
      %dma_wait3A_501 = tpu.memref_squeeze %dma_wait3A_500 : memref<1x128xi32, #tpu.memory_space<vmem>> -> memref<128xi32, #tpu.memory_space<vmem>>
      %dma_wait3A_502 = arith.constant 0 : i32
      %dma_wait3A_503 = arith.constant 0 : i32
      %dma_wait3A_504 = tpu.memref_slice %arg2[%dma_wait3A_502, %dma_wait3A_503] : memref<10000x32xf32, #tpu.memory_space<hbm>> -> memref<10000x32xf32, #tpu.memory_space<hbm>>
      tpu.wait_indirect_dma semaphore(%arg11 : memref<!tpu.dma_semaphore, #tpu.memory_space<semaphore_mem>>) src(%dma_wait3A_504 : memref<10000x32xf32, #tpu.memory_space<hbm>>) dst(%dma_wait3A_498 : memref<128x32xf32, #tpu.memory_space<vmem>>)
      %add3A_505 = arith.constant 1 : i32
      %add3A_506 = arith.addi %mul3A_137, %add3A_505 : i32
      %mul3A_507 = arith.constant 8 : i32
      %mul3A_508 = arith.muli %add3A_506, %mul3A_507 : i32
      %add3A_509 = arith.constant 1 : i32
      %add3A_510 = arith.addi %mul3A_508, %add3A_509 : i32
      %dma_wait3A_511 = arith.constant 0 : i32
      %dma_wait3A_512 = arith.constant 0 : i32
      %dma_wait3A_513 = tpu.memref_slice %arg8[%scan3A_118, %dma_wait3A_511, %dma_wait3A_512] : memref<16x128x32xf32, #tpu.memory_space<vmem>> -> memref<1x128x32xf32, #tpu.memory_space<vmem>>
      %dma_wait3A_514 = tpu.memref_squeeze %dma_wait3A_513 : memref<1x128x32xf32, #tpu.memory_space<vmem>> -> memref<128x32xf32, #tpu.memory_space<vmem>>
      %dma_wait3A_515 = arith.constant 0 : i32
      %dma_wait3A_516 = tpu.memref_slice %arg6[%add3A_510, %dma_wait3A_515] : memref<80x128xi32, #tpu.memory_space<vmem>> -> memref<1x128xi32, #tpu.memory_space<vmem>>
      %dma_wait3A_517 = tpu.memref_squeeze %dma_wait3A_516 : memref<1x128xi32, #tpu.memory_space<vmem>> -> memref<128xi32, #tpu.memory_space<vmem>>
      %dma_wait3A_518 = arith.constant 0 : i32
      %dma_wait3A_519 = arith.constant 0 : i32
      %dma_wait3A_520 = tpu.memref_slice %arg2[%dma_wait3A_518, %dma_wait3A_519] : memref<10000x32xf32, #tpu.memory_space<hbm>> -> memref<10000x32xf32, #tpu.memory_space<hbm>>
      tpu.wait_indirect_dma semaphore(%arg11 : memref<!tpu.dma_semaphore, #tpu.memory_space<semaphore_mem>>) src(%dma_wait3A_520 : memref<10000x32xf32, #tpu.memory_space<hbm>>) dst(%dma_wait3A_514 : memref<128x32xf32, #tpu.memory_space<vmem>>)
      %add3A_521 = arith.constant 1 : i32
      %add3A_522 = arith.addi %mul3A_137, %add3A_521 : i32
      %mul3A_523 = arith.constant 8 : i32
      %mul3A_524 = arith.muli %add3A_522, %mul3A_523 : i32
      %add3A_525 = arith.constant 2 : i32
      %add3A_526 = arith.addi %mul3A_524, %add3A_525 : i32
      %dma_wait3A_527 = arith.constant 0 : i32
      %dma_wait3A_528 = arith.constant 0 : i32
      %dma_wait3A_529 = tpu.memref_slice %arg8[%scan3A_119, %dma_wait3A_527, %dma_wait3A_528] : memref<16x128x32xf32, #tpu.memory_space<vmem>> -> memref<1x128x32xf32, #tpu.memory_space<vmem>>
      %dma_wait3A_530 = tpu.memref_squeeze %dma_wait3A_529 : memref<1x128x32xf32, #tpu.memory_space<vmem>> -> memref<128x32xf32, #tpu.memory_space<vmem>>
      %dma_wait3A_531 = arith.constant 0 : i32
      %dma_wait3A_532 = tpu.memref_slice %arg6[%add3A_526, %dma_wait3A_531] : memref<80x128xi32, #tpu.memory_space<vmem>> -> memref<1x128xi32, #tpu.memory_space<vmem>>
      %dma_wait3A_533 = tpu.memref_squeeze %dma_wait3A_532 : memref<1x128xi32, #tpu.memory_space<vmem>> -> memref<128xi32, #tpu.memory_space<vmem>>
      %dma_wait3A_534 = arith.constant 0 : i32
      %dma_wait3A_535 = arith.constant 0 : i32
      %dma_wait3A_536 = tpu.memref_slice %arg2[%dma_wait3A_534, %dma_wait3A_535] : memref<10000x32xf32, #tpu.memory_space<hbm>> -> memref<10000x32xf32, #tpu.memory_space<hbm>>
      tpu.wait_indirect_dma semaphore(%arg11 : memref<!tpu.dma_semaphore, #tpu.memory_space<semaphore_mem>>) src(%dma_wait3A_536 : memref<10000x32xf32, #tpu.memory_space<hbm>>) dst(%dma_wait3A_530 : memref<128x32xf32, #tpu.memory_space<vmem>>)
      %add3A_537 = arith.constant 1 : i32
      %add3A_538 = arith.addi %mul3A_137, %add3A_537 : i32
      %mul3A_539 = arith.constant 8 : i32
      %mul3A_540 = arith.muli %add3A_538, %mul3A_539 : i32
      %add3A_541 = arith.constant 3 : i32
      %add3A_542 = arith.addi %mul3A_540, %add3A_541 : i32
      %dma_wait3A_543 = arith.constant 0 : i32
      %dma_wait3A_544 = arith.constant 0 : i32
      %dma_wait3A_545 = tpu.memref_slice %arg8[%scan3A_120, %dma_wait3A_543, %dma_wait3A_544] : memref<16x128x32xf32, #tpu.memory_space<vmem>> -> memref<1x128x32xf32, #tpu.memory_space<vmem>>
      %dma_wait3A_546 = tpu.memref_squeeze %dma_wait3A_545 : memref<1x128x32xf32, #tpu.memory_space<vmem>> -> memref<128x32xf32, #tpu.memory_space<vmem>>
      %dma_wait3A_547 = arith.constant 0 : i32
      %dma_wait3A_548 = tpu.memref_slice %arg6[%add3A_542, %dma_wait3A_547] : memref<80x128xi32, #tpu.memory_space<vmem>> -> memref<1x128xi32, #tpu.memory_space<vmem>>
      %dma_wait3A_549 = tpu.memref_squeeze %dma_wait3A_548 : memref<1x128xi32, #tpu.memory_space<vmem>> -> memref<128xi32, #tpu.memory_space<vmem>>
      %dma_wait3A_550 = arith.constant 0 : i32
      %dma_wait3A_551 = arith.constant 0 : i32
      %dma_wait3A_552 = tpu.memref_slice %arg2[%dma_wait3A_550, %dma_wait3A_551] : memref<10000x32xf32, #tpu.memory_space<hbm>> -> memref<10000x32xf32, #tpu.memory_space<hbm>>
      tpu.wait_indirect_dma semaphore(%arg11 : memref<!tpu.dma_semaphore, #tpu.memory_space<semaphore_mem>>) src(%dma_wait3A_552 : memref<10000x32xf32, #tpu.memory_space<hbm>>) dst(%dma_wait3A_546 : memref<128x32xf32, #tpu.memory_space<vmem>>)
      %add3A_553 = arith.constant 1 : i32
      %add3A_554 = arith.addi %mul3A_137, %add3A_553 : i32
      %mul3A_555 = arith.constant 8 : i32
      %mul3A_556 = arith.muli %add3A_554, %mul3A_555 : i32
      %add3A_557 = arith.constant 4 : i32
      %add3A_558 = arith.addi %mul3A_556, %add3A_557 : i32
      %dma_wait3A_559 = arith.constant 0 : i32
      %dma_wait3A_560 = arith.constant 0 : i32
      %dma_wait3A_561 = tpu.memref_slice %arg8[%scan3A_121, %dma_wait3A_559, %dma_wait3A_560] : memref<16x128x32xf32, #tpu.memory_space<vmem>> -> memref<1x128x32xf32, #tpu.memory_space<vmem>>
      %dma_wait3A_562 = tpu.memref_squeeze %dma_wait3A_561 : memref<1x128x32xf32, #tpu.memory_space<vmem>> -> memref<128x32xf32, #tpu.memory_space<vmem>>
      %dma_wait3A_563 = arith.constant 0 : i32
      %dma_wait3A_564 = tpu.memref_slice %arg6[%add3A_558, %dma_wait3A_563] : memref<80x128xi32, #tpu.memory_space<vmem>> -> memref<1x128xi32, #tpu.memory_space<vmem>>
      %dma_wait3A_565 = tpu.memref_squeeze %dma_wait3A_564 : memref<1x128xi32, #tpu.memory_space<vmem>> -> memref<128xi32, #tpu.memory_space<vmem>>
      %dma_wait3A_566 = arith.constant 0 : i32
      %dma_wait3A_567 = arith.constant 0 : i32
      %dma_wait3A_568 = tpu.memref_slice %arg2[%dma_wait3A_566, %dma_wait3A_567] : memref<10000x32xf32, #tpu.memory_space<hbm>> -> memref<10000x32xf32, #tpu.memory_space<hbm>>
      tpu.wait_indirect_dma semaphore(%arg11 : memref<!tpu.dma_semaphore, #tpu.memory_space<semaphore_mem>>) src(%dma_wait3A_568 : memref<10000x32xf32, #tpu.memory_space<hbm>>) dst(%dma_wait3A_562 : memref<128x32xf32, #tpu.memory_space<vmem>>)
      %add3A_569 = arith.constant 1 : i32
      %add3A_570 = arith.addi %mul3A_137, %add3A_569 : i32
      %mul3A_571 = arith.constant 8 : i32
      %mul3A_572 = arith.muli %add3A_570, %mul3A_571 : i32
      %add3A_573 = arith.constant 5 : i32
      %add3A_574 = arith.addi %mul3A_572, %add3A_573 : i32
      %dma_wait3A_575 = arith.constant 0 : i32
      %dma_wait3A_576 = arith.constant 0 : i32
      %dma_wait3A_577 = tpu.memref_slice %arg8[%scan3A_122, %dma_wait3A_575, %dma_wait3A_576] : memref<16x128x32xf32, #tpu.memory_space<vmem>> -> memref<1x128x32xf32, #tpu.memory_space<vmem>>
      %dma_wait3A_578 = tpu.memref_squeeze %dma_wait3A_577 : memref<1x128x32xf32, #tpu.memory_space<vmem>> -> memref<128x32xf32, #tpu.memory_space<vmem>>
      %dma_wait3A_579 = arith.constant 0 : i32
      %dma_wait3A_580 = tpu.memref_slice %arg6[%add3A_574, %dma_wait3A_579] : memref<80x128xi32, #tpu.memory_space<vmem>> -> memref<1x128xi32, #tpu.memory_space<vmem>>
      %dma_wait3A_581 = tpu.memref_squeeze %dma_wait3A_580 : memref<1x128xi32, #tpu.memory_space<vmem>> -> memref<128xi32, #tpu.memory_space<vmem>>
      %dma_wait3A_582 = arith.constant 0 : i32
      %dma_wait3A_583 = arith.constant 0 : i32
      %dma_wait3A_584 = tpu.memref_slice %arg2[%dma_wait3A_582, %dma_wait3A_583] : memref<10000x32xf32, #tpu.memory_space<hbm>> -> memref<10000x32xf32, #tpu.memory_space<hbm>>
      tpu.wait_indirect_dma semaphore(%arg11 : memref<!tpu.dma_semaphore, #tpu.memory_space<semaphore_mem>>) src(%dma_wait3A_584 : memref<10000x32xf32, #tpu.memory_space<hbm>>) dst(%dma_wait3A_578 : memref<128x32xf32, #tpu.memory_space<vmem>>)
      %add3A_585 = arith.constant 1 : i32
      %add3A_586 = arith.addi %mul3A_137, %add3A_585 : i32
      %mul3A_587 = arith.constant 8 : i32
      %mul3A_588 = arith.muli %add3A_586, %mul3A_587 : i32
      %add3A_589 = arith.constant 6 : i32
      %add3A_590 = arith.addi %mul3A_588, %add3A_589 : i32
      %dma_wait3A_591 = arith.constant 0 : i32
      %dma_wait3A_592 = arith.constant 0 : i32
      %dma_wait3A_593 = tpu.memref_slice %arg8[%scan3A_123, %dma_wait3A_591, %dma_wait3A_592] : memref<16x128x32xf32, #tpu.memory_space<vmem>> -> memref<1x128x32xf32, #tpu.memory_space<vmem>>
      %dma_wait3A_594 = tpu.memref_squeeze %dma_wait3A_593 : memref<1x128x32xf32, #tpu.memory_space<vmem>> -> memref<128x32xf32, #tpu.memory_space<vmem>>
      %dma_wait3A_595 = arith.constant 0 : i32
      %dma_wait3A_596 = tpu.memref_slice %arg6[%add3A_590, %dma_wait3A_595] : memref<80x128xi32, #tpu.memory_space<vmem>> -> memref<1x128xi32, #tpu.memory_space<vmem>>
      %dma_wait3A_597 = tpu.memref_squeeze %dma_wait3A_596 : memref<1x128xi32, #tpu.memory_space<vmem>> -> memref<128xi32, #tpu.memory_space<vmem>>
      %dma_wait3A_598 = arith.constant 0 : i32
      %dma_wait3A_599 = arith.constant 0 : i32
      %dma_wait3A_600 = tpu.memref_slice %arg2[%dma_wait3A_598, %dma_wait3A_599] : memref<10000x32xf32, #tpu.memory_space<hbm>> -> memref<10000x32xf32, #tpu.memory_space<hbm>>
      tpu.wait_indirect_dma semaphore(%arg11 : memref<!tpu.dma_semaphore, #tpu.memory_space<semaphore_mem>>) src(%dma_wait3A_600 : memref<10000x32xf32, #tpu.memory_space<hbm>>) dst(%dma_wait3A_594 : memref<128x32xf32, #tpu.memory_space<vmem>>)
      %add3A_601 = arith.constant 1 : i32
      %add3A_602 = arith.addi %mul3A_137, %add3A_601 : i32
      %mul3A_603 = arith.constant 8 : i32
      %mul3A_604 = arith.muli %add3A_602, %mul3A_603 : i32
      %add3A_605 = arith.constant 7 : i32
      %add3A_606 = arith.addi %mul3A_604, %add3A_605 : i32
      %dma_wait3A_607 = arith.constant 0 : i32
      %dma_wait3A_608 = arith.constant 0 : i32
      %dma_wait3A_609 = tpu.memref_slice %arg8[%scan3A_124, %dma_wait3A_607, %dma_wait3A_608] : memref<16x128x32xf32, #tpu.memory_space<vmem>> -> memref<1x128x32xf32, #tpu.memory_space<vmem>>
      %dma_wait3A_610 = tpu.memref_squeeze %dma_wait3A_609 : memref<1x128x32xf32, #tpu.memory_space<vmem>> -> memref<128x32xf32, #tpu.memory_space<vmem>>
      %dma_wait3A_611 = arith.constant 0 : i32
      %dma_wait3A_612 = tpu.memref_slice %arg6[%add3A_606, %dma_wait3A_611] : memref<80x128xi32, #tpu.memory_space<vmem>> -> memref<1x128xi32, #tpu.memory_space<vmem>>
      %dma_wait3A_613 = tpu.memref_squeeze %dma_wait3A_612 : memref<1x128xi32, #tpu.memory_space<vmem>> -> memref<128xi32, #tpu.memory_space<vmem>>
      %dma_wait3A_614 = arith.constant 0 : i32
      %dma_wait3A_615 = arith.constant 0 : i32
      %dma_wait3A_616 = tpu.memref_slice %arg2[%dma_wait3A_614, %dma_wait3A_615] : memref<10000x32xf32, #tpu.memory_space<hbm>> -> memref<10000x32xf32, #tpu.memory_space<hbm>>
      tpu.wait_indirect_dma semaphore(%arg11 : memref<!tpu.dma_semaphore, #tpu.memory_space<semaphore_mem>>) src(%dma_wait3A_616 : memref<10000x32xf32, #tpu.memory_space<hbm>>) dst(%dma_wait3A_610 : memref<128x32xf32, #tpu.memory_space<vmem>>)
      %mul3A_617 = arith.constant 8 : i32
      %mul3A_618 = arith.muli %mul3A_137, %mul3A_617 : i32
      %add3A_619 = arith.constant 0 : i32
      %add3A_620 = arith.addi %mul3A_618, %add3A_619 : i32
      %dma_wait3A_621 = arith.constant 0 : i32
      %dma_wait3A_622 = arith.constant 0 : i32
      %dma_wait3A_623 = tpu.memref_slice %arg8[%scan3A_109, %dma_wait3A_621, %dma_wait3A_622] : memref<16x128x32xf32, #tpu.memory_space<vmem>> -> memref<1x128x32xf32, #tpu.memory_space<vmem>>
      %dma_wait3A_624 = tpu.memref_squeeze %dma_wait3A_623 : memref<1x128x32xf32, #tpu.memory_space<vmem>> -> memref<128x32xf32, #tpu.memory_space<vmem>>
      %dma_wait3A_625 = arith.constant 0 : i32
      %dma_wait3A_626 = tpu.memref_slice %arg7[%add3A_620, %dma_wait3A_625] : memref<80x128xi32, #tpu.memory_space<vmem>> -> memref<1x128xi32, #tpu.memory_space<vmem>>
      %dma_wait3A_627 = tpu.memref_squeeze %dma_wait3A_626 : memref<1x128xi32, #tpu.memory_space<vmem>> -> memref<128xi32, #tpu.memory_space<vmem>>
      %dma_wait3A_628 = arith.constant 0 : i32
      %dma_wait3A_629 = arith.constant 0 : i32
      %dma_wait3A_630 = tpu.memref_slice %arg10[%dma_wait3A_628, %dma_wait3A_629] : memref<10240x32xf32, #tpu.memory_space<vmem_shared>> -> memref<10240x32xf32, #tpu.memory_space<vmem_shared>>
      tpu.wait_indirect_dma semaphore(%arg12 : memref<!tpu.dma_semaphore, #tpu.memory_space<semaphore_mem>>) src(%dma_wait3A_624 : memref<128x32xf32, #tpu.memory_space<vmem>>) dst(%dma_wait3A_630 : memref<10240x32xf32, #tpu.memory_space<vmem_shared>>)
      %mul3A_631 = arith.constant 8 : i32
      %mul3A_632 = arith.muli %mul3A_137, %mul3A_631 : i32
      %add3A_633 = arith.constant 1 : i32
      %add3A_634 = arith.addi %mul3A_632, %add3A_633 : i32
      %dma_wait3A_635 = arith.constant 0 : i32
      %dma_wait3A_636 = arith.constant 0 : i32
      %dma_wait3A_637 = tpu.memref_slice %arg8[%scan3A_110, %dma_wait3A_635, %dma_wait3A_636] : memref<16x128x32xf32, #tpu.memory_space<vmem>> -> memref<1x128x32xf32, #tpu.memory_space<vmem>>
      %dma_wait3A_638 = tpu.memref_squeeze %dma_wait3A_637 : memref<1x128x32xf32, #tpu.memory_space<vmem>> -> memref<128x32xf32, #tpu.memory_space<vmem>>
      %dma_wait3A_639 = arith.constant 0 : i32
      %dma_wait3A_640 = tpu.memref_slice %arg7[%add3A_634, %dma_wait3A_639] : memref<80x128xi32, #tpu.memory_space<vmem>> -> memref<1x128xi32, #tpu.memory_space<vmem>>
      %dma_wait3A_641 = tpu.memref_squeeze %dma_wait3A_640 : memref<1x128xi32, #tpu.memory_space<vmem>> -> memref<128xi32, #tpu.memory_space<vmem>>
      %dma_wait3A_642 = arith.constant 0 : i32
      %dma_wait3A_643 = arith.constant 0 : i32
      %dma_wait3A_644 = tpu.memref_slice %arg10[%dma_wait3A_642, %dma_wait3A_643] : memref<10240x32xf32, #tpu.memory_space<vmem_shared>> -> memref<10240x32xf32, #tpu.memory_space<vmem_shared>>
      tpu.wait_indirect_dma semaphore(%arg12 : memref<!tpu.dma_semaphore, #tpu.memory_space<semaphore_mem>>) src(%dma_wait3A_638 : memref<128x32xf32, #tpu.memory_space<vmem>>) dst(%dma_wait3A_644 : memref<10240x32xf32, #tpu.memory_space<vmem_shared>>)
      %mul3A_645 = arith.constant 8 : i32
      %mul3A_646 = arith.muli %mul3A_137, %mul3A_645 : i32
      %add3A_647 = arith.constant 2 : i32
      %add3A_648 = arith.addi %mul3A_646, %add3A_647 : i32
      %dma_wait3A_649 = arith.constant 0 : i32
      %dma_wait3A_650 = arith.constant 0 : i32
      %dma_wait3A_651 = tpu.memref_slice %arg8[%scan3A_111, %dma_wait3A_649, %dma_wait3A_650] : memref<16x128x32xf32, #tpu.memory_space<vmem>> -> memref<1x128x32xf32, #tpu.memory_space<vmem>>
      %dma_wait3A_652 = tpu.memref_squeeze %dma_wait3A_651 : memref<1x128x32xf32, #tpu.memory_space<vmem>> -> memref<128x32xf32, #tpu.memory_space<vmem>>
      %dma_wait3A_653 = arith.constant 0 : i32
      %dma_wait3A_654 = tpu.memref_slice %arg7[%add3A_648, %dma_wait3A_653] : memref<80x128xi32, #tpu.memory_space<vmem>> -> memref<1x128xi32, #tpu.memory_space<vmem>>
      %dma_wait3A_655 = tpu.memref_squeeze %dma_wait3A_654 : memref<1x128xi32, #tpu.memory_space<vmem>> -> memref<128xi32, #tpu.memory_space<vmem>>
      %dma_wait3A_656 = arith.constant 0 : i32
      %dma_wait3A_657 = arith.constant 0 : i32
      %dma_wait3A_658 = tpu.memref_slice %arg10[%dma_wait3A_656, %dma_wait3A_657] : memref<10240x32xf32, #tpu.memory_space<vmem_shared>> -> memref<10240x32xf32, #tpu.memory_space<vmem_shared>>
      tpu.wait_indirect_dma semaphore(%arg12 : memref<!tpu.dma_semaphore, #tpu.memory_space<semaphore_mem>>) src(%dma_wait3A_652 : memref<128x32xf32, #tpu.memory_space<vmem>>) dst(%dma_wait3A_658 : memref<10240x32xf32, #tpu.memory_space<vmem_shared>>)
      %mul3A_659 = arith.constant 8 : i32
      %mul3A_660 = arith.muli %mul3A_137, %mul3A_659 : i32
      %add3A_661 = arith.constant 3 : i32
      %add3A_662 = arith.addi %mul3A_660, %add3A_661 : i32
      %dma_wait3A_663 = arith.constant 0 : i32
      %dma_wait3A_664 = arith.constant 0 : i32
      %dma_wait3A_665 = tpu.memref_slice %arg8[%scan3A_112, %dma_wait3A_663, %dma_wait3A_664] : memref<16x128x32xf32, #tpu.memory_space<vmem>> -> memref<1x128x32xf32, #tpu.memory_space<vmem>>
      %dma_wait3A_666 = tpu.memref_squeeze %dma_wait3A_665 : memref<1x128x32xf32, #tpu.memory_space<vmem>> -> memref<128x32xf32, #tpu.memory_space<vmem>>
      %dma_wait3A_667 = arith.constant 0 : i32
      %dma_wait3A_668 = tpu.memref_slice %arg7[%add3A_662, %dma_wait3A_667] : memref<80x128xi32, #tpu.memory_space<vmem>> -> memref<1x128xi32, #tpu.memory_space<vmem>>
      %dma_wait3A_669 = tpu.memref_squeeze %dma_wait3A_668 : memref<1x128xi32, #tpu.memory_space<vmem>> -> memref<128xi32, #tpu.memory_space<vmem>>
      %dma_wait3A_670 = arith.constant 0 : i32
      %dma_wait3A_671 = arith.constant 0 : i32
      %dma_wait3A_672 = tpu.memref_slice %arg10[%dma_wait3A_670, %dma_wait3A_671] : memref<10240x32xf32, #tpu.memory_space<vmem_shared>> -> memref<10240x32xf32, #tpu.memory_space<vmem_shared>>
      tpu.wait_indirect_dma semaphore(%arg12 : memref<!tpu.dma_semaphore, #tpu.memory_space<semaphore_mem>>) src(%dma_wait3A_666 : memref<128x32xf32, #tpu.memory_space<vmem>>) dst(%dma_wait3A_672 : memref<10240x32xf32, #tpu.memory_space<vmem_shared>>)
      %mul3A_673 = arith.constant 8 : i32
      %mul3A_674 = arith.muli %mul3A_137, %mul3A_673 : i32
      %add3A_675 = arith.constant 4 : i32
      %add3A_676 = arith.addi %mul3A_674, %add3A_675 : i32
      %dma_wait3A_677 = arith.constant 0 : i32
      %dma_wait3A_678 = arith.constant 0 : i32
      %dma_wait3A_679 = tpu.memref_slice %arg8[%scan3A_113, %dma_wait3A_677, %dma_wait3A_678] : memref<16x128x32xf32, #tpu.memory_space<vmem>> -> memref<1x128x32xf32, #tpu.memory_space<vmem>>
      %dma_wait3A_680 = tpu.memref_squeeze %dma_wait3A_679 : memref<1x128x32xf32, #tpu.memory_space<vmem>> -> memref<128x32xf32, #tpu.memory_space<vmem>>
      %dma_wait3A_681 = arith.constant 0 : i32
      %dma_wait3A_682 = tpu.memref_slice %arg7[%add3A_676, %dma_wait3A_681] : memref<80x128xi32, #tpu.memory_space<vmem>> -> memref<1x128xi32, #tpu.memory_space<vmem>>
      %dma_wait3A_683 = tpu.memref_squeeze %dma_wait3A_682 : memref<1x128xi32, #tpu.memory_space<vmem>> -> memref<128xi32, #tpu.memory_space<vmem>>
      %dma_wait3A_684 = arith.constant 0 : i32
      %dma_wait3A_685 = arith.constant 0 : i32
      %dma_wait3A_686 = tpu.memref_slice %arg10[%dma_wait3A_684, %dma_wait3A_685] : memref<10240x32xf32, #tpu.memory_space<vmem_shared>> -> memref<10240x32xf32, #tpu.memory_space<vmem_shared>>
      tpu.wait_indirect_dma semaphore(%arg12 : memref<!tpu.dma_semaphore, #tpu.memory_space<semaphore_mem>>) src(%dma_wait3A_680 : memref<128x32xf32, #tpu.memory_space<vmem>>) dst(%dma_wait3A_686 : memref<10240x32xf32, #tpu.memory_space<vmem_shared>>)
      %mul3A_687 = arith.constant 8 : i32
      %mul3A_688 = arith.muli %mul3A_137, %mul3A_687 : i32
      %add3A_689 = arith.constant 5 : i32
      %add3A_690 = arith.addi %mul3A_688, %add3A_689 : i32
      %dma_wait3A_691 = arith.constant 0 : i32
      %dma_wait3A_692 = arith.constant 0 : i32
      %dma_wait3A_693 = tpu.memref_slice %arg8[%scan3A_114, %dma_wait3A_691, %dma_wait3A_692] : memref<16x128x32xf32, #tpu.memory_space<vmem>> -> memref<1x128x32xf32, #tpu.memory_space<vmem>>
      %dma_wait3A_694 = tpu.memref_squeeze %dma_wait3A_693 : memref<1x128x32xf32, #tpu.memory_space<vmem>> -> memref<128x32xf32, #tpu.memory_space<vmem>>
      %dma_wait3A_695 = arith.constant 0 : i32
      %dma_wait3A_696 = tpu.memref_slice %arg7[%add3A_690, %dma_wait3A_695] : memref<80x128xi32, #tpu.memory_space<vmem>> -> memref<1x128xi32, #tpu.memory_space<vmem>>
      %dma_wait3A_697 = tpu.memref_squeeze %dma_wait3A_696 : memref<1x128xi32, #tpu.memory_space<vmem>> -> memref<128xi32, #tpu.memory_space<vmem>>
      %dma_wait3A_698 = arith.constant 0 : i32
      %dma_wait3A_699 = arith.constant 0 : i32
      %dma_wait3A_700 = tpu.memref_slice %arg10[%dma_wait3A_698, %dma_wait3A_699] : memref<10240x32xf32, #tpu.memory_space<vmem_shared>> -> memref<10240x32xf32, #tpu.memory_space<vmem_shared>>
      tpu.wait_indirect_dma semaphore(%arg12 : memref<!tpu.dma_semaphore, #tpu.memory_space<semaphore_mem>>) src(%dma_wait3A_694 : memref<128x32xf32, #tpu.memory_space<vmem>>) dst(%dma_wait3A_700 : memref<10240x32xf32, #tpu.memory_space<vmem_shared>>)
      %mul3A_701 = arith.constant 8 : i32
      %mul3A_702 = arith.muli %mul3A_137, %mul3A_701 : i32
      %add3A_703 = arith.constant 6 : i32
      %add3A_704 = arith.addi %mul3A_702, %add3A_703 : i32
      %dma_wait3A_705 = arith.constant 0 : i32
      %dma_wait3A_706 = arith.constant 0 : i32
      %dma_wait3A_707 = tpu.memref_slice %arg8[%scan3A_115, %dma_wait3A_705, %dma_wait3A_706] : memref<16x128x32xf32, #tpu.memory_space<vmem>> -> memref<1x128x32xf32, #tpu.memory_space<vmem>>
      %dma_wait3A_708 = tpu.memref_squeeze %dma_wait3A_707 : memref<1x128x32xf32, #tpu.memory_space<vmem>> -> memref<128x32xf32, #tpu.memory_space<vmem>>
      %dma_wait3A_709 = arith.constant 0 : i32
      %dma_wait3A_710 = tpu.memref_slice %arg7[%add3A_704, %dma_wait3A_709] : memref<80x128xi32, #tpu.memory_space<vmem>> -> memref<1x128xi32, #tpu.memory_space<vmem>>
      %dma_wait3A_711 = tpu.memref_squeeze %dma_wait3A_710 : memref<1x128xi32, #tpu.memory_space<vmem>> -> memref<128xi32, #tpu.memory_space<vmem>>
      %dma_wait3A_712 = arith.constant 0 : i32
      %dma_wait3A_713 = arith.constant 0 : i32
      %dma_wait3A_714 = tpu.memref_slice %arg10[%dma_wait3A_712, %dma_wait3A_713] : memref<10240x32xf32, #tpu.memory_space<vmem_shared>> -> memref<10240x32xf32, #tpu.memory_space<vmem_shared>>
      tpu.wait_indirect_dma semaphore(%arg12 : memref<!tpu.dma_semaphore, #tpu.memory_space<semaphore_mem>>) src(%dma_wait3A_708 : memref<128x32xf32, #tpu.memory_space<vmem>>) dst(%dma_wait3A_714 : memref<10240x32xf32, #tpu.memory_space<vmem_shared>>)
      %mul3A_715 = arith.constant 8 : i32
      %mul3A_716 = arith.muli %mul3A_137, %mul3A_715 : i32
      %add3A_717 = arith.constant 7 : i32
      %add3A_718 = arith.addi %mul3A_716, %add3A_717 : i32
      %dma_wait3A_719 = arith.constant 0 : i32
      %dma_wait3A_720 = arith.constant 0 : i32
      %dma_wait3A_721 = tpu.memref_slice %arg8[%scan3A_116, %dma_wait3A_719, %dma_wait3A_720] : memref<16x128x32xf32, #tpu.memory_space<vmem>> -> memref<1x128x32xf32, #tpu.memory_space<vmem>>
      %dma_wait3A_722 = tpu.memref_squeeze %dma_wait3A_721 : memref<1x128x32xf32, #tpu.memory_space<vmem>> -> memref<128x32xf32, #tpu.memory_space<vmem>>
      %dma_wait3A_723 = arith.constant 0 : i32
      %dma_wait3A_724 = tpu.memref_slice %arg7[%add3A_718, %dma_wait3A_723] : memref<80x128xi32, #tpu.memory_space<vmem>> -> memref<1x128xi32, #tpu.memory_space<vmem>>
      %dma_wait3A_725 = tpu.memref_squeeze %dma_wait3A_724 : memref<1x128xi32, #tpu.memory_space<vmem>> -> memref<128xi32, #tpu.memory_space<vmem>>
      %dma_wait3A_726 = arith.constant 0 : i32
      %dma_wait3A_727 = arith.constant 0 : i32
      %dma_wait3A_728 = tpu.memref_slice %arg10[%dma_wait3A_726, %dma_wait3A_727] : memref<10240x32xf32, #tpu.memory_space<vmem_shared>> -> memref<10240x32xf32, #tpu.memory_space<vmem_shared>>
      tpu.wait_indirect_dma semaphore(%arg12 : memref<!tpu.dma_semaphore, #tpu.memory_space<semaphore_mem>>) src(%dma_wait3A_722 : memref<128x32xf32, #tpu.memory_space<vmem>>) dst(%dma_wait3A_728 : memref<10240x32xf32, #tpu.memory_space<vmem_shared>>)
      %add3A_729 = arith.constant 2 : i32
      %add3A_730 = arith.addi %mul3A_137, %add3A_729 : i32
      %lt3A = arith.constant 10 : i32
      %lt3A_731 = arith.cmpi slt, %add3A_730, %lt3A : i32
      %convert_element_type3A = arith.extui %lt3A_731 : i1 to i32
      %cond3A = arith.constant 0 : i32
      %cond3A_732 = arith.cmpi ne, %convert_element_type3A, %cond3A : i32
      scf.if %cond3A_732 {
        %add3A_989 = arith.constant 2 : i32
        %add3A_990 = arith.addi %mul3A_137, %add3A_989 : i32
        %mul3A_991 = arith.constant 8 : i32
        %mul3A_992 = arith.muli %add3A_990, %mul3A_991 : i32
        %add3A_993 = arith.constant 0 : i32
        %add3A_994 = arith.addi %mul3A_992, %add3A_993 : i32
        %dma_start3A_995 = arith.constant 0 : i32
        %dma_start3A_996 = arith.constant 0 : i32
        %dma_start3A_997 = tpu.memref_slice %arg8[%scan3A_109, %dma_start3A_995, %dma_start3A_996] : memref<16x128x32xf32, #tpu.memory_space<vmem>> -> memref<1x128x32xf32, #tpu.memory_space<vmem>>
        %dma_start3A_998 = tpu.memref_squeeze %dma_start3A_997 : memref<1x128x32xf32, #tpu.memory_space<vmem>> -> memref<128x32xf32, #tpu.memory_space<vmem>>
        %dma_start3A_999 = arith.constant 0 : i32
        %dma_start3A_1000 = tpu.memref_slice %arg6[%add3A_994, %dma_start3A_999] : memref<80x128xi32, #tpu.memory_space<vmem>> -> memref<1x128xi32, #tpu.memory_space<vmem>>
        %dma_start3A_1001 = tpu.memref_squeeze %dma_start3A_1000 : memref<1x128xi32, #tpu.memory_space<vmem>> -> memref<128xi32, #tpu.memory_space<vmem>>
        %dma_start3A_1002 = arith.constant 0 : i32
        %dma_start3A_1003 = arith.constant 0 : i32
        %dma_start3A_1004 = tpu.memref_slice %arg2[%dma_start3A_1002, %dma_start3A_1003] : memref<10000x32xf32, #tpu.memory_space<hbm>> -> memref<10000x32xf32, #tpu.memory_space<hbm>>
        tpu.enqueue_indirect_dma source(%dma_start3A_1004 : memref<10000x32xf32, #tpu.memory_space<hbm>>) target(%dma_start3A_998 : memref<128x32xf32, #tpu.memory_space<vmem>>) offsets(%dma_start3A_1001 : memref<128xi32, #tpu.memory_space<vmem>>) semaphore(%arg11 : memref<!tpu.dma_semaphore, #tpu.memory_space<semaphore_mem>>)
        %add3A_1005 = arith.constant 2 : i32
        %add3A_1006 = arith.addi %mul3A_137, %add3A_1005 : i32
        %mul3A_1007 = arith.constant 8 : i32
        %mul3A_1008 = arith.muli %add3A_1006, %mul3A_1007 : i32
        %add3A_1009 = arith.constant 1 : i32
        %add3A_1010 = arith.addi %mul3A_1008, %add3A_1009 : i32
        %dma_start3A_1011 = arith.constant 0 : i32
        %dma_start3A_1012 = arith.constant 0 : i32
        %dma_start3A_1013 = tpu.memref_slice %arg8[%scan3A_110, %dma_start3A_1011, %dma_start3A_1012] : memref<16x128x32xf32, #tpu.memory_space<vmem>> -> memref<1x128x32xf32, #tpu.memory_space<vmem>>
        %dma_start3A_1014 = tpu.memref_squeeze %dma_start3A_1013 : memref<1x128x32xf32, #tpu.memory_space<vmem>> -> memref<128x32xf32, #tpu.memory_space<vmem>>
        %dma_start3A_1015 = arith.constant 0 : i32
        %dma_start3A_1016 = tpu.memref_slice %arg6[%add3A_1010, %dma_start3A_1015] : memref<80x128xi32, #tpu.memory_space<vmem>> -> memref<1x128xi32, #tpu.memory_space<vmem>>
        %dma_start3A_1017 = tpu.memref_squeeze %dma_start3A_1016 : memref<1x128xi32, #tpu.memory_space<vmem>> -> memref<128xi32, #tpu.memory_space<vmem>>
        %dma_start3A_1018 = arith.constant 0 : i32
        %dma_start3A_1019 = arith.constant 0 : i32
        %dma_start3A_1020 = tpu.memref_slice %arg2[%dma_start3A_1018, %dma_start3A_1019] : memref<10000x32xf32, #tpu.memory_space<hbm>> -> memref<10000x32xf32, #tpu.memory_space<hbm>>
        tpu.enqueue_indirect_dma source(%dma_start3A_1020 : memref<10000x32xf32, #tpu.memory_space<hbm>>) target(%dma_start3A_1014 : memref<128x32xf32, #tpu.memory_space<vmem>>) offsets(%dma_start3A_1017 : memref<128xi32, #tpu.memory_space<vmem>>) semaphore(%arg11 : memref<!tpu.dma_semaphore, #tpu.memory_space<semaphore_mem>>)
        %add3A_1021 = arith.constant 2 : i32
        %add3A_1022 = arith.addi %mul3A_137, %add3A_1021 : i32
        %mul3A_1023 = arith.constant 8 : i32
        %mul3A_1024 = arith.muli %add3A_1022, %mul3A_1023 : i32
        %add3A_1025 = arith.constant 2 : i32
        %add3A_1026 = arith.addi %mul3A_1024, %add3A_1025 : i32
        %dma_start3A_1027 = arith.constant 0 : i32
        %dma_start3A_1028 = arith.constant 0 : i32
        %dma_start3A_1029 = tpu.memref_slice %arg8[%scan3A_111, %dma_start3A_1027, %dma_start3A_1028] : memref<16x128x32xf32, #tpu.memory_space<vmem>> -> memref<1x128x32xf32, #tpu.memory_space<vmem>>
        %dma_start3A_1030 = tpu.memref_squeeze %dma_start3A_1029 : memref<1x128x32xf32, #tpu.memory_space<vmem>> -> memref<128x32xf32, #tpu.memory_space<vmem>>
        %dma_start3A_1031 = arith.constant 0 : i32
        %dma_start3A_1032 = tpu.memref_slice %arg6[%add3A_1026, %dma_start3A_1031] : memref<80x128xi32, #tpu.memory_space<vmem>> -> memref<1x128xi32, #tpu.memory_space<vmem>>
        %dma_start3A_1033 = tpu.memref_squeeze %dma_start3A_1032 : memref<1x128xi32, #tpu.memory_space<vmem>> -> memref<128xi32, #tpu.memory_space<vmem>>
        %dma_start3A_1034 = arith.constant 0 : i32
        %dma_start3A_1035 = arith.constant 0 : i32
        %dma_start3A_1036 = tpu.memref_slice %arg2[%dma_start3A_1034, %dma_start3A_1035] : memref<10000x32xf32, #tpu.memory_space<hbm>> -> memref<10000x32xf32, #tpu.memory_space<hbm>>
        tpu.enqueue_indirect_dma source(%dma_start3A_1036 : memref<10000x32xf32, #tpu.memory_space<hbm>>) target(%dma_start3A_1030 : memref<128x32xf32, #tpu.memory_space<vmem>>) offsets(%dma_start3A_1033 : memref<128xi32, #tpu.memory_space<vmem>>) semaphore(%arg11 : memref<!tpu.dma_semaphore, #tpu.memory_space<semaphore_mem>>)
        %add3A_1037 = arith.constant 2 : i32
        %add3A_1038 = arith.addi %mul3A_137, %add3A_1037 : i32
        %mul3A_1039 = arith.constant 8 : i32
        %mul3A_1040 = arith.muli %add3A_1038, %mul3A_1039 : i32
        %add3A_1041 = arith.constant 3 : i32
        %add3A_1042 = arith.addi %mul3A_1040, %add3A_1041 : i32
        %dma_start3A_1043 = arith.constant 0 : i32
        %dma_start3A_1044 = arith.constant 0 : i32
        %dma_start3A_1045 = tpu.memref_slice %arg8[%scan3A_112, %dma_start3A_1043, %dma_start3A_1044] : memref<16x128x32xf32, #tpu.memory_space<vmem>> -> memref<1x128x32xf32, #tpu.memory_space<vmem>>
        %dma_start3A_1046 = tpu.memref_squeeze %dma_start3A_1045 : memref<1x128x32xf32, #tpu.memory_space<vmem>> -> memref<128x32xf32, #tpu.memory_space<vmem>>
        %dma_start3A_1047 = arith.constant 0 : i32
        %dma_start3A_1048 = tpu.memref_slice %arg6[%add3A_1042, %dma_start3A_1047] : memref<80x128xi32, #tpu.memory_space<vmem>> -> memref<1x128xi32, #tpu.memory_space<vmem>>
        %dma_start3A_1049 = tpu.memref_squeeze %dma_start3A_1048 : memref<1x128xi32, #tpu.memory_space<vmem>> -> memref<128xi32, #tpu.memory_space<vmem>>
        %dma_start3A_1050 = arith.constant 0 : i32
        %dma_start3A_1051 = arith.constant 0 : i32
        %dma_start3A_1052 = tpu.memref_slice %arg2[%dma_start3A_1050, %dma_start3A_1051] : memref<10000x32xf32, #tpu.memory_space<hbm>> -> memref<10000x32xf32, #tpu.memory_space<hbm>>
        tpu.enqueue_indirect_dma source(%dma_start3A_1052 : memref<10000x32xf32, #tpu.memory_space<hbm>>) target(%dma_start3A_1046 : memref<128x32xf32, #tpu.memory_space<vmem>>) offsets(%dma_start3A_1049 : memref<128xi32, #tpu.memory_space<vmem>>) semaphore(%arg11 : memref<!tpu.dma_semaphore, #tpu.memory_space<semaphore_mem>>)
        %add3A_1053 = arith.constant 2 : i32
        %add3A_1054 = arith.addi %mul3A_137, %add3A_1053 : i32
        %mul3A_1055 = arith.constant 8 : i32
        %mul3A_1056 = arith.muli %add3A_1054, %mul3A_1055 : i32
        %add3A_1057 = arith.constant 4 : i32
        %add3A_1058 = arith.addi %mul3A_1056, %add3A_1057 : i32
        %dma_start3A_1059 = arith.constant 0 : i32
        %dma_start3A_1060 = arith.constant 0 : i32
        %dma_start3A_1061 = tpu.memref_slice %arg8[%scan3A_113, %dma_start3A_1059, %dma_start3A_1060] : memref<16x128x32xf32, #tpu.memory_space<vmem>> -> memref<1x128x32xf32, #tpu.memory_space<vmem>>
        %dma_start3A_1062 = tpu.memref_squeeze %dma_start3A_1061 : memref<1x128x32xf32, #tpu.memory_space<vmem>> -> memref<128x32xf32, #tpu.memory_space<vmem>>
        %dma_start3A_1063 = arith.constant 0 : i32
        %dma_start3A_1064 = tpu.memref_slice %arg6[%add3A_1058, %dma_start3A_1063] : memref<80x128xi32, #tpu.memory_space<vmem>> -> memref<1x128xi32, #tpu.memory_space<vmem>>
        %dma_start3A_1065 = tpu.memref_squeeze %dma_start3A_1064 : memref<1x128xi32, #tpu.memory_space<vmem>> -> memref<128xi32, #tpu.memory_space<vmem>>
        %dma_start3A_1066 = arith.constant 0 : i32
        %dma_start3A_1067 = arith.constant 0 : i32
        %dma_start3A_1068 = tpu.memref_slice %arg2[%dma_start3A_1066, %dma_start3A_1067] : memref<10000x32xf32, #tpu.memory_space<hbm>> -> memref<10000x32xf32, #tpu.memory_space<hbm>>
        tpu.enqueue_indirect_dma source(%dma_start3A_1068 : memref<10000x32xf32, #tpu.memory_space<hbm>>) target(%dma_start3A_1062 : memref<128x32xf32, #tpu.memory_space<vmem>>) offsets(%dma_start3A_1065 : memref<128xi32, #tpu.memory_space<vmem>>) semaphore(%arg11 : memref<!tpu.dma_semaphore, #tpu.memory_space<semaphore_mem>>)
        %add3A_1069 = arith.constant 2 : i32
        %add3A_1070 = arith.addi %mul3A_137, %add3A_1069 : i32
        %mul3A_1071 = arith.constant 8 : i32
        %mul3A_1072 = arith.muli %add3A_1070, %mul3A_1071 : i32
        %add3A_1073 = arith.constant 5 : i32
        %add3A_1074 = arith.addi %mul3A_1072, %add3A_1073 : i32
        %dma_start3A_1075 = arith.constant 0 : i32
        %dma_start3A_1076 = arith.constant 0 : i32
        %dma_start3A_1077 = tpu.memref_slice %arg8[%scan3A_114, %dma_start3A_1075, %dma_start3A_1076] : memref<16x128x32xf32, #tpu.memory_space<vmem>> -> memref<1x128x32xf32, #tpu.memory_space<vmem>>
        %dma_start3A_1078 = tpu.memref_squeeze %dma_start3A_1077 : memref<1x128x32xf32, #tpu.memory_space<vmem>> -> memref<128x32xf32, #tpu.memory_space<vmem>>
        %dma_start3A_1079 = arith.constant 0 : i32
        %dma_start3A_1080 = tpu.memref_slice %arg6[%add3A_1074, %dma_start3A_1079] : memref<80x128xi32, #tpu.memory_space<vmem>> -> memref<1x128xi32, #tpu.memory_space<vmem>>
        %dma_start3A_1081 = tpu.memref_squeeze %dma_start3A_1080 : memref<1x128xi32, #tpu.memory_space<vmem>> -> memref<128xi32, #tpu.memory_space<vmem>>
        %dma_start3A_1082 = arith.constant 0 : i32
        %dma_start3A_1083 = arith.constant 0 : i32
        %dma_start3A_1084 = tpu.memref_slice %arg2[%dma_start3A_1082, %dma_start3A_1083] : memref<10000x32xf32, #tpu.memory_space<hbm>> -> memref<10000x32xf32, #tpu.memory_space<hbm>>
        tpu.enqueue_indirect_dma source(%dma_start3A_1084 : memref<10000x32xf32, #tpu.memory_space<hbm>>) target(%dma_start3A_1078 : memref<128x32xf32, #tpu.memory_space<vmem>>) offsets(%dma_start3A_1081 : memref<128xi32, #tpu.memory_space<vmem>>) semaphore(%arg11 : memref<!tpu.dma_semaphore, #tpu.memory_space<semaphore_mem>>)
        %add3A_1085 = arith.constant 2 : i32
        %add3A_1086 = arith.addi %mul3A_137, %add3A_1085 : i32
        %mul3A_1087 = arith.constant 8 : i32
        %mul3A_1088 = arith.muli %add3A_1086, %mul3A_1087 : i32
        %add3A_1089 = arith.constant 6 : i32
        %add3A_1090 = arith.addi %mul3A_1088, %add3A_1089 : i32
        %dma_start3A_1091 = arith.constant 0 : i32
        %dma_start3A_1092 = arith.constant 0 : i32
        %dma_start3A_1093 = tpu.memref_slice %arg8[%scan3A_115, %dma_start3A_1091, %dma_start3A_1092] : memref<16x128x32xf32, #tpu.memory_space<vmem>> -> memref<1x128x32xf32, #tpu.memory_space<vmem>>
        %dma_start3A_1094 = tpu.memref_squeeze %dma_start3A_1093 : memref<1x128x32xf32, #tpu.memory_space<vmem>> -> memref<128x32xf32, #tpu.memory_space<vmem>>
        %dma_start3A_1095 = arith.constant 0 : i32
        %dma_start3A_1096 = tpu.memref_slice %arg6[%add3A_1090, %dma_start3A_1095] : memref<80x128xi32, #tpu.memory_space<vmem>> -> memref<1x128xi32, #tpu.memory_space<vmem>>
        %dma_start3A_1097 = tpu.memref_squeeze %dma_start3A_1096 : memref<1x128xi32, #tpu.memory_space<vmem>> -> memref<128xi32, #tpu.memory_space<vmem>>
        %dma_start3A_1098 = arith.constant 0 : i32
        %dma_start3A_1099 = arith.constant 0 : i32
        %dma_start3A_1100 = tpu.memref_slice %arg2[%dma_start3A_1098, %dma_start3A_1099] : memref<10000x32xf32, #tpu.memory_space<hbm>> -> memref<10000x32xf32, #tpu.memory_space<hbm>>
        tpu.enqueue_indirect_dma source(%dma_start3A_1100 : memref<10000x32xf32, #tpu.memory_space<hbm>>) target(%dma_start3A_1094 : memref<128x32xf32, #tpu.memory_space<vmem>>) offsets(%dma_start3A_1097 : memref<128xi32, #tpu.memory_space<vmem>>) semaphore(%arg11 : memref<!tpu.dma_semaphore, #tpu.memory_space<semaphore_mem>>)
        %add3A_1101 = arith.constant 2 : i32
        %add3A_1102 = arith.addi %mul3A_137, %add3A_1101 : i32
        %mul3A_1103 = arith.constant 8 : i32
        %mul3A_1104 = arith.muli %add3A_1102, %mul3A_1103 : i32
        %add3A_1105 = arith.constant 7 : i32
        %add3A_1106 = arith.addi %mul3A_1104, %add3A_1105 : i32
        %dma_start3A_1107 = arith.constant 0 : i32
        %dma_start3A_1108 = arith.constant 0 : i32
        %dma_start3A_1109 = tpu.memref_slice %arg8[%scan3A_116, %dma_start3A_1107, %dma_start3A_1108] : memref<16x128x32xf32, #tpu.memory_space<vmem>> -> memref<1x128x32xf32, #tpu.memory_space<vmem>>
        %dma_start3A_1110 = tpu.memref_squeeze %dma_start3A_1109 : memref<1x128x32xf32, #tpu.memory_space<vmem>> -> memref<128x32xf32, #tpu.memory_space<vmem>>
        %dma_start3A_1111 = arith.constant 0 : i32
        %dma_start3A_1112 = tpu.memref_slice %arg6[%add3A_1106, %dma_start3A_1111] : memref<80x128xi32, #tpu.memory_space<vmem>> -> memref<1x128xi32, #tpu.memory_space<vmem>>
        %dma_start3A_1113 = tpu.memref_squeeze %dma_start3A_1112 : memref<1x128xi32, #tpu.memory_space<vmem>> -> memref<128xi32, #tpu.memory_space<vmem>>
        %dma_start3A_1114 = arith.constant 0 : i32
        %dma_start3A_1115 = arith.constant 0 : i32
        %dma_start3A_1116 = tpu.memref_slice %arg2[%dma_start3A_1114, %dma_start3A_1115] : memref<10000x32xf32, #tpu.memory_space<hbm>> -> memref<10000x32xf32, #tpu.memory_space<hbm>>
        tpu.enqueue_indirect_dma source(%dma_start3A_1116 : memref<10000x32xf32, #tpu.memory_space<hbm>>) target(%dma_start3A_1110 : memref<128x32xf32, #tpu.memory_space<vmem>>) offsets(%dma_start3A_1113 : memref<128xi32, #tpu.memory_space<vmem>>) semaphore(%arg11 : memref<!tpu.dma_semaphore, #tpu.memory_space<semaphore_mem>>)
      } else {
      }
      %add3A_733 = arith.constant 1 : i32
      %add3A_734 = arith.addi %mul3A_137, %add3A_733 : i32
      %mul3A_735 = arith.constant 8 : i32
      %mul3A_736 = arith.muli %add3A_734, %mul3A_735 : i32
      %add3A_737 = arith.constant 0 : i32
      %add3A_738 = arith.addi %mul3A_736, %add3A_737 : i32
      %dma_start3A_739 = arith.constant 0 : i32
      %dma_start3A_740 = arith.constant 0 : i32
      %dma_start3A_741 = tpu.memref_slice %arg8[%scan3A_117, %dma_start3A_739, %dma_start3A_740] : memref<16x128x32xf32, #tpu.memory_space<vmem>> -> memref<1x128x32xf32, #tpu.memory_space<vmem>>
      %dma_start3A_742 = tpu.memref_squeeze %dma_start3A_741 : memref<1x128x32xf32, #tpu.memory_space<vmem>> -> memref<128x32xf32, #tpu.memory_space<vmem>>
      %dma_start3A_743 = arith.constant 0 : i32
      %dma_start3A_744 = tpu.memref_slice %arg7[%add3A_738, %dma_start3A_743] : memref<80x128xi32, #tpu.memory_space<vmem>> -> memref<1x128xi32, #tpu.memory_space<vmem>>
      %dma_start3A_745 = tpu.memref_squeeze %dma_start3A_744 : memref<1x128xi32, #tpu.memory_space<vmem>> -> memref<128xi32, #tpu.memory_space<vmem>>
      %dma_start3A_746 = arith.constant 0 : i32
      %dma_start3A_747 = arith.constant 0 : i32
      %dma_start3A_748 = tpu.memref_slice %arg10[%dma_start3A_746, %dma_start3A_747] : memref<10240x32xf32, #tpu.memory_space<vmem_shared>> -> memref<10240x32xf32, #tpu.memory_space<vmem_shared>>
      tpu.enqueue_indirect_dma source(%dma_start3A_742 : memref<128x32xf32, #tpu.memory_space<vmem>>) target(%dma_start3A_748 : memref<10240x32xf32, #tpu.memory_space<vmem_shared>>) offsets(%dma_start3A_745 : memref<128xi32, #tpu.memory_space<vmem>>) semaphore(%arg12 : memref<!tpu.dma_semaphore, #tpu.memory_space<semaphore_mem>>) {add = true}
      %add3A_749 = arith.constant 1 : i32
      %add3A_750 = arith.addi %mul3A_137, %add3A_749 : i32
      %mul3A_751 = arith.constant 8 : i32
      %mul3A_752 = arith.muli %add3A_750, %mul3A_751 : i32
      %add3A_753 = arith.constant 1 : i32
      %add3A_754 = arith.addi %mul3A_752, %add3A_753 : i32
      %dma_start3A_755 = arith.constant 0 : i32
      %dma_start3A_756 = arith.constant 0 : i32
      %dma_start3A_757 = tpu.memref_slice %arg8[%scan3A_118, %dma_start3A_755, %dma_start3A_756] : memref<16x128x32xf32, #tpu.memory_space<vmem>> -> memref<1x128x32xf32, #tpu.memory_space<vmem>>
      %dma_start3A_758 = tpu.memref_squeeze %dma_start3A_757 : memref<1x128x32xf32, #tpu.memory_space<vmem>> -> memref<128x32xf32, #tpu.memory_space<vmem>>
      %dma_start3A_759 = arith.constant 0 : i32
      %dma_start3A_760 = tpu.memref_slice %arg7[%add3A_754, %dma_start3A_759] : memref<80x128xi32, #tpu.memory_space<vmem>> -> memref<1x128xi32, #tpu.memory_space<vmem>>
      %dma_start3A_761 = tpu.memref_squeeze %dma_start3A_760 : memref<1x128xi32, #tpu.memory_space<vmem>> -> memref<128xi32, #tpu.memory_space<vmem>>
      %dma_start3A_762 = arith.constant 0 : i32
      %dma_start3A_763 = arith.constant 0 : i32
      %dma_start3A_764 = tpu.memref_slice %arg10[%dma_start3A_762, %dma_start3A_763] : memref<10240x32xf32, #tpu.memory_space<vmem_shared>> -> memref<10240x32xf32, #tpu.memory_space<vmem_shared>>
      tpu.enqueue_indirect_dma source(%dma_start3A_758 : memref<128x32xf32, #tpu.memory_space<vmem>>) target(%dma_start3A_764 : memref<10240x32xf32, #tpu.memory_space<vmem_shared>>) offsets(%dma_start3A_761 : memref<128xi32, #tpu.memory_space<vmem>>) semaphore(%arg12 : memref<!tpu.dma_semaphore, #tpu.memory_space<semaphore_mem>>) {add = true}
      %add3A_765 = arith.constant 1 : i32
      %add3A_766 = arith.addi %mul3A_137, %add3A_765 : i32
      %mul3A_767 = arith.constant 8 : i32
      %mul3A_768 = arith.muli %add3A_766, %mul3A_767 : i32
      %add3A_769 = arith.constant 2 : i32
      %add3A_770 = arith.addi %mul3A_768, %add3A_769 : i32
      %dma_start3A_771 = arith.constant 0 : i32
      %dma_start3A_772 = arith.constant 0 : i32
      %dma_start3A_773 = tpu.memref_slice %arg8[%scan3A_119, %dma_start3A_771, %dma_start3A_772] : memref<16x128x32xf32, #tpu.memory_space<vmem>> -> memref<1x128x32xf32, #tpu.memory_space<vmem>>
      %dma_start3A_774 = tpu.memref_squeeze %dma_start3A_773 : memref<1x128x32xf32, #tpu.memory_space<vmem>> -> memref<128x32xf32, #tpu.memory_space<vmem>>
      %dma_start3A_775 = arith.constant 0 : i32
      %dma_start3A_776 = tpu.memref_slice %arg7[%add3A_770, %dma_start3A_775] : memref<80x128xi32, #tpu.memory_space<vmem>> -> memref<1x128xi32, #tpu.memory_space<vmem>>
      %dma_start3A_777 = tpu.memref_squeeze %dma_start3A_776 : memref<1x128xi32, #tpu.memory_space<vmem>> -> memref<128xi32, #tpu.memory_space<vmem>>
      %dma_start3A_778 = arith.constant 0 : i32
      %dma_start3A_779 = arith.constant 0 : i32
      %dma_start3A_780 = tpu.memref_slice %arg10[%dma_start3A_778, %dma_start3A_779] : memref<10240x32xf32, #tpu.memory_space<vmem_shared>> -> memref<10240x32xf32, #tpu.memory_space<vmem_shared>>
      tpu.enqueue_indirect_dma source(%dma_start3A_774 : memref<128x32xf32, #tpu.memory_space<vmem>>) target(%dma_start3A_780 : memref<10240x32xf32, #tpu.memory_space<vmem_shared>>) offsets(%dma_start3A_777 : memref<128xi32, #tpu.memory_space<vmem>>) semaphore(%arg12 : memref<!tpu.dma_semaphore, #tpu.memory_space<semaphore_mem>>) {add = true}
      %add3A_781 = arith.constant 1 : i32
      %add3A_782 = arith.addi %mul3A_137, %add3A_781 : i32
      %mul3A_783 = arith.constant 8 : i32
      %mul3A_784 = arith.muli %add3A_782, %mul3A_783 : i32
      %add3A_785 = arith.constant 3 : i32
      %add3A_786 = arith.addi %mul3A_784, %add3A_785 : i32
      %dma_start3A_787 = arith.constant 0 : i32
      %dma_start3A_788 = arith.constant 0 : i32
      %dma_start3A_789 = tpu.memref_slice %arg8[%scan3A_120, %dma_start3A_787, %dma_start3A_788] : memref<16x128x32xf32, #tpu.memory_space<vmem>> -> memref<1x128x32xf32, #tpu.memory_space<vmem>>
      %dma_start3A_790 = tpu.memref_squeeze %dma_start3A_789 : memref<1x128x32xf32, #tpu.memory_space<vmem>> -> memref<128x32xf32, #tpu.memory_space<vmem>>
      %dma_start3A_791 = arith.constant 0 : i32
      %dma_start3A_792 = tpu.memref_slice %arg7[%add3A_786, %dma_start3A_791] : memref<80x128xi32, #tpu.memory_space<vmem>> -> memref<1x128xi32, #tpu.memory_space<vmem>>
      %dma_start3A_793 = tpu.memref_squeeze %dma_start3A_792 : memref<1x128xi32, #tpu.memory_space<vmem>> -> memref<128xi32, #tpu.memory_space<vmem>>
      %dma_start3A_794 = arith.constant 0 : i32
      %dma_start3A_795 = arith.constant 0 : i32
      %dma_start3A_796 = tpu.memref_slice %arg10[%dma_start3A_794, %dma_start3A_795] : memref<10240x32xf32, #tpu.memory_space<vmem_shared>> -> memref<10240x32xf32, #tpu.memory_space<vmem_shared>>
      tpu.enqueue_indirect_dma source(%dma_start3A_790 : memref<128x32xf32, #tpu.memory_space<vmem>>) target(%dma_start3A_796 : memref<10240x32xf32, #tpu.memory_space<vmem_shared>>) offsets(%dma_start3A_793 : memref<128xi32, #tpu.memory_space<vmem>>) semaphore(%arg12 : memref<!tpu.dma_semaphore, #tpu.memory_space<semaphore_mem>>) {add = true}
      %add3A_797 = arith.constant 1 : i32
      %add3A_798 = arith.addi %mul3A_137, %add3A_797 : i32
      %mul3A_799 = arith.constant 8 : i32
      %mul3A_800 = arith.muli %add3A_798, %mul3A_799 : i32
      %add3A_801 = arith.constant 4 : i32
      %add3A_802 = arith.addi %mul3A_800, %add3A_801 : i32
      %dma_start3A_803 = arith.constant 0 : i32
      %dma_start3A_804 = arith.constant 0 : i32
      %dma_start3A_805 = tpu.memref_slice %arg8[%scan3A_121, %dma_start3A_803, %dma_start3A_804] : memref<16x128x32xf32, #tpu.memory_space<vmem>> -> memref<1x128x32xf32, #tpu.memory_space<vmem>>
      %dma_start3A_806 = tpu.memref_squeeze %dma_start3A_805 : memref<1x128x32xf32, #tpu.memory_space<vmem>> -> memref<128x32xf32, #tpu.memory_space<vmem>>
      %dma_start3A_807 = arith.constant 0 : i32
      %dma_start3A_808 = tpu.memref_slice %arg7[%add3A_802, %dma_start3A_807] : memref<80x128xi32, #tpu.memory_space<vmem>> -> memref<1x128xi32, #tpu.memory_space<vmem>>
      %dma_start3A_809 = tpu.memref_squeeze %dma_start3A_808 : memref<1x128xi32, #tpu.memory_space<vmem>> -> memref<128xi32, #tpu.memory_space<vmem>>
      %dma_start3A_810 = arith.constant 0 : i32
      %dma_start3A_811 = arith.constant 0 : i32
      %dma_start3A_812 = tpu.memref_slice %arg10[%dma_start3A_810, %dma_start3A_811] : memref<10240x32xf32, #tpu.memory_space<vmem_shared>> -> memref<10240x32xf32, #tpu.memory_space<vmem_shared>>
      tpu.enqueue_indirect_dma source(%dma_start3A_806 : memref<128x32xf32, #tpu.memory_space<vmem>>) target(%dma_start3A_812 : memref<10240x32xf32, #tpu.memory_space<vmem_shared>>) offsets(%dma_start3A_809 : memref<128xi32, #tpu.memory_space<vmem>>) semaphore(%arg12 : memref<!tpu.dma_semaphore, #tpu.memory_space<semaphore_mem>>) {add = true}
      %add3A_813 = arith.constant 1 : i32
      %add3A_814 = arith.addi %mul3A_137, %add3A_813 : i32
      %mul3A_815 = arith.constant 8 : i32
      %mul3A_816 = arith.muli %add3A_814, %mul3A_815 : i32
      %add3A_817 = arith.constant 5 : i32
      %add3A_818 = arith.addi %mul3A_816, %add3A_817 : i32
      %dma_start3A_819 = arith.constant 0 : i32
      %dma_start3A_820 = arith.constant 0 : i32
      %dma_start3A_821 = tpu.memref_slice %arg8[%scan3A_122, %dma_start3A_819, %dma_start3A_820] : memref<16x128x32xf32, #tpu.memory_space<vmem>> -> memref<1x128x32xf32, #tpu.memory_space<vmem>>
      %dma_start3A_822 = tpu.memref_squeeze %dma_start3A_821 : memref<1x128x32xf32, #tpu.memory_space<vmem>> -> memref<128x32xf32, #tpu.memory_space<vmem>>
      %dma_start3A_823 = arith.constant 0 : i32
      %dma_start3A_824 = tpu.memref_slice %arg7[%add3A_818, %dma_start3A_823] : memref<80x128xi32, #tpu.memory_space<vmem>> -> memref<1x128xi32, #tpu.memory_space<vmem>>
      %dma_start3A_825 = tpu.memref_squeeze %dma_start3A_824 : memref<1x128xi32, #tpu.memory_space<vmem>> -> memref<128xi32, #tpu.memory_space<vmem>>
      %dma_start3A_826 = arith.constant 0 : i32
      %dma_start3A_827 = arith.constant 0 : i32
      %dma_start3A_828 = tpu.memref_slice %arg10[%dma_start3A_826, %dma_start3A_827] : memref<10240x32xf32, #tpu.memory_space<vmem_shared>> -> memref<10240x32xf32, #tpu.memory_space<vmem_shared>>
      tpu.enqueue_indirect_dma source(%dma_start3A_822 : memref<128x32xf32, #tpu.memory_space<vmem>>) target(%dma_start3A_828 : memref<10240x32xf32, #tpu.memory_space<vmem_shared>>) offsets(%dma_start3A_825 : memref<128xi32, #tpu.memory_space<vmem>>) semaphore(%arg12 : memref<!tpu.dma_semaphore, #tpu.memory_space<semaphore_mem>>) {add = true}
      %add3A_829 = arith.constant 1 : i32
      %add3A_830 = arith.addi %mul3A_137, %add3A_829 : i32
      %mul3A_831 = arith.constant 8 : i32
      %mul3A_832 = arith.muli %add3A_830, %mul3A_831 : i32
      %add3A_833 = arith.constant 6 : i32
      %add3A_834 = arith.addi %mul3A_832, %add3A_833 : i32
      %dma_start3A_835 = arith.constant 0 : i32
      %dma_start3A_836 = arith.constant 0 : i32
      %dma_start3A_837 = tpu.memref_slice %arg8[%scan3A_123, %dma_start3A_835, %dma_start3A_836] : memref<16x128x32xf32, #tpu.memory_space<vmem>> -> memref<1x128x32xf32, #tpu.memory_space<vmem>>
      %dma_start3A_838 = tpu.memref_squeeze %dma_start3A_837 : memref<1x128x32xf32, #tpu.memory_space<vmem>> -> memref<128x32xf32, #tpu.memory_space<vmem>>
      %dma_start3A_839 = arith.constant 0 : i32
      %dma_start3A_840 = tpu.memref_slice %arg7[%add3A_834, %dma_start3A_839] : memref<80x128xi32, #tpu.memory_space<vmem>> -> memref<1x128xi32, #tpu.memory_space<vmem>>
      %dma_start3A_841 = tpu.memref_squeeze %dma_start3A_840 : memref<1x128xi32, #tpu.memory_space<vmem>> -> memref<128xi32, #tpu.memory_space<vmem>>
      %dma_start3A_842 = arith.constant 0 : i32
      %dma_start3A_843 = arith.constant 0 : i32
      %dma_start3A_844 = tpu.memref_slice %arg10[%dma_start3A_842, %dma_start3A_843] : memref<10240x32xf32, #tpu.memory_space<vmem_shared>> -> memref<10240x32xf32, #tpu.memory_space<vmem_shared>>
      tpu.enqueue_indirect_dma source(%dma_start3A_838 : memref<128x32xf32, #tpu.memory_space<vmem>>) target(%dma_start3A_844 : memref<10240x32xf32, #tpu.memory_space<vmem_shared>>) offsets(%dma_start3A_841 : memref<128xi32, #tpu.memory_space<vmem>>) semaphore(%arg12 : memref<!tpu.dma_semaphore, #tpu.memory_space<semaphore_mem>>) {add = true}
      %add3A_845 = arith.constant 1 : i32
      %add3A_846 = arith.addi %mul3A_137, %add3A_845 : i32
      %mul3A_847 = arith.constant 8 : i32
      %mul3A_848 = arith.muli %add3A_846, %mul3A_847 : i32
      %add3A_849 = arith.constant 7 : i32
      %add3A_850 = arith.addi %mul3A_848, %add3A_849 : i32
      %dma_start3A_851 = arith.constant 0 : i32
      %dma_start3A_852 = arith.constant 0 : i32
      %dma_start3A_853 = tpu.memref_slice %arg8[%scan3A_124, %dma_start3A_851, %dma_start3A_852] : memref<16x128x32xf32, #tpu.memory_space<vmem>> -> memref<1x128x32xf32, #tpu.memory_space<vmem>>
      %dma_start3A_854 = tpu.memref_squeeze %dma_start3A_853 : memref<1x128x32xf32, #tpu.memory_space<vmem>> -> memref<128x32xf32, #tpu.memory_space<vmem>>
      %dma_start3A_855 = arith.constant 0 : i32
      %dma_start3A_856 = tpu.memref_slice %arg7[%add3A_850, %dma_start3A_855] : memref<80x128xi32, #tpu.memory_space<vmem>> -> memref<1x128xi32, #tpu.memory_space<vmem>>
      %dma_start3A_857 = tpu.memref_squeeze %dma_start3A_856 : memref<1x128xi32, #tpu.memory_space<vmem>> -> memref<128xi32, #tpu.memory_space<vmem>>
      %dma_start3A_858 = arith.constant 0 : i32
      %dma_start3A_859 = arith.constant 0 : i32
      %dma_start3A_860 = tpu.memref_slice %arg10[%dma_start3A_858, %dma_start3A_859] : memref<10240x32xf32, #tpu.memory_space<vmem_shared>> -> memref<10240x32xf32, #tpu.memory_space<vmem_shared>>
      tpu.enqueue_indirect_dma source(%dma_start3A_854 : memref<128x32xf32, #tpu.memory_space<vmem>>) target(%dma_start3A_860 : memref<10240x32xf32, #tpu.memory_space<vmem_shared>>) offsets(%dma_start3A_857 : memref<128xi32, #tpu.memory_space<vmem>>) semaphore(%arg12 : memref<!tpu.dma_semaphore, #tpu.memory_space<semaphore_mem>>) {add = true}
      %add3A_861 = arith.constant 1 : i32
      %add3A_862 = arith.addi %mul3A_137, %add3A_861 : i32
      %mul3A_863 = arith.constant 8 : i32
      %mul3A_864 = arith.muli %add3A_862, %mul3A_863 : i32
      %add3A_865 = arith.constant 0 : i32
      %add3A_866 = arith.addi %mul3A_864, %add3A_865 : i32
      %dma_wait3A_867 = arith.constant 0 : i32
      %dma_wait3A_868 = arith.constant 0 : i32
      %dma_wait3A_869 = tpu.memref_slice %arg8[%scan3A_117, %dma_wait3A_867, %dma_wait3A_868] : memref<16x128x32xf32, #tpu.memory_space<vmem>> -> memref<1x128x32xf32, #tpu.memory_space<vmem>>
      %dma_wait3A_870 = tpu.memref_squeeze %dma_wait3A_869 : memref<1x128x32xf32, #tpu.memory_space<vmem>> -> memref<128x32xf32, #tpu.memory_space<vmem>>
      %dma_wait3A_871 = arith.constant 0 : i32
      %dma_wait3A_872 = tpu.memref_slice %arg7[%add3A_866, %dma_wait3A_871] : memref<80x128xi32, #tpu.memory_space<vmem>> -> memref<1x128xi32, #tpu.memory_space<vmem>>
      %dma_wait3A_873 = tpu.memref_squeeze %dma_wait3A_872 : memref<1x128xi32, #tpu.memory_space<vmem>> -> memref<128xi32, #tpu.memory_space<vmem>>
      %dma_wait3A_874 = arith.constant 0 : i32
      %dma_wait3A_875 = arith.constant 0 : i32
      %dma_wait3A_876 = tpu.memref_slice %arg10[%dma_wait3A_874, %dma_wait3A_875] : memref<10240x32xf32, #tpu.memory_space<vmem_shared>> -> memref<10240x32xf32, #tpu.memory_space<vmem_shared>>
      tpu.wait_indirect_dma semaphore(%arg12 : memref<!tpu.dma_semaphore, #tpu.memory_space<semaphore_mem>>) src(%dma_wait3A_870 : memref<128x32xf32, #tpu.memory_space<vmem>>) dst(%dma_wait3A_876 : memref<10240x32xf32, #tpu.memory_space<vmem_shared>>)
      %add3A_877 = arith.constant 1 : i32
      %add3A_878 = arith.addi %mul3A_137, %add3A_877 : i32
      %mul3A_879 = arith.constant 8 : i32
      %mul3A_880 = arith.muli %add3A_878, %mul3A_879 : i32
      %add3A_881 = arith.constant 1 : i32
      %add3A_882 = arith.addi %mul3A_880, %add3A_881 : i32
      %dma_wait3A_883 = arith.constant 0 : i32
      %dma_wait3A_884 = arith.constant 0 : i32
      %dma_wait3A_885 = tpu.memref_slice %arg8[%scan3A_118, %dma_wait3A_883, %dma_wait3A_884] : memref<16x128x32xf32, #tpu.memory_space<vmem>> -> memref<1x128x32xf32, #tpu.memory_space<vmem>>
      %dma_wait3A_886 = tpu.memref_squeeze %dma_wait3A_885 : memref<1x128x32xf32, #tpu.memory_space<vmem>> -> memref<128x32xf32, #tpu.memory_space<vmem>>
      %dma_wait3A_887 = arith.constant 0 : i32
      %dma_wait3A_888 = tpu.memref_slice %arg7[%add3A_882, %dma_wait3A_887] : memref<80x128xi32, #tpu.memory_space<vmem>> -> memref<1x128xi32, #tpu.memory_space<vmem>>
      %dma_wait3A_889 = tpu.memref_squeeze %dma_wait3A_888 : memref<1x128xi32, #tpu.memory_space<vmem>> -> memref<128xi32, #tpu.memory_space<vmem>>
      %dma_wait3A_890 = arith.constant 0 : i32
      %dma_wait3A_891 = arith.constant 0 : i32
      %dma_wait3A_892 = tpu.memref_slice %arg10[%dma_wait3A_890, %dma_wait3A_891] : memref<10240x32xf32, #tpu.memory_space<vmem_shared>> -> memref<10240x32xf32, #tpu.memory_space<vmem_shared>>
      tpu.wait_indirect_dma semaphore(%arg12 : memref<!tpu.dma_semaphore, #tpu.memory_space<semaphore_mem>>) src(%dma_wait3A_886 : memref<128x32xf32, #tpu.memory_space<vmem>>) dst(%dma_wait3A_892 : memref<10240x32xf32, #tpu.memory_space<vmem_shared>>)
      %add3A_893 = arith.constant 1 : i32
      %add3A_894 = arith.addi %mul3A_137, %add3A_893 : i32
      %mul3A_895 = arith.constant 8 : i32
      %mul3A_896 = arith.muli %add3A_894, %mul3A_895 : i32
      %add3A_897 = arith.constant 2 : i32
      %add3A_898 = arith.addi %mul3A_896, %add3A_897 : i32
      %dma_wait3A_899 = arith.constant 0 : i32
      %dma_wait3A_900 = arith.constant 0 : i32
      %dma_wait3A_901 = tpu.memref_slice %arg8[%scan3A_119, %dma_wait3A_899, %dma_wait3A_900] : memref<16x128x32xf32, #tpu.memory_space<vmem>> -> memref<1x128x32xf32, #tpu.memory_space<vmem>>
      %dma_wait3A_902 = tpu.memref_squeeze %dma_wait3A_901 : memref<1x128x32xf32, #tpu.memory_space<vmem>> -> memref<128x32xf32, #tpu.memory_space<vmem>>
      %dma_wait3A_903 = arith.constant 0 : i32
      %dma_wait3A_904 = tpu.memref_slice %arg7[%add3A_898, %dma_wait3A_903] : memref<80x128xi32, #tpu.memory_space<vmem>> -> memref<1x128xi32, #tpu.memory_space<vmem>>
      %dma_wait3A_905 = tpu.memref_squeeze %dma_wait3A_904 : memref<1x128xi32, #tpu.memory_space<vmem>> -> memref<128xi32, #tpu.memory_space<vmem>>
      %dma_wait3A_906 = arith.constant 0 : i32
      %dma_wait3A_907 = arith.constant 0 : i32
      %dma_wait3A_908 = tpu.memref_slice %arg10[%dma_wait3A_906, %dma_wait3A_907] : memref<10240x32xf32, #tpu.memory_space<vmem_shared>> -> memref<10240x32xf32, #tpu.memory_space<vmem_shared>>
      tpu.wait_indirect_dma semaphore(%arg12 : memref<!tpu.dma_semaphore, #tpu.memory_space<semaphore_mem>>) src(%dma_wait3A_902 : memref<128x32xf32, #tpu.memory_space<vmem>>) dst(%dma_wait3A_908 : memref<10240x32xf32, #tpu.memory_space<vmem_shared>>)
      %add3A_909 = arith.constant 1 : i32
      %add3A_910 = arith.addi %mul3A_137, %add3A_909 : i32
      %mul3A_911 = arith.constant 8 : i32
      %mul3A_912 = arith.muli %add3A_910, %mul3A_911 : i32
      %add3A_913 = arith.constant 3 : i32
      %add3A_914 = arith.addi %mul3A_912, %add3A_913 : i32
      %dma_wait3A_915 = arith.constant 0 : i32
      %dma_wait3A_916 = arith.constant 0 : i32
      %dma_wait3A_917 = tpu.memref_slice %arg8[%scan3A_120, %dma_wait3A_915, %dma_wait3A_916] : memref<16x128x32xf32, #tpu.memory_space<vmem>> -> memref<1x128x32xf32, #tpu.memory_space<vmem>>
      %dma_wait3A_918 = tpu.memref_squeeze %dma_wait3A_917 : memref<1x128x32xf32, #tpu.memory_space<vmem>> -> memref<128x32xf32, #tpu.memory_space<vmem>>
      %dma_wait3A_919 = arith.constant 0 : i32
      %dma_wait3A_920 = tpu.memref_slice %arg7[%add3A_914, %dma_wait3A_919] : memref<80x128xi32, #tpu.memory_space<vmem>> -> memref<1x128xi32, #tpu.memory_space<vmem>>
      %dma_wait3A_921 = tpu.memref_squeeze %dma_wait3A_920 : memref<1x128xi32, #tpu.memory_space<vmem>> -> memref<128xi32, #tpu.memory_space<vmem>>
      %dma_wait3A_922 = arith.constant 0 : i32
      %dma_wait3A_923 = arith.constant 0 : i32
      %dma_wait3A_924 = tpu.memref_slice %arg10[%dma_wait3A_922, %dma_wait3A_923] : memref<10240x32xf32, #tpu.memory_space<vmem_shared>> -> memref<10240x32xf32, #tpu.memory_space<vmem_shared>>
      tpu.wait_indirect_dma semaphore(%arg12 : memref<!tpu.dma_semaphore, #tpu.memory_space<semaphore_mem>>) src(%dma_wait3A_918 : memref<128x32xf32, #tpu.memory_space<vmem>>) dst(%dma_wait3A_924 : memref<10240x32xf32, #tpu.memory_space<vmem_shared>>)
      %add3A_925 = arith.constant 1 : i32
      %add3A_926 = arith.addi %mul3A_137, %add3A_925 : i32
      %mul3A_927 = arith.constant 8 : i32
      %mul3A_928 = arith.muli %add3A_926, %mul3A_927 : i32
      %add3A_929 = arith.constant 4 : i32
      %add3A_930 = arith.addi %mul3A_928, %add3A_929 : i32
      %dma_wait3A_931 = arith.constant 0 : i32
      %dma_wait3A_932 = arith.constant 0 : i32
      %dma_wait3A_933 = tpu.memref_slice %arg8[%scan3A_121, %dma_wait3A_931, %dma_wait3A_932] : memref<16x128x32xf32, #tpu.memory_space<vmem>> -> memref<1x128x32xf32, #tpu.memory_space<vmem>>
      %dma_wait3A_934 = tpu.memref_squeeze %dma_wait3A_933 : memref<1x128x32xf32, #tpu.memory_space<vmem>> -> memref<128x32xf32, #tpu.memory_space<vmem>>
      %dma_wait3A_935 = arith.constant 0 : i32
      %dma_wait3A_936 = tpu.memref_slice %arg7[%add3A_930, %dma_wait3A_935] : memref<80x128xi32, #tpu.memory_space<vmem>> -> memref<1x128xi32, #tpu.memory_space<vmem>>
      %dma_wait3A_937 = tpu.memref_squeeze %dma_wait3A_936 : memref<1x128xi32, #tpu.memory_space<vmem>> -> memref<128xi32, #tpu.memory_space<vmem>>
      %dma_wait3A_938 = arith.constant 0 : i32
      %dma_wait3A_939 = arith.constant 0 : i32
      %dma_wait3A_940 = tpu.memref_slice %arg10[%dma_wait3A_938, %dma_wait3A_939] : memref<10240x32xf32, #tpu.memory_space<vmem_shared>> -> memref<10240x32xf32, #tpu.memory_space<vmem_shared>>
      tpu.wait_indirect_dma semaphore(%arg12 : memref<!tpu.dma_semaphore, #tpu.memory_space<semaphore_mem>>) src(%dma_wait3A_934 : memref<128x32xf32, #tpu.memory_space<vmem>>) dst(%dma_wait3A_940 : memref<10240x32xf32, #tpu.memory_space<vmem_shared>>)
      %add3A_941 = arith.constant 1 : i32
      %add3A_942 = arith.addi %mul3A_137, %add3A_941 : i32
      %mul3A_943 = arith.constant 8 : i32
      %mul3A_944 = arith.muli %add3A_942, %mul3A_943 : i32
      %add3A_945 = arith.constant 5 : i32
      %add3A_946 = arith.addi %mul3A_944, %add3A_945 : i32
      %dma_wait3A_947 = arith.constant 0 : i32
      %dma_wait3A_948 = arith.constant 0 : i32
      %dma_wait3A_949 = tpu.memref_slice %arg8[%scan3A_122, %dma_wait3A_947, %dma_wait3A_948] : memref<16x128x32xf32, #tpu.memory_space<vmem>> -> memref<1x128x32xf32, #tpu.memory_space<vmem>>
      %dma_wait3A_950 = tpu.memref_squeeze %dma_wait3A_949 : memref<1x128x32xf32, #tpu.memory_space<vmem>> -> memref<128x32xf32, #tpu.memory_space<vmem>>
      %dma_wait3A_951 = arith.constant 0 : i32
      %dma_wait3A_952 = tpu.memref_slice %arg7[%add3A_946, %dma_wait3A_951] : memref<80x128xi32, #tpu.memory_space<vmem>> -> memref<1x128xi32, #tpu.memory_space<vmem>>
      %dma_wait3A_953 = tpu.memref_squeeze %dma_wait3A_952 : memref<1x128xi32, #tpu.memory_space<vmem>> -> memref<128xi32, #tpu.memory_space<vmem>>
      %dma_wait3A_954 = arith.constant 0 : i32
      %dma_wait3A_955 = arith.constant 0 : i32
      %dma_wait3A_956 = tpu.memref_slice %arg10[%dma_wait3A_954, %dma_wait3A_955] : memref<10240x32xf32, #tpu.memory_space<vmem_shared>> -> memref<10240x32xf32, #tpu.memory_space<vmem_shared>>
      tpu.wait_indirect_dma semaphore(%arg12 : memref<!tpu.dma_semaphore, #tpu.memory_space<semaphore_mem>>) src(%dma_wait3A_950 : memref<128x32xf32, #tpu.memory_space<vmem>>) dst(%dma_wait3A_956 : memref<10240x32xf32, #tpu.memory_space<vmem_shared>>)
      %add3A_957 = arith.constant 1 : i32
      %add3A_958 = arith.addi %mul3A_137, %add3A_957 : i32
      %mul3A_959 = arith.constant 8 : i32
      %mul3A_960 = arith.muli %add3A_958, %mul3A_959 : i32
      %add3A_961 = arith.constant 6 : i32
      %add3A_962 = arith.addi %mul3A_960, %add3A_961 : i32
      %dma_wait3A_963 = arith.constant 0 : i32
      %dma_wait3A_964 = arith.constant 0 : i32
      %dma_wait3A_965 = tpu.memref_slice %arg8[%scan3A_123, %dma_wait3A_963, %dma_wait3A_964] : memref<16x128x32xf32, #tpu.memory_space<vmem>> -> memref<1x128x32xf32, #tpu.memory_space<vmem>>
      %dma_wait3A_966 = tpu.memref_squeeze %dma_wait3A_965 : memref<1x128x32xf32, #tpu.memory_space<vmem>> -> memref<128x32xf32, #tpu.memory_space<vmem>>
      %dma_wait3A_967 = arith.constant 0 : i32
      %dma_wait3A_968 = tpu.memref_slice %arg7[%add3A_962, %dma_wait3A_967] : memref<80x128xi32, #tpu.memory_space<vmem>> -> memref<1x128xi32, #tpu.memory_space<vmem>>
      %dma_wait3A_969 = tpu.memref_squeeze %dma_wait3A_968 : memref<1x128xi32, #tpu.memory_space<vmem>> -> memref<128xi32, #tpu.memory_space<vmem>>
      %dma_wait3A_970 = arith.constant 0 : i32
      %dma_wait3A_971 = arith.constant 0 : i32
      %dma_wait3A_972 = tpu.memref_slice %arg10[%dma_wait3A_970, %dma_wait3A_971] : memref<10240x32xf32, #tpu.memory_space<vmem_shared>> -> memref<10240x32xf32, #tpu.memory_space<vmem_shared>>
      tpu.wait_indirect_dma semaphore(%arg12 : memref<!tpu.dma_semaphore, #tpu.memory_space<semaphore_mem>>) src(%dma_wait3A_966 : memref<128x32xf32, #tpu.memory_space<vmem>>) dst(%dma_wait3A_972 : memref<10240x32xf32, #tpu.memory_space<vmem_shared>>)
      %add3A_973 = arith.constant 1 : i32
      %add3A_974 = arith.addi %mul3A_137, %add3A_973 : i32
      %mul3A_975 = arith.constant 8 : i32
      %mul3A_976 = arith.muli %add3A_974, %mul3A_975 : i32
      %add3A_977 = arith.constant 7 : i32
      %add3A_978 = arith.addi %mul3A_976, %add3A_977 : i32
      %dma_wait3A_979 = arith.constant 0 : i32
      %dma_wait3A_980 = arith.constant 0 : i32
      %dma_wait3A_981 = tpu.memref_slice %arg8[%scan3A_124, %dma_wait3A_979, %dma_wait3A_980] : memref<16x128x32xf32, #tpu.memory_space<vmem>> -> memref<1x128x32xf32, #tpu.memory_space<vmem>>
      %dma_wait3A_982 = tpu.memref_squeeze %dma_wait3A_981 : memref<1x128x32xf32, #tpu.memory_space<vmem>> -> memref<128x32xf32, #tpu.memory_space<vmem>>
      %dma_wait3A_983 = arith.constant 0 : i32
      %dma_wait3A_984 = tpu.memref_slice %arg7[%add3A_978, %dma_wait3A_983] : memref<80x128xi32, #tpu.memory_space<vmem>> -> memref<1x128xi32, #tpu.memory_space<vmem>>
      %dma_wait3A_985 = tpu.memref_squeeze %dma_wait3A_984 : memref<1x128xi32, #tpu.memory_space<vmem>> -> memref<128xi32, #tpu.memory_space<vmem>>
      %dma_wait3A_986 = arith.constant 0 : i32
      %dma_wait3A_987 = arith.constant 0 : i32
      %dma_wait3A_988 = tpu.memref_slice %arg10[%dma_wait3A_986, %dma_wait3A_987] : memref<10240x32xf32, #tpu.memory_space<vmem_shared>> -> memref<10240x32xf32, #tpu.memory_space<vmem_shared>>
      tpu.wait_indirect_dma semaphore(%arg12 : memref<!tpu.dma_semaphore, #tpu.memory_space<semaphore_mem>>) src(%dma_wait3A_982 : memref<128x32xf32, #tpu.memory_space<vmem>>) dst(%dma_wait3A_988 : memref<10240x32xf32, #tpu.memory_space<vmem_shared>>)
    }
    %scan3A_129 = arith.constant 5 : i32
    %barrier3A_130 = arith.constant 0 : index
    tpu.barrier barrier_id(%barrier3A_130)
    %mul3A_131 = arith.constant 640 : i32
    %mul3A_132 = arith.muli %arg1, %mul3A_131 : i32
    %mul3A_133 = arith.constant 640 : i32
    %mul3A_134 = arith.muli %arg1, %mul3A_133 : i32
    "tpu.region"() ({
      %run_scoped3A = tpu.sem_alloc : memref<!tpu.dma_semaphore, #tpu.memory_space<semaphore_mem>>
      %dma_start3A_135 = arith.constant 0 : i32
      %dma_start3A_136 = tpu.memref_slice %arg5[%arg0, %mul3A_134, %dma_start3A_135] : memref<2x10240x32xf32, #tpu.memory_space<hbm>> -> memref<1x640x32xf32, #tpu.memory_space<hbm>>
      %dma_start3A_137 = tpu.memref_squeeze %dma_start3A_136 : memref<1x640x32xf32, #tpu.memory_space<hbm>> -> memref<640x32xf32, #tpu.memory_space<hbm>>
      %dma_start3A_138 = arith.constant 0 : i32
      %dma_start3A_139 = tpu.memref_slice %arg10[%mul3A_132, %dma_start3A_138] : memref<10240x32xf32, #tpu.memory_space<vmem_shared>> -> memref<640x32xf32, #tpu.memory_space<vmem_shared>>
      tpu.enqueue_dma source(%dma_start3A_139 : memref<640x32xf32, #tpu.memory_space<vmem_shared>>) target(%dma_start3A_137 : memref<640x32xf32, #tpu.memory_space<hbm>>) target_semaphore(%run_scoped3A : memref<!tpu.dma_semaphore, #tpu.memory_space<semaphore_mem>>)
      %dma_wait3A = arith.constant 0 : i32
      %dma_wait3A_140 = tpu.memref_slice %arg5[%arg0, %mul3A_134, %dma_wait3A] : memref<2x10240x32xf32, #tpu.memory_space<hbm>> -> memref<1x640x32xf32, #tpu.memory_space<hbm>>
      %dma_wait3A_141 = tpu.memref_squeeze %dma_wait3A_140 : memref<1x640x32xf32, #tpu.memory_space<hbm>> -> memref<640x32xf32, #tpu.memory_space<hbm>>
      %dma_wait3A_142 = arith.constant 0 : i32
      %dma_wait3A_143 = tpu.memref_slice %arg10[%mul3A_132, %dma_wait3A_142] : memref<10240x32xf32, #tpu.memory_space<vmem_shared>> -> memref<640x32xf32, #tpu.memory_space<vmem_shared>>
      tpu.wait_dma2 semaphore(%run_scoped3A : memref<!tpu.dma_semaphore, #tpu.memory_space<semaphore_mem>>) src(%dma_wait3A_143 : memref<640x32xf32, #tpu.memory_space<vmem_shared>>) dst(%dma_wait3A_141 : memref<640x32xf32, #tpu.memory_space<hbm>>)
      tpu.yield
    }) : () -> ()
    return
  }
}

#map = affine_map<(d0, d1) -> (0, 0)>
#map1 = affine_map<(d0, d1) -> (0, 0, 0)>
module attributes {stable_mosaic.version = 14 : i64} {
  func.func @_seg_body(%arg0: i32, %arg1: i32, %arg2: memref<10000x32xf32, #tpu.memory_space<hbm>>, %arg3: memref<2560x128xi32, #tpu.memory_space<hbm>>, %arg4: memref<2560x128xi32, #tpu.memory_space<hbm>>, %arg5: memref<2x10240x32xf32, #tpu.memory_space<hbm>>, %arg6: memref<80x128xi32, #tpu.memory_space<vmem>>, %arg7: memref<80x128xi32, #tpu.memory_space<vmem>>, %arg8: memref<16x128x32xf32, #tpu.memory_space<vmem>>, %arg9: memref<640x32xf32, #tpu.memory_space<vmem>>, %arg10: memref<10240x32xf32, #tpu.memory_space<vmem_shared>>, %arg11: memref<!tpu.dma_semaphore, #tpu.memory_space<semaphore_mem>>, %arg12: memref<!tpu.dma_semaphore, #tpu.memory_space<semaphore_mem>>) attributes {dimension_semantics = [#tpu.dimension_semantics<core_parallel>, #tpu.dimension_semantics<subcore_parallel>], iteration_bounds = array<i64: 2, 16>, scalar_prefetch = 0 : i64, scratch_operands = 7 : i64, tpu.core_type = #tpu.core_type<sc_vector_subcore>, window_params = [{transform_indices = #map}, {transform_indices = #map}, {transform_indices = #map}, {transform_indices = #map1}]} {
    %mul3A = arith.constant 16 : i32
    %mul3A_0 = arith.muli %arg0, %mul3A : i32
    %add3A = arith.addi %mul3A_0, %arg1 : i32
    %broadcast_in_dim3A = arith.constant 0.000000e+00 : f32
    %broadcast_in_dim3A_1 = vector.broadcast %broadcast_in_dim3A : f32 to vector<16xf32>
    %scan3A = arith.constant 0 : i32
    %scan3A_2 = arith.constant 0 : i32
    %scan3A_3 = arith.constant 640 : i32
    %scan3A_4 = arith.addi %scan3A_2, %scan3A_3 : i32
    %scan3A_5 = arith.constant 1 : i32
    scf.for %scan3A_135 = %scan3A_2 to %scan3A_4 step %scan3A_5  : i32 {
      %swap3A = arith.index_cast %scan3A_135 : i32 to index
      %swap3A_136 = arith.constant 0 : index
      %swap3A_137 = tpu.vector_load %arg9[%swap3A, %swap3A_136] {strides = array<i32>} : memref<640x32xf32, #tpu.memory_space<vmem>>, vector<1x16xf32>,
      %swap3A_138 = vector.shape_cast %swap3A_137 : vector<1x16xf32> to vector<16xf32>
      %swap3A_139 = vector.shape_cast %broadcast_in_dim3A_1 : vector<16xf32> to vector<1x16xf32>
      tpu.vector_store %arg9[%swap3A, %swap3A_136], %swap3A_139 {strides = array<i32>} : memref<640x32xf32, #tpu.memory_space<vmem>>, vector<1x16xf32>,
      %swap3A_140 = arith.index_cast %scan3A_135 : i32 to index
      %swap3A_141 = arith.constant 16 : index
      %swap3A_142 = tpu.vector_load %arg9[%swap3A_140, %swap3A_141] {strides = array<i32>} : memref<640x32xf32, #tpu.memory_space<vmem>>, vector<1x16xf32>,
      %swap3A_143 = vector.shape_cast %swap3A_142 : vector<1x16xf32> to vector<16xf32>
      %swap3A_144 = vector.shape_cast %broadcast_in_dim3A_1 : vector<16xf32> to vector<1x16xf32>
      tpu.vector_store %arg9[%swap3A_140, %swap3A_141], %swap3A_144 {strides = array<i32>} : memref<640x32xf32, #tpu.memory_space<vmem>>, vector<1x16xf32>,
    }
    %scan3A_6 = arith.constant 640 : i32
    %mul3A_7 = arith.constant 640 : i32
    %mul3A_8 = arith.muli %arg1, %mul3A_7 : i32
    "tpu.region"() ({
      %run_scoped3A = tpu.sem_alloc : memref<!tpu.dma_semaphore, #tpu.memory_space<semaphore_mem>>
      %dma_start3A_135 = arith.constant 0 : i32
      %dma_start3A_136 = tpu.memref_slice %arg10[%mul3A_8, %dma_start3A_135] : memref<10240x32xf32, #tpu.memory_space<vmem_shared>> -> memref<640x32xf32, #tpu.memory_space<vmem_shared>>
      %dma_start3A_137 = arith.constant 0 : i32
      %dma_start3A_138 = tpu.memref_slice %arg10[%mul3A_8, %dma_start3A_137] : memref<10240x32xf32, #tpu.memory_space<vmem_shared>> -> memref<640x32xf32, #tpu.memory_space<vmem_shared>>
      tpu.enqueue_dma source(%arg9 : memref<640x32xf32, #tpu.memory_space<vmem>>) target(%dma_start3A_138 : memref<640x32xf32, #tpu.memory_space<vmem_shared>>) target_semaphore(%run_scoped3A : memref<!tpu.dma_semaphore, #tpu.memory_space<semaphore_mem>>)
      %dma_wait3A = arith.constant 0 : i32
      %dma_wait3A_139 = tpu.memref_slice %arg10[%mul3A_8, %dma_wait3A] : memref<10240x32xf32, #tpu.memory_space<vmem_shared>> -> memref<640x32xf32, #tpu.memory_space<vmem_shared>>
      %dma_wait3A_140 = arith.constant 0 : i32
      %dma_wait3A_141 = tpu.memref_slice %arg10[%mul3A_8, %dma_wait3A_140] : memref<10240x32xf32, #tpu.memory_space<vmem_shared>> -> memref<640x32xf32, #tpu.memory_space<vmem_shared>>
      tpu.wait_dma2 semaphore(%run_scoped3A : memref<!tpu.dma_semaphore, #tpu.memory_space<semaphore_mem>>) src(%arg9 : memref<640x32xf32, #tpu.memory_space<vmem>>) dst(%dma_wait3A_141 : memref<640x32xf32, #tpu.memory_space<vmem_shared>>)
      tpu.yield
    }) : () -> ()
    %mul3A_9 = arith.constant 80 : i32
    %mul3A_10 = arith.muli %add3A, %mul3A_9 : i32
    "tpu.region"() ({
      %run_scoped3A = tpu.sem_alloc : memref<!tpu.dma_semaphore, #tpu.memory_space<semaphore_mem>>
      %dma_start3A_135 = arith.constant 0 : i32
      %dma_start3A_136 = tpu.memref_slice %arg3[%mul3A_10, %dma_start3A_135] : memref<2560x128xi32, #tpu.memory_space<hbm>> -> memref<80x128xi32, #tpu.memory_space<hbm>>
      %dma_start3A_137 = arith.constant 0 : i32
      %dma_start3A_138 = tpu.memref_slice %arg3[%mul3A_10, %dma_start3A_137] : memref<2560x128xi32, #tpu.memory_space<hbm>> -> memref<80x128xi32, #tpu.memory_space<hbm>>
      tpu.enqueue_dma source(%dma_start3A_138 : memref<80x128xi32, #tpu.memory_space<hbm>>) target(%arg6 : memref<80x128xi32, #tpu.memory_space<vmem>>) target_semaphore(%run_scoped3A : memref<!tpu.dma_semaphore, #tpu.memory_space<semaphore_mem>>)
      %dma_wait3A = arith.constant 0 : i32
      %dma_wait3A_139 = tpu.memref_slice %arg3[%mul3A_10, %dma_wait3A] : memref<2560x128xi32, #tpu.memory_space<hbm>> -> memref<80x128xi32, #tpu.memory_space<hbm>>
      %dma_wait3A_140 = arith.constant 0 : i32
      %dma_wait3A_141 = tpu.memref_slice %arg3[%mul3A_10, %dma_wait3A_140] : memref<2560x128xi32, #tpu.memory_space<hbm>> -> memref<80x128xi32, #tpu.memory_space<hbm>>
      tpu.wait_dma2 semaphore(%run_scoped3A : memref<!tpu.dma_semaphore, #tpu.memory_space<semaphore_mem>>) src(%dma_wait3A_141 : memref<80x128xi32, #tpu.memory_space<hbm>>) dst(%arg6 : memref<80x128xi32, #tpu.memory_space<vmem>>)
      tpu.yield
    }) : () -> ()
    %mul3A_11 = arith.constant 80 : i32
    %mul3A_12 = arith.muli %add3A, %mul3A_11 : i32
    "tpu.region"() ({
      %run_scoped3A = tpu.sem_alloc : memref<!tpu.dma_semaphore, #tpu.memory_space<semaphore_mem>>
      %dma_start3A_135 = arith.constant 0 : i32
      %dma_start3A_136 = tpu.memref_slice %arg4[%mul3A_12, %dma_start3A_135] : memref<2560x128xi32, #tpu.memory_space<hbm>> -> memref<80x128xi32, #tpu.memory_space<hbm>>
      %dma_start3A_137 = arith.constant 0 : i32
      %dma_start3A_138 = tpu.memref_slice %arg4[%mul3A_12, %dma_start3A_137] : memref<2560x128xi32, #tpu.memory_space<hbm>> -> memref<80x128xi32, #tpu.memory_space<hbm>>
      tpu.enqueue_dma source(%dma_start3A_138 : memref<80x128xi32, #tpu.memory_space<hbm>>) target(%arg7 : memref<80x128xi32, #tpu.memory_space<vmem>>) target_semaphore(%run_scoped3A : memref<!tpu.dma_semaphore, #tpu.memory_space<semaphore_mem>>)
      %dma_wait3A = arith.constant 0 : i32
      %dma_wait3A_139 = tpu.memref_slice %arg4[%mul3A_12, %dma_wait3A] : memref<2560x128xi32, #tpu.memory_space<hbm>> -> memref<80x128xi32, #tpu.memory_space<hbm>>
      %dma_wait3A_140 = arith.constant 0 : i32
      %dma_wait3A_141 = tpu.memref_slice %arg4[%mul3A_12, %dma_wait3A_140] : memref<2560x128xi32, #tpu.memory_space<hbm>> -> memref<80x128xi32, #tpu.memory_space<hbm>>
      tpu.wait_dma2 semaphore(%run_scoped3A : memref<!tpu.dma_semaphore, #tpu.memory_space<semaphore_mem>>) src(%dma_wait3A_141 : memref<80x128xi32, #tpu.memory_space<hbm>>) dst(%arg7 : memref<80x128xi32, #tpu.memory_space<vmem>>)
      tpu.yield
    }) : () -> ()
    %barrier3A = arith.constant 0 : index
    tpu.barrier barrier_id(%barrier3A)
    %dma_start3A = arith.constant 0 : i32
    %dma_start3A_13 = arith.constant 0 : i32
    %dma_start3A_14 = arith.constant 0 : i32
    %dma_start3A_15 = arith.constant 0 : i32
    %dma_start3A_16 = tpu.memref_slice %arg8[%dma_start3A_13, %dma_start3A_14, %dma_start3A_15] : memref<16x128x32xf32, #tpu.memory_space<vmem>> -> memref<1x128x32xf32, #tpu.memory_space<vmem>>
    %dma_start3A_17 = tpu.memref_squeeze %dma_start3A_16 : memref<1x128x32xf32, #tpu.memory_space<vmem>> -> memref<128x32xf32, #tpu.memory_space<vmem>>
    %dma_start3A_18 = arith.constant 0 : i32
    %dma_start3A_19 = tpu.memref_slice %arg6[%dma_start3A, %dma_start3A_18] : memref<80x128xi32, #tpu.memory_space<vmem>> -> memref<1x128xi32, #tpu.memory_space<vmem>>
    %dma_start3A_20 = tpu.memref_squeeze %dma_start3A_19 : memref<1x128xi32, #tpu.memory_space<vmem>> -> memref<128xi32, #tpu.memory_space<vmem>>
    %dma_start3A_21 = arith.constant 0 : i32
    %dma_start3A_22 = arith.constant 0 : i32
    %dma_start3A_23 = tpu.memref_slice %arg2[%dma_start3A_21, %dma_start3A_22] : memref<10000x32xf32, #tpu.memory_space<hbm>> -> memref<10000x32xf32, #tpu.memory_space<hbm>>
    tpu.enqueue_indirect_dma source(%dma_start3A_23 : memref<10000x32xf32, #tpu.memory_space<hbm>>) target(%dma_start3A_17 : memref<128x32xf32, #tpu.memory_space<vmem>>) offsets(%dma_start3A_20 : memref<128xi32, #tpu.memory_space<vmem>>) semaphore(%arg11 : memref<!tpu.dma_semaphore, #tpu.memory_space<semaphore_mem>>)
    %dma_start3A_24 = arith.constant 1 : i32
    %dma_start3A_25 = arith.constant 1 : i32
    %dma_start3A_26 = arith.constant 0 : i32
    %dma_start3A_27 = arith.constant 0 : i32
    %dma_start3A_28 = tpu.memref_slice %arg8[%dma_start3A_25, %dma_start3A_26, %dma_start3A_27] : memref<16x128x32xf32, #tpu.memory_space<vmem>> -> memref<1x128x32xf32, #tpu.memory_space<vmem>>
    %dma_start3A_29 = tpu.memref_squeeze %dma_start3A_28 : memref<1x128x32xf32, #tpu.memory_space<vmem>> -> memref<128x32xf32, #tpu.memory_space<vmem>>
    %dma_start3A_30 = arith.constant 0 : i32
    %dma_start3A_31 = tpu.memref_slice %arg6[%dma_start3A_24, %dma_start3A_30] : memref<80x128xi32, #tpu.memory_space<vmem>> -> memref<1x128xi32, #tpu.memory_space<vmem>>
    %dma_start3A_32 = tpu.memref_squeeze %dma_start3A_31 : memref<1x128xi32, #tpu.memory_space<vmem>> -> memref<128xi32, #tpu.memory_space<vmem>>
    %dma_start3A_33 = arith.constant 0 : i32
    %dma_start3A_34 = arith.constant 0 : i32
    %dma_start3A_35 = tpu.memref_slice %arg2[%dma_start3A_33, %dma_start3A_34] : memref<10000x32xf32, #tpu.memory_space<hbm>> -> memref<10000x32xf32, #tpu.memory_space<hbm>>
    tpu.enqueue_indirect_dma source(%dma_start3A_35 : memref<10000x32xf32, #tpu.memory_space<hbm>>) target(%dma_start3A_29 : memref<128x32xf32, #tpu.memory_space<vmem>>) offsets(%dma_start3A_32 : memref<128xi32, #tpu.memory_space<vmem>>) semaphore(%arg11 : memref<!tpu.dma_semaphore, #tpu.memory_space<semaphore_mem>>)
    %dma_start3A_36 = arith.constant 2 : i32
    %dma_start3A_37 = arith.constant 2 : i32
    %dma_start3A_38 = arith.constant 0 : i32
    %dma_start3A_39 = arith.constant 0 : i32
    %dma_start3A_40 = tpu.memref_slice %arg8[%dma_start3A_37, %dma_start3A_38, %dma_start3A_39] : memref<16x128x32xf32, #tpu.memory_space<vmem>> -> memref<1x128x32xf32, #tpu.memory_space<vmem>>
    %dma_start3A_41 = tpu.memref_squeeze %dma_start3A_40 : memref<1x128x32xf32, #tpu.memory_space<vmem>> -> memref<128x32xf32, #tpu.memory_space<vmem>>
    %dma_start3A_42 = arith.constant 0 : i32
    %dma_start3A_43 = tpu.memref_slice %arg6[%dma_start3A_36, %dma_start3A_42] : memref<80x128xi32, #tpu.memory_space<vmem>> -> memref<1x128xi32, #tpu.memory_space<vmem>>
    %dma_start3A_44 = tpu.memref_squeeze %dma_start3A_43 : memref<1x128xi32, #tpu.memory_space<vmem>> -> memref<128xi32, #tpu.memory_space<vmem>>
    %dma_start3A_45 = arith.constant 0 : i32
    %dma_start3A_46 = arith.constant 0 : i32
    %dma_start3A_47 = tpu.memref_slice %arg2[%dma_start3A_45, %dma_start3A_46] : memref<10000x32xf32, #tpu.memory_space<hbm>> -> memref<10000x32xf32, #tpu.memory_space<hbm>>
    tpu.enqueue_indirect_dma source(%dma_start3A_47 : memref<10000x32xf32, #tpu.memory_space<hbm>>) target(%dma_start3A_41 : memref<128x32xf32, #tpu.memory_space<vmem>>) offsets(%dma_start3A_44 : memref<128xi32, #tpu.memory_space<vmem>>) semaphore(%arg11 : memref<!tpu.dma_semaphore, #tpu.memory_space<semaphore_mem>>)
    %dma_start3A_48 = arith.constant 3 : i32
    %dma_start3A_49 = arith.constant 3 : i32
    %dma_start3A_50 = arith.constant 0 : i32
    %dma_start3A_51 = arith.constant 0 : i32
    %dma_start3A_52 = tpu.memref_slice %arg8[%dma_start3A_49, %dma_start3A_50, %dma_start3A_51] : memref<16x128x32xf32, #tpu.memory_space<vmem>> -> memref<1x128x32xf32, #tpu.memory_space<vmem>>
    %dma_start3A_53 = tpu.memref_squeeze %dma_start3A_52 : memref<1x128x32xf32, #tpu.memory_space<vmem>> -> memref<128x32xf32, #tpu.memory_space<vmem>>
    %dma_start3A_54 = arith.constant 0 : i32
    %dma_start3A_55 = tpu.memref_slice %arg6[%dma_start3A_48, %dma_start3A_54] : memref<80x128xi32, #tpu.memory_space<vmem>> -> memref<1x128xi32, #tpu.memory_space<vmem>>
    %dma_start3A_56 = tpu.memref_squeeze %dma_start3A_55 : memref<1x128xi32, #tpu.memory_space<vmem>> -> memref<128xi32, #tpu.memory_space<vmem>>
    %dma_start3A_57 = arith.constant 0 : i32
    %dma_start3A_58 = arith.constant 0 : i32
    %dma_start3A_59 = tpu.memref_slice %arg2[%dma_start3A_57, %dma_start3A_58] : memref<10000x32xf32, #tpu.memory_space<hbm>> -> memref<10000x32xf32, #tpu.memory_space<hbm>>
    tpu.enqueue_indirect_dma source(%dma_start3A_59 : memref<10000x32xf32, #tpu.memory_space<hbm>>) target(%dma_start3A_53 : memref<128x32xf32, #tpu.memory_space<vmem>>) offsets(%dma_start3A_56 : memref<128xi32, #tpu.memory_space<vmem>>) semaphore(%arg11 : memref<!tpu.dma_semaphore, #tpu.memory_space<semaphore_mem>>)
    %dma_start3A_60 = arith.constant 4 : i32
    %dma_start3A_61 = arith.constant 4 : i32
    %dma_start3A_62 = arith.constant 0 : i32
    %dma_start3A_63 = arith.constant 0 : i32
    %dma_start3A_64 = tpu.memref_slice %arg8[%dma_start3A_61, %dma_start3A_62, %dma_start3A_63] : memref<16x128x32xf32, #tpu.memory_space<vmem>> -> memref<1x128x32xf32, #tpu.memory_space<vmem>>
    %dma_start3A_65 = tpu.memref_squeeze %dma_start3A_64 : memref<1x128x32xf32, #tpu.memory_space<vmem>> -> memref<128x32xf32, #tpu.memory_space<vmem>>
    %dma_start3A_66 = arith.constant 0 : i32
    %dma_start3A_67 = tpu.memref_slice %arg6[%dma_start3A_60, %dma_start3A_66] : memref<80x128xi32, #tpu.memory_space<vmem>> -> memref<1x128xi32, #tpu.memory_space<vmem>>
    %dma_start3A_68 = tpu.memref_squeeze %dma_start3A_67 : memref<1x128xi32, #tpu.memory_space<vmem>> -> memref<128xi32, #tpu.memory_space<vmem>>
    %dma_start3A_69 = arith.constant 0 : i32
    %dma_start3A_70 = arith.constant 0 : i32
    %dma_start3A_71 = tpu.memref_slice %arg2[%dma_start3A_69, %dma_start3A_70] : memref<10000x32xf32, #tpu.memory_space<hbm>> -> memref<10000x32xf32, #tpu.memory_space<hbm>>
    tpu.enqueue_indirect_dma source(%dma_start3A_71 : memref<10000x32xf32, #tpu.memory_space<hbm>>) target(%dma_start3A_65 : memref<128x32xf32, #tpu.memory_space<vmem>>) offsets(%dma_start3A_68 : memref<128xi32, #tpu.memory_space<vmem>>) semaphore(%arg11 : memref<!tpu.dma_semaphore, #tpu.memory_space<semaphore_mem>>)
    %dma_start3A_72 = arith.constant 5 : i32
    %dma_start3A_73 = arith.constant 5 : i32
    %dma_start3A_74 = arith.constant 0 : i32
    %dma_start3A_75 = arith.constant 0 : i32
    %dma_start3A_76 = tpu.memref_slice %arg8[%dma_start3A_73, %dma_start3A_74, %dma_start3A_75] : memref<16x128x32xf32, #tpu.memory_space<vmem>> -> memref<1x128x32xf32, #tpu.memory_space<vmem>>
    %dma_start3A_77 = tpu.memref_squeeze %dma_start3A_76 : memref<1x128x32xf32, #tpu.memory_space<vmem>> -> memref<128x32xf32, #tpu.memory_space<vmem>>
    %dma_start3A_78 = arith.constant 0 : i32
    %dma_start3A_79 = tpu.memref_slice %arg6[%dma_start3A_72, %dma_start3A_78] : memref<80x128xi32, #tpu.memory_space<vmem>> -> memref<1x128xi32, #tpu.memory_space<vmem>>
    %dma_start3A_80 = tpu.memref_squeeze %dma_start3A_79 : memref<1x128xi32, #tpu.memory_space<vmem>> -> memref<128xi32, #tpu.memory_space<vmem>>
    %dma_start3A_81 = arith.constant 0 : i32
    %dma_start3A_82 = arith.constant 0 : i32
    %dma_start3A_83 = tpu.memref_slice %arg2[%dma_start3A_81, %dma_start3A_82] : memref<10000x32xf32, #tpu.memory_space<hbm>> -> memref<10000x32xf32, #tpu.memory_space<hbm>>
    tpu.enqueue_indirect_dma source(%dma_start3A_83 : memref<10000x32xf32, #tpu.memory_space<hbm>>) target(%dma_start3A_77 : memref<128x32xf32, #tpu.memory_space<vmem>>) offsets(%dma_start3A_80 : memref<128xi32, #tpu.memory_space<vmem>>) semaphore(%arg11 : memref<!tpu.dma_semaphore, #tpu.memory_space<semaphore_mem>>)
    %dma_start3A_84 = arith.constant 6 : i32
    %dma_start3A_85 = arith.constant 6 : i32
    %dma_start3A_86 = arith.constant 0 : i32
    %dma_start3A_87 = arith.constant 0 : i32
    %dma_start3A_88 = tpu.memref_slice %arg8[%dma_start3A_85, %dma_start3A_86, %dma_start3A_87] : memref<16x128x32xf32, #tpu.memory_space<vmem>> -> memref<1x128x32xf32, #tpu.memory_space<vmem>>
    %dma_start3A_89 = tpu.memref_squeeze %dma_start3A_88 : memref<1x128x32xf32, #tpu.memory_space<vmem>> -> memref<128x32xf32, #tpu.memory_space<vmem>>
    %dma_start3A_90 = arith.constant 0 : i32
    %dma_start3A_91 = tpu.memref_slice %arg6[%dma_start3A_84, %dma_start3A_90] : memref<80x128xi32, #tpu.memory_space<vmem>> -> memref<1x128xi32, #tpu.memory_space<vmem>>
    %dma_start3A_92 = tpu.memref_squeeze %dma_start3A_91 : memref<1x128xi32, #tpu.memory_space<vmem>> -> memref<128xi32, #tpu.memory_space<vmem>>
    %dma_start3A_93 = arith.constant 0 : i32
    %dma_start3A_94 = arith.constant 0 : i32
    %dma_start3A_95 = tpu.memref_slice %arg2[%dma_start3A_93, %dma_start3A_94] : memref<10000x32xf32, #tpu.memory_space<hbm>> -> memref<10000x32xf32, #tpu.memory_space<hbm>>
    tpu.enqueue_indirect_dma source(%dma_start3A_95 : memref<10000x32xf32, #tpu.memory_space<hbm>>) target(%dma_start3A_89 : memref<128x32xf32, #tpu.memory_space<vmem>>) offsets(%dma_start3A_92 : memref<128xi32, #tpu.memory_space<vmem>>) semaphore(%arg11 : memref<!tpu.dma_semaphore, #tpu.memory_space<semaphore_mem>>)
    %dma_start3A_96 = arith.constant 7 : i32
    %dma_start3A_97 = arith.constant 7 : i32
    %dma_start3A_98 = arith.constant 0 : i32
    %dma_start3A_99 = arith.constant 0 : i32
    %dma_start3A_100 = tpu.memref_slice %arg8[%dma_start3A_97, %dma_start3A_98, %dma_start3A_99] : memref<16x128x32xf32, #tpu.memory_space<vmem>> -> memref<1x128x32xf32, #tpu.memory_space<vmem>>
    %dma_start3A_101 = tpu.memref_squeeze %dma_start3A_100 : memref<1x128x32xf32, #tpu.memory_space<vmem>> -> memref<128x32xf32, #tpu.memory_space<vmem>>
    %dma_start3A_102 = arith.constant 0 : i32
    %dma_start3A_103 = tpu.memref_slice %arg6[%dma_start3A_96, %dma_start3A_102] : memref<80x128xi32, #tpu.memory_space<vmem>> -> memref<1x128xi32, #tpu.memory_space<vmem>>
    %dma_start3A_104 = tpu.memref_squeeze %dma_start3A_103 : memref<1x128xi32, #tpu.memory_space<vmem>> -> memref<128xi32, #tpu.memory_space<vmem>>
    %dma_start3A_105 = arith.constant 0 : i32
    %dma_start3A_106 = arith.constant 0 : i32
    %dma_start3A_107 = tpu.memref_slice %arg2[%dma_start3A_105, %dma_start3A_106] : memref<10000x32xf32, #tpu.memory_space<hbm>> -> memref<10000x32xf32, #tpu.memory_space<hbm>>
    tpu.enqueue_indirect_dma source(%dma_start3A_107 : memref<10000x32xf32, #tpu.memory_space<hbm>>) target(%dma_start3A_101 : memref<128x32xf32, #tpu.memory_space<vmem>>) offsets(%dma_start3A_104 : memref<128xi32, #tpu.memory_space<vmem>>) semaphore(%arg11 : memref<!tpu.dma_semaphore, #tpu.memory_space<semaphore_mem>>)
    %scan3A_108 = arith.constant 0 : i32
    %scan3A_109 = arith.constant 0 : i32
    %scan3A_110 = arith.constant 1 : i32
    %scan3A_111 = arith.constant 2 : i32
    %scan3A_112 = arith.constant 3 : i32
    %scan3A_113 = arith.constant 4 : i32
    %scan3A_114 = arith.constant 5 : i32
    %scan3A_115 = arith.constant 6 : i32
    %scan3A_116 = arith.constant 7 : i32
    %scan3A_117 = arith.constant 8 : i32
    %scan3A_118 = arith.constant 9 : i32
    %scan3A_119 = arith.constant 10 : i32
    %scan3A_120 = arith.constant 11 : i32
    %scan3A_121 = arith.constant 12 : i32
    %scan3A_122 = arith.constant 13 : i32
    %scan3A_123 = arith.constant 14 : i32
    %scan3A_124 = arith.constant 15 : i32
    %scan3A_125 = arith.constant 0 : i32
    %scan3A_126 = arith.constant 5 : i32
    %scan3A_127 = arith.addi %scan3A_125, %scan3A_126 : i32
    %scan3A_128 = arith.constant 1 : i32
    scf.for %scan3A_135 = %scan3A_125 to %scan3A_127 step %scan3A_128  : i32 {
      %mul3A_136 = arith.constant 2 : i32
      %mul3A_137 = arith.muli %scan3A_135, %mul3A_136 : i32
      %mul3A_138 = arith.constant 8 : i32
      %mul3A_139 = arith.muli %mul3A_137, %mul3A_138 : i32
      %add3A_140 = arith.constant 0 : i32
      %add3A_141 = arith.addi %mul3A_139, %add3A_140 : i32
      %dma_wait3A = arith.constant 0 : i32
      %dma_wait3A_142 = arith.constant 0 : i32
      %dma_wait3A_143 = tpu.memref_slice %arg8[%scan3A_109, %dma_wait3A, %dma_wait3A_142] : memref<16x128x32xf32, #tpu.memory_space<vmem>> -> memref<1x128x32xf32, #tpu.memory_space<vmem>>
      %dma_wait3A_144 = tpu.memref_squeeze %dma_wait3A_143 : memref<1x128x32xf32, #tpu.memory_space<vmem>> -> memref<128x32xf32, #tpu.memory_space<vmem>>
      %dma_wait3A_145 = arith.constant 0 : i32
      %dma_wait3A_146 = tpu.memref_slice %arg6[%add3A_141, %dma_wait3A_145] : memref<80x128xi32, #tpu.memory_space<vmem>> -> memref<1x128xi32, #tpu.memory_space<vmem>>
      %dma_wait3A_147 = tpu.memref_squeeze %dma_wait3A_146 : memref<1x128xi32, #tpu.memory_space<vmem>> -> memref<128xi32, #tpu.memory_space<vmem>>
      %dma_wait3A_148 = arith.constant 0 : i32
      %dma_wait3A_149 = arith.constant 0 : i32
      %dma_wait3A_150 = tpu.memref_slice %arg2[%dma_wait3A_148, %dma_wait3A_149] : memref<10000x32xf32, #tpu.memory_space<hbm>> -> memref<10000x32xf32, #tpu.memory_space<hbm>>
      tpu.wait_indirect_dma semaphore(%arg11 : memref<!tpu.dma_semaphore, #tpu.memory_space<semaphore_mem>>) src(%dma_wait3A_150 : memref<10000x32xf32, #tpu.memory_space<hbm>>) dst(%dma_wait3A_144 : memref<128x32xf32, #tpu.memory_space<vmem>>)
      %mul3A_151 = arith.constant 8 : i32
      %mul3A_152 = arith.muli %mul3A_137, %mul3A_151 : i32
      %add3A_153 = arith.constant 1 : i32
      %add3A_154 = arith.addi %mul3A_152, %add3A_153 : i32
      %dma_wait3A_155 = arith.constant 0 : i32
      %dma_wait3A_156 = arith.constant 0 : i32
      %dma_wait3A_157 = tpu.memref_slice %arg8[%scan3A_110, %dma_wait3A_155, %dma_wait3A_156] : memref<16x128x32xf32, #tpu.memory_space<vmem>> -> memref<1x128x32xf32, #tpu.memory_space<vmem>>
      %dma_wait3A_158 = tpu.memref_squeeze %dma_wait3A_157 : memref<1x128x32xf32, #tpu.memory_space<vmem>> -> memref<128x32xf32, #tpu.memory_space<vmem>>
      %dma_wait3A_159 = arith.constant 0 : i32
      %dma_wait3A_160 = tpu.memref_slice %arg6[%add3A_154, %dma_wait3A_159] : memref<80x128xi32, #tpu.memory_space<vmem>> -> memref<1x128xi32, #tpu.memory_space<vmem>>
      %dma_wait3A_161 = tpu.memref_squeeze %dma_wait3A_160 : memref<1x128xi32, #tpu.memory_space<vmem>> -> memref<128xi32, #tpu.memory_space<vmem>>
      %dma_wait3A_162 = arith.constant 0 : i32
      %dma_wait3A_163 = arith.constant 0 : i32
      %dma_wait3A_164 = tpu.memref_slice %arg2[%dma_wait3A_162, %dma_wait3A_163] : memref<10000x32xf32, #tpu.memory_space<hbm>> -> memref<10000x32xf32, #tpu.memory_space<hbm>>
      tpu.wait_indirect_dma semaphore(%arg11 : memref<!tpu.dma_semaphore, #tpu.memory_space<semaphore_mem>>) src(%dma_wait3A_164 : memref<10000x32xf32, #tpu.memory_space<hbm>>) dst(%dma_wait3A_158 : memref<128x32xf32, #tpu.memory_space<vmem>>)
      %mul3A_165 = arith.constant 8 : i32
      %mul3A_166 = arith.muli %mul3A_137, %mul3A_165 : i32
      %add3A_167 = arith.constant 2 : i32
      %add3A_168 = arith.addi %mul3A_166, %add3A_167 : i32
      %dma_wait3A_169 = arith.constant 0 : i32
      %dma_wait3A_170 = arith.constant 0 : i32
      %dma_wait3A_171 = tpu.memref_slice %arg8[%scan3A_111, %dma_wait3A_169, %dma_wait3A_170] : memref<16x128x32xf32, #tpu.memory_space<vmem>> -> memref<1x128x32xf32, #tpu.memory_space<vmem>>
      %dma_wait3A_172 = tpu.memref_squeeze %dma_wait3A_171 : memref<1x128x32xf32, #tpu.memory_space<vmem>> -> memref<128x32xf32, #tpu.memory_space<vmem>>
      %dma_wait3A_173 = arith.constant 0 : i32
      %dma_wait3A_174 = tpu.memref_slice %arg6[%add3A_168, %dma_wait3A_173] : memref<80x128xi32, #tpu.memory_space<vmem>> -> memref<1x128xi32, #tpu.memory_space<vmem>>
      %dma_wait3A_175 = tpu.memref_squeeze %dma_wait3A_174 : memref<1x128xi32, #tpu.memory_space<vmem>> -> memref<128xi32, #tpu.memory_space<vmem>>
      %dma_wait3A_176 = arith.constant 0 : i32
      %dma_wait3A_177 = arith.constant 0 : i32
      %dma_wait3A_178 = tpu.memref_slice %arg2[%dma_wait3A_176, %dma_wait3A_177] : memref<10000x32xf32, #tpu.memory_space<hbm>> -> memref<10000x32xf32, #tpu.memory_space<hbm>>
      tpu.wait_indirect_dma semaphore(%arg11 : memref<!tpu.dma_semaphore, #tpu.memory_space<semaphore_mem>>) src(%dma_wait3A_178 : memref<10000x32xf32, #tpu.memory_space<hbm>>) dst(%dma_wait3A_172 : memref<128x32xf32, #tpu.memory_space<vmem>>)
      %mul3A_179 = arith.constant 8 : i32
      %mul3A_180 = arith.muli %mul3A_137, %mul3A_179 : i32
      %add3A_181 = arith.constant 3 : i32
      %add3A_182 = arith.addi %mul3A_180, %add3A_181 : i32
      %dma_wait3A_183 = arith.constant 0 : i32
      %dma_wait3A_184 = arith.constant 0 : i32
      %dma_wait3A_185 = tpu.memref_slice %arg8[%scan3A_112, %dma_wait3A_183, %dma_wait3A_184] : memref<16x128x32xf32, #tpu.memory_space<vmem>> -> memref<1x128x32xf32, #tpu.memory_space<vmem>>
      %dma_wait3A_186 = tpu.memref_squeeze %dma_wait3A_185 : memref<1x128x32xf32, #tpu.memory_space<vmem>> -> memref<128x32xf32, #tpu.memory_space<vmem>>
      %dma_wait3A_187 = arith.constant 0 : i32
      %dma_wait3A_188 = tpu.memref_slice %arg6[%add3A_182, %dma_wait3A_187] : memref<80x128xi32, #tpu.memory_space<vmem>> -> memref<1x128xi32, #tpu.memory_space<vmem>>
      %dma_wait3A_189 = tpu.memref_squeeze %dma_wait3A_188 : memref<1x128xi32, #tpu.memory_space<vmem>> -> memref<128xi32, #tpu.memory_space<vmem>>
      %dma_wait3A_190 = arith.constant 0 : i32
      %dma_wait3A_191 = arith.constant 0 : i32
      %dma_wait3A_192 = tpu.memref_slice %arg2[%dma_wait3A_190, %dma_wait3A_191] : memref<10000x32xf32, #tpu.memory_space<hbm>> -> memref<10000x32xf32, #tpu.memory_space<hbm>>
      tpu.wait_indirect_dma semaphore(%arg11 : memref<!tpu.dma_semaphore, #tpu.memory_space<semaphore_mem>>) src(%dma_wait3A_192 : memref<10000x32xf32, #tpu.memory_space<hbm>>) dst(%dma_wait3A_186 : memref<128x32xf32, #tpu.memory_space<vmem>>)
      %mul3A_193 = arith.constant 8 : i32
      %mul3A_194 = arith.muli %mul3A_137, %mul3A_193 : i32
      %add3A_195 = arith.constant 4 : i32
      %add3A_196 = arith.addi %mul3A_194, %add3A_195 : i32
      %dma_wait3A_197 = arith.constant 0 : i32
      %dma_wait3A_198 = arith.constant 0 : i32
      %dma_wait3A_199 = tpu.memref_slice %arg8[%scan3A_113, %dma_wait3A_197, %dma_wait3A_198] : memref<16x128x32xf32, #tpu.memory_space<vmem>> -> memref<1x128x32xf32, #tpu.memory_space<vmem>>
      %dma_wait3A_200 = tpu.memref_squeeze %dma_wait3A_199 : memref<1x128x32xf32, #tpu.memory_space<vmem>> -> memref<128x32xf32, #tpu.memory_space<vmem>>
      %dma_wait3A_201 = arith.constant 0 : i32
      %dma_wait3A_202 = tpu.memref_slice %arg6[%add3A_196, %dma_wait3A_201] : memref<80x128xi32, #tpu.memory_space<vmem>> -> memref<1x128xi32, #tpu.memory_space<vmem>>
      %dma_wait3A_203 = tpu.memref_squeeze %dma_wait3A_202 : memref<1x128xi32, #tpu.memory_space<vmem>> -> memref<128xi32, #tpu.memory_space<vmem>>
      %dma_wait3A_204 = arith.constant 0 : i32
      %dma_wait3A_205 = arith.constant 0 : i32
      %dma_wait3A_206 = tpu.memref_slice %arg2[%dma_wait3A_204, %dma_wait3A_205] : memref<10000x32xf32, #tpu.memory_space<hbm>> -> memref<10000x32xf32, #tpu.memory_space<hbm>>
      tpu.wait_indirect_dma semaphore(%arg11 : memref<!tpu.dma_semaphore, #tpu.memory_space<semaphore_mem>>) src(%dma_wait3A_206 : memref<10000x32xf32, #tpu.memory_space<hbm>>) dst(%dma_wait3A_200 : memref<128x32xf32, #tpu.memory_space<vmem>>)
      %mul3A_207 = arith.constant 8 : i32
      %mul3A_208 = arith.muli %mul3A_137, %mul3A_207 : i32
      %add3A_209 = arith.constant 5 : i32
      %add3A_210 = arith.addi %mul3A_208, %add3A_209 : i32
      %dma_wait3A_211 = arith.constant 0 : i32
      %dma_wait3A_212 = arith.constant 0 : i32
      %dma_wait3A_213 = tpu.memref_slice %arg8[%scan3A_114, %dma_wait3A_211, %dma_wait3A_212] : memref<16x128x32xf32, #tpu.memory_space<vmem>> -> memref<1x128x32xf32, #tpu.memory_space<vmem>>
      %dma_wait3A_214 = tpu.memref_squeeze %dma_wait3A_213 : memref<1x128x32xf32, #tpu.memory_space<vmem>> -> memref<128x32xf32, #tpu.memory_space<vmem>>
      %dma_wait3A_215 = arith.constant 0 : i32
      %dma_wait3A_216 = tpu.memref_slice %arg6[%add3A_210, %dma_wait3A_215] : memref<80x128xi32, #tpu.memory_space<vmem>> -> memref<1x128xi32, #tpu.memory_space<vmem>>
      %dma_wait3A_217 = tpu.memref_squeeze %dma_wait3A_216 : memref<1x128xi32, #tpu.memory_space<vmem>> -> memref<128xi32, #tpu.memory_space<vmem>>
      %dma_wait3A_218 = arith.constant 0 : i32
      %dma_wait3A_219 = arith.constant 0 : i32
      %dma_wait3A_220 = tpu.memref_slice %arg2[%dma_wait3A_218, %dma_wait3A_219] : memref<10000x32xf32, #tpu.memory_space<hbm>> -> memref<10000x32xf32, #tpu.memory_space<hbm>>
      tpu.wait_indirect_dma semaphore(%arg11 : memref<!tpu.dma_semaphore, #tpu.memory_space<semaphore_mem>>) src(%dma_wait3A_220 : memref<10000x32xf32, #tpu.memory_space<hbm>>) dst(%dma_wait3A_214 : memref<128x32xf32, #tpu.memory_space<vmem>>)
      %mul3A_221 = arith.constant 8 : i32
      %mul3A_222 = arith.muli %mul3A_137, %mul3A_221 : i32
      %add3A_223 = arith.constant 6 : i32
      %add3A_224 = arith.addi %mul3A_222, %add3A_223 : i32
      %dma_wait3A_225 = arith.constant 0 : i32
      %dma_wait3A_226 = arith.constant 0 : i32
      %dma_wait3A_227 = tpu.memref_slice %arg8[%scan3A_115, %dma_wait3A_225, %dma_wait3A_226] : memref<16x128x32xf32, #tpu.memory_space<vmem>> -> memref<1x128x32xf32, #tpu.memory_space<vmem>>
      %dma_wait3A_228 = tpu.memref_squeeze %dma_wait3A_227 : memref<1x128x32xf32, #tpu.memory_space<vmem>> -> memref<128x32xf32, #tpu.memory_space<vmem>>
      %dma_wait3A_229 = arith.constant 0 : i32
      %dma_wait3A_230 = tpu.memref_slice %arg6[%add3A_224, %dma_wait3A_229] : memref<80x128xi32, #tpu.memory_space<vmem>> -> memref<1x128xi32, #tpu.memory_space<vmem>>
      %dma_wait3A_231 = tpu.memref_squeeze %dma_wait3A_230 : memref<1x128xi32, #tpu.memory_space<vmem>> -> memref<128xi32, #tpu.memory_space<vmem>>
      %dma_wait3A_232 = arith.constant 0 : i32
      %dma_wait3A_233 = arith.constant 0 : i32
      %dma_wait3A_234 = tpu.memref_slice %arg2[%dma_wait3A_232, %dma_wait3A_233] : memref<10000x32xf32, #tpu.memory_space<hbm>> -> memref<10000x32xf32, #tpu.memory_space<hbm>>
      tpu.wait_indirect_dma semaphore(%arg11 : memref<!tpu.dma_semaphore, #tpu.memory_space<semaphore_mem>>) src(%dma_wait3A_234 : memref<10000x32xf32, #tpu.memory_space<hbm>>) dst(%dma_wait3A_228 : memref<128x32xf32, #tpu.memory_space<vmem>>)
      %mul3A_235 = arith.constant 8 : i32
      %mul3A_236 = arith.muli %mul3A_137, %mul3A_235 : i32
      %add3A_237 = arith.constant 7 : i32
      %add3A_238 = arith.addi %mul3A_236, %add3A_237 : i32
      %dma_wait3A_239 = arith.constant 0 : i32
      %dma_wait3A_240 = arith.constant 0 : i32
      %dma_wait3A_241 = tpu.memref_slice %arg8[%scan3A_116, %dma_wait3A_239, %dma_wait3A_240] : memref<16x128x32xf32, #tpu.memory_space<vmem>> -> memref<1x128x32xf32, #tpu.memory_space<vmem>>
      %dma_wait3A_242 = tpu.memref_squeeze %dma_wait3A_241 : memref<1x128x32xf32, #tpu.memory_space<vmem>> -> memref<128x32xf32, #tpu.memory_space<vmem>>
      %dma_wait3A_243 = arith.constant 0 : i32
      %dma_wait3A_244 = tpu.memref_slice %arg6[%add3A_238, %dma_wait3A_243] : memref<80x128xi32, #tpu.memory_space<vmem>> -> memref<1x128xi32, #tpu.memory_space<vmem>>
      %dma_wait3A_245 = tpu.memref_squeeze %dma_wait3A_244 : memref<1x128xi32, #tpu.memory_space<vmem>> -> memref<128xi32, #tpu.memory_space<vmem>>
      %dma_wait3A_246 = arith.constant 0 : i32
      %dma_wait3A_247 = arith.constant 0 : i32
      %dma_wait3A_248 = tpu.memref_slice %arg2[%dma_wait3A_246, %dma_wait3A_247] : memref<10000x32xf32, #tpu.memory_space<hbm>> -> memref<10000x32xf32, #tpu.memory_space<hbm>>
      tpu.wait_indirect_dma semaphore(%arg11 : memref<!tpu.dma_semaphore, #tpu.memory_space<semaphore_mem>>) src(%dma_wait3A_248 : memref<10000x32xf32, #tpu.memory_space<hbm>>) dst(%dma_wait3A_242 : memref<128x32xf32, #tpu.memory_space<vmem>>)
      %add3A_249 = arith.constant 1 : i32
      %add3A_250 = arith.addi %mul3A_137, %add3A_249 : i32
      %mul3A_251 = arith.constant 8 : i32
      %mul3A_252 = arith.muli %add3A_250, %mul3A_251 : i32
      %add3A_253 = arith.constant 0 : i32
      %add3A_254 = arith.addi %mul3A_252, %add3A_253 : i32
      %dma_start3A_255 = arith.constant 0 : i32
      %dma_start3A_256 = arith.constant 0 : i32
      %dma_start3A_257 = tpu.memref_slice %arg8[%scan3A_117, %dma_start3A_255, %dma_start3A_256] : memref<16x128x32xf32, #tpu.memory_space<vmem>> -> memref<1x128x32xf32, #tpu.memory_space<vmem>>
      %dma_start3A_258 = tpu.memref_squeeze %dma_start3A_257 : memref<1x128x32xf32, #tpu.memory_space<vmem>> -> memref<128x32xf32, #tpu.memory_space<vmem>>
      %dma_start3A_259 = arith.constant 0 : i32
      %dma_start3A_260 = tpu.memref_slice %arg6[%add3A_254, %dma_start3A_259] : memref<80x128xi32, #tpu.memory_space<vmem>> -> memref<1x128xi32, #tpu.memory_space<vmem>>
      %dma_start3A_261 = tpu.memref_squeeze %dma_start3A_260 : memref<1x128xi32, #tpu.memory_space<vmem>> -> memref<128xi32, #tpu.memory_space<vmem>>
      %dma_start3A_262 = arith.constant 0 : i32
      %dma_start3A_263 = arith.constant 0 : i32
      %dma_start3A_264 = tpu.memref_slice %arg2[%dma_start3A_262, %dma_start3A_263] : memref<10000x32xf32, #tpu.memory_space<hbm>> -> memref<10000x32xf32, #tpu.memory_space<hbm>>
      tpu.enqueue_indirect_dma source(%dma_start3A_264 : memref<10000x32xf32, #tpu.memory_space<hbm>>) target(%dma_start3A_258 : memref<128x32xf32, #tpu.memory_space<vmem>>) offsets(%dma_start3A_261 : memref<128xi32, #tpu.memory_space<vmem>>) semaphore(%arg11 : memref<!tpu.dma_semaphore, #tpu.memory_space<semaphore_mem>>)
      %add3A_265 = arith.constant 1 : i32
      %add3A_266 = arith.addi %mul3A_137, %add3A_265 : i32
      %mul3A_267 = arith.constant 8 : i32
      %mul3A_268 = arith.muli %add3A_266, %mul3A_267 : i32
      %add3A_269 = arith.constant 1 : i32
      %add3A_270 = arith.addi %mul3A_268, %add3A_269 : i32
      %dma_start3A_271 = arith.constant 0 : i32
      %dma_start3A_272 = arith.constant 0 : i32
      %dma_start3A_273 = tpu.memref_slice %arg8[%scan3A_118, %dma_start3A_271, %dma_start3A_272] : memref<16x128x32xf32, #tpu.memory_space<vmem>> -> memref<1x128x32xf32, #tpu.memory_space<vmem>>
      %dma_start3A_274 = tpu.memref_squeeze %dma_start3A_273 : memref<1x128x32xf32, #tpu.memory_space<vmem>> -> memref<128x32xf32, #tpu.memory_space<vmem>>
      %dma_start3A_275 = arith.constant 0 : i32
      %dma_start3A_276 = tpu.memref_slice %arg6[%add3A_270, %dma_start3A_275] : memref<80x128xi32, #tpu.memory_space<vmem>> -> memref<1x128xi32, #tpu.memory_space<vmem>>
      %dma_start3A_277 = tpu.memref_squeeze %dma_start3A_276 : memref<1x128xi32, #tpu.memory_space<vmem>> -> memref<128xi32, #tpu.memory_space<vmem>>
      %dma_start3A_278 = arith.constant 0 : i32
      %dma_start3A_279 = arith.constant 0 : i32
      %dma_start3A_280 = tpu.memref_slice %arg2[%dma_start3A_278, %dma_start3A_279] : memref<10000x32xf32, #tpu.memory_space<hbm>> -> memref<10000x32xf32, #tpu.memory_space<hbm>>
      tpu.enqueue_indirect_dma source(%dma_start3A_280 : memref<10000x32xf32, #tpu.memory_space<hbm>>) target(%dma_start3A_274 : memref<128x32xf32, #tpu.memory_space<vmem>>) offsets(%dma_start3A_277 : memref<128xi32, #tpu.memory_space<vmem>>) semaphore(%arg11 : memref<!tpu.dma_semaphore, #tpu.memory_space<semaphore_mem>>)
      %add3A_281 = arith.constant 1 : i32
      %add3A_282 = arith.addi %mul3A_137, %add3A_281 : i32
      %mul3A_283 = arith.constant 8 : i32
      %mul3A_284 = arith.muli %add3A_282, %mul3A_283 : i32
      %add3A_285 = arith.constant 2 : i32
      %add3A_286 = arith.addi %mul3A_284, %add3A_285 : i32
      %dma_start3A_287 = arith.constant 0 : i32
      %dma_start3A_288 = arith.constant 0 : i32
      %dma_start3A_289 = tpu.memref_slice %arg8[%scan3A_119, %dma_start3A_287, %dma_start3A_288] : memref<16x128x32xf32, #tpu.memory_space<vmem>> -> memref<1x128x32xf32, #tpu.memory_space<vmem>>
      %dma_start3A_290 = tpu.memref_squeeze %dma_start3A_289 : memref<1x128x32xf32, #tpu.memory_space<vmem>> -> memref<128x32xf32, #tpu.memory_space<vmem>>
      %dma_start3A_291 = arith.constant 0 : i32
      %dma_start3A_292 = tpu.memref_slice %arg6[%add3A_286, %dma_start3A_291] : memref<80x128xi32, #tpu.memory_space<vmem>> -> memref<1x128xi32, #tpu.memory_space<vmem>>
      %dma_start3A_293 = tpu.memref_squeeze %dma_start3A_292 : memref<1x128xi32, #tpu.memory_space<vmem>> -> memref<128xi32, #tpu.memory_space<vmem>>
      %dma_start3A_294 = arith.constant 0 : i32
      %dma_start3A_295 = arith.constant 0 : i32
      %dma_start3A_296 = tpu.memref_slice %arg2[%dma_start3A_294, %dma_start3A_295] : memref<10000x32xf32, #tpu.memory_space<hbm>> -> memref<10000x32xf32, #tpu.memory_space<hbm>>
      tpu.enqueue_indirect_dma source(%dma_start3A_296 : memref<10000x32xf32, #tpu.memory_space<hbm>>) target(%dma_start3A_290 : memref<128x32xf32, #tpu.memory_space<vmem>>) offsets(%dma_start3A_293 : memref<128xi32, #tpu.memory_space<vmem>>) semaphore(%arg11 : memref<!tpu.dma_semaphore, #tpu.memory_space<semaphore_mem>>)
      %add3A_297 = arith.constant 1 : i32
      %add3A_298 = arith.addi %mul3A_137, %add3A_297 : i32
      %mul3A_299 = arith.constant 8 : i32
      %mul3A_300 = arith.muli %add3A_298, %mul3A_299 : i32
      %add3A_301 = arith.constant 3 : i32
      %add3A_302 = arith.addi %mul3A_300, %add3A_301 : i32
      %dma_start3A_303 = arith.constant 0 : i32
      %dma_start3A_304 = arith.constant 0 : i32
      %dma_start3A_305 = tpu.memref_slice %arg8[%scan3A_120, %dma_start3A_303, %dma_start3A_304] : memref<16x128x32xf32, #tpu.memory_space<vmem>> -> memref<1x128x32xf32, #tpu.memory_space<vmem>>
      %dma_start3A_306 = tpu.memref_squeeze %dma_start3A_305 : memref<1x128x32xf32, #tpu.memory_space<vmem>> -> memref<128x32xf32, #tpu.memory_space<vmem>>
      %dma_start3A_307 = arith.constant 0 : i32
      %dma_start3A_308 = tpu.memref_slice %arg6[%add3A_302, %dma_start3A_307] : memref<80x128xi32, #tpu.memory_space<vmem>> -> memref<1x128xi32, #tpu.memory_space<vmem>>
      %dma_start3A_309 = tpu.memref_squeeze %dma_start3A_308 : memref<1x128xi32, #tpu.memory_space<vmem>> -> memref<128xi32, #tpu.memory_space<vmem>>
      %dma_start3A_310 = arith.constant 0 : i32
      %dma_start3A_311 = arith.constant 0 : i32
      %dma_start3A_312 = tpu.memref_slice %arg2[%dma_start3A_310, %dma_start3A_311] : memref<10000x32xf32, #tpu.memory_space<hbm>> -> memref<10000x32xf32, #tpu.memory_space<hbm>>
      tpu.enqueue_indirect_dma source(%dma_start3A_312 : memref<10000x32xf32, #tpu.memory_space<hbm>>) target(%dma_start3A_306 : memref<128x32xf32, #tpu.memory_space<vmem>>) offsets(%dma_start3A_309 : memref<128xi32, #tpu.memory_space<vmem>>) semaphore(%arg11 : memref<!tpu.dma_semaphore, #tpu.memory_space<semaphore_mem>>)
      %add3A_313 = arith.constant 1 : i32
      %add3A_314 = arith.addi %mul3A_137, %add3A_313 : i32
      %mul3A_315 = arith.constant 8 : i32
      %mul3A_316 = arith.muli %add3A_314, %mul3A_315 : i32
      %add3A_317 = arith.constant 4 : i32
      %add3A_318 = arith.addi %mul3A_316, %add3A_317 : i32
      %dma_start3A_319 = arith.constant 0 : i32
      %dma_start3A_320 = arith.constant 0 : i32
      %dma_start3A_321 = tpu.memref_slice %arg8[%scan3A_121, %dma_start3A_319, %dma_start3A_320] : memref<16x128x32xf32, #tpu.memory_space<vmem>> -> memref<1x128x32xf32, #tpu.memory_space<vmem>>
      %dma_start3A_322 = tpu.memref_squeeze %dma_start3A_321 : memref<1x128x32xf32, #tpu.memory_space<vmem>> -> memref<128x32xf32, #tpu.memory_space<vmem>>
      %dma_start3A_323 = arith.constant 0 : i32
      %dma_start3A_324 = tpu.memref_slice %arg6[%add3A_318, %dma_start3A_323] : memref<80x128xi32, #tpu.memory_space<vmem>> -> memref<1x128xi32, #tpu.memory_space<vmem>>
      %dma_start3A_325 = tpu.memref_squeeze %dma_start3A_324 : memref<1x128xi32, #tpu.memory_space<vmem>> -> memref<128xi32, #tpu.memory_space<vmem>>
      %dma_start3A_326 = arith.constant 0 : i32
      %dma_start3A_327 = arith.constant 0 : i32
      %dma_start3A_328 = tpu.memref_slice %arg2[%dma_start3A_326, %dma_start3A_327] : memref<10000x32xf32, #tpu.memory_space<hbm>> -> memref<10000x32xf32, #tpu.memory_space<hbm>>
      tpu.enqueue_indirect_dma source(%dma_start3A_328 : memref<10000x32xf32, #tpu.memory_space<hbm>>) target(%dma_start3A_322 : memref<128x32xf32, #tpu.memory_space<vmem>>) offsets(%dma_start3A_325 : memref<128xi32, #tpu.memory_space<vmem>>) semaphore(%arg11 : memref<!tpu.dma_semaphore, #tpu.memory_space<semaphore_mem>>)
      %add3A_329 = arith.constant 1 : i32
      %add3A_330 = arith.addi %mul3A_137, %add3A_329 : i32
      %mul3A_331 = arith.constant 8 : i32
      %mul3A_332 = arith.muli %add3A_330, %mul3A_331 : i32
      %add3A_333 = arith.constant 5 : i32
      %add3A_334 = arith.addi %mul3A_332, %add3A_333 : i32
      %dma_start3A_335 = arith.constant 0 : i32
      %dma_start3A_336 = arith.constant 0 : i32
      %dma_start3A_337 = tpu.memref_slice %arg8[%scan3A_122, %dma_start3A_335, %dma_start3A_336] : memref<16x128x32xf32, #tpu.memory_space<vmem>> -> memref<1x128x32xf32, #tpu.memory_space<vmem>>
      %dma_start3A_338 = tpu.memref_squeeze %dma_start3A_337 : memref<1x128x32xf32, #tpu.memory_space<vmem>> -> memref<128x32xf32, #tpu.memory_space<vmem>>
      %dma_start3A_339 = arith.constant 0 : i32
      %dma_start3A_340 = tpu.memref_slice %arg6[%add3A_334, %dma_start3A_339] : memref<80x128xi32, #tpu.memory_space<vmem>> -> memref<1x128xi32, #tpu.memory_space<vmem>>
      %dma_start3A_341 = tpu.memref_squeeze %dma_start3A_340 : memref<1x128xi32, #tpu.memory_space<vmem>> -> memref<128xi32, #tpu.memory_space<vmem>>
      %dma_start3A_342 = arith.constant 0 : i32
      %dma_start3A_343 = arith.constant 0 : i32
      %dma_start3A_344 = tpu.memref_slice %arg2[%dma_start3A_342, %dma_start3A_343] : memref<10000x32xf32, #tpu.memory_space<hbm>> -> memref<10000x32xf32, #tpu.memory_space<hbm>>
      tpu.enqueue_indirect_dma source(%dma_start3A_344 : memref<10000x32xf32, #tpu.memory_space<hbm>>) target(%dma_start3A_338 : memref<128x32xf32, #tpu.memory_space<vmem>>) offsets(%dma_start3A_341 : memref<128xi32, #tpu.memory_space<vmem>>) semaphore(%arg11 : memref<!tpu.dma_semaphore, #tpu.memory_space<semaphore_mem>>)
      %add3A_345 = arith.constant 1 : i32
      %add3A_346 = arith.addi %mul3A_137, %add3A_345 : i32
      %mul3A_347 = arith.constant 8 : i32
      %mul3A_348 = arith.muli %add3A_346, %mul3A_347 : i32
      %add3A_349 = arith.constant 6 : i32
      %add3A_350 = arith.addi %mul3A_348, %add3A_349 : i32
      %dma_start3A_351 = arith.constant 0 : i32
      %dma_start3A_352 = arith.constant 0 : i32
      %dma_start3A_353 = tpu.memref_slice %arg8[%scan3A_123, %dma_start3A_351, %dma_start3A_352] : memref<16x128x32xf32, #tpu.memory_space<vmem>> -> memref<1x128x32xf32, #tpu.memory_space<vmem>>
      %dma_start3A_354 = tpu.memref_squeeze %dma_start3A_353 : memref<1x128x32xf32, #tpu.memory_space<vmem>> -> memref<128x32xf32, #tpu.memory_space<vmem>>
      %dma_start3A_355 = arith.constant 0 : i32
      %dma_start3A_356 = tpu.memref_slice %arg6[%add3A_350, %dma_start3A_355] : memref<80x128xi32, #tpu.memory_space<vmem>> -> memref<1x128xi32, #tpu.memory_space<vmem>>
      %dma_start3A_357 = tpu.memref_squeeze %dma_start3A_356 : memref<1x128xi32, #tpu.memory_space<vmem>> -> memref<128xi32, #tpu.memory_space<vmem>>
      %dma_start3A_358 = arith.constant 0 : i32
      %dma_start3A_359 = arith.constant 0 : i32
      %dma_start3A_360 = tpu.memref_slice %arg2[%dma_start3A_358, %dma_start3A_359] : memref<10000x32xf32, #tpu.memory_space<hbm>> -> memref<10000x32xf32, #tpu.memory_space<hbm>>
      tpu.enqueue_indirect_dma source(%dma_start3A_360 : memref<10000x32xf32, #tpu.memory_space<hbm>>) target(%dma_start3A_354 : memref<128x32xf32, #tpu.memory_space<vmem>>) offsets(%dma_start3A_357 : memref<128xi32, #tpu.memory_space<vmem>>) semaphore(%arg11 : memref<!tpu.dma_semaphore, #tpu.memory_space<semaphore_mem>>)
      %add3A_361 = arith.constant 1 : i32
      %add3A_362 = arith.addi %mul3A_137, %add3A_361 : i32
      %mul3A_363 = arith.constant 8 : i32
      %mul3A_364 = arith.muli %add3A_362, %mul3A_363 : i32
      %add3A_365 = arith.constant 7 : i32
      %add3A_366 = arith.addi %mul3A_364, %add3A_365 : i32
      %dma_start3A_367 = arith.constant 0 : i32
      %dma_start3A_368 = arith.constant 0 : i32
      %dma_start3A_369 = tpu.memref_slice %arg8[%scan3A_124, %dma_start3A_367, %dma_start3A_368] : memref<16x128x32xf32, #tpu.memory_space<vmem>> -> memref<1x128x32xf32, #tpu.memory_space<vmem>>
      %dma_start3A_370 = tpu.memref_squeeze %dma_start3A_369 : memref<1x128x32xf32, #tpu.memory_space<vmem>> -> memref<128x32xf32, #tpu.memory_space<vmem>>
      %dma_start3A_371 = arith.constant 0 : i32
      %dma_start3A_372 = tpu.memref_slice %arg6[%add3A_366, %dma_start3A_371] : memref<80x128xi32, #tpu.memory_space<vmem>> -> memref<1x128xi32, #tpu.memory_space<vmem>>
      %dma_start3A_373 = tpu.memref_squeeze %dma_start3A_372 : memref<1x128xi32, #tpu.memory_space<vmem>> -> memref<128xi32, #tpu.memory_space<vmem>>
      %dma_start3A_374 = arith.constant 0 : i32
      %dma_start3A_375 = arith.constant 0 : i32
      %dma_start3A_376 = tpu.memref_slice %arg2[%dma_start3A_374, %dma_start3A_375] : memref<10000x32xf32, #tpu.memory_space<hbm>> -> memref<10000x32xf32, #tpu.memory_space<hbm>>
      tpu.enqueue_indirect_dma source(%dma_start3A_376 : memref<10000x32xf32, #tpu.memory_space<hbm>>) target(%dma_start3A_370 : memref<128x32xf32, #tpu.memory_space<vmem>>) offsets(%dma_start3A_373 : memref<128xi32, #tpu.memory_space<vmem>>) semaphore(%arg11 : memref<!tpu.dma_semaphore, #tpu.memory_space<semaphore_mem>>)
      %mul3A_377 = arith.constant 8 : i32
      %mul3A_378 = arith.muli %mul3A_137, %mul3A_377 : i32
      %add3A_379 = arith.constant 0 : i32
      %add3A_380 = arith.addi %mul3A_378, %add3A_379 : i32
      %dma_start3A_381 = arith.constant 0 : i32
      %dma_start3A_382 = arith.constant 0 : i32
      %dma_start3A_383 = tpu.memref_slice %arg8[%scan3A_109, %dma_start3A_381, %dma_start3A_382] : memref<16x128x32xf32, #tpu.memory_space<vmem>> -> memref<1x128x32xf32, #tpu.memory_space<vmem>>
      %dma_start3A_384 = tpu.memref_squeeze %dma_start3A_383 : memref<1x128x32xf32, #tpu.memory_space<vmem>> -> memref<128x32xf32, #tpu.memory_space<vmem>>
      %dma_start3A_385 = arith.constant 0 : i32
      %dma_start3A_386 = tpu.memref_slice %arg7[%add3A_380, %dma_start3A_385] : memref<80x128xi32, #tpu.memory_space<vmem>> -> memref<1x128xi32, #tpu.memory_space<vmem>>
      %dma_start3A_387 = tpu.memref_squeeze %dma_start3A_386 : memref<1x128xi32, #tpu.memory_space<vmem>> -> memref<128xi32, #tpu.memory_space<vmem>>
      %dma_start3A_388 = arith.constant 0 : i32
      %dma_start3A_389 = arith.constant 0 : i32
      %dma_start3A_390 = tpu.memref_slice %arg10[%dma_start3A_388, %dma_start3A_389] : memref<10240x32xf32, #tpu.memory_space<vmem_shared>> -> memref<10240x32xf32, #tpu.memory_space<vmem_shared>>
      tpu.enqueue_indirect_dma source(%dma_start3A_384 : memref<128x32xf32, #tpu.memory_space<vmem>>) target(%dma_start3A_390 : memref<10240x32xf32, #tpu.memory_space<vmem_shared>>) offsets(%dma_start3A_387 : memref<128xi32, #tpu.memory_space<vmem>>) semaphore(%arg12 : memref<!tpu.dma_semaphore, #tpu.memory_space<semaphore_mem>>) {add = true}
      %mul3A_391 = arith.constant 8 : i32
      %mul3A_392 = arith.muli %mul3A_137, %mul3A_391 : i32
      %add3A_393 = arith.constant 1 : i32
      %add3A_394 = arith.addi %mul3A_392, %add3A_393 : i32
      %dma_start3A_395 = arith.constant 0 : i32
      %dma_start3A_396 = arith.constant 0 : i32
      %dma_start3A_397 = tpu.memref_slice %arg8[%scan3A_110, %dma_start3A_395, %dma_start3A_396] : memref<16x128x32xf32, #tpu.memory_space<vmem>> -> memref<1x128x32xf32, #tpu.memory_space<vmem>>
      %dma_start3A_398 = tpu.memref_squeeze %dma_start3A_397 : memref<1x128x32xf32, #tpu.memory_space<vmem>> -> memref<128x32xf32, #tpu.memory_space<vmem>>
      %dma_start3A_399 = arith.constant 0 : i32
      %dma_start3A_400 = tpu.memref_slice %arg7[%add3A_394, %dma_start3A_399] : memref<80x128xi32, #tpu.memory_space<vmem>> -> memref<1x128xi32, #tpu.memory_space<vmem>>
      %dma_start3A_401 = tpu.memref_squeeze %dma_start3A_400 : memref<1x128xi32, #tpu.memory_space<vmem>> -> memref<128xi32, #tpu.memory_space<vmem>>
      %dma_start3A_402 = arith.constant 0 : i32
      %dma_start3A_403 = arith.constant 0 : i32
      %dma_start3A_404 = tpu.memref_slice %arg10[%dma_start3A_402, %dma_start3A_403] : memref<10240x32xf32, #tpu.memory_space<vmem_shared>> -> memref<10240x32xf32, #tpu.memory_space<vmem_shared>>
      tpu.enqueue_indirect_dma source(%dma_start3A_398 : memref<128x32xf32, #tpu.memory_space<vmem>>) target(%dma_start3A_404 : memref<10240x32xf32, #tpu.memory_space<vmem_shared>>) offsets(%dma_start3A_401 : memref<128xi32, #tpu.memory_space<vmem>>) semaphore(%arg12 : memref<!tpu.dma_semaphore, #tpu.memory_space<semaphore_mem>>) {add = true}
      %mul3A_405 = arith.constant 8 : i32
      %mul3A_406 = arith.muli %mul3A_137, %mul3A_405 : i32
      %add3A_407 = arith.constant 2 : i32
      %add3A_408 = arith.addi %mul3A_406, %add3A_407 : i32
      %dma_start3A_409 = arith.constant 0 : i32
      %dma_start3A_410 = arith.constant 0 : i32
      %dma_start3A_411 = tpu.memref_slice %arg8[%scan3A_111, %dma_start3A_409, %dma_start3A_410] : memref<16x128x32xf32, #tpu.memory_space<vmem>> -> memref<1x128x32xf32, #tpu.memory_space<vmem>>
      %dma_start3A_412 = tpu.memref_squeeze %dma_start3A_411 : memref<1x128x32xf32, #tpu.memory_space<vmem>> -> memref<128x32xf32, #tpu.memory_space<vmem>>
      %dma_start3A_413 = arith.constant 0 : i32
      %dma_start3A_414 = tpu.memref_slice %arg7[%add3A_408, %dma_start3A_413] : memref<80x128xi32, #tpu.memory_space<vmem>> -> memref<1x128xi32, #tpu.memory_space<vmem>>
      %dma_start3A_415 = tpu.memref_squeeze %dma_start3A_414 : memref<1x128xi32, #tpu.memory_space<vmem>> -> memref<128xi32, #tpu.memory_space<vmem>>
      %dma_start3A_416 = arith.constant 0 : i32
      %dma_start3A_417 = arith.constant 0 : i32
      %dma_start3A_418 = tpu.memref_slice %arg10[%dma_start3A_416, %dma_start3A_417] : memref<10240x32xf32, #tpu.memory_space<vmem_shared>> -> memref<10240x32xf32, #tpu.memory_space<vmem_shared>>
      tpu.enqueue_indirect_dma source(%dma_start3A_412 : memref<128x32xf32, #tpu.memory_space<vmem>>) target(%dma_start3A_418 : memref<10240x32xf32, #tpu.memory_space<vmem_shared>>) offsets(%dma_start3A_415 : memref<128xi32, #tpu.memory_space<vmem>>) semaphore(%arg12 : memref<!tpu.dma_semaphore, #tpu.memory_space<semaphore_mem>>) {add = true}
      %mul3A_419 = arith.constant 8 : i32
      %mul3A_420 = arith.muli %mul3A_137, %mul3A_419 : i32
      %add3A_421 = arith.constant 3 : i32
      %add3A_422 = arith.addi %mul3A_420, %add3A_421 : i32
      %dma_start3A_423 = arith.constant 0 : i32
      %dma_start3A_424 = arith.constant 0 : i32
      %dma_start3A_425 = tpu.memref_slice %arg8[%scan3A_112, %dma_start3A_423, %dma_start3A_424] : memref<16x128x32xf32, #tpu.memory_space<vmem>> -> memref<1x128x32xf32, #tpu.memory_space<vmem>>
      %dma_start3A_426 = tpu.memref_squeeze %dma_start3A_425 : memref<1x128x32xf32, #tpu.memory_space<vmem>> -> memref<128x32xf32, #tpu.memory_space<vmem>>
      %dma_start3A_427 = arith.constant 0 : i32
      %dma_start3A_428 = tpu.memref_slice %arg7[%add3A_422, %dma_start3A_427] : memref<80x128xi32, #tpu.memory_space<vmem>> -> memref<1x128xi32, #tpu.memory_space<vmem>>
      %dma_start3A_429 = tpu.memref_squeeze %dma_start3A_428 : memref<1x128xi32, #tpu.memory_space<vmem>> -> memref<128xi32, #tpu.memory_space<vmem>>
      %dma_start3A_430 = arith.constant 0 : i32
      %dma_start3A_431 = arith.constant 0 : i32
      %dma_start3A_432 = tpu.memref_slice %arg10[%dma_start3A_430, %dma_start3A_431] : memref<10240x32xf32, #tpu.memory_space<vmem_shared>> -> memref<10240x32xf32, #tpu.memory_space<vmem_shared>>
      tpu.enqueue_indirect_dma source(%dma_start3A_426 : memref<128x32xf32, #tpu.memory_space<vmem>>) target(%dma_start3A_432 : memref<10240x32xf32, #tpu.memory_space<vmem_shared>>) offsets(%dma_start3A_429 : memref<128xi32, #tpu.memory_space<vmem>>) semaphore(%arg12 : memref<!tpu.dma_semaphore, #tpu.memory_space<semaphore_mem>>) {add = true}
      %mul3A_433 = arith.constant 8 : i32
      %mul3A_434 = arith.muli %mul3A_137, %mul3A_433 : i32
      %add3A_435 = arith.constant 4 : i32
      %add3A_436 = arith.addi %mul3A_434, %add3A_435 : i32
      %dma_start3A_437 = arith.constant 0 : i32
      %dma_start3A_438 = arith.constant 0 : i32
      %dma_start3A_439 = tpu.memref_slice %arg8[%scan3A_113, %dma_start3A_437, %dma_start3A_438] : memref<16x128x32xf32, #tpu.memory_space<vmem>> -> memref<1x128x32xf32, #tpu.memory_space<vmem>>
      %dma_start3A_440 = tpu.memref_squeeze %dma_start3A_439 : memref<1x128x32xf32, #tpu.memory_space<vmem>> -> memref<128x32xf32, #tpu.memory_space<vmem>>
      %dma_start3A_441 = arith.constant 0 : i32
      %dma_start3A_442 = tpu.memref_slice %arg7[%add3A_436, %dma_start3A_441] : memref<80x128xi32, #tpu.memory_space<vmem>> -> memref<1x128xi32, #tpu.memory_space<vmem>>
      %dma_start3A_443 = tpu.memref_squeeze %dma_start3A_442 : memref<1x128xi32, #tpu.memory_space<vmem>> -> memref<128xi32, #tpu.memory_space<vmem>>
      %dma_start3A_444 = arith.constant 0 : i32
      %dma_start3A_445 = arith.constant 0 : i32
      %dma_start3A_446 = tpu.memref_slice %arg10[%dma_start3A_444, %dma_start3A_445] : memref<10240x32xf32, #tpu.memory_space<vmem_shared>> -> memref<10240x32xf32, #tpu.memory_space<vmem_shared>>
      tpu.enqueue_indirect_dma source(%dma_start3A_440 : memref<128x32xf32, #tpu.memory_space<vmem>>) target(%dma_start3A_446 : memref<10240x32xf32, #tpu.memory_space<vmem_shared>>) offsets(%dma_start3A_443 : memref<128xi32, #tpu.memory_space<vmem>>) semaphore(%arg12 : memref<!tpu.dma_semaphore, #tpu.memory_space<semaphore_mem>>) {add = true}
      %mul3A_447 = arith.constant 8 : i32
      %mul3A_448 = arith.muli %mul3A_137, %mul3A_447 : i32
      %add3A_449 = arith.constant 5 : i32
      %add3A_450 = arith.addi %mul3A_448, %add3A_449 : i32
      %dma_start3A_451 = arith.constant 0 : i32
      %dma_start3A_452 = arith.constant 0 : i32
      %dma_start3A_453 = tpu.memref_slice %arg8[%scan3A_114, %dma_start3A_451, %dma_start3A_452] : memref<16x128x32xf32, #tpu.memory_space<vmem>> -> memref<1x128x32xf32, #tpu.memory_space<vmem>>
      %dma_start3A_454 = tpu.memref_squeeze %dma_start3A_453 : memref<1x128x32xf32, #tpu.memory_space<vmem>> -> memref<128x32xf32, #tpu.memory_space<vmem>>
      %dma_start3A_455 = arith.constant 0 : i32
      %dma_start3A_456 = tpu.memref_slice %arg7[%add3A_450, %dma_start3A_455] : memref<80x128xi32, #tpu.memory_space<vmem>> -> memref<1x128xi32, #tpu.memory_space<vmem>>
      %dma_start3A_457 = tpu.memref_squeeze %dma_start3A_456 : memref<1x128xi32, #tpu.memory_space<vmem>> -> memref<128xi32, #tpu.memory_space<vmem>>
      %dma_start3A_458 = arith.constant 0 : i32
      %dma_start3A_459 = arith.constant 0 : i32
      %dma_start3A_460 = tpu.memref_slice %arg10[%dma_start3A_458, %dma_start3A_459] : memref<10240x32xf32, #tpu.memory_space<vmem_shared>> -> memref<10240x32xf32, #tpu.memory_space<vmem_shared>>
      tpu.enqueue_indirect_dma source(%dma_start3A_454 : memref<128x32xf32, #tpu.memory_space<vmem>>) target(%dma_start3A_460 : memref<10240x32xf32, #tpu.memory_space<vmem_shared>>) offsets(%dma_start3A_457 : memref<128xi32, #tpu.memory_space<vmem>>) semaphore(%arg12 : memref<!tpu.dma_semaphore, #tpu.memory_space<semaphore_mem>>) {add = true}
      %mul3A_461 = arith.constant 8 : i32
      %mul3A_462 = arith.muli %mul3A_137, %mul3A_461 : i32
      %add3A_463 = arith.constant 6 : i32
      %add3A_464 = arith.addi %mul3A_462, %add3A_463 : i32
      %dma_start3A_465 = arith.constant 0 : i32
      %dma_start3A_466 = arith.constant 0 : i32
      %dma_start3A_467 = tpu.memref_slice %arg8[%scan3A_115, %dma_start3A_465, %dma_start3A_466] : memref<16x128x32xf32, #tpu.memory_space<vmem>> -> memref<1x128x32xf32, #tpu.memory_space<vmem>>
      %dma_start3A_468 = tpu.memref_squeeze %dma_start3A_467 : memref<1x128x32xf32, #tpu.memory_space<vmem>> -> memref<128x32xf32, #tpu.memory_space<vmem>>
      %dma_start3A_469 = arith.constant 0 : i32
      %dma_start3A_470 = tpu.memref_slice %arg7[%add3A_464, %dma_start3A_469] : memref<80x128xi32, #tpu.memory_space<vmem>> -> memref<1x128xi32, #tpu.memory_space<vmem>>
      %dma_start3A_471 = tpu.memref_squeeze %dma_start3A_470 : memref<1x128xi32, #tpu.memory_space<vmem>> -> memref<128xi32, #tpu.memory_space<vmem>>
      %dma_start3A_472 = arith.constant 0 : i32
      %dma_start3A_473 = arith.constant 0 : i32
      %dma_start3A_474 = tpu.memref_slice %arg10[%dma_start3A_472, %dma_start3A_473] : memref<10240x32xf32, #tpu.memory_space<vmem_shared>> -> memref<10240x32xf32, #tpu.memory_space<vmem_shared>>
      tpu.enqueue_indirect_dma source(%dma_start3A_468 : memref<128x32xf32, #tpu.memory_space<vmem>>) target(%dma_start3A_474 : memref<10240x32xf32, #tpu.memory_space<vmem_shared>>) offsets(%dma_start3A_471 : memref<128xi32, #tpu.memory_space<vmem>>) semaphore(%arg12 : memref<!tpu.dma_semaphore, #tpu.memory_space<semaphore_mem>>) {add = true}
      %mul3A_475 = arith.constant 8 : i32
      %mul3A_476 = arith.muli %mul3A_137, %mul3A_475 : i32
      %add3A_477 = arith.constant 7 : i32
      %add3A_478 = arith.addi %mul3A_476, %add3A_477 : i32
      %dma_start3A_479 = arith.constant 0 : i32
      %dma_start3A_480 = arith.constant 0 : i32
      %dma_start3A_481 = tpu.memref_slice %arg8[%scan3A_116, %dma_start3A_479, %dma_start3A_480] : memref<16x128x32xf32, #tpu.memory_space<vmem>> -> memref<1x128x32xf32, #tpu.memory_space<vmem>>
      %dma_start3A_482 = tpu.memref_squeeze %dma_start3A_481 : memref<1x128x32xf32, #tpu.memory_space<vmem>> -> memref<128x32xf32, #tpu.memory_space<vmem>>
      %dma_start3A_483 = arith.constant 0 : i32
      %dma_start3A_484 = tpu.memref_slice %arg7[%add3A_478, %dma_start3A_483] : memref<80x128xi32, #tpu.memory_space<vmem>> -> memref<1x128xi32, #tpu.memory_space<vmem>>
      %dma_start3A_485 = tpu.memref_squeeze %dma_start3A_484 : memref<1x128xi32, #tpu.memory_space<vmem>> -> memref<128xi32, #tpu.memory_space<vmem>>
      %dma_start3A_486 = arith.constant 0 : i32
      %dma_start3A_487 = arith.constant 0 : i32
      %dma_start3A_488 = tpu.memref_slice %arg10[%dma_start3A_486, %dma_start3A_487] : memref<10240x32xf32, #tpu.memory_space<vmem_shared>> -> memref<10240x32xf32, #tpu.memory_space<vmem_shared>>
      tpu.enqueue_indirect_dma source(%dma_start3A_482 : memref<128x32xf32, #tpu.memory_space<vmem>>) target(%dma_start3A_488 : memref<10240x32xf32, #tpu.memory_space<vmem_shared>>) offsets(%dma_start3A_485 : memref<128xi32, #tpu.memory_space<vmem>>) semaphore(%arg12 : memref<!tpu.dma_semaphore, #tpu.memory_space<semaphore_mem>>) {add = true}
      %add3A_489 = arith.constant 1 : i32
      %add3A_490 = arith.addi %mul3A_137, %add3A_489 : i32
      %mul3A_491 = arith.constant 8 : i32
      %mul3A_492 = arith.muli %add3A_490, %mul3A_491 : i32
      %add3A_493 = arith.constant 0 : i32
      %add3A_494 = arith.addi %mul3A_492, %add3A_493 : i32
      %dma_wait3A_495 = arith.constant 0 : i32
      %dma_wait3A_496 = arith.constant 0 : i32
      %dma_wait3A_497 = tpu.memref_slice %arg8[%scan3A_117, %dma_wait3A_495, %dma_wait3A_496] : memref<16x128x32xf32, #tpu.memory_space<vmem>> -> memref<1x128x32xf32, #tpu.memory_space<vmem>>
      %dma_wait3A_498 = tpu.memref_squeeze %dma_wait3A_497 : memref<1x128x32xf32, #tpu.memory_space<vmem>> -> memref<128x32xf32, #tpu.memory_space<vmem>>
      %dma_wait3A_499 = arith.constant 0 : i32
      %dma_wait3A_500 = tpu.memref_slice %arg6[%add3A_494, %dma_wait3A_499] : memref<80x128xi32, #tpu.memory_space<vmem>> -> memref<1x128xi32, #tpu.memory_space<vmem>>
      %dma_wait3A_501 = tpu.memref_squeeze %dma_wait3A_500 : memref<1x128xi32, #tpu.memory_space<vmem>> -> memref<128xi32, #tpu.memory_space<vmem>>
      %dma_wait3A_502 = arith.constant 0 : i32
      %dma_wait3A_503 = arith.constant 0 : i32
      %dma_wait3A_504 = tpu.memref_slice %arg2[%dma_wait3A_502, %dma_wait3A_503] : memref<10000x32xf32, #tpu.memory_space<hbm>> -> memref<10000x32xf32, #tpu.memory_space<hbm>>
      tpu.wait_indirect_dma semaphore(%arg11 : memref<!tpu.dma_semaphore, #tpu.memory_space<semaphore_mem>>) src(%dma_wait3A_504 : memref<10000x32xf32, #tpu.memory_space<hbm>>) dst(%dma_wait3A_498 : memref<128x32xf32, #tpu.memory_space<vmem>>)
      %add3A_505 = arith.constant 1 : i32
      %add3A_506 = arith.addi %mul3A_137, %add3A_505 : i32
      %mul3A_507 = arith.constant 8 : i32
      %mul3A_508 = arith.muli %add3A_506, %mul3A_507 : i32
      %add3A_509 = arith.constant 1 : i32
      %add3A_510 = arith.addi %mul3A_508, %add3A_509 : i32
      %dma_wait3A_511 = arith.constant 0 : i32
      %dma_wait3A_512 = arith.constant 0 : i32
      %dma_wait3A_513 = tpu.memref_slice %arg8[%scan3A_118, %dma_wait3A_511, %dma_wait3A_512] : memref<16x128x32xf32, #tpu.memory_space<vmem>> -> memref<1x128x32xf32, #tpu.memory_space<vmem>>
      %dma_wait3A_514 = tpu.memref_squeeze %dma_wait3A_513 : memref<1x128x32xf32, #tpu.memory_space<vmem>> -> memref<128x32xf32, #tpu.memory_space<vmem>>
      %dma_wait3A_515 = arith.constant 0 : i32
      %dma_wait3A_516 = tpu.memref_slice %arg6[%add3A_510, %dma_wait3A_515] : memref<80x128xi32, #tpu.memory_space<vmem>> -> memref<1x128xi32, #tpu.memory_space<vmem>>
      %dma_wait3A_517 = tpu.memref_squeeze %dma_wait3A_516 : memref<1x128xi32, #tpu.memory_space<vmem>> -> memref<128xi32, #tpu.memory_space<vmem>>
      %dma_wait3A_518 = arith.constant 0 : i32
      %dma_wait3A_519 = arith.constant 0 : i32
      %dma_wait3A_520 = tpu.memref_slice %arg2[%dma_wait3A_518, %dma_wait3A_519] : memref<10000x32xf32, #tpu.memory_space<hbm>> -> memref<10000x32xf32, #tpu.memory_space<hbm>>
      tpu.wait_indirect_dma semaphore(%arg11 : memref<!tpu.dma_semaphore, #tpu.memory_space<semaphore_mem>>) src(%dma_wait3A_520 : memref<10000x32xf32, #tpu.memory_space<hbm>>) dst(%dma_wait3A_514 : memref<128x32xf32, #tpu.memory_space<vmem>>)
      %add3A_521 = arith.constant 1 : i32
      %add3A_522 = arith.addi %mul3A_137, %add3A_521 : i32
      %mul3A_523 = arith.constant 8 : i32
      %mul3A_524 = arith.muli %add3A_522, %mul3A_523 : i32
      %add3A_525 = arith.constant 2 : i32
      %add3A_526 = arith.addi %mul3A_524, %add3A_525 : i32
      %dma_wait3A_527 = arith.constant 0 : i32
      %dma_wait3A_528 = arith.constant 0 : i32
      %dma_wait3A_529 = tpu.memref_slice %arg8[%scan3A_119, %dma_wait3A_527, %dma_wait3A_528] : memref<16x128x32xf32, #tpu.memory_space<vmem>> -> memref<1x128x32xf32, #tpu.memory_space<vmem>>
      %dma_wait3A_530 = tpu.memref_squeeze %dma_wait3A_529 : memref<1x128x32xf32, #tpu.memory_space<vmem>> -> memref<128x32xf32, #tpu.memory_space<vmem>>
      %dma_wait3A_531 = arith.constant 0 : i32
      %dma_wait3A_532 = tpu.memref_slice %arg6[%add3A_526, %dma_wait3A_531] : memref<80x128xi32, #tpu.memory_space<vmem>> -> memref<1x128xi32, #tpu.memory_space<vmem>>
      %dma_wait3A_533 = tpu.memref_squeeze %dma_wait3A_532 : memref<1x128xi32, #tpu.memory_space<vmem>> -> memref<128xi32, #tpu.memory_space<vmem>>
      %dma_wait3A_534 = arith.constant 0 : i32
      %dma_wait3A_535 = arith.constant 0 : i32
      %dma_wait3A_536 = tpu.memref_slice %arg2[%dma_wait3A_534, %dma_wait3A_535] : memref<10000x32xf32, #tpu.memory_space<hbm>> -> memref<10000x32xf32, #tpu.memory_space<hbm>>
      tpu.wait_indirect_dma semaphore(%arg11 : memref<!tpu.dma_semaphore, #tpu.memory_space<semaphore_mem>>) src(%dma_wait3A_536 : memref<10000x32xf32, #tpu.memory_space<hbm>>) dst(%dma_wait3A_530 : memref<128x32xf32, #tpu.memory_space<vmem>>)
      %add3A_537 = arith.constant 1 : i32
      %add3A_538 = arith.addi %mul3A_137, %add3A_537 : i32
      %mul3A_539 = arith.constant 8 : i32
      %mul3A_540 = arith.muli %add3A_538, %mul3A_539 : i32
      %add3A_541 = arith.constant 3 : i32
      %add3A_542 = arith.addi %mul3A_540, %add3A_541 : i32
      %dma_wait3A_543 = arith.constant 0 : i32
      %dma_wait3A_544 = arith.constant 0 : i32
      %dma_wait3A_545 = tpu.memref_slice %arg8[%scan3A_120, %dma_wait3A_543, %dma_wait3A_544] : memref<16x128x32xf32, #tpu.memory_space<vmem>> -> memref<1x128x32xf32, #tpu.memory_space<vmem>>
      %dma_wait3A_546 = tpu.memref_squeeze %dma_wait3A_545 : memref<1x128x32xf32, #tpu.memory_space<vmem>> -> memref<128x32xf32, #tpu.memory_space<vmem>>
      %dma_wait3A_547 = arith.constant 0 : i32
      %dma_wait3A_548 = tpu.memref_slice %arg6[%add3A_542, %dma_wait3A_547] : memref<80x128xi32, #tpu.memory_space<vmem>> -> memref<1x128xi32, #tpu.memory_space<vmem>>
      %dma_wait3A_549 = tpu.memref_squeeze %dma_wait3A_548 : memref<1x128xi32, #tpu.memory_space<vmem>> -> memref<128xi32, #tpu.memory_space<vmem>>
      %dma_wait3A_550 = arith.constant 0 : i32
      %dma_wait3A_551 = arith.constant 0 : i32
      %dma_wait3A_552 = tpu.memref_slice %arg2[%dma_wait3A_550, %dma_wait3A_551] : memref<10000x32xf32, #tpu.memory_space<hbm>> -> memref<10000x32xf32, #tpu.memory_space<hbm>>
      tpu.wait_indirect_dma semaphore(%arg11 : memref<!tpu.dma_semaphore, #tpu.memory_space<semaphore_mem>>) src(%dma_wait3A_552 : memref<10000x32xf32, #tpu.memory_space<hbm>>) dst(%dma_wait3A_546 : memref<128x32xf32, #tpu.memory_space<vmem>>)
      %add3A_553 = arith.constant 1 : i32
      %add3A_554 = arith.addi %mul3A_137, %add3A_553 : i32
      %mul3A_555 = arith.constant 8 : i32
      %mul3A_556 = arith.muli %add3A_554, %mul3A_555 : i32
      %add3A_557 = arith.constant 4 : i32
      %add3A_558 = arith.addi %mul3A_556, %add3A_557 : i32
      %dma_wait3A_559 = arith.constant 0 : i32
      %dma_wait3A_560 = arith.constant 0 : i32
      %dma_wait3A_561 = tpu.memref_slice %arg8[%scan3A_121, %dma_wait3A_559, %dma_wait3A_560] : memref<16x128x32xf32, #tpu.memory_space<vmem>> -> memref<1x128x32xf32, #tpu.memory_space<vmem>>
      %dma_wait3A_562 = tpu.memref_squeeze %dma_wait3A_561 : memref<1x128x32xf32, #tpu.memory_space<vmem>> -> memref<128x32xf32, #tpu.memory_space<vmem>>
      %dma_wait3A_563 = arith.constant 0 : i32
      %dma_wait3A_564 = tpu.memref_slice %arg6[%add3A_558, %dma_wait3A_563] : memref<80x128xi32, #tpu.memory_space<vmem>> -> memref<1x128xi32, #tpu.memory_space<vmem>>
      %dma_wait3A_565 = tpu.memref_squeeze %dma_wait3A_564 : memref<1x128xi32, #tpu.memory_space<vmem>> -> memref<128xi32, #tpu.memory_space<vmem>>
      %dma_wait3A_566 = arith.constant 0 : i32
      %dma_wait3A_567 = arith.constant 0 : i32
      %dma_wait3A_568 = tpu.memref_slice %arg2[%dma_wait3A_566, %dma_wait3A_567] : memref<10000x32xf32, #tpu.memory_space<hbm>> -> memref<10000x32xf32, #tpu.memory_space<hbm>>
      tpu.wait_indirect_dma semaphore(%arg11 : memref<!tpu.dma_semaphore, #tpu.memory_space<semaphore_mem>>) src(%dma_wait3A_568 : memref<10000x32xf32, #tpu.memory_space<hbm>>) dst(%dma_wait3A_562 : memref<128x32xf32, #tpu.memory_space<vmem>>)
      %add3A_569 = arith.constant 1 : i32
      %add3A_570 = arith.addi %mul3A_137, %add3A_569 : i32
      %mul3A_571 = arith.constant 8 : i32
      %mul3A_572 = arith.muli %add3A_570, %mul3A_571 : i32
      %add3A_573 = arith.constant 5 : i32
      %add3A_574 = arith.addi %mul3A_572, %add3A_573 : i32
      %dma_wait3A_575 = arith.constant 0 : i32
      %dma_wait3A_576 = arith.constant 0 : i32
      %dma_wait3A_577 = tpu.memref_slice %arg8[%scan3A_122, %dma_wait3A_575, %dma_wait3A_576] : memref<16x128x32xf32, #tpu.memory_space<vmem>> -> memref<1x128x32xf32, #tpu.memory_space<vmem>>
      %dma_wait3A_578 = tpu.memref_squeeze %dma_wait3A_577 : memref<1x128x32xf32, #tpu.memory_space<vmem>> -> memref<128x32xf32, #tpu.memory_space<vmem>>
      %dma_wait3A_579 = arith.constant 0 : i32
      %dma_wait3A_580 = tpu.memref_slice %arg6[%add3A_574, %dma_wait3A_579] : memref<80x128xi32, #tpu.memory_space<vmem>> -> memref<1x128xi32, #tpu.memory_space<vmem>>
      %dma_wait3A_581 = tpu.memref_squeeze %dma_wait3A_580 : memref<1x128xi32, #tpu.memory_space<vmem>> -> memref<128xi32, #tpu.memory_space<vmem>>
      %dma_wait3A_582 = arith.constant 0 : i32
      %dma_wait3A_583 = arith.constant 0 : i32
      %dma_wait3A_584 = tpu.memref_slice %arg2[%dma_wait3A_582, %dma_wait3A_583] : memref<10000x32xf32, #tpu.memory_space<hbm>> -> memref<10000x32xf32, #tpu.memory_space<hbm>>
      tpu.wait_indirect_dma semaphore(%arg11 : memref<!tpu.dma_semaphore, #tpu.memory_space<semaphore_mem>>) src(%dma_wait3A_584 : memref<10000x32xf32, #tpu.memory_space<hbm>>) dst(%dma_wait3A_578 : memref<128x32xf32, #tpu.memory_space<vmem>>)
      %add3A_585 = arith.constant 1 : i32
      %add3A_586 = arith.addi %mul3A_137, %add3A_585 : i32
      %mul3A_587 = arith.constant 8 : i32
      %mul3A_588 = arith.muli %add3A_586, %mul3A_587 : i32
      %add3A_589 = arith.constant 6 : i32
      %add3A_590 = arith.addi %mul3A_588, %add3A_589 : i32
      %dma_wait3A_591 = arith.constant 0 : i32
      %dma_wait3A_592 = arith.constant 0 : i32
      %dma_wait3A_593 = tpu.memref_slice %arg8[%scan3A_123, %dma_wait3A_591, %dma_wait3A_592] : memref<16x128x32xf32, #tpu.memory_space<vmem>> -> memref<1x128x32xf32, #tpu.memory_space<vmem>>
      %dma_wait3A_594 = tpu.memref_squeeze %dma_wait3A_593 : memref<1x128x32xf32, #tpu.memory_space<vmem>> -> memref<128x32xf32, #tpu.memory_space<vmem>>
      %dma_wait3A_595 = arith.constant 0 : i32
      %dma_wait3A_596 = tpu.memref_slice %arg6[%add3A_590, %dma_wait3A_595] : memref<80x128xi32, #tpu.memory_space<vmem>> -> memref<1x128xi32, #tpu.memory_space<vmem>>
      %dma_wait3A_597 = tpu.memref_squeeze %dma_wait3A_596 : memref<1x128xi32, #tpu.memory_space<vmem>> -> memref<128xi32, #tpu.memory_space<vmem>>
      %dma_wait3A_598 = arith.constant 0 : i32
      %dma_wait3A_599 = arith.constant 0 : i32
      %dma_wait3A_600 = tpu.memref_slice %arg2[%dma_wait3A_598, %dma_wait3A_599] : memref<10000x32xf32, #tpu.memory_space<hbm>> -> memref<10000x32xf32, #tpu.memory_space<hbm>>
      tpu.wait_indirect_dma semaphore(%arg11 : memref<!tpu.dma_semaphore, #tpu.memory_space<semaphore_mem>>) src(%dma_wait3A_600 : memref<10000x32xf32, #tpu.memory_space<hbm>>) dst(%dma_wait3A_594 : memref<128x32xf32, #tpu.memory_space<vmem>>)
      %add3A_601 = arith.constant 1 : i32
      %add3A_602 = arith.addi %mul3A_137, %add3A_601 : i32
      %mul3A_603 = arith.constant 8 : i32
      %mul3A_604 = arith.muli %add3A_602, %mul3A_603 : i32
      %add3A_605 = arith.constant 7 : i32
      %add3A_606 = arith.addi %mul3A_604, %add3A_605 : i32
      %dma_wait3A_607 = arith.constant 0 : i32
      %dma_wait3A_608 = arith.constant 0 : i32
      %dma_wait3A_609 = tpu.memref_slice %arg8[%scan3A_124, %dma_wait3A_607, %dma_wait3A_608] : memref<16x128x32xf32, #tpu.memory_space<vmem>> -> memref<1x128x32xf32, #tpu.memory_space<vmem>>
      %dma_wait3A_610 = tpu.memref_squeeze %dma_wait3A_609 : memref<1x128x32xf32, #tpu.memory_space<vmem>> -> memref<128x32xf32, #tpu.memory_space<vmem>>
      %dma_wait3A_611 = arith.constant 0 : i32
      %dma_wait3A_612 = tpu.memref_slice %arg6[%add3A_606, %dma_wait3A_611] : memref<80x128xi32, #tpu.memory_space<vmem>> -> memref<1x128xi32, #tpu.memory_space<vmem>>
      %dma_wait3A_613 = tpu.memref_squeeze %dma_wait3A_612 : memref<1x128xi32, #tpu.memory_space<vmem>> -> memref<128xi32, #tpu.memory_space<vmem>>
      %dma_wait3A_614 = arith.constant 0 : i32
      %dma_wait3A_615 = arith.constant 0 : i32
      %dma_wait3A_616 = tpu.memref_slice %arg2[%dma_wait3A_614, %dma_wait3A_615] : memref<10000x32xf32, #tpu.memory_space<hbm>> -> memref<10000x32xf32, #tpu.memory_space<hbm>>
      tpu.wait_indirect_dma semaphore(%arg11 : memref<!tpu.dma_semaphore, #tpu.memory_space<semaphore_mem>>) src(%dma_wait3A_616 : memref<10000x32xf32, #tpu.memory_space<hbm>>) dst(%dma_wait3A_610 : memref<128x32xf32, #tpu.memory_space<vmem>>)
      %mul3A_617 = arith.constant 8 : i32
      %mul3A_618 = arith.muli %mul3A_137, %mul3A_617 : i32
      %add3A_619 = arith.constant 0 : i32
      %add3A_620 = arith.addi %mul3A_618, %add3A_619 : i32
      %dma_wait3A_621 = arith.constant 0 : i32
      %dma_wait3A_622 = arith.constant 0 : i32
      %dma_wait3A_623 = tpu.memref_slice %arg8[%scan3A_109, %dma_wait3A_621, %dma_wait3A_622] : memref<16x128x32xf32, #tpu.memory_space<vmem>> -> memref<1x128x32xf32, #tpu.memory_space<vmem>>
      %dma_wait3A_624 = tpu.memref_squeeze %dma_wait3A_623 : memref<1x128x32xf32, #tpu.memory_space<vmem>> -> memref<128x32xf32, #tpu.memory_space<vmem>>
      %dma_wait3A_625 = arith.constant 0 : i32
      %dma_wait3A_626 = tpu.memref_slice %arg7[%add3A_620, %dma_wait3A_625] : memref<80x128xi32, #tpu.memory_space<vmem>> -> memref<1x128xi32, #tpu.memory_space<vmem>>
      %dma_wait3A_627 = tpu.memref_squeeze %dma_wait3A_626 : memref<1x128xi32, #tpu.memory_space<vmem>> -> memref<128xi32, #tpu.memory_space<vmem>>
      %dma_wait3A_628 = arith.constant 0 : i32
      %dma_wait3A_629 = arith.constant 0 : i32
      %dma_wait3A_630 = tpu.memref_slice %arg10[%dma_wait3A_628, %dma_wait3A_629] : memref<10240x32xf32, #tpu.memory_space<vmem_shared>> -> memref<10240x32xf32, #tpu.memory_space<vmem_shared>>
      tpu.wait_indirect_dma semaphore(%arg12 : memref<!tpu.dma_semaphore, #tpu.memory_space<semaphore_mem>>) src(%dma_wait3A_624 : memref<128x32xf32, #tpu.memory_space<vmem>>) dst(%dma_wait3A_630 : memref<10240x32xf32, #tpu.memory_space<vmem_shared>>)
      %mul3A_631 = arith.constant 8 : i32
      %mul3A_632 = arith.muli %mul3A_137, %mul3A_631 : i32
      %add3A_633 = arith.constant 1 : i32
      %add3A_634 = arith.addi %mul3A_632, %add3A_633 : i32
      %dma_wait3A_635 = arith.constant 0 : i32
      %dma_wait3A_636 = arith.constant 0 : i32
      %dma_wait3A_637 = tpu.memref_slice %arg8[%scan3A_110, %dma_wait3A_635, %dma_wait3A_636] : memref<16x128x32xf32, #tpu.memory_space<vmem>> -> memref<1x128x32xf32, #tpu.memory_space<vmem>>
      %dma_wait3A_638 = tpu.memref_squeeze %dma_wait3A_637 : memref<1x128x32xf32, #tpu.memory_space<vmem>> -> memref<128x32xf32, #tpu.memory_space<vmem>>
      %dma_wait3A_639 = arith.constant 0 : i32
      %dma_wait3A_640 = tpu.memref_slice %arg7[%add3A_634, %dma_wait3A_639] : memref<80x128xi32, #tpu.memory_space<vmem>> -> memref<1x128xi32, #tpu.memory_space<vmem>>
      %dma_wait3A_641 = tpu.memref_squeeze %dma_wait3A_640 : memref<1x128xi32, #tpu.memory_space<vmem>> -> memref<128xi32, #tpu.memory_space<vmem>>
      %dma_wait3A_642 = arith.constant 0 : i32
      %dma_wait3A_643 = arith.constant 0 : i32
      %dma_wait3A_644 = tpu.memref_slice %arg10[%dma_wait3A_642, %dma_wait3A_643] : memref<10240x32xf32, #tpu.memory_space<vmem_shared>> -> memref<10240x32xf32, #tpu.memory_space<vmem_shared>>
      tpu.wait_indirect_dma semaphore(%arg12 : memref<!tpu.dma_semaphore, #tpu.memory_space<semaphore_mem>>) src(%dma_wait3A_638 : memref<128x32xf32, #tpu.memory_space<vmem>>) dst(%dma_wait3A_644 : memref<10240x32xf32, #tpu.memory_space<vmem_shared>>)
      %mul3A_645 = arith.constant 8 : i32
      %mul3A_646 = arith.muli %mul3A_137, %mul3A_645 : i32
      %add3A_647 = arith.constant 2 : i32
      %add3A_648 = arith.addi %mul3A_646, %add3A_647 : i32
      %dma_wait3A_649 = arith.constant 0 : i32
      %dma_wait3A_650 = arith.constant 0 : i32
      %dma_wait3A_651 = tpu.memref_slice %arg8[%scan3A_111, %dma_wait3A_649, %dma_wait3A_650] : memref<16x128x32xf32, #tpu.memory_space<vmem>> -> memref<1x128x32xf32, #tpu.memory_space<vmem>>
      %dma_wait3A_652 = tpu.memref_squeeze %dma_wait3A_651 : memref<1x128x32xf32, #tpu.memory_space<vmem>> -> memref<128x32xf32, #tpu.memory_space<vmem>>
      %dma_wait3A_653 = arith.constant 0 : i32
      %dma_wait3A_654 = tpu.memref_slice %arg7[%add3A_648, %dma_wait3A_653] : memref<80x128xi32, #tpu.memory_space<vmem>> -> memref<1x128xi32, #tpu.memory_space<vmem>>
      %dma_wait3A_655 = tpu.memref_squeeze %dma_wait3A_654 : memref<1x128xi32, #tpu.memory_space<vmem>> -> memref<128xi32, #tpu.memory_space<vmem>>
      %dma_wait3A_656 = arith.constant 0 : i32
      %dma_wait3A_657 = arith.constant 0 : i32
      %dma_wait3A_658 = tpu.memref_slice %arg10[%dma_wait3A_656, %dma_wait3A_657] : memref<10240x32xf32, #tpu.memory_space<vmem_shared>> -> memref<10240x32xf32, #tpu.memory_space<vmem_shared>>
      tpu.wait_indirect_dma semaphore(%arg12 : memref<!tpu.dma_semaphore, #tpu.memory_space<semaphore_mem>>) src(%dma_wait3A_652 : memref<128x32xf32, #tpu.memory_space<vmem>>) dst(%dma_wait3A_658 : memref<10240x32xf32, #tpu.memory_space<vmem_shared>>)
      %mul3A_659 = arith.constant 8 : i32
      %mul3A_660 = arith.muli %mul3A_137, %mul3A_659 : i32
      %add3A_661 = arith.constant 3 : i32
      %add3A_662 = arith.addi %mul3A_660, %add3A_661 : i32
      %dma_wait3A_663 = arith.constant 0 : i32
      %dma_wait3A_664 = arith.constant 0 : i32
      %dma_wait3A_665 = tpu.memref_slice %arg8[%scan3A_112, %dma_wait3A_663, %dma_wait3A_664] : memref<16x128x32xf32, #tpu.memory_space<vmem>> -> memref<1x128x32xf32, #tpu.memory_space<vmem>>
      %dma_wait3A_666 = tpu.memref_squeeze %dma_wait3A_665 : memref<1x128x32xf32, #tpu.memory_space<vmem>> -> memref<128x32xf32, #tpu.memory_space<vmem>>
      %dma_wait3A_667 = arith.constant 0 : i32
      %dma_wait3A_668 = tpu.memref_slice %arg7[%add3A_662, %dma_wait3A_667] : memref<80x128xi32, #tpu.memory_space<vmem>> -> memref<1x128xi32, #tpu.memory_space<vmem>>
      %dma_wait3A_669 = tpu.memref_squeeze %dma_wait3A_668 : memref<1x128xi32, #tpu.memory_space<vmem>> -> memref<128xi32, #tpu.memory_space<vmem>>
      %dma_wait3A_670 = arith.constant 0 : i32
      %dma_wait3A_671 = arith.constant 0 : i32
      %dma_wait3A_672 = tpu.memref_slice %arg10[%dma_wait3A_670, %dma_wait3A_671] : memref<10240x32xf32, #tpu.memory_space<vmem_shared>> -> memref<10240x32xf32, #tpu.memory_space<vmem_shared>>
      tpu.wait_indirect_dma semaphore(%arg12 : memref<!tpu.dma_semaphore, #tpu.memory_space<semaphore_mem>>) src(%dma_wait3A_666 : memref<128x32xf32, #tpu.memory_space<vmem>>) dst(%dma_wait3A_672 : memref<10240x32xf32, #tpu.memory_space<vmem_shared>>)
      %mul3A_673 = arith.constant 8 : i32
      %mul3A_674 = arith.muli %mul3A_137, %mul3A_673 : i32
      %add3A_675 = arith.constant 4 : i32
      %add3A_676 = arith.addi %mul3A_674, %add3A_675 : i32
      %dma_wait3A_677 = arith.constant 0 : i32
      %dma_wait3A_678 = arith.constant 0 : i32
      %dma_wait3A_679 = tpu.memref_slice %arg8[%scan3A_113, %dma_wait3A_677, %dma_wait3A_678] : memref<16x128x32xf32, #tpu.memory_space<vmem>> -> memref<1x128x32xf32, #tpu.memory_space<vmem>>
      %dma_wait3A_680 = tpu.memref_squeeze %dma_wait3A_679 : memref<1x128x32xf32, #tpu.memory_space<vmem>> -> memref<128x32xf32, #tpu.memory_space<vmem>>
      %dma_wait3A_681 = arith.constant 0 : i32
      %dma_wait3A_682 = tpu.memref_slice %arg7[%add3A_676, %dma_wait3A_681] : memref<80x128xi32, #tpu.memory_space<vmem>> -> memref<1x128xi32, #tpu.memory_space<vmem>>
      %dma_wait3A_683 = tpu.memref_squeeze %dma_wait3A_682 : memref<1x128xi32, #tpu.memory_space<vmem>> -> memref<128xi32, #tpu.memory_space<vmem>>
      %dma_wait3A_684 = arith.constant 0 : i32
      %dma_wait3A_685 = arith.constant 0 : i32
      %dma_wait3A_686 = tpu.memref_slice %arg10[%dma_wait3A_684, %dma_wait3A_685] : memref<10240x32xf32, #tpu.memory_space<vmem_shared>> -> memref<10240x32xf32, #tpu.memory_space<vmem_shared>>
      tpu.wait_indirect_dma semaphore(%arg12 : memref<!tpu.dma_semaphore, #tpu.memory_space<semaphore_mem>>) src(%dma_wait3A_680 : memref<128x32xf32, #tpu.memory_space<vmem>>) dst(%dma_wait3A_686 : memref<10240x32xf32, #tpu.memory_space<vmem_shared>>)
      %mul3A_687 = arith.constant 8 : i32
      %mul3A_688 = arith.muli %mul3A_137, %mul3A_687 : i32
      %add3A_689 = arith.constant 5 : i32
      %add3A_690 = arith.addi %mul3A_688, %add3A_689 : i32
      %dma_wait3A_691 = arith.constant 0 : i32
      %dma_wait3A_692 = arith.constant 0 : i32
      %dma_wait3A_693 = tpu.memref_slice %arg8[%scan3A_114, %dma_wait3A_691, %dma_wait3A_692] : memref<16x128x32xf32, #tpu.memory_space<vmem>> -> memref<1x128x32xf32, #tpu.memory_space<vmem>>
      %dma_wait3A_694 = tpu.memref_squeeze %dma_wait3A_693 : memref<1x128x32xf32, #tpu.memory_space<vmem>> -> memref<128x32xf32, #tpu.memory_space<vmem>>
      %dma_wait3A_695 = arith.constant 0 : i32
      %dma_wait3A_696 = tpu.memref_slice %arg7[%add3A_690, %dma_wait3A_695] : memref<80x128xi32, #tpu.memory_space<vmem>> -> memref<1x128xi32, #tpu.memory_space<vmem>>
      %dma_wait3A_697 = tpu.memref_squeeze %dma_wait3A_696 : memref<1x128xi32, #tpu.memory_space<vmem>> -> memref<128xi32, #tpu.memory_space<vmem>>
      %dma_wait3A_698 = arith.constant 0 : i32
      %dma_wait3A_699 = arith.constant 0 : i32
      %dma_wait3A_700 = tpu.memref_slice %arg10[%dma_wait3A_698, %dma_wait3A_699] : memref<10240x32xf32, #tpu.memory_space<vmem_shared>> -> memref<10240x32xf32, #tpu.memory_space<vmem_shared>>
      tpu.wait_indirect_dma semaphore(%arg12 : memref<!tpu.dma_semaphore, #tpu.memory_space<semaphore_mem>>) src(%dma_wait3A_694 : memref<128x32xf32, #tpu.memory_space<vmem>>) dst(%dma_wait3A_700 : memref<10240x32xf32, #tpu.memory_space<vmem_shared>>)
      %mul3A_701 = arith.constant 8 : i32
      %mul3A_702 = arith.muli %mul3A_137, %mul3A_701 : i32
      %add3A_703 = arith.constant 6 : i32
      %add3A_704 = arith.addi %mul3A_702, %add3A_703 : i32
      %dma_wait3A_705 = arith.constant 0 : i32
      %dma_wait3A_706 = arith.constant 0 : i32
      %dma_wait3A_707 = tpu.memref_slice %arg8[%scan3A_115, %dma_wait3A_705, %dma_wait3A_706] : memref<16x128x32xf32, #tpu.memory_space<vmem>> -> memref<1x128x32xf32, #tpu.memory_space<vmem>>
      %dma_wait3A_708 = tpu.memref_squeeze %dma_wait3A_707 : memref<1x128x32xf32, #tpu.memory_space<vmem>> -> memref<128x32xf32, #tpu.memory_space<vmem>>
      %dma_wait3A_709 = arith.constant 0 : i32
      %dma_wait3A_710 = tpu.memref_slice %arg7[%add3A_704, %dma_wait3A_709] : memref<80x128xi32, #tpu.memory_space<vmem>> -> memref<1x128xi32, #tpu.memory_space<vmem>>
      %dma_wait3A_711 = tpu.memref_squeeze %dma_wait3A_710 : memref<1x128xi32, #tpu.memory_space<vmem>> -> memref<128xi32, #tpu.memory_space<vmem>>
      %dma_wait3A_712 = arith.constant 0 : i32
      %dma_wait3A_713 = arith.constant 0 : i32
      %dma_wait3A_714 = tpu.memref_slice %arg10[%dma_wait3A_712, %dma_wait3A_713] : memref<10240x32xf32, #tpu.memory_space<vmem_shared>> -> memref<10240x32xf32, #tpu.memory_space<vmem_shared>>
      tpu.wait_indirect_dma semaphore(%arg12 : memref<!tpu.dma_semaphore, #tpu.memory_space<semaphore_mem>>) src(%dma_wait3A_708 : memref<128x32xf32, #tpu.memory_space<vmem>>) dst(%dma_wait3A_714 : memref<10240x32xf32, #tpu.memory_space<vmem_shared>>)
      %mul3A_715 = arith.constant 8 : i32
      %mul3A_716 = arith.muli %mul3A_137, %mul3A_715 : i32
      %add3A_717 = arith.constant 7 : i32
      %add3A_718 = arith.addi %mul3A_716, %add3A_717 : i32
      %dma_wait3A_719 = arith.constant 0 : i32
      %dma_wait3A_720 = arith.constant 0 : i32
      %dma_wait3A_721 = tpu.memref_slice %arg8[%scan3A_116, %dma_wait3A_719, %dma_wait3A_720] : memref<16x128x32xf32, #tpu.memory_space<vmem>> -> memref<1x128x32xf32, #tpu.memory_space<vmem>>
      %dma_wait3A_722 = tpu.memref_squeeze %dma_wait3A_721 : memref<1x128x32xf32, #tpu.memory_space<vmem>> -> memref<128x32xf32, #tpu.memory_space<vmem>>
      %dma_wait3A_723 = arith.constant 0 : i32
      %dma_wait3A_724 = tpu.memref_slice %arg7[%add3A_718, %dma_wait3A_723] : memref<80x128xi32, #tpu.memory_space<vmem>> -> memref<1x128xi32, #tpu.memory_space<vmem>>
      %dma_wait3A_725 = tpu.memref_squeeze %dma_wait3A_724 : memref<1x128xi32, #tpu.memory_space<vmem>> -> memref<128xi32, #tpu.memory_space<vmem>>
      %dma_wait3A_726 = arith.constant 0 : i32
      %dma_wait3A_727 = arith.constant 0 : i32
      %dma_wait3A_728 = tpu.memref_slice %arg10[%dma_wait3A_726, %dma_wait3A_727] : memref<10240x32xf32, #tpu.memory_space<vmem_shared>> -> memref<10240x32xf32, #tpu.memory_space<vmem_shared>>
      tpu.wait_indirect_dma semaphore(%arg12 : memref<!tpu.dma_semaphore, #tpu.memory_space<semaphore_mem>>) src(%dma_wait3A_722 : memref<128x32xf32, #tpu.memory_space<vmem>>) dst(%dma_wait3A_728 : memref<10240x32xf32, #tpu.memory_space<vmem_shared>>)
      %add3A_729 = arith.constant 2 : i32
      %add3A_730 = arith.addi %mul3A_137, %add3A_729 : i32
      %lt3A = arith.constant 10 : i32
      %lt3A_731 = arith.cmpi slt, %add3A_730, %lt3A : i32
      %convert_element_type3A = arith.extui %lt3A_731 : i1 to i32
      %cond3A = arith.constant 0 : i32
      %cond3A_732 = arith.cmpi ne, %convert_element_type3A, %cond3A : i32
      scf.if %cond3A_732 {
        %add3A_989 = arith.constant 2 : i32
        %add3A_990 = arith.addi %mul3A_137, %add3A_989 : i32
        %mul3A_991 = arith.constant 8 : i32
        %mul3A_992 = arith.muli %add3A_990, %mul3A_991 : i32
        %add3A_993 = arith.constant 0 : i32
        %add3A_994 = arith.addi %mul3A_992, %add3A_993 : i32
        %dma_start3A_995 = arith.constant 0 : i32
        %dma_start3A_996 = arith.constant 0 : i32
        %dma_start3A_997 = tpu.memref_slice %arg8[%scan3A_109, %dma_start3A_995, %dma_start3A_996] : memref<16x128x32xf32, #tpu.memory_space<vmem>> -> memref<1x128x32xf32, #tpu.memory_space<vmem>>
        %dma_start3A_998 = tpu.memref_squeeze %dma_start3A_997 : memref<1x128x32xf32, #tpu.memory_space<vmem>> -> memref<128x32xf32, #tpu.memory_space<vmem>>
        %dma_start3A_999 = arith.constant 0 : i32
        %dma_start3A_1000 = tpu.memref_slice %arg6[%add3A_994, %dma_start3A_999] : memref<80x128xi32, #tpu.memory_space<vmem>> -> memref<1x128xi32, #tpu.memory_space<vmem>>
        %dma_start3A_1001 = tpu.memref_squeeze %dma_start3A_1000 : memref<1x128xi32, #tpu.memory_space<vmem>> -> memref<128xi32, #tpu.memory_space<vmem>>
        %dma_start3A_1002 = arith.constant 0 : i32
        %dma_start3A_1003 = arith.constant 0 : i32
        %dma_start3A_1004 = tpu.memref_slice %arg2[%dma_start3A_1002, %dma_start3A_1003] : memref<10000x32xf32, #tpu.memory_space<hbm>> -> memref<10000x32xf32, #tpu.memory_space<hbm>>
        tpu.enqueue_indirect_dma source(%dma_start3A_1004 : memref<10000x32xf32, #tpu.memory_space<hbm>>) target(%dma_start3A_998 : memref<128x32xf32, #tpu.memory_space<vmem>>) offsets(%dma_start3A_1001 : memref<128xi32, #tpu.memory_space<vmem>>) semaphore(%arg11 : memref<!tpu.dma_semaphore, #tpu.memory_space<semaphore_mem>>)
        %add3A_1005 = arith.constant 2 : i32
        %add3A_1006 = arith.addi %mul3A_137, %add3A_1005 : i32
        %mul3A_1007 = arith.constant 8 : i32
        %mul3A_1008 = arith.muli %add3A_1006, %mul3A_1007 : i32
        %add3A_1009 = arith.constant 1 : i32
        %add3A_1010 = arith.addi %mul3A_1008, %add3A_1009 : i32
        %dma_start3A_1011 = arith.constant 0 : i32
        %dma_start3A_1012 = arith.constant 0 : i32
        %dma_start3A_1013 = tpu.memref_slice %arg8[%scan3A_110, %dma_start3A_1011, %dma_start3A_1012] : memref<16x128x32xf32, #tpu.memory_space<vmem>> -> memref<1x128x32xf32, #tpu.memory_space<vmem>>
        %dma_start3A_1014 = tpu.memref_squeeze %dma_start3A_1013 : memref<1x128x32xf32, #tpu.memory_space<vmem>> -> memref<128x32xf32, #tpu.memory_space<vmem>>
        %dma_start3A_1015 = arith.constant 0 : i32
        %dma_start3A_1016 = tpu.memref_slice %arg6[%add3A_1010, %dma_start3A_1015] : memref<80x128xi32, #tpu.memory_space<vmem>> -> memref<1x128xi32, #tpu.memory_space<vmem>>
        %dma_start3A_1017 = tpu.memref_squeeze %dma_start3A_1016 : memref<1x128xi32, #tpu.memory_space<vmem>> -> memref<128xi32, #tpu.memory_space<vmem>>
        %dma_start3A_1018 = arith.constant 0 : i32
        %dma_start3A_1019 = arith.constant 0 : i32
        %dma_start3A_1020 = tpu.memref_slice %arg2[%dma_start3A_1018, %dma_start3A_1019] : memref<10000x32xf32, #tpu.memory_space<hbm>> -> memref<10000x32xf32, #tpu.memory_space<hbm>>
        tpu.enqueue_indirect_dma source(%dma_start3A_1020 : memref<10000x32xf32, #tpu.memory_space<hbm>>) target(%dma_start3A_1014 : memref<128x32xf32, #tpu.memory_space<vmem>>) offsets(%dma_start3A_1017 : memref<128xi32, #tpu.memory_space<vmem>>) semaphore(%arg11 : memref<!tpu.dma_semaphore, #tpu.memory_space<semaphore_mem>>)
        %add3A_1021 = arith.constant 2 : i32
        %add3A_1022 = arith.addi %mul3A_137, %add3A_1021 : i32
        %mul3A_1023 = arith.constant 8 : i32
        %mul3A_1024 = arith.muli %add3A_1022, %mul3A_1023 : i32
        %add3A_1025 = arith.constant 2 : i32
        %add3A_1026 = arith.addi %mul3A_1024, %add3A_1025 : i32
        %dma_start3A_1027 = arith.constant 0 : i32
        %dma_start3A_1028 = arith.constant 0 : i32
        %dma_start3A_1029 = tpu.memref_slice %arg8[%scan3A_111, %dma_start3A_1027, %dma_start3A_1028] : memref<16x128x32xf32, #tpu.memory_space<vmem>> -> memref<1x128x32xf32, #tpu.memory_space<vmem>>
        %dma_start3A_1030 = tpu.memref_squeeze %dma_start3A_1029 : memref<1x128x32xf32, #tpu.memory_space<vmem>> -> memref<128x32xf32, #tpu.memory_space<vmem>>
        %dma_start3A_1031 = arith.constant 0 : i32
        %dma_start3A_1032 = tpu.memref_slice %arg6[%add3A_1026, %dma_start3A_1031] : memref<80x128xi32, #tpu.memory_space<vmem>> -> memref<1x128xi32, #tpu.memory_space<vmem>>
        %dma_start3A_1033 = tpu.memref_squeeze %dma_start3A_1032 : memref<1x128xi32, #tpu.memory_space<vmem>> -> memref<128xi32, #tpu.memory_space<vmem>>
        %dma_start3A_1034 = arith.constant 0 : i32
        %dma_start3A_1035 = arith.constant 0 : i32
        %dma_start3A_1036 = tpu.memref_slice %arg2[%dma_start3A_1034, %dma_start3A_1035] : memref<10000x32xf32, #tpu.memory_space<hbm>> -> memref<10000x32xf32, #tpu.memory_space<hbm>>
        tpu.enqueue_indirect_dma source(%dma_start3A_1036 : memref<10000x32xf32, #tpu.memory_space<hbm>>) target(%dma_start3A_1030 : memref<128x32xf32, #tpu.memory_space<vmem>>) offsets(%dma_start3A_1033 : memref<128xi32, #tpu.memory_space<vmem>>) semaphore(%arg11 : memref<!tpu.dma_semaphore, #tpu.memory_space<semaphore_mem>>)
        %add3A_1037 = arith.constant 2 : i32
        %add3A_1038 = arith.addi %mul3A_137, %add3A_1037 : i32
        %mul3A_1039 = arith.constant 8 : i32
        %mul3A_1040 = arith.muli %add3A_1038, %mul3A_1039 : i32
        %add3A_1041 = arith.constant 3 : i32
        %add3A_1042 = arith.addi %mul3A_1040, %add3A_1041 : i32
        %dma_start3A_1043 = arith.constant 0 : i32
        %dma_start3A_1044 = arith.constant 0 : i32
        %dma_start3A_1045 = tpu.memref_slice %arg8[%scan3A_112, %dma_start3A_1043, %dma_start3A_1044] : memref<16x128x32xf32, #tpu.memory_space<vmem>> -> memref<1x128x32xf32, #tpu.memory_space<vmem>>
        %dma_start3A_1046 = tpu.memref_squeeze %dma_start3A_1045 : memref<1x128x32xf32, #tpu.memory_space<vmem>> -> memref<128x32xf32, #tpu.memory_space<vmem>>
        %dma_start3A_1047 = arith.constant 0 : i32
        %dma_start3A_1048 = tpu.memref_slice %arg6[%add3A_1042, %dma_start3A_1047] : memref<80x128xi32, #tpu.memory_space<vmem>> -> memref<1x128xi32, #tpu.memory_space<vmem>>
        %dma_start3A_1049 = tpu.memref_squeeze %dma_start3A_1048 : memref<1x128xi32, #tpu.memory_space<vmem>> -> memref<128xi32, #tpu.memory_space<vmem>>
        %dma_start3A_1050 = arith.constant 0 : i32
        %dma_start3A_1051 = arith.constant 0 : i32
        %dma_start3A_1052 = tpu.memref_slice %arg2[%dma_start3A_1050, %dma_start3A_1051] : memref<10000x32xf32, #tpu.memory_space<hbm>> -> memref<10000x32xf32, #tpu.memory_space<hbm>>
        tpu.enqueue_indirect_dma source(%dma_start3A_1052 : memref<10000x32xf32, #tpu.memory_space<hbm>>) target(%dma_start3A_1046 : memref<128x32xf32, #tpu.memory_space<vmem>>) offsets(%dma_start3A_1049 : memref<128xi32, #tpu.memory_space<vmem>>) semaphore(%arg11 : memref<!tpu.dma_semaphore, #tpu.memory_space<semaphore_mem>>)
        %add3A_1053 = arith.constant 2 : i32
        %add3A_1054 = arith.addi %mul3A_137, %add3A_1053 : i32
        %mul3A_1055 = arith.constant 8 : i32
        %mul3A_1056 = arith.muli %add3A_1054, %mul3A_1055 : i32
        %add3A_1057 = arith.constant 4 : i32
        %add3A_1058 = arith.addi %mul3A_1056, %add3A_1057 : i32
        %dma_start3A_1059 = arith.constant 0 : i32
        %dma_start3A_1060 = arith.constant 0 : i32
        %dma_start3A_1061 = tpu.memref_slice %arg8[%scan3A_113, %dma_start3A_1059, %dma_start3A_1060] : memref<16x128x32xf32, #tpu.memory_space<vmem>> -> memref<1x128x32xf32, #tpu.memory_space<vmem>>
        %dma_start3A_1062 = tpu.memref_squeeze %dma_start3A_1061 : memref<1x128x32xf32, #tpu.memory_space<vmem>> -> memref<128x32xf32, #tpu.memory_space<vmem>>
        %dma_start3A_1063 = arith.constant 0 : i32
        %dma_start3A_1064 = tpu.memref_slice %arg6[%add3A_1058, %dma_start3A_1063] : memref<80x128xi32, #tpu.memory_space<vmem>> -> memref<1x128xi32, #tpu.memory_space<vmem>>
        %dma_start3A_1065 = tpu.memref_squeeze %dma_start3A_1064 : memref<1x128xi32, #tpu.memory_space<vmem>> -> memref<128xi32, #tpu.memory_space<vmem>>
        %dma_start3A_1066 = arith.constant 0 : i32
        %dma_start3A_1067 = arith.constant 0 : i32
        %dma_start3A_1068 = tpu.memref_slice %arg2[%dma_start3A_1066, %dma_start3A_1067] : memref<10000x32xf32, #tpu.memory_space<hbm>> -> memref<10000x32xf32, #tpu.memory_space<hbm>>
        tpu.enqueue_indirect_dma source(%dma_start3A_1068 : memref<10000x32xf32, #tpu.memory_space<hbm>>) target(%dma_start3A_1062 : memref<128x32xf32, #tpu.memory_space<vmem>>) offsets(%dma_start3A_1065 : memref<128xi32, #tpu.memory_space<vmem>>) semaphore(%arg11 : memref<!tpu.dma_semaphore, #tpu.memory_space<semaphore_mem>>)
        %add3A_1069 = arith.constant 2 : i32
        %add3A_1070 = arith.addi %mul3A_137, %add3A_1069 : i32
        %mul3A_1071 = arith.constant 8 : i32
        %mul3A_1072 = arith.muli %add3A_1070, %mul3A_1071 : i32
        %add3A_1073 = arith.constant 5 : i32
        %add3A_1074 = arith.addi %mul3A_1072, %add3A_1073 : i32
        %dma_start3A_1075 = arith.constant 0 : i32
        %dma_start3A_1076 = arith.constant 0 : i32
        %dma_start3A_1077 = tpu.memref_slice %arg8[%scan3A_114, %dma_start3A_1075, %dma_start3A_1076] : memref<16x128x32xf32, #tpu.memory_space<vmem>> -> memref<1x128x32xf32, #tpu.memory_space<vmem>>
        %dma_start3A_1078 = tpu.memref_squeeze %dma_start3A_1077 : memref<1x128x32xf32, #tpu.memory_space<vmem>> -> memref<128x32xf32, #tpu.memory_space<vmem>>
        %dma_start3A_1079 = arith.constant 0 : i32
        %dma_start3A_1080 = tpu.memref_slice %arg6[%add3A_1074, %dma_start3A_1079] : memref<80x128xi32, #tpu.memory_space<vmem>> -> memref<1x128xi32, #tpu.memory_space<vmem>>
        %dma_start3A_1081 = tpu.memref_squeeze %dma_start3A_1080 : memref<1x128xi32, #tpu.memory_space<vmem>> -> memref<128xi32, #tpu.memory_space<vmem>>
        %dma_start3A_1082 = arith.constant 0 : i32
        %dma_start3A_1083 = arith.constant 0 : i32
        %dma_start3A_1084 = tpu.memref_slice %arg2[%dma_start3A_1082, %dma_start3A_1083] : memref<10000x32xf32, #tpu.memory_space<hbm>> -> memref<10000x32xf32, #tpu.memory_space<hbm>>
        tpu.enqueue_indirect_dma source(%dma_start3A_1084 : memref<10000x32xf32, #tpu.memory_space<hbm>>) target(%dma_start3A_1078 : memref<128x32xf32, #tpu.memory_space<vmem>>) offsets(%dma_start3A_1081 : memref<128xi32, #tpu.memory_space<vmem>>) semaphore(%arg11 : memref<!tpu.dma_semaphore, #tpu.memory_space<semaphore_mem>>)
        %add3A_1085 = arith.constant 2 : i32
        %add3A_1086 = arith.addi %mul3A_137, %add3A_1085 : i32
        %mul3A_1087 = arith.constant 8 : i32
        %mul3A_1088 = arith.muli %add3A_1086, %mul3A_1087 : i32
        %add3A_1089 = arith.constant 6 : i32
        %add3A_1090 = arith.addi %mul3A_1088, %add3A_1089 : i32
        %dma_start3A_1091 = arith.constant 0 : i32
        %dma_start3A_1092 = arith.constant 0 : i32
        %dma_start3A_1093 = tpu.memref_slice %arg8[%scan3A_115, %dma_start3A_1091, %dma_start3A_1092] : memref<16x128x32xf32, #tpu.memory_space<vmem>> -> memref<1x128x32xf32, #tpu.memory_space<vmem>>
        %dma_start3A_1094 = tpu.memref_squeeze %dma_start3A_1093 : memref<1x128x32xf32, #tpu.memory_space<vmem>> -> memref<128x32xf32, #tpu.memory_space<vmem>>
        %dma_start3A_1095 = arith.constant 0 : i32
        %dma_start3A_1096 = tpu.memref_slice %arg6[%add3A_1090, %dma_start3A_1095] : memref<80x128xi32, #tpu.memory_space<vmem>> -> memref<1x128xi32, #tpu.memory_space<vmem>>
        %dma_start3A_1097 = tpu.memref_squeeze %dma_start3A_1096 : memref<1x128xi32, #tpu.memory_space<vmem>> -> memref<128xi32, #tpu.memory_space<vmem>>
        %dma_start3A_1098 = arith.constant 0 : i32
        %dma_start3A_1099 = arith.constant 0 : i32
        %dma_start3A_1100 = tpu.memref_slice %arg2[%dma_start3A_1098, %dma_start3A_1099] : memref<10000x32xf32, #tpu.memory_space<hbm>> -> memref<10000x32xf32, #tpu.memory_space<hbm>>
        tpu.enqueue_indirect_dma source(%dma_start3A_1100 : memref<10000x32xf32, #tpu.memory_space<hbm>>) target(%dma_start3A_1094 : memref<128x32xf32, #tpu.memory_space<vmem>>) offsets(%dma_start3A_1097 : memref<128xi32, #tpu.memory_space<vmem>>) semaphore(%arg11 : memref<!tpu.dma_semaphore, #tpu.memory_space<semaphore_mem>>)
        %add3A_1101 = arith.constant 2 : i32
        %add3A_1102 = arith.addi %mul3A_137, %add3A_1101 : i32
        %mul3A_1103 = arith.constant 8 : i32
        %mul3A_1104 = arith.muli %add3A_1102, %mul3A_1103 : i32
        %add3A_1105 = arith.constant 7 : i32
        %add3A_1106 = arith.addi %mul3A_1104, %add3A_1105 : i32
        %dma_start3A_1107 = arith.constant 0 : i32
        %dma_start3A_1108 = arith.constant 0 : i32
        %dma_start3A_1109 = tpu.memref_slice %arg8[%scan3A_116, %dma_start3A_1107, %dma_start3A_1108] : memref<16x128x32xf32, #tpu.memory_space<vmem>> -> memref<1x128x32xf32, #tpu.memory_space<vmem>>
        %dma_start3A_1110 = tpu.memref_squeeze %dma_start3A_1109 : memref<1x128x32xf32, #tpu.memory_space<vmem>> -> memref<128x32xf32, #tpu.memory_space<vmem>>
        %dma_start3A_1111 = arith.constant 0 : i32
        %dma_start3A_1112 = tpu.memref_slice %arg6[%add3A_1106, %dma_start3A_1111] : memref<80x128xi32, #tpu.memory_space<vmem>> -> memref<1x128xi32, #tpu.memory_space<vmem>>
        %dma_start3A_1113 = tpu.memref_squeeze %dma_start3A_1112 : memref<1x128xi32, #tpu.memory_space<vmem>> -> memref<128xi32, #tpu.memory_space<vmem>>
        %dma_start3A_1114 = arith.constant 0 : i32
        %dma_start3A_1115 = arith.constant 0 : i32
        %dma_start3A_1116 = tpu.memref_slice %arg2[%dma_start3A_1114, %dma_start3A_1115] : memref<10000x32xf32, #tpu.memory_space<hbm>> -> memref<10000x32xf32, #tpu.memory_space<hbm>>
        tpu.enqueue_indirect_dma source(%dma_start3A_1116 : memref<10000x32xf32, #tpu.memory_space<hbm>>) target(%dma_start3A_1110 : memref<128x32xf32, #tpu.memory_space<vmem>>) offsets(%dma_start3A_1113 : memref<128xi32, #tpu.memory_space<vmem>>) semaphore(%arg11 : memref<!tpu.dma_semaphore, #tpu.memory_space<semaphore_mem>>)
      } else {
      }
      %add3A_733 = arith.constant 1 : i32
      %add3A_734 = arith.addi %mul3A_137, %add3A_733 : i32
      %mul3A_735 = arith.constant 8 : i32
      %mul3A_736 = arith.muli %add3A_734, %mul3A_735 : i32
      %add3A_737 = arith.constant 0 : i32
      %add3A_738 = arith.addi %mul3A_736, %add3A_737 : i32
      %dma_start3A_739 = arith.constant 0 : i32
      %dma_start3A_740 = arith.constant 0 : i32
      %dma_start3A_741 = tpu.memref_slice %arg8[%scan3A_117, %dma_start3A_739, %dma_start3A_740] : memref<16x128x32xf32, #tpu.memory_space<vmem>> -> memref<1x128x32xf32, #tpu.memory_space<vmem>>
      %dma_start3A_742 = tpu.memref_squeeze %dma_start3A_741 : memref<1x128x32xf32, #tpu.memory_space<vmem>> -> memref<128x32xf32, #tpu.memory_space<vmem>>
      %dma_start3A_743 = arith.constant 0 : i32
      %dma_start3A_744 = tpu.memref_slice %arg7[%add3A_738, %dma_start3A_743] : memref<80x128xi32, #tpu.memory_space<vmem>> -> memref<1x128xi32, #tpu.memory_space<vmem>>
      %dma_start3A_745 = tpu.memref_squeeze %dma_start3A_744 : memref<1x128xi32, #tpu.memory_space<vmem>> -> memref<128xi32, #tpu.memory_space<vmem>>
      %dma_start3A_746 = arith.constant 0 : i32
      %dma_start3A_747 = arith.constant 0 : i32
      %dma_start3A_748 = tpu.memref_slice %arg10[%dma_start3A_746, %dma_start3A_747] : memref<10240x32xf32, #tpu.memory_space<vmem_shared>> -> memref<10240x32xf32, #tpu.memory_space<vmem_shared>>
      tpu.enqueue_indirect_dma source(%dma_start3A_742 : memref<128x32xf32, #tpu.memory_space<vmem>>) target(%dma_start3A_748 : memref<10240x32xf32, #tpu.memory_space<vmem_shared>>) offsets(%dma_start3A_745 : memref<128xi32, #tpu.memory_space<vmem>>) semaphore(%arg12 : memref<!tpu.dma_semaphore, #tpu.memory_space<semaphore_mem>>) {add = true}
      %add3A_749 = arith.constant 1 : i32
      %add3A_750 = arith.addi %mul3A_137, %add3A_749 : i32
      %mul3A_751 = arith.constant 8 : i32
      %mul3A_752 = arith.muli %add3A_750, %mul3A_751 : i32
      %add3A_753 = arith.constant 1 : i32
      %add3A_754 = arith.addi %mul3A_752, %add3A_753 : i32
      %dma_start3A_755 = arith.constant 0 : i32
      %dma_start3A_756 = arith.constant 0 : i32
      %dma_start3A_757 = tpu.memref_slice %arg8[%scan3A_118, %dma_start3A_755, %dma_start3A_756] : memref<16x128x32xf32, #tpu.memory_space<vmem>> -> memref<1x128x32xf32, #tpu.memory_space<vmem>>
      %dma_start3A_758 = tpu.memref_squeeze %dma_start3A_757 : memref<1x128x32xf32, #tpu.memory_space<vmem>> -> memref<128x32xf32, #tpu.memory_space<vmem>>
      %dma_start3A_759 = arith.constant 0 : i32
      %dma_start3A_760 = tpu.memref_slice %arg7[%add3A_754, %dma_start3A_759] : memref<80x128xi32, #tpu.memory_space<vmem>> -> memref<1x128xi32, #tpu.memory_space<vmem>>
      %dma_start3A_761 = tpu.memref_squeeze %dma_start3A_760 : memref<1x128xi32, #tpu.memory_space<vmem>> -> memref<128xi32, #tpu.memory_space<vmem>>
      %dma_start3A_762 = arith.constant 0 : i32
      %dma_start3A_763 = arith.constant 0 : i32
      %dma_start3A_764 = tpu.memref_slice %arg10[%dma_start3A_762, %dma_start3A_763] : memref<10240x32xf32, #tpu.memory_space<vmem_shared>> -> memref<10240x32xf32, #tpu.memory_space<vmem_shared>>
      tpu.enqueue_indirect_dma source(%dma_start3A_758 : memref<128x32xf32, #tpu.memory_space<vmem>>) target(%dma_start3A_764 : memref<10240x32xf32, #tpu.memory_space<vmem_shared>>) offsets(%dma_start3A_761 : memref<128xi32, #tpu.memory_space<vmem>>) semaphore(%arg12 : memref<!tpu.dma_semaphore, #tpu.memory_space<semaphore_mem>>) {add = true}
      %add3A_765 = arith.constant 1 : i32
      %add3A_766 = arith.addi %mul3A_137, %add3A_765 : i32
      %mul3A_767 = arith.constant 8 : i32
      %mul3A_768 = arith.muli %add3A_766, %mul3A_767 : i32
      %add3A_769 = arith.constant 2 : i32
      %add3A_770 = arith.addi %mul3A_768, %add3A_769 : i32
      %dma_start3A_771 = arith.constant 0 : i32
      %dma_start3A_772 = arith.constant 0 : i32
      %dma_start3A_773 = tpu.memref_slice %arg8[%scan3A_119, %dma_start3A_771, %dma_start3A_772] : memref<16x128x32xf32, #tpu.memory_space<vmem>> -> memref<1x128x32xf32, #tpu.memory_space<vmem>>
      %dma_start3A_774 = tpu.memref_squeeze %dma_start3A_773 : memref<1x128x32xf32, #tpu.memory_space<vmem>> -> memref<128x32xf32, #tpu.memory_space<vmem>>
      %dma_start3A_775 = arith.constant 0 : i32
      %dma_start3A_776 = tpu.memref_slice %arg7[%add3A_770, %dma_start3A_775] : memref<80x128xi32, #tpu.memory_space<vmem>> -> memref<1x128xi32, #tpu.memory_space<vmem>>
      %dma_start3A_777 = tpu.memref_squeeze %dma_start3A_776 : memref<1x128xi32, #tpu.memory_space<vmem>> -> memref<128xi32, #tpu.memory_space<vmem>>
      %dma_start3A_778 = arith.constant 0 : i32
      %dma_start3A_779 = arith.constant 0 : i32
      %dma_start3A_780 = tpu.memref_slice %arg10[%dma_start3A_778, %dma_start3A_779] : memref<10240x32xf32, #tpu.memory_space<vmem_shared>> -> memref<10240x32xf32, #tpu.memory_space<vmem_shared>>
      tpu.enqueue_indirect_dma source(%dma_start3A_774 : memref<128x32xf32, #tpu.memory_space<vmem>>) target(%dma_start3A_780 : memref<10240x32xf32, #tpu.memory_space<vmem_shared>>) offsets(%dma_start3A_777 : memref<128xi32, #tpu.memory_space<vmem>>) semaphore(%arg12 : memref<!tpu.dma_semaphore, #tpu.memory_space<semaphore_mem>>) {add = true}
      %add3A_781 = arith.constant 1 : i32
      %add3A_782 = arith.addi %mul3A_137, %add3A_781 : i32
      %mul3A_783 = arith.constant 8 : i32
      %mul3A_784 = arith.muli %add3A_782, %mul3A_783 : i32
      %add3A_785 = arith.constant 3 : i32
      %add3A_786 = arith.addi %mul3A_784, %add3A_785 : i32
      %dma_start3A_787 = arith.constant 0 : i32
      %dma_start3A_788 = arith.constant 0 : i32
      %dma_start3A_789 = tpu.memref_slice %arg8[%scan3A_120, %dma_start3A_787, %dma_start3A_788] : memref<16x128x32xf32, #tpu.memory_space<vmem>> -> memref<1x128x32xf32, #tpu.memory_space<vmem>>
      %dma_start3A_790 = tpu.memref_squeeze %dma_start3A_789 : memref<1x128x32xf32, #tpu.memory_space<vmem>> -> memref<128x32xf32, #tpu.memory_space<vmem>>
      %dma_start3A_791 = arith.constant 0 : i32
      %dma_start3A_792 = tpu.memref_slice %arg7[%add3A_786, %dma_start3A_791] : memref<80x128xi32, #tpu.memory_space<vmem>> -> memref<1x128xi32, #tpu.memory_space<vmem>>
      %dma_start3A_793 = tpu.memref_squeeze %dma_start3A_792 : memref<1x128xi32, #tpu.memory_space<vmem>> -> memref<128xi32, #tpu.memory_space<vmem>>
      %dma_start3A_794 = arith.constant 0 : i32
      %dma_start3A_795 = arith.constant 0 : i32
      %dma_start3A_796 = tpu.memref_slice %arg10[%dma_start3A_794, %dma_start3A_795] : memref<10240x32xf32, #tpu.memory_space<vmem_shared>> -> memref<10240x32xf32, #tpu.memory_space<vmem_shared>>
      tpu.enqueue_indirect_dma source(%dma_start3A_790 : memref<128x32xf32, #tpu.memory_space<vmem>>) target(%dma_start3A_796 : memref<10240x32xf32, #tpu.memory_space<vmem_shared>>) offsets(%dma_start3A_793 : memref<128xi32, #tpu.memory_space<vmem>>) semaphore(%arg12 : memref<!tpu.dma_semaphore, #tpu.memory_space<semaphore_mem>>) {add = true}
      %add3A_797 = arith.constant 1 : i32
      %add3A_798 = arith.addi %mul3A_137, %add3A_797 : i32
      %mul3A_799 = arith.constant 8 : i32
      %mul3A_800 = arith.muli %add3A_798, %mul3A_799 : i32
      %add3A_801 = arith.constant 4 : i32
      %add3A_802 = arith.addi %mul3A_800, %add3A_801 : i32
      %dma_start3A_803 = arith.constant 0 : i32
      %dma_start3A_804 = arith.constant 0 : i32
      %dma_start3A_805 = tpu.memref_slice %arg8[%scan3A_121, %dma_start3A_803, %dma_start3A_804] : memref<16x128x32xf32, #tpu.memory_space<vmem>> -> memref<1x128x32xf32, #tpu.memory_space<vmem>>
      %dma_start3A_806 = tpu.memref_squeeze %dma_start3A_805 : memref<1x128x32xf32, #tpu.memory_space<vmem>> -> memref<128x32xf32, #tpu.memory_space<vmem>>
      %dma_start3A_807 = arith.constant 0 : i32
      %dma_start3A_808 = tpu.memref_slice %arg7[%add3A_802, %dma_start3A_807] : memref<80x128xi32, #tpu.memory_space<vmem>> -> memref<1x128xi32, #tpu.memory_space<vmem>>
      %dma_start3A_809 = tpu.memref_squeeze %dma_start3A_808 : memref<1x128xi32, #tpu.memory_space<vmem>> -> memref<128xi32, #tpu.memory_space<vmem>>
      %dma_start3A_810 = arith.constant 0 : i32
      %dma_start3A_811 = arith.constant 0 : i32
      %dma_start3A_812 = tpu.memref_slice %arg10[%dma_start3A_810, %dma_start3A_811] : memref<10240x32xf32, #tpu.memory_space<vmem_shared>> -> memref<10240x32xf32, #tpu.memory_space<vmem_shared>>
      tpu.enqueue_indirect_dma source(%dma_start3A_806 : memref<128x32xf32, #tpu.memory_space<vmem>>) target(%dma_start3A_812 : memref<10240x32xf32, #tpu.memory_space<vmem_shared>>) offsets(%dma_start3A_809 : memref<128xi32, #tpu.memory_space<vmem>>) semaphore(%arg12 : memref<!tpu.dma_semaphore, #tpu.memory_space<semaphore_mem>>) {add = true}
      %add3A_813 = arith.constant 1 : i32
      %add3A_814 = arith.addi %mul3A_137, %add3A_813 : i32
      %mul3A_815 = arith.constant 8 : i32
      %mul3A_816 = arith.muli %add3A_814, %mul3A_815 : i32
      %add3A_817 = arith.constant 5 : i32
      %add3A_818 = arith.addi %mul3A_816, %add3A_817 : i32
      %dma_start3A_819 = arith.constant 0 : i32
      %dma_start3A_820 = arith.constant 0 : i32
      %dma_start3A_821 = tpu.memref_slice %arg8[%scan3A_122, %dma_start3A_819, %dma_start3A_820] : memref<16x128x32xf32, #tpu.memory_space<vmem>> -> memref<1x128x32xf32, #tpu.memory_space<vmem>>
      %dma_start3A_822 = tpu.memref_squeeze %dma_start3A_821 : memref<1x128x32xf32, #tpu.memory_space<vmem>> -> memref<128x32xf32, #tpu.memory_space<vmem>>
      %dma_start3A_823 = arith.constant 0 : i32
      %dma_start3A_824 = tpu.memref_slice %arg7[%add3A_818, %dma_start3A_823] : memref<80x128xi32, #tpu.memory_space<vmem>> -> memref<1x128xi32, #tpu.memory_space<vmem>>
      %dma_start3A_825 = tpu.memref_squeeze %dma_start3A_824 : memref<1x128xi32, #tpu.memory_space<vmem>> -> memref<128xi32, #tpu.memory_space<vmem>>
      %dma_start3A_826 = arith.constant 0 : i32
      %dma_start3A_827 = arith.constant 0 : i32
      %dma_start3A_828 = tpu.memref_slice %arg10[%dma_start3A_826, %dma_start3A_827] : memref<10240x32xf32, #tpu.memory_space<vmem_shared>> -> memref<10240x32xf32, #tpu.memory_space<vmem_shared>>
      tpu.enqueue_indirect_dma source(%dma_start3A_822 : memref<128x32xf32, #tpu.memory_space<vmem>>) target(%dma_start3A_828 : memref<10240x32xf32, #tpu.memory_space<vmem_shared>>) offsets(%dma_start3A_825 : memref<128xi32, #tpu.memory_space<vmem>>) semaphore(%arg12 : memref<!tpu.dma_semaphore, #tpu.memory_space<semaphore_mem>>) {add = true}
      %add3A_829 = arith.constant 1 : i32
      %add3A_830 = arith.addi %mul3A_137, %add3A_829 : i32
      %mul3A_831 = arith.constant 8 : i32
      %mul3A_832 = arith.muli %add3A_830, %mul3A_831 : i32
      %add3A_833 = arith.constant 6 : i32
      %add3A_834 = arith.addi %mul3A_832, %add3A_833 : i32
      %dma_start3A_835 = arith.constant 0 : i32
      %dma_start3A_836 = arith.constant 0 : i32
      %dma_start3A_837 = tpu.memref_slice %arg8[%scan3A_123, %dma_start3A_835, %dma_start3A_836] : memref<16x128x32xf32, #tpu.memory_space<vmem>> -> memref<1x128x32xf32, #tpu.memory_space<vmem>>
      %dma_start3A_838 = tpu.memref_squeeze %dma_start3A_837 : memref<1x128x32xf32, #tpu.memory_space<vmem>> -> memref<128x32xf32, #tpu.memory_space<vmem>>
      %dma_start3A_839 = arith.constant 0 : i32
      %dma_start3A_840 = tpu.memref_slice %arg7[%add3A_834, %dma_start3A_839] : memref<80x128xi32, #tpu.memory_space<vmem>> -> memref<1x128xi32, #tpu.memory_space<vmem>>
      %dma_start3A_841 = tpu.memref_squeeze %dma_start3A_840 : memref<1x128xi32, #tpu.memory_space<vmem>> -> memref<128xi32, #tpu.memory_space<vmem>>
      %dma_start3A_842 = arith.constant 0 : i32
      %dma_start3A_843 = arith.constant 0 : i32
      %dma_start3A_844 = tpu.memref_slice %arg10[%dma_start3A_842, %dma_start3A_843] : memref<10240x32xf32, #tpu.memory_space<vmem_shared>> -> memref<10240x32xf32, #tpu.memory_space<vmem_shared>>
      tpu.enqueue_indirect_dma source(%dma_start3A_838 : memref<128x32xf32, #tpu.memory_space<vmem>>) target(%dma_start3A_844 : memref<10240x32xf32, #tpu.memory_space<vmem_shared>>) offsets(%dma_start3A_841 : memref<128xi32, #tpu.memory_space<vmem>>) semaphore(%arg12 : memref<!tpu.dma_semaphore, #tpu.memory_space<semaphore_mem>>) {add = true}
      %add3A_845 = arith.constant 1 : i32
      %add3A_846 = arith.addi %mul3A_137, %add3A_845 : i32
      %mul3A_847 = arith.constant 8 : i32
      %mul3A_848 = arith.muli %add3A_846, %mul3A_847 : i32
      %add3A_849 = arith.constant 7 : i32
      %add3A_850 = arith.addi %mul3A_848, %add3A_849 : i32
      %dma_start3A_851 = arith.constant 0 : i32
      %dma_start3A_852 = arith.constant 0 : i32
      %dma_start3A_853 = tpu.memref_slice %arg8[%scan3A_124, %dma_start3A_851, %dma_start3A_852] : memref<16x128x32xf32, #tpu.memory_space<vmem>> -> memref<1x128x32xf32, #tpu.memory_space<vmem>>
      %dma_start3A_854 = tpu.memref_squeeze %dma_start3A_853 : memref<1x128x32xf32, #tpu.memory_space<vmem>> -> memref<128x32xf32, #tpu.memory_space<vmem>>
      %dma_start3A_855 = arith.constant 0 : i32
      %dma_start3A_856 = tpu.memref_slice %arg7[%add3A_850, %dma_start3A_855] : memref<80x128xi32, #tpu.memory_space<vmem>> -> memref<1x128xi32, #tpu.memory_space<vmem>>
      %dma_start3A_857 = tpu.memref_squeeze %dma_start3A_856 : memref<1x128xi32, #tpu.memory_space<vmem>> -> memref<128xi32, #tpu.memory_space<vmem>>
      %dma_start3A_858 = arith.constant 0 : i32
      %dma_start3A_859 = arith.constant 0 : i32
      %dma_start3A_860 = tpu.memref_slice %arg10[%dma_start3A_858, %dma_start3A_859] : memref<10240x32xf32, #tpu.memory_space<vmem_shared>> -> memref<10240x32xf32, #tpu.memory_space<vmem_shared>>
      tpu.enqueue_indirect_dma source(%dma_start3A_854 : memref<128x32xf32, #tpu.memory_space<vmem>>) target(%dma_start3A_860 : memref<10240x32xf32, #tpu.memory_space<vmem_shared>>) offsets(%dma_start3A_857 : memref<128xi32, #tpu.memory_space<vmem>>) semaphore(%arg12 : memref<!tpu.dma_semaphore, #tpu.memory_space<semaphore_mem>>) {add = true}
      %add3A_861 = arith.constant 1 : i32
      %add3A_862 = arith.addi %mul3A_137, %add3A_861 : i32
      %mul3A_863 = arith.constant 8 : i32
      %mul3A_864 = arith.muli %add3A_862, %mul3A_863 : i32
      %add3A_865 = arith.constant 0 : i32
      %add3A_866 = arith.addi %mul3A_864, %add3A_865 : i32
      %dma_wait3A_867 = arith.constant 0 : i32
      %dma_wait3A_868 = arith.constant 0 : i32
      %dma_wait3A_869 = tpu.memref_slice %arg8[%scan3A_117, %dma_wait3A_867, %dma_wait3A_868] : memref<16x128x32xf32, #tpu.memory_space<vmem>> -> memref<1x128x32xf32, #tpu.memory_space<vmem>>
      %dma_wait3A_870 = tpu.memref_squeeze %dma_wait3A_869 : memref<1x128x32xf32, #tpu.memory_space<vmem>> -> memref<128x32xf32, #tpu.memory_space<vmem>>
      %dma_wait3A_871 = arith.constant 0 : i32
      %dma_wait3A_872 = tpu.memref_slice %arg7[%add3A_866, %dma_wait3A_871] : memref<80x128xi32, #tpu.memory_space<vmem>> -> memref<1x128xi32, #tpu.memory_space<vmem>>
      %dma_wait3A_873 = tpu.memref_squeeze %dma_wait3A_872 : memref<1x128xi32, #tpu.memory_space<vmem>> -> memref<128xi32, #tpu.memory_space<vmem>>
      %dma_wait3A_874 = arith.constant 0 : i32
      %dma_wait3A_875 = arith.constant 0 : i32
      %dma_wait3A_876 = tpu.memref_slice %arg10[%dma_wait3A_874, %dma_wait3A_875] : memref<10240x32xf32, #tpu.memory_space<vmem_shared>> -> memref<10240x32xf32, #tpu.memory_space<vmem_shared>>
      tpu.wait_indirect_dma semaphore(%arg12 : memref<!tpu.dma_semaphore, #tpu.memory_space<semaphore_mem>>) src(%dma_wait3A_870 : memref<128x32xf32, #tpu.memory_space<vmem>>) dst(%dma_wait3A_876 : memref<10240x32xf32, #tpu.memory_space<vmem_shared>>)
      %add3A_877 = arith.constant 1 : i32
      %add3A_878 = arith.addi %mul3A_137, %add3A_877 : i32
      %mul3A_879 = arith.constant 8 : i32
      %mul3A_880 = arith.muli %add3A_878, %mul3A_879 : i32
      %add3A_881 = arith.constant 1 : i32
      %add3A_882 = arith.addi %mul3A_880, %add3A_881 : i32
      %dma_wait3A_883 = arith.constant 0 : i32
      %dma_wait3A_884 = arith.constant 0 : i32
      %dma_wait3A_885 = tpu.memref_slice %arg8[%scan3A_118, %dma_wait3A_883, %dma_wait3A_884] : memref<16x128x32xf32, #tpu.memory_space<vmem>> -> memref<1x128x32xf32, #tpu.memory_space<vmem>>
      %dma_wait3A_886 = tpu.memref_squeeze %dma_wait3A_885 : memref<1x128x32xf32, #tpu.memory_space<vmem>> -> memref<128x32xf32, #tpu.memory_space<vmem>>
      %dma_wait3A_887 = arith.constant 0 : i32
      %dma_wait3A_888 = tpu.memref_slice %arg7[%add3A_882, %dma_wait3A_887] : memref<80x128xi32, #tpu.memory_space<vmem>> -> memref<1x128xi32, #tpu.memory_space<vmem>>
      %dma_wait3A_889 = tpu.memref_squeeze %dma_wait3A_888 : memref<1x128xi32, #tpu.memory_space<vmem>> -> memref<128xi32, #tpu.memory_space<vmem>>
      %dma_wait3A_890 = arith.constant 0 : i32
      %dma_wait3A_891 = arith.constant 0 : i32
      %dma_wait3A_892 = tpu.memref_slice %arg10[%dma_wait3A_890, %dma_wait3A_891] : memref<10240x32xf32, #tpu.memory_space<vmem_shared>> -> memref<10240x32xf32, #tpu.memory_space<vmem_shared>>
      tpu.wait_indirect_dma semaphore(%arg12 : memref<!tpu.dma_semaphore, #tpu.memory_space<semaphore_mem>>) src(%dma_wait3A_886 : memref<128x32xf32, #tpu.memory_space<vmem>>) dst(%dma_wait3A_892 : memref<10240x32xf32, #tpu.memory_space<vmem_shared>>)
      %add3A_893 = arith.constant 1 : i32
      %add3A_894 = arith.addi %mul3A_137, %add3A_893 : i32
      %mul3A_895 = arith.constant 8 : i32
      %mul3A_896 = arith.muli %add3A_894, %mul3A_895 : i32
      %add3A_897 = arith.constant 2 : i32
      %add3A_898 = arith.addi %mul3A_896, %add3A_897 : i32
      %dma_wait3A_899 = arith.constant 0 : i32
      %dma_wait3A_900 = arith.constant 0 : i32
      %dma_wait3A_901 = tpu.memref_slice %arg8[%scan3A_119, %dma_wait3A_899, %dma_wait3A_900] : memref<16x128x32xf32, #tpu.memory_space<vmem>> -> memref<1x128x32xf32, #tpu.memory_space<vmem>>
      %dma_wait3A_902 = tpu.memref_squeeze %dma_wait3A_901 : memref<1x128x32xf32, #tpu.memory_space<vmem>> -> memref<128x32xf32, #tpu.memory_space<vmem>>
      %dma_wait3A_903 = arith.constant 0 : i32
      %dma_wait3A_904 = tpu.memref_slice %arg7[%add3A_898, %dma_wait3A_903] : memref<80x128xi32, #tpu.memory_space<vmem>> -> memref<1x128xi32, #tpu.memory_space<vmem>>
      %dma_wait3A_905 = tpu.memref_squeeze %dma_wait3A_904 : memref<1x128xi32, #tpu.memory_space<vmem>> -> memref<128xi32, #tpu.memory_space<vmem>>
      %dma_wait3A_906 = arith.constant 0 : i32
      %dma_wait3A_907 = arith.constant 0 : i32
      %dma_wait3A_908 = tpu.memref_slice %arg10[%dma_wait3A_906, %dma_wait3A_907] : memref<10240x32xf32, #tpu.memory_space<vmem_shared>> -> memref<10240x32xf32, #tpu.memory_space<vmem_shared>>
      tpu.wait_indirect_dma semaphore(%arg12 : memref<!tpu.dma_semaphore, #tpu.memory_space<semaphore_mem>>) src(%dma_wait3A_902 : memref<128x32xf32, #tpu.memory_space<vmem>>) dst(%dma_wait3A_908 : memref<10240x32xf32, #tpu.memory_space<vmem_shared>>)
      %add3A_909 = arith.constant 1 : i32
      %add3A_910 = arith.addi %mul3A_137, %add3A_909 : i32
      %mul3A_911 = arith.constant 8 : i32
      %mul3A_912 = arith.muli %add3A_910, %mul3A_911 : i32
      %add3A_913 = arith.constant 3 : i32
      %add3A_914 = arith.addi %mul3A_912, %add3A_913 : i32
      %dma_wait3A_915 = arith.constant 0 : i32
      %dma_wait3A_916 = arith.constant 0 : i32
      %dma_wait3A_917 = tpu.memref_slice %arg8[%scan3A_120, %dma_wait3A_915, %dma_wait3A_916] : memref<16x128x32xf32, #tpu.memory_space<vmem>> -> memref<1x128x32xf32, #tpu.memory_space<vmem>>
      %dma_wait3A_918 = tpu.memref_squeeze %dma_wait3A_917 : memref<1x128x32xf32, #tpu.memory_space<vmem>> -> memref<128x32xf32, #tpu.memory_space<vmem>>
      %dma_wait3A_919 = arith.constant 0 : i32
      %dma_wait3A_920 = tpu.memref_slice %arg7[%add3A_914, %dma_wait3A_919] : memref<80x128xi32, #tpu.memory_space<vmem>> -> memref<1x128xi32, #tpu.memory_space<vmem>>
      %dma_wait3A_921 = tpu.memref_squeeze %dma_wait3A_920 : memref<1x128xi32, #tpu.memory_space<vmem>> -> memref<128xi32, #tpu.memory_space<vmem>>
      %dma_wait3A_922 = arith.constant 0 : i32
      %dma_wait3A_923 = arith.constant 0 : i32
      %dma_wait3A_924 = tpu.memref_slice %arg10[%dma_wait3A_922, %dma_wait3A_923] : memref<10240x32xf32, #tpu.memory_space<vmem_shared>> -> memref<10240x32xf32, #tpu.memory_space<vmem_shared>>
      tpu.wait_indirect_dma semaphore(%arg12 : memref<!tpu.dma_semaphore, #tpu.memory_space<semaphore_mem>>) src(%dma_wait3A_918 : memref<128x32xf32, #tpu.memory_space<vmem>>) dst(%dma_wait3A_924 : memref<10240x32xf32, #tpu.memory_space<vmem_shared>>)
      %add3A_925 = arith.constant 1 : i32
      %add3A_926 = arith.addi %mul3A_137, %add3A_925 : i32
      %mul3A_927 = arith.constant 8 : i32
      %mul3A_928 = arith.muli %add3A_926, %mul3A_927 : i32
      %add3A_929 = arith.constant 4 : i32
      %add3A_930 = arith.addi %mul3A_928, %add3A_929 : i32
      %dma_wait3A_931 = arith.constant 0 : i32
      %dma_wait3A_932 = arith.constant 0 : i32
      %dma_wait3A_933 = tpu.memref_slice %arg8[%scan3A_121, %dma_wait3A_931, %dma_wait3A_932] : memref<16x128x32xf32, #tpu.memory_space<vmem>> -> memref<1x128x32xf32, #tpu.memory_space<vmem>>
      %dma_wait3A_934 = tpu.memref_squeeze %dma_wait3A_933 : memref<1x128x32xf32, #tpu.memory_space<vmem>> -> memref<128x32xf32, #tpu.memory_space<vmem>>
      %dma_wait3A_935 = arith.constant 0 : i32
      %dma_wait3A_936 = tpu.memref_slice %arg7[%add3A_930, %dma_wait3A_935] : memref<80x128xi32, #tpu.memory_space<vmem>> -> memref<1x128xi32, #tpu.memory_space<vmem>>
      %dma_wait3A_937 = tpu.memref_squeeze %dma_wait3A_936 : memref<1x128xi32, #tpu.memory_space<vmem>> -> memref<128xi32, #tpu.memory_space<vmem>>
      %dma_wait3A_938 = arith.constant 0 : i32
      %dma_wait3A_939 = arith.constant 0 : i32
      %dma_wait3A_940 = tpu.memref_slice %arg10[%dma_wait3A_938, %dma_wait3A_939] : memref<10240x32xf32, #tpu.memory_space<vmem_shared>> -> memref<10240x32xf32, #tpu.memory_space<vmem_shared>>
      tpu.wait_indirect_dma semaphore(%arg12 : memref<!tpu.dma_semaphore, #tpu.memory_space<semaphore_mem>>) src(%dma_wait3A_934 : memref<128x32xf32, #tpu.memory_space<vmem>>) dst(%dma_wait3A_940 : memref<10240x32xf32, #tpu.memory_space<vmem_shared>>)
      %add3A_941 = arith.constant 1 : i32
      %add3A_942 = arith.addi %mul3A_137, %add3A_941 : i32
      %mul3A_943 = arith.constant 8 : i32
      %mul3A_944 = arith.muli %add3A_942, %mul3A_943 : i32
      %add3A_945 = arith.constant 5 : i32
      %add3A_946 = arith.addi %mul3A_944, %add3A_945 : i32
      %dma_wait3A_947 = arith.constant 0 : i32
      %dma_wait3A_948 = arith.constant 0 : i32
      %dma_wait3A_949 = tpu.memref_slice %arg8[%scan3A_122, %dma_wait3A_947, %dma_wait3A_948] : memref<16x128x32xf32, #tpu.memory_space<vmem>> -> memref<1x128x32xf32, #tpu.memory_space<vmem>>
      %dma_wait3A_950 = tpu.memref_squeeze %dma_wait3A_949 : memref<1x128x32xf32, #tpu.memory_space<vmem>> -> memref<128x32xf32, #tpu.memory_space<vmem>>
      %dma_wait3A_951 = arith.constant 0 : i32
      %dma_wait3A_952 = tpu.memref_slice %arg7[%add3A_946, %dma_wait3A_951] : memref<80x128xi32, #tpu.memory_space<vmem>> -> memref<1x128xi32, #tpu.memory_space<vmem>>
      %dma_wait3A_953 = tpu.memref_squeeze %dma_wait3A_952 : memref<1x128xi32, #tpu.memory_space<vmem>> -> memref<128xi32, #tpu.memory_space<vmem>>
      %dma_wait3A_954 = arith.constant 0 : i32
      %dma_wait3A_955 = arith.constant 0 : i32
      %dma_wait3A_956 = tpu.memref_slice %arg10[%dma_wait3A_954, %dma_wait3A_955] : memref<10240x32xf32, #tpu.memory_space<vmem_shared>> -> memref<10240x32xf32, #tpu.memory_space<vmem_shared>>
      tpu.wait_indirect_dma semaphore(%arg12 : memref<!tpu.dma_semaphore, #tpu.memory_space<semaphore_mem>>) src(%dma_wait3A_950 : memref<128x32xf32, #tpu.memory_space<vmem>>) dst(%dma_wait3A_956 : memref<10240x32xf32, #tpu.memory_space<vmem_shared>>)
      %add3A_957 = arith.constant 1 : i32
      %add3A_958 = arith.addi %mul3A_137, %add3A_957 : i32
      %mul3A_959 = arith.constant 8 : i32
      %mul3A_960 = arith.muli %add3A_958, %mul3A_959 : i32
      %add3A_961 = arith.constant 6 : i32
      %add3A_962 = arith.addi %mul3A_960, %add3A_961 : i32
      %dma_wait3A_963 = arith.constant 0 : i32
      %dma_wait3A_964 = arith.constant 0 : i32
      %dma_wait3A_965 = tpu.memref_slice %arg8[%scan3A_123, %dma_wait3A_963, %dma_wait3A_964] : memref<16x128x32xf32, #tpu.memory_space<vmem>> -> memref<1x128x32xf32, #tpu.memory_space<vmem>>
      %dma_wait3A_966 = tpu.memref_squeeze %dma_wait3A_965 : memref<1x128x32xf32, #tpu.memory_space<vmem>> -> memref<128x32xf32, #tpu.memory_space<vmem>>
      %dma_wait3A_967 = arith.constant 0 : i32
      %dma_wait3A_968 = tpu.memref_slice %arg7[%add3A_962, %dma_wait3A_967] : memref<80x128xi32, #tpu.memory_space<vmem>> -> memref<1x128xi32, #tpu.memory_space<vmem>>
      %dma_wait3A_969 = tpu.memref_squeeze %dma_wait3A_968 : memref<1x128xi32, #tpu.memory_space<vmem>> -> memref<128xi32, #tpu.memory_space<vmem>>
      %dma_wait3A_970 = arith.constant 0 : i32
      %dma_wait3A_971 = arith.constant 0 : i32
      %dma_wait3A_972 = tpu.memref_slice %arg10[%dma_wait3A_970, %dma_wait3A_971] : memref<10240x32xf32, #tpu.memory_space<vmem_shared>> -> memref<10240x32xf32, #tpu.memory_space<vmem_shared>>
      tpu.wait_indirect_dma semaphore(%arg12 : memref<!tpu.dma_semaphore, #tpu.memory_space<semaphore_mem>>) src(%dma_wait3A_966 : memref<128x32xf32, #tpu.memory_space<vmem>>) dst(%dma_wait3A_972 : memref<10240x32xf32, #tpu.memory_space<vmem_shared>>)
      %add3A_973 = arith.constant 1 : i32
      %add3A_974 = arith.addi %mul3A_137, %add3A_973 : i32
      %mul3A_975 = arith.constant 8 : i32
      %mul3A_976 = arith.muli %add3A_974, %mul3A_975 : i32
      %add3A_977 = arith.constant 7 : i32
      %add3A_978 = arith.addi %mul3A_976, %add3A_977 : i32
      %dma_wait3A_979 = arith.constant 0 : i32
      %dma_wait3A_980 = arith.constant 0 : i32
      %dma_wait3A_981 = tpu.memref_slice %arg8[%scan3A_124, %dma_wait3A_979, %dma_wait3A_980] : memref<16x128x32xf32, #tpu.memory_space<vmem>> -> memref<1x128x32xf32, #tpu.memory_space<vmem>>
      %dma_wait3A_982 = tpu.memref_squeeze %dma_wait3A_981 : memref<1x128x32xf32, #tpu.memory_space<vmem>> -> memref<128x32xf32, #tpu.memory_space<vmem>>
      %dma_wait3A_983 = arith.constant 0 : i32
      %dma_wait3A_984 = tpu.memref_slice %arg7[%add3A_978, %dma_wait3A_983] : memref<80x128xi32, #tpu.memory_space<vmem>> -> memref<1x128xi32, #tpu.memory_space<vmem>>
      %dma_wait3A_985 = tpu.memref_squeeze %dma_wait3A_984 : memref<1x128xi32, #tpu.memory_space<vmem>> -> memref<128xi32, #tpu.memory_space<vmem>>
      %dma_wait3A_986 = arith.constant 0 : i32
      %dma_wait3A_987 = arith.constant 0 : i32
      %dma_wait3A_988 = tpu.memref_slice %arg10[%dma_wait3A_986, %dma_wait3A_987] : memref<10240x32xf32, #tpu.memory_space<vmem_shared>> -> memref<10240x32xf32, #tpu.memory_space<vmem_shared>>
      tpu.wait_indirect_dma semaphore(%arg12 : memref<!tpu.dma_semaphore, #tpu.memory_space<semaphore_mem>>) src(%dma_wait3A_982 : memref<128x32xf32, #tpu.memory_space<vmem>>) dst(%dma_wait3A_988 : memref<10240x32xf32, #tpu.memory_space<vmem_shared>>)
    }
    %scan3A_129 = arith.constant 5 : i32
    %barrier3A_130 = arith.constant 0 : index
    tpu.barrier barrier_id(%barrier3A_130)
    %mul3A_131 = arith.constant 640 : i32
    %mul3A_132 = arith.muli %arg1, %mul3A_131 : i32
    %mul3A_133 = arith.constant 640 : i32
    %mul3A_134 = arith.muli %arg1, %mul3A_133 : i32
    "tpu.region"() ({
      %run_scoped3A = tpu.sem_alloc : memref<!tpu.dma_semaphore, #tpu.memory_space<semaphore_mem>>
      %dma_start3A_135 = arith.constant 0 : i32
      %dma_start3A_136 = tpu.memref_slice %arg5[%arg0, %mul3A_134, %dma_start3A_135] : memref<2x10240x32xf32, #tpu.memory_space<hbm>> -> memref<1x640x32xf32, #tpu.memory_space<hbm>>
      %dma_start3A_137 = tpu.memref_squeeze %dma_start3A_136 : memref<1x640x32xf32, #tpu.memory_space<hbm>> -> memref<640x32xf32, #tpu.memory_space<hbm>>
      %dma_start3A_138 = arith.constant 0 : i32
      %dma_start3A_139 = tpu.memref_slice %arg10[%mul3A_132, %dma_start3A_138] : memref<10240x32xf32, #tpu.memory_space<vmem_shared>> -> memref<640x32xf32, #tpu.memory_space<vmem_shared>>
      tpu.enqueue_dma source(%dma_start3A_139 : memref<640x32xf32, #tpu.memory_space<vmem_shared>>) target(%dma_start3A_137 : memref<640x32xf32, #tpu.memory_space<hbm>>) target_semaphore(%run_scoped3A : memref<!tpu.dma_semaphore, #tpu.memory_space<semaphore_mem>>)
      %dma_wait3A = arith.constant 0 : i32
      %dma_wait3A_140 = tpu.memref_slice %arg5[%arg0, %mul3A_134, %dma_wait3A] : memref<2x10240x32xf32, #tpu.memory_space<hbm>> -> memref<1x640x32xf32, #tpu.memory_space<hbm>>
      %dma_wait3A_141 = tpu.memref_squeeze %dma_wait3A_140 : memref<1x640x32xf32, #tpu.memory_space<hbm>> -> memref<640x32xf32, #tpu.memory_space<hbm>>
      %dma_wait3A_142 = arith.constant 0 : i32
      %dma_wait3A_143 = tpu.memref_slice %arg10[%mul3A_132, %dma_wait3A_142] : memref<10240x32xf32, #tpu.memory_space<vmem_shared>> -> memref<640x32xf32, #tpu.memory_space<vmem_shared>>
      tpu.wait_dma2 semaphore(%run_scoped3A : memref<!tpu.dma_semaphore, #tpu.memory_space<semaphore_mem>>) src(%dma_wait3A_143 : memref<640x32xf32, #tpu.memory_space<vmem_shared>>) dst(%dma_wait3A_141 : memref<640x32xf32, #tpu.memory_space<hbm>>)
      tpu.yield
    }) : () -> ()
    return
  }
}

module attributes {stable_mosaic.version = 14 : i64} {
  func.func @_mm1_body(%arg0: memref<10000x128xf32, #tpu.memory_space<vmem>>, %arg1: memref<128x32xf32, #tpu.memory_space<vmem>>, %arg2: memref<2500x128xf32, #tpu.memory_space<vmem>>) attributes {dimension_semantics = [], scalar_prefetch = 0 : i64, scratch_operands = 0 : i64, tpu.core_type = #tpu.core_type<tc>} {
    %get3A = arith.constant 0 : index
    %get3A_0 = arith.constant 0 : index
    %get3A_1 = vector.load %arg0[%get3A, %get3A_0] : memref<10000x128xf32, #tpu.memory_space<vmem>>, vector<10000x128xf32>
    %reshape3A = vector.shape_cast %get3A_1 : vector<10000x128xf32> to vector<2500x4x128xf32>
    %slice3A = vector.extract_strided_slice %reshape3A {offsets = [0, 0, 0], sizes = [2500, 1, 128], strides = [1, 1, 1]} : vector<2500x4x128xf32> to vector<2500x1x128xf32>
    %squeeze3A = vector.shape_cast %slice3A : vector<2500x1x128xf32> to vector<2500x128xf32>
    %get3A_2 = arith.constant 0 : index
    %get3A_3 = arith.constant 0 : index
    %get3A_4 = vector.load %arg1[%get3A_2, %get3A_3] : memref<128x32xf32, #tpu.memory_space<vmem>>, vector<128x32xf32>
    %dot_general3A = arith.constant dense<0.000000e+00> : vector<2500x32xf32>
    %dot_general3A_5 = tpu.matmul %squeeze3A, %get3A_4, %dot_general3A {dimension_numbers = #tpu.dot_dimension_numbers<[1], [0], [0], [1], [0, 0, 1, 1], [], []>, transpose_lhs_hint = false} : vector<2500x128xf32>, vector<128x32xf32>, vector<2500x32xf32> -> vector<2500x32xf32>
    %slice3A_6 = vector.extract_strided_slice %reshape3A {offsets = [0, 1, 0], sizes = [2500, 1, 128], strides = [1, 1, 1]} : vector<2500x4x128xf32> to vector<2500x1x128xf32>
    %squeeze3A_7 = vector.shape_cast %slice3A_6 : vector<2500x1x128xf32> to vector<2500x128xf32>
    %get3A_8 = arith.constant 0 : index
    %get3A_9 = arith.constant 0 : index
    %get3A_10 = vector.load %arg1[%get3A_8, %get3A_9] : memref<128x32xf32, #tpu.memory_space<vmem>>, vector<128x32xf32>
    %dot_general3A_11 = arith.constant dense<0.000000e+00> : vector<2500x32xf32>
    %dot_general3A_12 = tpu.matmul %squeeze3A_7, %get3A_10, %dot_general3A_11 {dimension_numbers = #tpu.dot_dimension_numbers<[1], [0], [0], [1], [0, 0, 1, 1], [], []>, transpose_lhs_hint = false} : vector<2500x128xf32>, vector<128x32xf32>, vector<2500x32xf32> -> vector<2500x32xf32>
    %slice3A_13 = vector.extract_strided_slice %reshape3A {offsets = [0, 2, 0], sizes = [2500, 1, 128], strides = [1, 1, 1]} : vector<2500x4x128xf32> to vector<2500x1x128xf32>
    %squeeze3A_14 = vector.shape_cast %slice3A_13 : vector<2500x1x128xf32> to vector<2500x128xf32>
    %get3A_15 = arith.constant 0 : index
    %get3A_16 = arith.constant 0 : index
    %get3A_17 = vector.load %arg1[%get3A_15, %get3A_16] : memref<128x32xf32, #tpu.memory_space<vmem>>, vector<128x32xf32>
    %dot_general3A_18 = arith.constant dense<0.000000e+00> : vector<2500x32xf32>
    %dot_general3A_19 = tpu.matmul %squeeze3A_14, %get3A_17, %dot_general3A_18 {dimension_numbers = #tpu.dot_dimension_numbers<[1], [0], [0], [1], [0, 0, 1, 1], [], []>, transpose_lhs_hint = false} : vector<2500x128xf32>, vector<128x32xf32>, vector<2500x32xf32> -> vector<2500x32xf32>
    %slice3A_20 = vector.extract_strided_slice %reshape3A {offsets = [0, 3, 0], sizes = [2500, 1, 128], strides = [1, 1, 1]} : vector<2500x4x128xf32> to vector<2500x1x128xf32>
    %squeeze3A_21 = vector.shape_cast %slice3A_20 : vector<2500x1x128xf32> to vector<2500x128xf32>
    %get3A_22 = arith.constant 0 : index
    %get3A_23 = arith.constant 0 : index
    %get3A_24 = vector.load %arg1[%get3A_22, %get3A_23] : memref<128x32xf32, #tpu.memory_space<vmem>>, vector<128x32xf32>
    %dot_general3A_25 = arith.constant dense<0.000000e+00> : vector<2500x32xf32>
    %dot_general3A_26 = tpu.matmul %squeeze3A_21, %get3A_24, %dot_general3A_25 {dimension_numbers = #tpu.dot_dimension_numbers<[1], [0], [0], [1], [0, 0, 1, 1], [], []>, transpose_lhs_hint = false} : vector<2500x128xf32>, vector<128x32xf32>, vector<2500x32xf32> -> vector<2500x32xf32>
    %concatenate3A = tpu.concatenate %dot_general3A_5, %dot_general3A_12, %dot_general3A_19, %dot_general3A_26 in 1 : vector<2500x32xf32>, vector<2500x32xf32>, vector<2500x32xf32>, vector<2500x32xf32> -> vector<2500x128xf32>
    %swap3A = arith.constant 0 : index
    %swap3A_27 = arith.constant 0 : index
    %swap3A_28 = vector.load %arg2[%swap3A, %swap3A_27] : memref<2500x128xf32, #tpu.memory_space<vmem>>, vector<2500x128xf32>
    tpu.vector_store %arg2[%swap3A, %swap3A_27], %concatenate3A {strides = array<i32>} : memref<2500x128xf32, #tpu.memory_space<vmem>>, vector<2500x128xf32>,
    return
  }
}

module attributes {stable_mosaic.version = 14 : i64} {
  func.func @_mid_body(%arg0: memref<2x2560x128xf32, #tpu.memory_space<vmem>>, %arg1: memref<1x32xf32, #tpu.memory_space<vmem>>, %arg2: memref<2500x128xf32, #tpu.memory_space<vmem>>) attributes {dimension_semantics = [], scalar_prefetch = 0 : i64, scratch_operands = 0 : i64, tpu.core_type = #tpu.core_type<tc>} {
    %get3A = arith.constant 0 : index
    %get3A_0 = arith.constant 0 : index
    %get3A_1 = vector.load %arg1[%get3A, %get3A_0] : memref<1x32xf32, #tpu.memory_space<vmem>>, vector<1x32xf32>
    %concatenate3A = tpu.concatenate %get3A_1, %get3A_1, %get3A_1, %get3A_1 in 1 : vector<1x32xf32>, vector<1x32xf32>, vector<1x32xf32>, vector<1x32xf32> -> vector<1x128xf32>
    %get3A_2 = arith.constant 0 : index
    %get3A_3 = arith.constant 0 : index
    %get3A_4 = arith.constant 0 : index
    %get3A_5 = vector.load %arg0[%get3A_2, %get3A_3, %get3A_4] : memref<2x2560x128xf32, #tpu.memory_space<vmem>>, vector<1x2500x128xf32>
    %get3A_6 = vector.shape_cast %get3A_5 : vector<1x2500x128xf32> to vector<2500x128xf32>
    %get3A_7 = arith.constant 1 : index
    %get3A_8 = arith.constant 0 : index
    %get3A_9 = arith.constant 0 : index
    %get3A_10 = vector.load %arg0[%get3A_7, %get3A_8, %get3A_9] : memref<2x2560x128xf32, #tpu.memory_space<vmem>>, vector<1x2500x128xf32>
    %get3A_11 = vector.shape_cast %get3A_10 : vector<1x2500x128xf32> to vector<2500x128xf32>
    %add3A = arith.addf %get3A_6, %get3A_11 : vector<2500x128xf32>
    %add3A_12 = vector.broadcast %concatenate3A : vector<1x128xf32> to vector<2500x128xf32>
    %add3A_13 = arith.addf %add3A, %add3A_12 : vector<2500x128xf32>
    %gt3A = arith.constant 0.000000e+00 : f32
    %gt3A_14 = vector.broadcast %gt3A : f32 to vector<2500x128xf32>
    %gt3A_15 = arith.cmpf ogt, %add3A_13, %gt3A_14 : vector<2500x128xf32>
    %mul3A = arith.constant 0.00999999977 : f32
    %mul3A_16 = vector.broadcast %mul3A : f32 to vector<2500x128xf32>
    %mul3A_17 = arith.mulf %mul3A_16, %add3A_13 : vector<2500x128xf32>
    %select_n3A = arith.select %gt3A_15, %add3A_13, %mul3A_17 : vector<2500x128xi1>, vector<2500x128xf32>
    %swap3A = arith.constant 0 : index
    %swap3A_18 = arith.constant 0 : index
    %swap3A_19 = vector.load %arg2[%swap3A, %swap3A_18] : memref<2500x128xf32, #tpu.memory_space<vmem>>, vector<2500x128xf32>
    tpu.vector_store %arg2[%swap3A, %swap3A_18], %select_n3A {strides = array<i32>} : memref<2500x128xf32, #tpu.memory_space<vmem>>, vector<2500x128xf32>,
    return
  }
}

module attributes {stable_mosaic.version = 14 : i64} {
  func.func @_tail_body(%arg0: memref<2x2560x128xf32, #tpu.memory_space<vmem>>, %arg1: memref<2500x4xi32, #tpu.memory_space<vmem>>, %arg2: memref<32x20xf32, #tpu.memory_space<vmem>>, %arg3: memref<1x20xf32, #tpu.memory_space<vmem>>, %arg4: memref<1x20xf32, #tpu.memory_space<vmem>>, %arg5: memref<1x20xf32, #tpu.memory_space<vmem>>, %arg6: memref<20x10xf32, #tpu.memory_space<vmem>>, %arg7: memref<1x10xf32, #tpu.memory_space<vmem>>, %arg8: memref<10x2xf32, #tpu.memory_space<vmem>>, %arg9: memref<1x2xf32, #tpu.memory_space<vmem>>, %arg10: memref<32x2xf32, #tpu.memory_space<vmem>>) attributes {dimension_semantics = [], scalar_prefetch = 0 : i64, scratch_operands = 0 : i64, tpu.core_type = #tpu.core_type<tc>} {
    %get3A = arith.constant 0 : index
    %get3A_0 = arith.constant 0 : index
    %get3A_1 = arith.constant 0 : index
    %get3A_2 = vector.load %arg0[%get3A, %get3A_0, %get3A_1] : memref<2x2560x128xf32, #tpu.memory_space<vmem>>, vector<1x2500x128xf32>
    %get3A_3 = vector.shape_cast %get3A_2 : vector<1x2500x128xf32> to vector<2500x128xf32>
    %get3A_4 = arith.constant 1 : index
    %get3A_5 = arith.constant 0 : index
    %get3A_6 = arith.constant 0 : index
    %get3A_7 = vector.load %arg0[%get3A_4, %get3A_5, %get3A_6] : memref<2x2560x128xf32, #tpu.memory_space<vmem>>, vector<1x2500x128xf32>
    %get3A_8 = vector.shape_cast %get3A_7 : vector<1x2500x128xf32> to vector<2500x128xf32>
    %add3A = arith.addf %get3A_3, %get3A_8 : vector<2500x128xf32>
    %get3A_9 = arith.constant 0 : index
    %get3A_10 = arith.constant 0 : index
    %get3A_11 = vector.load %arg2[%get3A_9, %get3A_10] : memref<32x20xf32, #tpu.memory_space<vmem>>, vector<32x20xf32>
    %jit3A = arith.constant 0 : i32
    %convert_element_type3A = arith.sitofp %jit3A : i32 to f32
    %pad3A = vector.broadcast %convert_element_type3A : f32 to vector<32x60xf32>
    %pad3A_12 = tpu.concatenate %get3A_11, %pad3A in 1 : vector<32x20xf32>, vector<32x60xf32> -> vector<32x80xf32>
    %get3A_13 = arith.constant 0 : index
    %get3A_14 = arith.constant 0 : index
    %get3A_15 = vector.load %arg2[%get3A_13, %get3A_14] : memref<32x20xf32, #tpu.memory_space<vmem>>, vector<32x20xf32>
    %jit3A_16 = arith.constant 0 : i32
    %convert_element_type3A_17 = arith.sitofp %jit3A_16 : i32 to f32
    %pad3A_18 = vector.broadcast %convert_element_type3A_17 : f32 to vector<32x20xf32>
    %pad3A_19 = tpu.concatenate %pad3A_18, %get3A_15 in 1 : vector<32x20xf32>, vector<32x20xf32> -> vector<32x40xf32>
    %pad3A_20 = vector.broadcast %convert_element_type3A_17 : f32 to vector<32x40xf32>
    %pad3A_21 = tpu.concatenate %pad3A_19, %pad3A_20 in 1 : vector<32x40xf32>, vector<32x40xf32> -> vector<32x80xf32>
    %get3A_22 = arith.constant 0 : index
    %get3A_23 = arith.constant 0 : index
    %get3A_24 = vector.load %arg2[%get3A_22, %get3A_23] : memref<32x20xf32, #tpu.memory_space<vmem>>, vector<32x20xf32>
    %jit3A_25 = arith.constant 0 : i32
    %convert_element_type3A_26 = arith.sitofp %jit3A_25 : i32 to f32
    %pad3A_27 = vector.broadcast %convert_element_type3A_26 : f32 to vector<32x40xf32>
    %pad3A_28 = tpu.concatenate %pad3A_27, %get3A_24 in 1 : vector<32x40xf32>, vector<32x20xf32> -> vector<32x60xf32>
    %pad3A_29 = vector.broadcast %convert_element_type3A_26 : f32 to vector<32x20xf32>
    %pad3A_30 = tpu.concatenate %pad3A_28, %pad3A_29 in 1 : vector<32x60xf32>, vector<32x20xf32> -> vector<32x80xf32>
    %get3A_31 = arith.constant 0 : index
    %get3A_32 = arith.constant 0 : index
    %get3A_33 = vector.load %arg2[%get3A_31, %get3A_32] : memref<32x20xf32, #tpu.memory_space<vmem>>, vector<32x20xf32>
    %jit3A_34 = arith.constant 0 : i32
    %convert_element_type3A_35 = arith.sitofp %jit3A_34 : i32 to f32
    %pad3A_36 = vector.broadcast %convert_element_type3A_35 : f32 to vector<32x60xf32>
    %pad3A_37 = tpu.concatenate %pad3A_36, %get3A_33 in 1 : vector<32x60xf32>, vector<32x20xf32> -> vector<32x80xf32>
    %concatenate3A = tpu.concatenate %pad3A_12, %pad3A_21, %pad3A_30, %pad3A_37 in 0 : vector<32x80xf32>, vector<32x80xf32>, vector<32x80xf32>, vector<32x80xf32> -> vector<128x80xf32>
    %get3A_38 = arith.constant 0 : index
    %get3A_39 = arith.constant 0 : index
    %get3A_40 = vector.load %arg3[%get3A_38, %get3A_39] : memref<1x20xf32, #tpu.memory_space<vmem>>, vector<1x20xf32>
    %concatenate3A_41 = tpu.concatenate %get3A_40, %get3A_40, %get3A_40, %get3A_40 in 1 : vector<1x20xf32>, vector<1x20xf32>, vector<1x20xf32>, vector<1x20xf32> -> vector<1x80xf32>
    %dot_general3A = arith.constant dense<0.000000e+00> : vector<2500x80xf32>
    %dot_general3A_42 = tpu.matmul %add3A, %concatenate3A, %dot_general3A {dimension_numbers = #tpu.dot_dimension_numbers<[1], [0], [0], [1], [0, 0, 1, 1], [], []>, transpose_lhs_hint = false} : vector<2500x128xf32>, vector<128x80xf32>, vector<2500x80xf32> -> vector<2500x80xf32>
    %add3A_43 = vector.broadcast %concatenate3A_41 : vector<1x80xf32> to vector<2500x80xf32>
    %add3A_44 = arith.addf %dot_general3A_42, %add3A_43 : vector<2500x80xf32>
    %reduce_sum3A = arith.constant dense<0.000000e+00> : vector<80xf32>
    %reduce_sum3A_45 = vector.multi_reduction <add>, %add3A_44, %reduce_sum3A [0] : vector<2500x80xf32> to vector<80xf32>
    %broadcast_in_dim3A = vector.shape_cast %reduce_sum3A_45 : vector<80xf32> to vector<1x80xf32>
    %slice3A = vector.extract_strided_slice %broadcast_in_dim3A {offsets = [0, 0], sizes = [1, 20], strides = [1, 1]} : vector<1x80xf32> to vector<1x20xf32>
    %slice3A_46 = vector.extract_strided_slice %broadcast_in_dim3A {offsets = [0, 20], sizes = [1, 20], strides = [1, 1]} : vector<1x80xf32> to vector<1x20xf32>
    %add3A_47 = arith.addf %slice3A, %slice3A_46 : vector<1x20xf32>
    %slice3A_48 = vector.extract_strided_slice %broadcast_in_dim3A {offsets = [0, 40], sizes = [1, 20], strides = [1, 1]} : vector<1x80xf32> to vector<1x20xf32>
    %add3A_49 = arith.addf %add3A_47, %slice3A_48 : vector<1x20xf32>
    %slice3A_50 = vector.extract_strided_slice %broadcast_in_dim3A {offsets = [0, 60], sizes = [1, 20], strides = [1, 1]} : vector<1x80xf32> to vector<1x20xf32>
    %add3A_51 = arith.addf %add3A_49, %slice3A_50 : vector<1x20xf32>
    %mul3A = arith.constant 9.99999974E-5 : f32
    %mul3A_52 = vector.broadcast %mul3A : f32 to vector<1x20xf32>
    %mul3A_53 = arith.mulf %add3A_51, %mul3A_52 : vector<1x20xf32>
    %concatenate3A_54 = tpu.concatenate %mul3A_53, %mul3A_53, %mul3A_53, %mul3A_53 in 1 : vector<1x20xf32>, vector<1x20xf32>, vector<1x20xf32>, vector<1x20xf32> -> vector<1x80xf32>
    %sub3A = vector.broadcast %concatenate3A_54 : vector<1x80xf32> to vector<2500x80xf32>
    %sub3A_55 = arith.subf %add3A_44, %sub3A : vector<2500x80xf32>
    %mul3A_56 = arith.mulf %sub3A_55, %sub3A_55 : vector<2500x80xf32>
    %reduce_sum3A_57 = arith.constant dense<0.000000e+00> : vector<80xf32>
    %reduce_sum3A_58 = vector.multi_reduction <add>, %mul3A_56, %reduce_sum3A_57 [0] : vector<2500x80xf32> to vector<80xf32>
    %broadcast_in_dim3A_59 = vector.shape_cast %reduce_sum3A_58 : vector<80xf32> to vector<1x80xf32>
    %slice3A_60 = vector.extract_strided_slice %broadcast_in_dim3A_59 {offsets = [0, 0], sizes = [1, 20], strides = [1, 1]} : vector<1x80xf32> to vector<1x20xf32>
    %slice3A_61 = vector.extract_strided_slice %broadcast_in_dim3A_59 {offsets = [0, 20], sizes = [1, 20], strides = [1, 1]} : vector<1x80xf32> to vector<1x20xf32>
    %add3A_62 = arith.addf %slice3A_60, %slice3A_61 : vector<1x20xf32>
    %slice3A_63 = vector.extract_strided_slice %broadcast_in_dim3A_59 {offsets = [0, 40], sizes = [1, 20], strides = [1, 1]} : vector<1x80xf32> to vector<1x20xf32>
    %add3A_64 = arith.addf %add3A_62, %slice3A_63 : vector<1x20xf32>
    %slice3A_65 = vector.extract_strided_slice %broadcast_in_dim3A_59 {offsets = [0, 60], sizes = [1, 20], strides = [1, 1]} : vector<1x80xf32> to vector<1x20xf32>
    %add3A_66 = arith.addf %add3A_64, %slice3A_65 : vector<1x20xf32>
    %mul3A_67 = arith.constant 9.99999974E-5 : f32
    %mul3A_68 = vector.broadcast %mul3A_67 : f32 to vector<1x20xf32>
    %mul3A_69 = arith.mulf %add3A_66, %mul3A_68 : vector<1x20xf32>
    %add3A_70 = arith.constant 9.99999974E-6 : f32
    %add3A_71 = vector.broadcast %add3A_70 : f32 to vector<1x20xf32>
    %add3A_72 = arith.addf %mul3A_69, %add3A_71 : vector<1x20xf32>
    %rsqrt3A = math.rsqrt %add3A_72 : vector<1x20xf32>
    %get3A_73 = arith.constant 0 : index
    %get3A_74 = arith.constant 0 : index
    %get3A_75 = vector.load %arg4[%get3A_73, %get3A_74] : memref<1x20xf32, #tpu.memory_space<vmem>>, vector<1x20xf32>
    %mul3A_76 = arith.mulf %rsqrt3A, %get3A_75 : vector<1x20xf32>
    %get3A_77 = arith.constant 0 : index
    %get3A_78 = arith.constant 0 : index
    %get3A_79 = vector.load %arg5[%get3A_77, %get3A_78] : memref<1x20xf32, #tpu.memory_space<vmem>>, vector<1x20xf32>
    %mul3A_80 = arith.mulf %mul3A_53, %mul3A_76 : vector<1x20xf32>
    %sub3A_81 = arith.subf %get3A_79, %mul3A_80 : vector<1x20xf32>
    %concatenate3A_82 = tpu.concatenate %mul3A_76, %mul3A_76, %mul3A_76, %mul3A_76 in 1 : vector<1x20xf32>, vector<1x20xf32>, vector<1x20xf32>, vector<1x20xf32> -> vector<1x80xf32>
    %concatenate3A_83 = tpu.concatenate %sub3A_81, %sub3A_81, %sub3A_81, %sub3A_81 in 1 : vector<1x20xf32>, vector<1x20xf32>, vector<1x20xf32>, vector<1x20xf32> -> vector<1x80xf32>
    %mul3A_84 = vector.broadcast %concatenate3A_82 : vector<1x80xf32> to vector<2500x80xf32>
    %mul3A_85 = arith.mulf %add3A_44, %mul3A_84 : vector<2500x80xf32>
    %add3A_86 = vector.broadcast %concatenate3A_83 : vector<1x80xf32> to vector<2500x80xf32>
    %add3A_87 = arith.addf %mul3A_85, %add3A_86 : vector<2500x80xf32>
    %gt3A = arith.constant 0.000000e+00 : f32
    %gt3A_88 = vector.broadcast %gt3A : f32 to vector<2500x80xf32>
    %gt3A_89 = arith.cmpf ogt, %add3A_87, %gt3A_88 : vector<2500x80xf32>
    %mul3A_90 = arith.constant 0.00999999977 : f32
    %mul3A_91 = vector.broadcast %mul3A_90 : f32 to vector<2500x80xf32>
    %mul3A_92 = arith.mulf %mul3A_91, %add3A_87 : vector<2500x80xf32>
    %select_n3A = arith.select %gt3A_89, %add3A_87, %mul3A_92 : vector<2500x80xi1>, vector<2500x80xf32>
    %get3A_93 = arith.constant 0 : index
    %get3A_94 = arith.constant 0 : index
    %get3A_95 = vector.load %arg1[%get3A_93, %get3A_94] : memref<2500x4xi32, #tpu.memory_space<vmem>>, vector<2500x4xi32>
    %iota3A = tpu.iota {dimensions = array<i32: 1>} : vector<2500x32xi32>
    %broadcast_in_dim3A_96 = arith.constant 0.000000e+00 : f32
    %broadcast_in_dim3A_97 = vector.broadcast %broadcast_in_dim3A_96 : f32 to vector<32x20xf32>
    %slice3A_98 = vector.extract_strided_slice %get3A_95 {offsets = [0, 0], sizes = [2500, 1], strides = [1, 1]} : vector<2500x4xi32> to vector<2500x1xi32>
    %eq3A = vector.broadcast %slice3A_98 : vector<2500x1xi32> to vector<2500x32xi32>
    %eq3A_99 = arith.cmpi eq, %eq3A, %iota3A : vector<2500x32xi32>
    %convert_element_type3A_100 = arith.extui %eq3A_99 : vector<2500x32xi1> to vector<2500x32xi32>
    %convert_element_type3A_101 = arith.sitofp %convert_element_type3A_100 : vector<2500x32xi32> to vector<2500x32xf32>
    %slice3A_102 = vector.extract_strided_slice %select_n3A {offsets = [0, 0], sizes = [2500, 20], strides = [1, 1]} : vector<2500x80xf32> to vector<2500x20xf32>
    %dot_general3A_103 = arith.constant dense<0.000000e+00> : vector<32x20xf32>
    %dot_general3A_104 = tpu.matmul %convert_element_type3A_101, %slice3A_102, %dot_general3A_103 {dimension_numbers = #tpu.dot_dimension_numbers<[0], [0], [1], [1], [0, 1, 1, 1], [], []>, transpose_lhs_hint = false} : vector<2500x32xf32>, vector<2500x20xf32>, vector<32x20xf32> -> vector<32x20xf32>
    %add3A_105 = arith.addf %broadcast_in_dim3A_97, %dot_general3A_104 : vector<32x20xf32>
    %slice3A_106 = vector.extract_strided_slice %get3A_95 {offsets = [0, 1], sizes = [2500, 1], strides = [1, 1]} : vector<2500x4xi32> to vector<2500x1xi32>
    %eq3A_107 = vector.broadcast %slice3A_106 : vector<2500x1xi32> to vector<2500x32xi32>
    %eq3A_108 = arith.cmpi eq, %eq3A_107, %iota3A : vector<2500x32xi32>
    %convert_element_type3A_109 = arith.extui %eq3A_108 : vector<2500x32xi1> to vector<2500x32xi32>
    %convert_element_type3A_110 = arith.sitofp %convert_element_type3A_109 : vector<2500x32xi32> to vector<2500x32xf32>
    %slice3A_111 = vector.extract_strided_slice %select_n3A {offsets = [0, 20], sizes = [2500, 20], strides = [1, 1]} : vector<2500x80xf32> to vector<2500x20xf32>
    %dot_general3A_112 = arith.constant dense<0.000000e+00> : vector<32x20xf32>
    %dot_general3A_113 = tpu.matmul %convert_element_type3A_110, %slice3A_111, %dot_general3A_112 {dimension_numbers = #tpu.dot_dimension_numbers<[0], [0], [1], [1], [0, 1, 1, 1], [], []>, transpose_lhs_hint = false} : vector<2500x32xf32>, vector<2500x20xf32>, vector<32x20xf32> -> vector<32x20xf32>
    %add3A_114 = arith.addf %add3A_105, %dot_general3A_113 : vector<32x20xf32>
    %slice3A_115 = vector.extract_strided_slice %get3A_95 {offsets = [0, 2], sizes = [2500, 1], strides = [1, 1]} : vector<2500x4xi32> to vector<2500x1xi32>
    %eq3A_116 = vector.broadcast %slice3A_115 : vector<2500x1xi32> to vector<2500x32xi32>
    %eq3A_117 = arith.cmpi eq, %eq3A_116, %iota3A : vector<2500x32xi32>
    %convert_element_type3A_118 = arith.extui %eq3A_117 : vector<2500x32xi1> to vector<2500x32xi32>
    %convert_element_type3A_119 = arith.sitofp %convert_element_type3A_118 : vector<2500x32xi32> to vector<2500x32xf32>
    %slice3A_120 = vector.extract_strided_slice %select_n3A {offsets = [0, 40], sizes = [2500, 20], strides = [1, 1]} : vector<2500x80xf32> to vector<2500x20xf32>
    %dot_general3A_121 = arith.constant dense<0.000000e+00> : vector<32x20xf32>
    %dot_general3A_122 = tpu.matmul %convert_element_type3A_119, %slice3A_120, %dot_general3A_121 {dimension_numbers = #tpu.dot_dimension_numbers<[0], [0], [1], [1], [0, 1, 1, 1], [], []>, transpose_lhs_hint = false} : vector<2500x32xf32>, vector<2500x20xf32>, vector<32x20xf32> -> vector<32x20xf32>
    %add3A_123 = arith.addf %add3A_114, %dot_general3A_122 : vector<32x20xf32>
    %slice3A_124 = vector.extract_strided_slice %get3A_95 {offsets = [0, 3], sizes = [2500, 1], strides = [1, 1]} : vector<2500x4xi32> to vector<2500x1xi32>
    %eq3A_125 = vector.broadcast %slice3A_124 : vector<2500x1xi32> to vector<2500x32xi32>
    %eq3A_126 = arith.cmpi eq, %eq3A_125, %iota3A : vector<2500x32xi32>
    %convert_element_type3A_127 = arith.extui %eq3A_126 : vector<2500x32xi1> to vector<2500x32xi32>
    %convert_element_type3A_128 = arith.sitofp %convert_element_type3A_127 : vector<2500x32xi32> to vector<2500x32xf32>
    %slice3A_129 = vector.extract_strided_slice %select_n3A {offsets = [0, 60], sizes = [2500, 20], strides = [1, 1]} : vector<2500x80xf32> to vector<2500x20xf32>
    %dot_general3A_130 = arith.constant dense<0.000000e+00> : vector<32x20xf32>
    %dot_general3A_131 = tpu.matmul %convert_element_type3A_128, %slice3A_129, %dot_general3A_130 {dimension_numbers = #tpu.dot_dimension_numbers<[0], [0], [1], [1], [0, 1, 1, 1], [], []>, transpose_lhs_hint = false} : vector<2500x32xf32>, vector<2500x20xf32>, vector<32x20xf32> -> vector<32x20xf32>
    %add3A_132 = arith.addf %add3A_123, %dot_general3A_131 : vector<32x20xf32>
    %get3A_133 = arith.constant 0 : index
    %get3A_134 = arith.constant 0 : index
    %get3A_135 = vector.load %arg6[%get3A_133, %get3A_134] : memref<20x10xf32, #tpu.memory_space<vmem>>, vector<20x10xf32>
    %dot_general3A_136 = arith.constant dense<0.000000e+00> : vector<32x10xf32>
    %dot_general3A_137 = tpu.matmul %add3A_132, %get3A_135, %dot_general3A_136 {dimension_numbers = #tpu.dot_dimension_numbers<[1], [0], [0], [1], [0, 0, 1, 1], [], []>, transpose_lhs_hint = false} : vector<32x20xf32>, vector<20x10xf32>, vector<32x10xf32> -> vector<32x10xf32>
    %get3A_138 = arith.constant 0 : index
    %get3A_139 = arith.constant 0 : index
    %get3A_140 = vector.load %arg7[%get3A_138, %get3A_139] : memref<1x10xf32, #tpu.memory_space<vmem>>, vector<1x10xf32>
    %add3A_141 = vector.broadcast %get3A_140 : vector<1x10xf32> to vector<32x10xf32>
    %add3A_142 = arith.addf %dot_general3A_137, %add3A_141 : vector<32x10xf32>
    %gt3A_143 = arith.constant 0.000000e+00 : f32
    %gt3A_144 = vector.broadcast %gt3A_143 : f32 to vector<32x10xf32>
    %gt3A_145 = arith.cmpf ogt, %add3A_142, %gt3A_144 : vector<32x10xf32>
    %mul3A_146 = arith.constant 0.00999999977 : f32
    %mul3A_147 = vector.broadcast %mul3A_146 : f32 to vector<32x10xf32>
    %mul3A_148 = arith.mulf %mul3A_147, %add3A_142 : vector<32x10xf32>
    %select_n3A_149 = arith.select %gt3A_145, %add3A_142, %mul3A_148 : vector<32x10xi1>, vector<32x10xf32>
    %get3A_150 = arith.constant 0 : index
    %get3A_151 = arith.constant 0 : index
    %get3A_152 = vector.load %arg8[%get3A_150, %get3A_151] : memref<10x2xf32, #tpu.memory_space<vmem>>, vector<10x2xf32>
    %dot_general3A_153 = arith.constant dense<0.000000e+00> : vector<32x2xf32>
    %dot_general3A_154 = tpu.matmul %select_n3A_149, %get3A_152, %dot_general3A_153 {dimension_numbers = #tpu.dot_dimension_numbers<[1], [0], [0], [1], [0, 0, 1, 1], [], []>, transpose_lhs_hint = false} : vector<32x10xf32>, vector<10x2xf32>, vector<32x2xf32> -> vector<32x2xf32>
    %get3A_155 = arith.constant 0 : index
    %get3A_156 = arith.constant 0 : index
    %get3A_157 = vector.load %arg9[%get3A_155, %get3A_156] : memref<1x2xf32, #tpu.memory_space<vmem>>, vector<1x2xf32>
    %add3A_158 = vector.broadcast %get3A_157 : vector<1x2xf32> to vector<32x2xf32>
    %add3A_159 = arith.addf %dot_general3A_154, %add3A_158 : vector<32x2xf32>
    %reduce_max3A = arith.constant dense<0xFF800000> : vector<32xf32>
    %reduce_max3A_160 = vector.multi_reduction <maximumf>, %add3A_159, %reduce_max3A [1] : vector<32x2xf32> to vector<32xf32>
    %broadcast_in_dim3A_161 = vector.shape_cast %reduce_max3A_160 : vector<32xf32> to vector<32x1xf32>
    %sub3A_162 = vector.broadcast %broadcast_in_dim3A_161 : vector<32x1xf32> to vector<32x2xf32>
    %sub3A_163 = arith.subf %add3A_159, %sub3A_162 : vector<32x2xf32>
    %exp3A = math.exp %sub3A_163 : vector<32x2xf32>
    %reduce_sum3A_164 = arith.constant dense<0.000000e+00> : vector<32xf32>
    %reduce_sum3A_165 = vector.multi_reduction <add>, %exp3A, %reduce_sum3A_164 [1] : vector<32x2xf32> to vector<32xf32>
    %broadcast_in_dim3A_166 = vector.shape_cast %reduce_sum3A_165 : vector<32xf32> to vector<32x1xf32>
    %log3A = math.log %broadcast_in_dim3A_166 : vector<32x1xf32>
    %sub3A_167 = vector.broadcast %log3A : vector<32x1xf32> to vector<32x2xf32>
    %sub3A_168 = arith.subf %sub3A_163, %sub3A_167 : vector<32x2xf32>
    %swap3A = arith.constant 0 : index
    %swap3A_169 = arith.constant 0 : index
    %swap3A_170 = vector.load %arg10[%swap3A, %swap3A_169] : memref<32x2xf32, #tpu.memory_space<vmem>>, vector<32x2xf32>
    tpu.vector_store %arg10[%swap3A, %swap3A_169], %sub3A_168 {strides = array<i32>} : memref<32x2xf32, #tpu.memory_space<vmem>>, vector<32x2xf32>,
    return
  }
}

</mosaic_0001>

<sc_bundles>
// kernel: kernel.10.cloned.1.call-start
scs
__scs_entry_jumppad:
0x0: {  	(pc) =	sbr.rel $0x88, $3  }
0x1: {  	(tag) =	ssettag $0x0;
	lr =	simm.s32 $0x1  }
0x2: {  	[smem:$0x3F94] =	sst lr;
	_ =	strace $0xD0000000  }
0x3: {  	_ = 	snop  }
0x4: {  	_ = 	snop  }
0x5: {  	_ = 	snop  }
0x6: {  	_ = 	snop  }
0x7: {  	_ = 	snop  }
__scs_overlays_trampoline_lowered:
0x8: {  	[smem:$0x3FA3] =	sst s0  }
0x9: {  	[smem:$0x3FA4] =	sst s1  }
0xa: {  	[smem:$0x3FA5] =	sst s2  }
0xb: {  	[smem:$0x3FA6] =	sst s3  }
0xc: {  	[smem:$0x3FA7] =	sst s4  }
0xd: {  	[smem:$0x3FA8] =	sst s5  }
0xe: {  	[smem:$0x3FA9] =	sst s6  }
0xf: {  	[smem:$0x3FAA] =	sst s7  }
0x10: {  	[smem:$0x3FAB] =	sst s8  }
0x11: {  	[smem:$0x3FAC] =	sst s9;
	s0 =	simm.s32 @!p0 $0x0  }
0x12: {  	s1 =	sld [smem:$0x3F92];
	s0 =	simm.s32 @p0 $0x1  }
0x13: {  	[smem:$0x3FAD] =	sst s0;
	s0 =	simm.s32 @!p1 $0x0  }
0x14: {  	s2 =	sld [smem:$0x3F91];
	s0 =	simm.s32 @p1 $0x1  }
0x15: {  	[smem:$0x3FAE] =	sst s0;
	s0 =	simm.s32 @!p2 $0x0  }
0x16: {  	s3 =	sld [smem:$0x3FDB];
	s0 =	simm.s32 @p2 $0x1  }
0x17: {  	s4 =	simm.s32 $0x1BF5;
	[smem:$0x3FB0] =	sst s0  }
0x18: {  	s0 =	sld [smem:$0x3F93];
	_ =	swait.ge [sflag:s4], $0x0  }
0x19: {  	s7 =	sld [smem:$0x3F94]  }
0x1a: {  	s8 =	sadd.s32 $0xFFFFE003, lr  }
0x1b: {  	s9 =	sadd.s32 $0xFFFFFEF7, lr;
	s5 =	simm.s32 $0xFFFFFFFF;
	p2 =	slt.u32 s8, $0xFFFFF086  }
0x1c: {  	p1 =	slt.u32 s9, $0xF7A;
	s5 =	simm.s32 @!p2 $0x0  }
0x1d: {  	s5 =	simm.s32 @p1 $0x1;
	p0 =	seq.s32 s7, s2  }
0x1e: {  	s7 =	smul.u32 @!p0 $0xF7A, s2;
	p2 =	seq.s32 @!p0 s5, $0x0  }
0x1f: {  	s9 =	smul.u32 $0xF7A, s1;
	s8 =	simm.s32 @!p0 $0x1BF5;
	p2 =	por !p2, p0  }
0x20: {  	[sflag:s8] =	ssyncset.s32 @!p0 $0xFFFFF086;
	s6 =	sadd.s32 @!p0 s3, s7;
	s7 =	simm.s32 @!p0 $0x108  }
0x21: {  	s3 =	sadd.s32 s3, s9;
	s6 =	sadd.s32 @!p0 $0x88, s6;
	s7 =	simm.s32 @p2 $0x1082  }
0x22: {  	[simem:s7], [sflag:s8] =	dma.local @!p0 [hbm:s6], $0xF7A  }
0x23: {  	s9 =	sor.u32 $0xD0000000, s2;
	s6 =	simm.s32 $0x108;
	_ =	swait.ge @!p0 [sflag:s8], $0x0  }
0x24: {  	s3 =	sadd.s32 $0x88, s3;
	s6 =	simm.s32 @!p1 $0x1082;
	[sflag:s4] =	ssyncset.s32 $0xFFFFF086  }
0x25: {  	[simem:s6], [sflag:s4] =	dma.local [hbm:s3], $0xF7A  }
0x26: {  	[smem:$0x3F94] =	sst s1;
	(tag) =	ssettag s2;
	_ =	strace s9  }
0x27: {  	s1 =	sld [smem:$0x3FA4]  }
0x28: {  	s2 =	sld [smem:$0x3FA5]  }
0x29: {  	s4 =	sld [smem:$0x3FA7]  }
0x2a: {  	p0 =	seq.s32 s5, $0x0;
	s5 =	sld [smem:$0x3FA8]  }
0x2b: {  	s6 =	sld [smem:$0x3FA9]  }
0x2c: {  	s7 =	sld [smem:$0x3FAA]  }
0x2d: {  	s3 =	simm.s32 $0x108;
	s8 =	sld [smem:$0x3FAB]  }
0x2e: {  	s3 =	simm.s32 @!p0 $0x1082;
	s9 =	sld [smem:$0x3FAC]  }
0x2f: {  	lr =	sadd.s32 s0, s3;
	s0 =	sld [smem:$0x3FA3]  }
0x30: {  	s3 =	sld [smem:$0x3FA6]  }
0x31: {  	[smem:$0x3FAF] =	sst s10  }
0x32: {  	s10 =	sld [smem:$0x3FAD];
	_ =	sdelay $0x3  }
0x33: {  	p0 =	seq.s32 s10, $0x1;
	s10 =	sld [smem:$0x3FAF];
	_ =	sdelay $0x3  }
0x34: {  	[smem:$0x3FAF] =	sst s10  }
0x35: {  	s10 =	sld [smem:$0x3FAE];
	_ =	sdelay $0x3  }
0x36: {  	p1 =	seq.s32 s10, $0x1;
	s10 =	sld [smem:$0x3FAF];
	_ =	sdelay $0x3  }
0x37: {  	[smem:$0x3FAF] =	sst s10  }
0x38: {  	s10 =	sld [smem:$0x3FB0]  }
0x39: {  	_ = 	snop;
	(pc) =	sbr.ind lr, $3  }
0x3a: {  	_ = 	snop  }
0x3b: {  	_ = 	snop  }
0x3c: {  	p2 =	seq.s32 s10, $0x1;
	s10 =	sld [smem:$0x3FAF]  }
0x3d: {  	_ =	shalt  }
0x3e: {  	_ =	shalt  }
0x3f: {  	_ =	shalt  }
0x40: {  	_ =	shalt  }
0x41: {  	_ =	shalt  }
0x42: {  	_ =	shalt  }
0x43: {  	_ =	shalt  }
0x44: {  	_ =	shalt  }
0x45: {  	_ =	shalt  }
0x46: {  	_ =	shalt  }
0x47: {  	_ =	shalt  }
0x48: {  	_ =	shalt  }
0x49: {  	_ =	shalt  }
0x4a: {  	_ =	shalt  }
0x4b: {  	_ =	shalt  }
0x4c: {  	_ =	shalt  }
0x4d: {  	_ =	shalt  }
0x4e: {  	_ =	shalt  }
0x4f: {  	_ =	shalt  }
0x50: {  	_ =	shalt  }
0x51: {  	_ =	shalt  }
0x52: {  	_ =	shalt  }
0x53: {  	_ =	shalt  }
0x54: {  	_ =	shalt  }
0x55: {  	_ =	shalt  }
0x56: {  	_ =	shalt  }
0x57: {  	_ =	shalt  }
0x58: {  	_ =	shalt  }
0x59: {  	_ =	shalt  }
0x5a: {  	_ =	shalt  }
0x5b: {  	_ =	shalt  }
0x5c: {  	_ =	shalt  }
0x5d: {  	_ =	shalt  }
0x5e: {  	_ =	shalt  }
0x5f: {  	_ =	shalt  }
0x60: {  	_ =	shalt  }
0x61: {  	_ =	shalt  }
0x62: {  	_ =	shalt  }
0x63: {  	_ =	shalt  }
0x64: {  	_ =	shalt  }
0x65: {  	_ =	shalt  }
0x66: {  	_ =	shalt  }
0x67: {  	_ =	shalt  }
0x68: {  	_ =	shalt  }
0x69: {  	_ =	shalt  }
0x6a: {  	_ =	shalt  }
0x6b: {  	_ =	shalt  }
0x6c: {  	_ =	shalt  }
0x6d: {  	_ =	shalt  }
0x6e: {  	_ =	shalt  }
0x6f: {  	_ =	shalt  }
0x70: {  	_ =	shalt  }
0x71: {  	_ =	shalt  }
0x72: {  	_ =	shalt  }
0x73: {  	_ =	shalt  }
0x74: {  	_ =	shalt  }
0x75: {  	_ =	shalt  }
0x76: {  	_ =	shalt  }
0x77: {  	_ =	shalt  }
0x78: {  	_ =	shalt  }
0x79: {  	_ =	shalt  }
0x7a: {  	_ =	shalt  }
0x7b: {  	_ =	shalt  }
0x7c: {  	_ =	shalt  }
0x7d: {  	_ =	shalt  }
0x7e: {  	_ =	shalt  }
0x7f: {  	_ =	shalt  }
0x80: {  	_ =	shalt  }
0x81: {  	_ =	shalt  }
0x82: {  	_ =	shalt  }
0x83: {  	_ =	shalt  }
0x84: {  	_ =	shalt  }
0x85: {  	_ =	shalt  }
0x86: {  	_ =	shalt  }
0x87: {  	_ =	shalt  }
.Lfunc_end0:
.L_simem_size_0:
called_computation.1_lowered:
.L_overlay_start_0:
0x88: {  	s2 =	sld [smem:$0x3FD9]  }
0x89: {  	s3 =	sld [smem:$0x3FFE];
	_ =	sdelay $0x1  }
0x8a: {  	s1 =	srdreg.scid  }
0x8b: {  	s0 =	sand.u32 $0x1, s1  }
0x8c: {  	s16 =	sshll.u32 s0, $0xA;
	s2 =	sadd.s32 s3, s2  }
0x8d: {  	s2 =	sadd.s32 s2, s16  }
0x8e: {  	[smem:$0x3FBB] =	sst s2  }
0x8f: {  	_ = 	snop  }
0x90: {  	(tm) =	ssettm $0x1  }
0x91: {  	s17 =	sld [smem:$0x3FFB];
	_ =	sdelay $0x3  }
0x92: {  	_ =	strace s17  }
0x93: {  	s2 =	sld [smem:$0x3FFC];
	_ =	sdelay $0x3  }
0x94: {  	_ =	strace s2  }
0x95: {  	s2 =	sld [smem:$0x3FFD];
	_ =	sdelay $0x3  }
0x96: {  	_ =	strace s2  }
0x97: {  	_ =	strace $0x8FFFFFFF  }
0x98: {  	s18 =	sld [smem:$0x3FDB];
	_ =	sdelay $0x1  }
0x99: {  	s19 =	simm.s32 $_scs_section_size  }
0x9a: {  	s4 =	simm.s32 $_size__tile_overlayer_lowered;
	s5 =	simm.s32 $_tile_overlayer_lowered  }
0x9b: {  	s22 =	simm.s32 $0x1BFF;
	s21 =	sshll.u32 s5, $0x1;
	s2 =	sadd.s32 s19, s18  }
0x9c: {  	s6 =	simm.s32 $0x0;
	s20 =	sshll.u32 s4, $0x1;
	s4 =	sadd.s32 s21, s2  }
0x9d: {  	[timem:s6], [sflag:s22] =	dma.local [hbm:s4], s20  }
0x9e: {  	_ =	swait.ge [sflag:s22], s20  }
0x9f: {  	s3 =	ssub.s32 $0x0, s20;
	[sflag:s22] =	ssyncset.done $0x0  }
0xa0: {  	[sflag:s22] =	ssyncadd.s32 s3;
	_ =	sdelay $0x1  }
0xa1: {  	s23 =	simm.s32 $0x1B8B  }
0xa2: {  	_ =	swait.ge [sflag:s23], $0x1  }
0xa3: {  	[sflag:s23] =	ssyncset.done $0x0  }
0xa4: {  	s25 =	simm.s32 $0x1B8E;
	s24 =	sld [smem:$0x3FFE];
	[sflag:s23] =	ssyncadd.s32 $0xFFFFFFFF  }
0xa5: {  	s26 =	simm.s32 $execute0_lowered;
	[smem:$0x3FD2] =	sst s25  }
0xa6: {  	s4 =	sshll.u32 s26, $0x1;
	_ =	strace $0x80000049;
	[dreg:$0x1] =	wrdreg $0xFFFFFFFF  }
0xa7: {  	s28 =	simm.s32 $_size_execute0_lowered;
	s2 =	sadd.s32 s2, s4;
	[dreg:$0x0] =	wrdreg $0x0  }
0xa8: {  	s4 =	sshll.u32 s28, $0x1;
	[dreg:$0x2] =	wrdreg s2  }
0xa9: {  	[dreg:$0x3] =	wrdreg s4  }
0xaa: {  	[dreg:$0x4] =	wrdreg $0xC0  }
0xab: {  	_ =	task [dreg:s6], $0x5FFFF  }
0xac: {  	[dreg:$0x1] =	wrdreg $0xFFFFFFFF  }
0xad: {  	[dreg:$0x0] =	wrdreg $0x60  }
0xae: {  	[dreg:$0x2] =	wrdreg s24  }
0xaf: {  	[dreg:$0x3] =	wrdreg $0x1A0000  }
0xb0: {  	[dreg:$0x4] =	wrdreg $0x9  }
0xb1: {  	_ =	task.clear_ibuf [dreg:s6], $0x5FFFF;
	_ =	strace $0x90000049  }
0xb2: {  	s29 =	simm.s32 $0x9;
	_ =	strace $0x8000004B  }
0xb3: {  	_ =	swait.ge [sflag:s29], $0x1  }
0xb4: {  	[sflag:s29] =	ssyncadd.s32 $0xFFFFFFFF  }
0xb5: {  	_ =	strace $0x9000004B  }
0xb6: {  	_ =	sfence  }
0xb7: {  	s30 =	sld [smem:$0x0];
	_ =	sdelay $0x2  }
0xb8: {  	s31 =	sshll.u32 s1, $0xD;
	s1 =	sshrl.u32 s1, $0x2  }
0xb9: {  	s3 =	sand.u32 $0x4000, s31;
	s1 =	sadd.s32 s1, s30  }
0xba: {  	s0 =	sor.u32 s3, s0;
	s1 =	sshll.u32 s1, $0x11  }
0xbb: {  	s0 =	sor.u32 s1, s0  }
0xbc: {  	s0 =	sadd.s32 $0x8F2B, s0  }
0xbd: {  	[sflag:s0] =	ssyncadd.remote.s32 $0x1  }
0xbe: {  	_ =	sfence.sel $0xFFFF  }
0xbf: {  	[dreg:$0x0] =	wrdreg $0xFFFFFFFF;
	(pc) =	sbr.abs _section_cstart, $3  }
0xc0: {  	[dreg:$0x1] =	wrdreg $0xFFFFFFFF  }
0xc1: {  	_ =	task.clear_ibuf [dreg:s6], $0x2FFFF;
	_ =	strace $0x9FFFFFFF  }
0xc2: {  	(tm) =	ssettm $0x7FFFFFFF  }
0xc3: {  	_ =	shalt  }
tec
execute0_lowered:
.L_overlay_start_1:
0x0: {  	(tag) =	ssettag $0x1  }
0x1: {  	s0 =	rddreg [dreg:$0x0]  }
0x2: {  	s2 =	rddreg [dreg:$0x1];
	s1 =	srdreg.scid  }
0x3: {  	s3 =	stileid.u32;
	s9 =	simm.s32 $0x0;
	s13 =	simm.s32 $0x80  }
0x4: {  	s14 =	simm.s32 $0x5000;
	s15 =	simm.s32 $0x6000;
	s17 =	simm.s32 $0x7000  }
0x5: {  	s19 =	simm.s32 $0x8000;
	s21 =	simm.s32 $0x9000;
	s23 =	simm.s32 $0xA000  }
0x6: {  	s28 =	simm.s32 $0xC000;
	s29 =	simm.s32 $0x1;
	s30 =	simm.s32 $0xD000  }
0x7: {  	s31 =	simm.s32 $0xE000;
	s10 =	simm.s32 $0x10000;
	s12 =	simm.s32 $0x11000  }
0x8: {  	s16 =	simm.s32 $0x12000;
	s18 =	simm.s32 $0x13000;
	s20 =	simm.s32 $0x14000  }
0x9: {  	s22 =	simm.s32 $0x2;
	s1 =	sand.u32 $0x1, s1;
	s5 =	smul.u32 $0x5000, s3  }
0xa: {  	[smem:$0x7FF] =	sst s9;
	s4 =	sshll.u32 s1, $0x4;
	s6 =	smul.u32 $0x50000, s1  }
0xb: {  	_ =	strace $0x8000004A;
	s1 =	ssub.s32 $0x2, s1;
	s4 =	sor.u32 s3, s4  }
0xc: {  	s8 =	sshrl.u32 s1, $0x1;
	s7 =	smul.u32 $0x500, s4;
	s6 =	sadd.s32 s5, s6  }
0xd: {  	s4 =	sadd.s32 $0x2000, s0;
	s1 =	ssub.s32 s1, s8;
	s5 =	sadd.s32 s5, s2  }
0xe: {  	s26 =	smax.u32 s1, $0x1;
	[dreg:$0x4] =	wrdreg s5;
	s7 =	sadd.s32 s7, s0  }
0xf: {  	s6 =	sshrl.u32 s6, $0x3;
	[dreg:$0x8] =	wrdreg s26;
	s24 =	sadd.s32 $0xBE00, s7  }
0x10: {  	s0 =	sadd.s32 s6, s0;
	s25 =	sadd.s32 $0x15E00, s7;
	[dreg:$0x5] =	wrdreg s24  }
0x11: {  	s6 =	simm.s32 $0x3;
	s0 =	sadd.s32 $0x1FE00, s0;
	[dreg:$0x6] =	wrdreg s25  }
0x12: {  	v0 =	vimm.f32 $0.0e+00;
	[dreg:$0x7] =	wrdreg s0;
	s25 =	simm.s32 $0xB000;
	s0 =	simm.s32 $0xF000  }
.LBB2_1:
0x13: {  	[dreg:$0x3] =	wrdreg s9;
	s1 =	simm.s32 $0x80;
	s24 =	simm.s32 $0x0  }
.LBB2_2:
0x14: {  	p0 =	sne.s32 s1, $0x13F80;
	[tilespmem:s24+$0x15000] =	vst v0;
	s26 =	smov.u32 s1;
	s1 =	sadd.s32 $0x80, s1  }
.Ltmp0:
0x15: {  	[tilespmem:s24+$0x15010] =	vst v0;
	(pc) =	sbr.rel @p0 .LBB2_2-.Ltmp0, $2  }
0x16: {  	_ =	sdelay $0x2  }
0x17: {  	s24 =	sshra.s32 s26, $0x2  }
0x18: {  	[tilespmem:s24+$0x15000] =	vst v0  }
0x19: {  	[tilespmem:s24+$0x15010] =	vst v0;
	s1 =	simm.s32 $0x15000  }
0x1a: {  	[spmem:s5] =	stream.linear.scatter [tilespmem:s1], [sflag:$0x3], $0x5000, $0x38;
	[tilespmem:$0x1F000] =	vst v63  }
0x1b: {  	_ =	swait.ge [sflag:s6], $0x5000  }
0x1c: {  	[sflag:s6] =	ssyncset.done $0x0  }
0x1d: {  	s7 =	simm.s32 $0x0;
	s3 =	rddreg [dreg:$0x5];
	[sflag:s6] =	ssyncadd.s32 $0xFFFFB000  }
0x1e: {  	[tilespmem:s7], [sflag:$0x3] =	stream.linear.gather [hbm4b:s3+s7], $0x2800, $0x38;
	[tilespmem:$0x1F000] =	vst v63  }
0x1f: {  	_ =	swait.ge [sflag:s6], $0x2800  }
0x20: {  	[sflag:s6] =	ssyncset.done $0x0  }
0x21: {  	s9 =	simm.s32 $0x2800;
	s8 =	rddreg [dreg:$0x6];
	[sflag:s6] =	ssyncadd.s32 $0xFFFFD800  }
0x22: {  	[tilespmem:s9], [sflag:$0x3] =	stream.linear.gather [hbm4b:s8+s7], $0x2800, $0x38;
	[tilespmem:$0x1F000] =	vst v63  }
0x23: {  	_ =	swait.ge [sflag:s6], $0x2800  }
0x24: {  	[sflag:s6] =	ssyncset.done $0x0  }
0x25: {  	[sflag:s6] =	ssyncadd.s32 $0xFFFFD800  }
0x26: {  	[bflag:$0x0] =	sbarrier.arrive $0xFFFF  }
0x27: {  	[tilespmem:s14], [sflag:$0x1] =	stream.indirect.gather [hbm4b:s4+s13], $0x20, s7, s13, $0xb8;
	[tilespmem:$0x1F000] =	vst v63  }
0x28: {  	_ = 	snop  }
0x29: {  	[tilespmem:s15], [sflag:$0x1] =	stream.indirect.gather [hbm4b:s4+s13], $0x20, s13, s13, $0xb8;
	[tilespmem:$0x1F000] =	vst v63  }
0x2a: {  	s11 =	simm.s32 $0x100  }
0x2b: {  	[tilespmem:s17], [sflag:$0x1] =	stream.indirect.gather [hbm4b:s4+s13], $0x20, s11, s13, $0xb8;
	[tilespmem:$0x1F000] =	vst v63  }
0x2c: {  	s24 =	simm.s32 $0x180  }
0x2d: {  	[tilespmem:s19], [sflag:$0x1] =	stream.indirect.gather [hbm4b:s4+s13], $0x20, s24, s13, $0xb8;
	[tilespmem:$0x1F000] =	vst v63  }
0x2e: {  	s26 =	simm.s32 $0x200  }
0x2f: {  	[tilespmem:s21], [sflag:$0x1] =	stream.indirect.gather [hbm4b:s4+s13], $0x20, s26, s13, $0xb8;
	[tilespmem:$0x1F000] =	vst v63  }
0x30: {  	s3 =	simm.s32 $0x280  }
0x31: {  	[tilespmem:s23], [sflag:$0x1] =	stream.indirect.gather [hbm4b:s4+s13], $0x20, s3, s13, $0xb8;
	[tilespmem:$0x1F000] =	vst v63  }
0x32: {  	s5 =	simm.s32 $0x300  }
0x33: {  	[tilespmem:s25], [sflag:$0x1] =	stream.indirect.gather [hbm4b:s4+s13], $0x20, s5, s13, $0xb8;
	[tilespmem:$0x1F000] =	vst v63  }
0x34: {  	s6 =	simm.s32 $0x380  }
0x35: {  	[tilespmem:s28], [sflag:$0x1] =	stream.indirect.gather [hbm4b:s4+s13], $0x20, s6, s13, $0xb8;
	[tilespmem:$0x1F000] =	vst v63  }
0x36: {  	_ =	swait.ge [sflag:s29], $0x1000  }
0x37: {  	[sflag:s29] =	ssyncset.done $0x0  }
0x38: {  	[sflag:s29] =	ssyncadd.s32 $0xFFFFF000  }
0x39: {  	_ =	swait.ge [sflag:s29], $0x1000  }
0x3a: {  	[sflag:s29] =	ssyncset.done $0x0  }
0x3b: {  	[sflag:s29] =	ssyncadd.s32 $0xFFFFF000  }
0x3c: {  	_ =	swait.ge [sflag:s29], $0x1000  }
0x3d: {  	[sflag:s29] =	ssyncset.done $0x0  }
0x3e: {  	[sflag:s29] =	ssyncadd.s32 $0xFFFFF000  }
0x3f: {  	_ =	swait.ge [sflag:s29], $0x1000  }
0x40: {  	[sflag:s29] =	ssyncset.done $0x0  }
0x41: {  	[sflag:s29] =	ssyncadd.s32 $0xFFFFF000  }
0x42: {  	_ =	swait.ge [sflag:s29], $0x1000  }
0x43: {  	[sflag:s29] =	ssyncset.done $0x0  }
0x44: {  	[sflag:s29] =	ssyncadd.s32 $0xFFFFF000  }
0x45: {  	_ =	swait.ge [sflag:s29], $0x1000  }
0x46: {  	[sflag:s29] =	ssyncset.done $0x0  }
0x47: {  	[sflag:s29] =	ssyncadd.s32 $0xFFFFF000  }
0x48: {  	_ =	swait.ge [sflag:s29], $0x1000  }
0x49: {  	[sflag:s29] =	ssyncset.done $0x0  }
0x4a: {  	[sflag:s29] =	ssyncadd.s32 $0xFFFFF000  }
0x4b: {  	_ =	swait.ge [sflag:s29], $0x1000  }
0x4c: {  	[sflag:s29] =	ssyncset.done $0x0  }
0x4d: {  	s7 =	simm.s32 $0x400;
	[sflag:s29] =	ssyncadd.s32 $0xFFFFF000  }
0x4e: {  	[tilespmem:s30], [sflag:$0x1] =	stream.indirect.gather [hbm4b:s4+s13], $0x20, s7, s13, $0xb8;
	[tilespmem:$0x1F000] =	vst v63  }
0x4f: {  	s8 =	simm.s32 $0x480  }
0x50: {  	[tilespmem:s31], [sflag:$0x1] =	stream.indirect.gather [hbm4b:s4+s13], $0x20, s8, s13, $0xb8;
	[tilespmem:$0x1F000] =	vst v63  }
0x51: {  	s9 =	simm.s32 $0x500  }
0x52: {  	[tilespmem:s0], [sflag:$0x1] =	stream.indirect.gather [hbm4b:s4+s13], $0x20, s9, s13, $0xb8;
	[tilespmem:$0x1F000] =	vst v63  }
0x53: {  	s11 =	simm.s32 $0x580  }
0x54: {  	[tilespmem:s10], [sflag:$0x1] =	stream.indirect.gather [hbm4b:s4+s13], $0x20, s11, s13, $0xb8;
	[tilespmem:$0x1F000] =	vst v63  }
0x55: {  	s24 =	simm.s32 $0x600  }
0x56: {  	[tilespmem:s12], [sflag:$0x1] =	stream.indirect.gather [hbm4b:s4+s13], $0x20, s24, s13, $0xb8;
	[tilespmem:$0x1F000] =	vst v63  }
0x57: {  	s26 =	simm.s32 $0x680  }
0x58: {  	[tilespmem:s16], [sflag:$0x1] =	stream.indirect.gather [hbm4b:s4+s13], $0x20, s26, s13, $0xb8;
	[tilespmem:$0x1F000] =	vst v63  }
0x59: {  	s3 =	simm.s32 $0x700  }
0x5a: {  	[tilespmem:s18], [sflag:$0x1] =	stream.indirect.gather [hbm4b:s4+s13], $0x20, s3, s13, $0xb8;
	[tilespmem:$0x1F000] =	vst v63  }
0x5b: {  	s5 =	simm.s32 $0x780  }
0x5c: {  	[tilespmem:s20], [sflag:$0x1] =	stream.indirect.gather [hbm4b:s4+s13], $0x20, s5, s13, $0xb8;
	[tilespmem:$0x1F000] =	vst v63  }
0x5d: {  	s6 =	simm.s32 $0x2800  }
0x5e: {  	[spmem:s2] =	stream.indirect.scatter.add.f32 [tilespmem:s14], [sflag:$0x2], $0x20, s6, s13, $0xb8;
	[tilespmem:$0x1F000] =	vst v63  }
0x5f: {  	s7 =	simm.s32 $0x2880  }
0x60: {  	[spmem:s2] =	stream.indirect.scatter.add.f32 [tilespmem:s15], [sflag:$0x2], $0x20, s7, s13, $0xb8;
	[tilespmem:$0x1F000] =	vst v63  }
0x61: {  	s8 =	simm.s32 $0x2900  }
0x62: {  	[spmem:s2] =	stream.indirect.scatter.add.f32 [tilespmem:s17], [sflag:$0x2], $0x20, s8, s13, $0xb8;
	[tilespmem:$0x1F000] =	vst v63  }
0x63: {  	s9 =	simm.s32 $0x2980  }
0x64: {  	[spmem:s2] =	stream.indirect.scatter.add.f32 [tilespmem:s19], [sflag:$0x2], $0x20, s9, s13, $0xb8;
	[tilespmem:$0x1F000] =	vst v63  }
0x65: {  	s11 =	simm.s32 $0x2A00  }
0x66: {  	[spmem:s2] =	stream.indirect.scatter.add.f32 [tilespmem:s21], [sflag:$0x2], $0x20, s11, s13, $0xb8;
	[tilespmem:$0x1F000] =	vst v63  }
0x67: {  	s24 =	simm.s32 $0x2A80  }
0x68: {  	[spmem:s2] =	stream.indirect.scatter.add.f32 [tilespmem:s23], [sflag:$0x2], $0x20, s24, s13, $0xb8;
	[tilespmem:$0x1F000] =	vst v63  }
0x69: {  	s26 =	simm.s32 $0x2B00  }
0x6a: {  	[spmem:s2] =	stream.indirect.scatter.add.f32 [tilespmem:s25], [sflag:$0x2], $0x20, s26, s13, $0xb8;
	[tilespmem:$0x1F000] =	vst v63  }
0x6b: {  	s3 =	simm.s32 $0x2B80  }
0x6c: {  	[spmem:s2] =	stream.indirect.scatter.add.f32 [tilespmem:s28], [sflag:$0x2], $0x20, s3, s13, $0xb8;
	[tilespmem:$0x1F000] =	vst v63  }
0x6d: {  	_ =	swait.ge [sflag:s29], $0x1000  }
0x6e: {  	[sflag:s29] =	ssyncset.done $0x0  }
0x6f: {  	[sflag:s29] =	ssyncadd.s32 $0xFFFFF000  }
0x70: {  	_ =	swait.ge [sflag:s29], $0x1000  }
0x71: {  	[sflag:s29] =	ssyncset.done $0x0  }
0x72: {  	[sflag:s29] =	ssyncadd.s32 $0xFFFFF000  }
0x73: {  	_ =	swait.ge [sflag:s29], $0x1000  }
0x74: {  	[sflag:s29] =	ssyncset.done $0x0  }
0x75: {  	[sflag:s29] =	ssyncadd.s32 $0xFFFFF000  }
0x76: {  	_ =	swait.ge [sflag:s29], $0x1000  }
0x77: {  	[sflag:s29] =	ssyncset.done $0x0  }
0x78: {  	[sflag:s29] =	ssyncadd.s32 $0xFFFFF000  }
0x79: {  	_ =	swait.ge [sflag:s29], $0x1000  }
0x7a: {  	[sflag:s29] =	ssyncset.done $0x0  }
0x7b: {  	[sflag:s29] =	ssyncadd.s32 $0xFFFFF000  }
0x7c: {  	_ =	swait.ge [sflag:s29], $0x1000  }
0x7d: {  	[sflag:s29] =	ssyncset.done $0x0  }
0x7e: {  	[sflag:s29] =	ssyncadd.s32 $0xFFFFF000  }
0x7f: {  	_ =	swait.ge [sflag:s29], $0x1000  }
0x80: {  	[sflag:s29] =	ssyncset.done $0x0  }
0x81: {  	[sflag:s29] =	ssyncadd.s32 $0xFFFFF000  }
0x82: {  	_ =	swait.ge [sflag:s29], $0x1000  }
0x83: {  	[sflag:s29] =	ssyncset.done $0x0  }
0x84: {  	[sflag:s29] =	ssyncadd.s32 $0xFFFFF000  }
0x85: {  	_ =	swait.ge [sflag:s22], $0x1000  }
0x86: {  	[sflag:s22] =	ssyncset.done $0x0  }
0x87: {  	[sflag:s22] =	ssyncadd.s32 $0xFFFFF000  }
0x88: {  	_ =	swait.ge [sflag:s22], $0x1000  }
0x89: {  	[sflag:s22] =	ssyncset.done $0x0  }
0x8a: {  	[sflag:s22] =	ssyncadd.s32 $0xFFFFF000  }
0x8b: {  	_ =	swait.ge [sflag:s22], $0x1000  }
0x8c: {  	[sflag:s22] =	ssyncset.done $0x0  }
0x8d: {  	[sflag:s22] =	ssyncadd.s32 $0xFFFFF000  }
0x8e: {  	_ =	swait.ge [sflag:s22], $0x1000  }
0x8f: {  	[sflag:s22] =	ssyncset.done $0x0  }
0x90: {  	[sflag:s22] =	ssyncadd.s32 $0xFFFFF000  }
0x91: {  	_ =	swait.ge [sflag:s22], $0x1000  }
0x92: {  	[sflag:s22] =	ssyncset.done $0x0  }
0x93: {  	[sflag:s22] =	ssyncadd.s32 $0xFFFFF000  }
0x94: {  	_ =	swait.ge [sflag:s22], $0x1000  }
0x95: {  	[sflag:s22] =	ssyncset.done $0x0  }
0x96: {  	[sflag:s22] =	ssyncadd.s32 $0xFFFFF000  }
0x97: {  	_ =	swait.ge [sflag:s22], $0x1000  }
0x98: {  	[sflag:s22] =	ssyncset.done $0x0  }
0x99: {  	[sflag:s22] =	ssyncadd.s32 $0xFFFFF000  }
0x9a: {  	p0 =	por $0x0, $0x0;
	_ =	swait.ge [sflag:s22], $0x1000  }
0x9b: {  	s1 =	simm.s32 @!p0 $0x80;
	[sflag:s22] =	ssyncset.done $0x0  }
0x9c: {  	s24 =	simm.s32 @!p0 $0x800;
	s26 =	simm.s32 @!p0 $0x5000;
	[sflag:s22] =	ssyncadd.s32 $0xFFFFF000  }
0x9d: {  	[tilespmem:s26], [sflag:$0x1] =	stream.indirect.gather @!p0 [hbm4b:s4+s1], $0x20, s24, s1, $0xb8;
	[tilespmem:$0x1F000] =	vst v63  }
0x9e: {  	s24 =	simm.s32 @!p0 $0x6000;
	s26 =	simm.s32 @!p0 $0x880  }
0x9f: {  	[tilespmem:s24], [sflag:$0x1] =	stream.indirect.gather @!p0 [hbm4b:s4+s1], $0x20, s26, s1, $0xb8;
	[tilespmem:$0x1F000] =	vst v63  }
0xa0: {  	s24 =	simm.s32 @!p0 $0x900;
	s26 =	simm.s32 @!p0 $0x7000  }
0xa1: {  	[tilespmem:s26], [sflag:$0x1] =	stream.indirect.gather @!p0 [hbm4b:s4+s1], $0x20, s24, s1, $0xb8;
	[tilespmem:$0x1F000] =	vst v63  }
0xa2: {  	s24 =	simm.s32 @!p0 $0x980;
	s26 =	simm.s32 @!p0 $0x8000  }
0xa3: {  	[tilespmem:s26], [sflag:$0x1] =	stream.indirect.gather @!p0 [hbm4b:s4+s1], $0x20, s24, s1, $0xb8;
	[tilespmem:$0x1F000] =	vst v63  }
0xa4: {  	s24 =	simm.s32 @!p0 $0xA00;
	s26 =	simm.s32 @!p0 $0x9000  }
0xa5: {  	[tilespmem:s26], [sflag:$0x1] =	stream.indirect.gather @!p0 [hbm4b:s4+s1], $0x20, s24, s1, $0xb8;
	[tilespmem:$0x1F000] =	vst v63  }
0xa6: {  	s24 =	simm.s32 @!p0 $0xA80;
	s26 =	simm.s32 @!p0 $0xA000  }
0xa7: {  	[tilespmem:s26], [sflag:$0x1] =	stream.indirect.gather @!p0 [hbm4b:s4+s1], $0x20, s24, s1, $0xb8;
	[tilespmem:$0x1F000] =	vst v63  }
0xa8: {  	s24 =	simm.s32 @!p0 $0xB00;
	s26 =	simm.s32 @!p0 $0xB000  }
0xa9: {  	[tilespmem:s26], [sflag:$0x1] =	stream.indirect.gather @!p0 [hbm4b:s4+s1], $0x20, s24, s1, $0xb8;
	[tilespmem:$0x1F000] =	vst v63  }
0xaa: {  	s24 =	simm.s32 @!p0 $0xB80;
	s26 =	simm.s32 @!p0 $0xC000  }
0xab: {  	[tilespmem:s26], [sflag:$0x1] =	stream.indirect.gather @!p0 [hbm4b:s4+s1], $0x20, s24, s1, $0xb8;
	[tilespmem:$0x1F000] =	vst v63  }
0xac: {  	s5 =	simm.s32 $0x2C00  }
0xad: {  	[spmem:s2] =	stream.indirect.scatter.add.f32 [tilespmem:s30], [sflag:$0x2], $0x20, s5, s13, $0xb8;
	[tilespmem:$0x1F000] =	vst v63  }
0xae: {  	s6 =	simm.s32 $0x2C80  }
0xaf: {  	[spmem:s2] =	stream.indirect.scatter.add.f32 [tilespmem:s31], [sflag:$0x2], $0x20, s6, s13, $0xb8;
	[tilespmem:$0x1F000] =	vst v63  }
0xb0: {  	s7 =	simm.s32 $0x2D00  }
0xb1: {  	[spmem:s2] =	stream.indirect.scatter.add.f32 [tilespmem:s0], [sflag:$0x2], $0x20, s7, s13, $0xb8;
	[tilespmem:$0x1F000] =	vst v63  }
0xb2: {  	s8 =	simm.s32 $0x2D80  }
0xb3: {  	[spmem:s2] =	stream.indirect.scatter.add.f32 [tilespmem:s10], [sflag:$0x2], $0x20, s8, s13, $0xb8;
	[tilespmem:$0x1F000] =	vst v63  }
0xb4: {  	s9 =	simm.s32 $0x2E00  }
0xb5: {  	[spmem:s2] =	stream.indirect.scatter.add.f32 [tilespmem:s12], [sflag:$0x2], $0x20, s9, s13, $0xb8;
	[tilespmem:$0x1F000] =	vst v63  }
0xb6: {  	s11 =	simm.s32 $0x2E80  }
0xb7: {  	[spmem:s2] =	stream.indirect.scatter.add.f32 [tilespmem:s16], [sflag:$0x2], $0x20, s11, s13, $0xb8;
	[tilespmem:$0x1F000] =	vst v63  }
0xb8: {  	s24 =	simm.s32 $0x2F00  }
0xb9: {  	[spmem:s2] =	stream.indirect.scatter.add.f32 [tilespmem:s18], [sflag:$0x2], $0x20, s24, s13, $0xb8;
	[tilespmem:$0x1F000] =	vst v63  }
0xba: {  	s26 =	simm.s32 $0x2F80  }
0xbb: {  	[spmem:s2] =	stream.indirect.scatter.add.f32 [tilespmem:s20], [sflag:$0x2], $0x20, s26, s13, $0xb8;
	[tilespmem:$0x1F000] =	vst v63  }
0xbc: {  	_ =	swait.ge [sflag:s22], $0x1000  }
0xbd: {  	[sflag:s22] =	ssyncset.done $0x0  }
0xbe: {  	[sflag:s22] =	ssyncadd.s32 $0xFFFFF000  }
0xbf: {  	_ =	swait.ge [sflag:s22], $0x1000  }
0xc0: {  	[sflag:s22] =	ssyncset.done $0x0  }
0xc1: {  	[sflag:s22] =	ssyncadd.s32 $0xFFFFF000  }
0xc2: {  	_ =	swait.ge [sflag:s22], $0x1000  }
0xc3: {  	[sflag:s22] =	ssyncset.done $0x0  }
0xc4: {  	[sflag:s22] =	ssyncadd.s32 $0xFFFFF000  }
0xc5: {  	_ =	swait.ge [sflag:s22], $0x1000  }
0xc6: {  	[sflag:s22] =	ssyncset.done $0x0  }
0xc7: {  	[sflag:s22] =	ssyncadd.s32 $0xFFFFF000  }
0xc8: {  	_ =	swait.ge [sflag:s22], $0x1000  }
0xc9: {  	[sflag:s22] =	ssyncset.done $0x0  }
0xca: {  	[sflag:s22] =	ssyncadd.s32 $0xFFFFF000  }
0xcb: {  	_ =	swait.ge [sflag:s22], $0x1000  }
0xcc: {  	[sflag:s22] =	ssyncset.done $0x0  }
0xcd: {  	[sflag:s22] =	ssyncadd.s32 $0xFFFFF000  }
0xce: {  	_ =	swait.ge [sflag:s22], $0x1000  }
0xcf: {  	[sflag:s22] =	ssyncset.done $0x0  }
0xd0: {  	[sflag:s22] =	ssyncadd.s32 $0xFFFFF000  }
0xd1: {  	s24 =	simm.s32 $0x2000;
	_ =	swait.ge [sflag:s22], $0x1000  }
.LBB2_4:
0xd2: {  	[sflag:s22] =	ssyncset.done $0x0;
	s1 =	smov.u32 s24;
	s24 =	sadd.s32 $0x2000, s24  }
0xd3: {  	p0 =	sne.s32 s24, $0xA000;
	[sflag:s22] =	ssyncadd.s32 $0xFFFFF000  }
0xd4: {  	_ =	swait.ge [sflag:s29], $0x1000  }
0xd5: {  	[sflag:s29] =	ssyncset.done $0x0  }
0xd6: {  	[sflag:s29] =	ssyncadd.s32 $0xFFFFF000  }
0xd7: {  	_ =	swait.ge [sflag:s29], $0x1000  }
0xd8: {  	[sflag:s29] =	ssyncset.done $0x0  }
0xd9: {  	[sflag:s29] =	ssyncadd.s32 $0xFFFFF000  }
0xda: {  	_ =	swait.ge [sflag:s29], $0x1000  }
0xdb: {  	[sflag:s29] =	ssyncset.done $0x0  }
0xdc: {  	[sflag:s29] =	ssyncadd.s32 $0xFFFFF000  }
0xdd: {  	_ =	swait.ge [sflag:s29], $0x1000  }
0xde: {  	[sflag:s29] =	ssyncset.done $0x0  }
0xdf: {  	[sflag:s29] =	ssyncadd.s32 $0xFFFFF000  }
0xe0: {  	_ =	swait.ge [sflag:s29], $0x1000  }
0xe1: {  	[sflag:s29] =	ssyncset.done $0x0  }
0xe2: {  	[sflag:s29] =	ssyncadd.s32 $0xFFFFF000  }
0xe3: {  	_ =	swait.ge [sflag:s29], $0x1000  }
0xe4: {  	[sflag:s29] =	ssyncset.done $0x0  }
0xe5: {  	[sflag:s29] =	ssyncadd.s32 $0xFFFFF000  }
0xe6: {  	_ =	swait.ge [sflag:s29], $0x1000  }
0xe7: {  	[sflag:s29] =	ssyncset.done $0x0  }
0xe8: {  	[sflag:s29] =	ssyncadd.s32 $0xFFFFF000  }
0xe9: {  	s26 =	sshra.s32 s1, $0x2;
	_ =	swait.ge [sflag:s29], $0x1000  }
0xea: {  	s6 =	sadd.s32 $0x400, s26;
	[sflag:s29] =	ssyncset.done $0x0  }
0xeb: {  	[sflag:s29] =	ssyncadd.s32 $0xFFFFF000  }
0xec: {  	[tilespmem:s30], [sflag:$0x1] =	stream.indirect.gather [hbm4b:s4+s13], $0x20, s6, s13, $0xb8;
	[tilespmem:$0x1F000] =	vst v63  }
0xed: {  	s6 =	sadd.s32 $0x480, s26  }
0xee: {  	[tilespmem:s31], [sflag:$0x1] =	stream.indirect.gather [hbm4b:s4+s13], $0x20, s6, s13, $0xb8;
	[tilespmem:$0x1F000] =	vst v63  }
0xef: {  	s6 =	sadd.s32 $0x500, s26  }
0xf0: {  	[tilespmem:s0], [sflag:$0x1] =	stream.indirect.gather [hbm4b:s4+s13], $0x20, s6, s13, $0xb8;
	[tilespmem:$0x1F000] =	vst v63  }
0xf1: {  	s6 =	sadd.s32 $0x580, s26  }
0xf2: {  	[tilespmem:s10], [sflag:$0x1] =	stream.indirect.gather [hbm4b:s4+s13], $0x20, s6, s13, $0xb8;
	[tilespmem:$0x1F000] =	vst v63  }
0xf3: {  	s6 =	sadd.s32 $0x600, s26  }
0xf4: {  	[tilespmem:s12], [sflag:$0x1] =	stream.indirect.gather [hbm4b:s4+s13], $0x20, s6, s13, $0xb8;
	[tilespmem:$0x1F000] =	vst v63  }
0xf5: {  	s6 =	sadd.s32 $0x680, s26  }
0xf6: {  	[tilespmem:s16], [sflag:$0x1] =	stream.indirect.gather [hbm4b:s4+s13], $0x20, s6, s13, $0xb8;
	[tilespmem:$0x1F000] =	vst v63  }
0xf7: {  	s6 =	sadd.s32 $0x700, s26  }
0xf8: {  	[tilespmem:s18], [sflag:$0x1] =	stream.indirect.gather [hbm4b:s4+s13], $0x20, s6, s13, $0xb8;
	[tilespmem:$0x1F000] =	vst v63  }
0xf9: {  	s6 =	sadd.s32 $0x780, s26  }
0xfa: {  	[tilespmem:s20], [sflag:$0x1] =	stream.indirect.gather [hbm4b:s4+s13], $0x20, s6, s13, $0xb8;
	[tilespmem:$0x1F000] =	vst v63  }
0xfb: {  	s6 =	sadd.s32 $0x2800, s26  }
0xfc: {  	[spmem:s2] =	stream.indirect.scatter.add.f32 [tilespmem:s14], [sflag:$0x2], $0x20, s6, s13, $0xb8;
	[tilespmem:$0x1F000] =	vst v63  }
0xfd: {  	s6 =	sadd.s32 $0x2880, s26  }
0xfe: {  	[spmem:s2] =	stream.indirect.scatter.add.f32 [tilespmem:s15], [sflag:$0x2], $0x20, s6, s13, $0xb8;
	[tilespmem:$0x1F000] =	vst v63  }
0xff: {  	s6 =	sadd.s32 $0x2900, s26  }
0x100: {  	[spmem:s2] =	stream.indirect.scatter.add.f32 [tilespmem:s17], [sflag:$0x2], $0x20, s6, s13, $0xb8;
	[tilespmem:$0x1F000] =	vst v63  }
0x101: {  	s6 =	sadd.s32 $0x2980, s26  }
0x102: {  	[spmem:s2] =	stream.indirect.scatter.add.f32 [tilespmem:s19], [sflag:$0x2], $0x20, s6, s13, $0xb8;
	[tilespmem:$0x1F000] =	vst v63  }
0x103: {  	s6 =	sadd.s32 $0x2A00, s26  }
0x104: {  	[spmem:s2] =	stream.indirect.scatter.add.f32 [tilespmem:s21], [sflag:$0x2], $0x20, s6, s13, $0xb8;
	[tilespmem:$0x1F000] =	vst v63  }
0x105: {  	s6 =	sadd.s32 $0x2A80, s26  }
0x106: {  	[spmem:s2] =	stream.indirect.scatter.add.f32 [tilespmem:s23], [sflag:$0x2], $0x20, s6, s13, $0xb8;
	[tilespmem:$0x1F000] =	vst v63  }
0x107: {  	s6 =	sadd.s32 $0x2B00, s26  }
0x108: {  	[spmem:s2] =	stream.indirect.scatter.add.f32 [tilespmem:s25], [sflag:$0x2], $0x20, s6, s13, $0xb8;
	[tilespmem:$0x1F000] =	vst v63  }
0x109: {  	s6 =	sadd.s32 $0x2B80, s26  }
0x10a: {  	[spmem:s2] =	stream.indirect.scatter.add.f32 [tilespmem:s28], [sflag:$0x2], $0x20, s6, s13, $0xb8;
	[tilespmem:$0x1F000] =	vst v63  }
0x10b: {  	_ =	swait.ge [sflag:s29], $0x1000  }
0x10c: {  	[sflag:s29] =	ssyncset.done $0x0  }
0x10d: {  	[sflag:s29] =	ssyncadd.s32 $0xFFFFF000  }
0x10e: {  	_ =	swait.ge [sflag:s29], $0x1000  }
0x10f: {  	[sflag:s29] =	ssyncset.done $0x0  }
0x110: {  	[sflag:s29] =	ssyncadd.s32 $0xFFFFF000  }
0x111: {  	_ =	swait.ge [sflag:s29], $0x1000  }
0x112: {  	[sflag:s29] =	ssyncset.done $0x0  }
0x113: {  	[sflag:s29] =	ssyncadd.s32 $0xFFFFF000  }
0x114: {  	_ =	swait.ge [sflag:s29], $0x1000  }
0x115: {  	[sflag:s29] =	ssyncset.done $0x0  }
0x116: {  	[sflag:s29] =	ssyncadd.s32 $0xFFFFF000  }
0x117: {  	_ =	swait.ge [sflag:s29], $0x1000  }
0x118: {  	[sflag:s29] =	ssyncset.done $0x0  }
0x119: {  	[sflag:s29] =	ssyncadd.s32 $0xFFFFF000  }
0x11a: {  	_ =	swait.ge [sflag:s29], $0x1000  }
0x11b: {  	[sflag:s29] =	ssyncset.done $0x0  }
0x11c: {  	[sflag:s29] =	ssyncadd.s32 $0xFFFFF000  }
0x11d: {  	_ =	swait.ge [sflag:s29], $0x1000  }
0x11e: {  	[sflag:s29] =	ssyncset.done $0x0  }
0x11f: {  	[sflag:s29] =	ssyncadd.s32 $0xFFFFF000  }
0x120: {  	_ =	swait.ge [sflag:s29], $0x1000  }
0x121: {  	[sflag:s29] =	ssyncset.done $0x0  }
0x122: {  	[sflag:s29] =	ssyncadd.s32 $0xFFFFF000  }
0x123: {  	_ =	swait.ge [sflag:s22], $0x1000  }
0x124: {  	[sflag:s22] =	ssyncset.done $0x0  }
0x125: {  	[sflag:s22] =	ssyncadd.s32 $0xFFFFF000  }
0x126: {  	_ =	swait.ge [sflag:s22], $0x1000  }
0x127: {  	[sflag:s22] =	ssyncset.done $0x0  }
0x128: {  	[sflag:s22] =	ssyncadd.s32 $0xFFFFF000  }
0x129: {  	_ =	swait.ge [sflag:s22], $0x1000  }
0x12a: {  	[sflag:s22] =	ssyncset.done $0x0  }
0x12b: {  	[sflag:s22] =	ssyncadd.s32 $0xFFFFF000  }
0x12c: {  	_ =	swait.ge [sflag:s22], $0x1000  }
0x12d: {  	[sflag:s22] =	ssyncset.done $0x0  }
0x12e: {  	[sflag:s22] =	ssyncadd.s32 $0xFFFFF000  }
0x12f: {  	_ =	swait.ge [sflag:s22], $0x1000  }
0x130: {  	[sflag:s22] =	ssyncset.done $0x0  }
0x131: {  	[sflag:s22] =	ssyncadd.s32 $0xFFFFF000  }
0x132: {  	_ =	swait.ge [sflag:s22], $0x1000  }
0x133: {  	[sflag:s22] =	ssyncset.done $0x0  }
0x134: {  	[sflag:s22] =	ssyncadd.s32 $0xFFFFF000  }
0x135: {  	_ =	swait.ge [sflag:s22], $0x1000  }
0x136: {  	[sflag:s22] =	ssyncset.done $0x0  }
0x137: {  	p1 =	seq.s32 s1, $0x8000;
	[sflag:s22] =	ssyncadd.s32 $0xFFFFF000  }
0x138: {  	s1 =	sshra.s32 @!p1 s1, $0x2;
	s6 =	simm.s32 @!p1 $0x80;
	_ =	swait.ge [sflag:s22], $0x1000  }
0x139: {  	s8 =	simm.s32 @!p1 $0x6000;
	s7 =	sadd.s32 @!p1 $0x800, s1;
	[sflag:s22] =	ssyncset.done $0x0  }
0x13a: {  	s9 =	simm.s32 @!p1 $0x5000;
	s5 =	sadd.s32 @!p1 $0x880, s1;
	[sflag:s22] =	ssyncadd.s32 $0xFFFFF000  }
0x13b: {  	[tilespmem:s9], [sflag:$0x1] =	stream.indirect.gather @!p1 [hbm4b:s4+s6], $0x20, s7, s6, $0xb8;
	[tilespmem:$0x1F000] =	vst v63  }
0x13c: {  	s11 =	sadd.s32 @!p1 $0xA00, s1;
	s7 =	sadd.s32 @!p1 $0x900, s1;
	s9 =	sadd.s32 @!p1 $0x980, s1  }
0x13d: {  	[tilespmem:s8], [sflag:$0x1] =	stream.indirect.gather @!p1 [hbm4b:s4+s6], $0x20, s5, s6, $0xb8;
	[tilespmem:$0x1F000] =	vst v63  }
0x13e: {  	s3 =	sadd.s32 @!p1 $0xB00, s1;
	s5 =	simm.s32 @!p1 $0x7000;
	s8 =	sadd.s32 @!p1 $0xA80, s1  }
0x13f: {  	[tilespmem:s5], [sflag:$0x1] =	stream.indirect.gather @!p1 [hbm4b:s4+s6], $0x20, s7, s6, $0xb8;
	[tilespmem:$0x1F000] =	vst v63  }
0x140: {  	s1 =	sadd.s32 @!p1 $0xB80, s1;
	s5 =	simm.s32 @!p1 $0x8000  }
0x141: {  	[tilespmem:s5], [sflag:$0x1] =	stream.indirect.gather @!p1 [hbm4b:s4+s6], $0x20, s9, s6, $0xb8;
	[tilespmem:$0x1F000] =	vst v63  }
0x142: {  	s5 =	simm.s32 @!p1 $0x9000  }
0x143: {  	[tilespmem:s5], [sflag:$0x1] =	stream.indirect.gather @!p1 [hbm4b:s4+s6], $0x20, s11, s6, $0xb8;
	[tilespmem:$0x1F000] =	vst v63  }
0x144: {  	s5 =	simm.s32 @!p1 $0xA000  }
0x145: {  	[tilespmem:s5], [sflag:$0x1] =	stream.indirect.gather @!p1 [hbm4b:s4+s6], $0x20, s8, s6, $0xb8;
	[tilespmem:$0x1F000] =	vst v63  }
0x146: {  	s7 =	simm.s32 @!p1 $0xC000;
	s5 =	simm.s32 @!p1 $0xB000  }
0x147: {  	[tilespmem:s5], [sflag:$0x1] =	stream.indirect.gather @!p1 [hbm4b:s4+s6], $0x20, s3, s6, $0xb8;
	[tilespmem:$0x1F000] =	vst v63  }
0x148: {  	_ = 	snop  }
0x149: {  	[tilespmem:s7], [sflag:$0x1] =	stream.indirect.gather @!p1 [hbm4b:s4+s6], $0x20, s1, s6, $0xb8;
	[tilespmem:$0x1F000] =	vst v63  }
0x14a: {  	s1 =	sadd.s32 $0x2C00, s26  }
0x14b: {  	[spmem:s2] =	stream.indirect.scatter.add.f32 [tilespmem:s30], [sflag:$0x2], $0x20, s1, s13, $0xb8;
	[tilespmem:$0x1F000] =	vst v63  }
0x14c: {  	s1 =	sadd.s32 $0x2C80, s26  }
0x14d: {  	[spmem:s2] =	stream.indirect.scatter.add.f32 [tilespmem:s31], [sflag:$0x2], $0x20, s1, s13, $0xb8;
	[tilespmem:$0x1F000] =	vst v63  }
0x14e: {  	s3 =	sadd.s32 $0x2D80, s26;
	s1 =	sadd.s32 $0x2D00, s26  }
0x14f: {  	[spmem:s2] =	stream.indirect.scatter.add.f32 [tilespmem:s0], [sflag:$0x2], $0x20, s1, s13, $0xb8;
	[tilespmem:$0x1F000] =	vst v63  }
0x150: {  	s1 =	sadd.s32 $0x2E00, s26  }
0x151: {  	[spmem:s2] =	stream.indirect.scatter.add.f32 [tilespmem:s10], [sflag:$0x2], $0x20, s3, s13, $0xb8;
	[tilespmem:$0x1F000] =	vst v63  }
0x152: {  	s3 =	sadd.s32 $0x2E80, s26  }
0x153: {  	[spmem:s2] =	stream.indirect.scatter.add.f32 [tilespmem:s12], [sflag:$0x2], $0x20, s1, s13, $0xb8;
	[tilespmem:$0x1F000] =	vst v63  }
0x154: {  	s1 =	sadd.s32 $0x2F00, s26  }
0x155: {  	[spmem:s2] =	stream.indirect.scatter.add.f32 [tilespmem:s16], [sflag:$0x2], $0x20, s3, s13, $0xb8;
	[tilespmem:$0x1F000] =	vst v63  }
0x156: {  	s3 =	sadd.s32 $0x2F80, s26  }
0x157: {  	[spmem:s2] =	stream.indirect.scatter.add.f32 [tilespmem:s18], [sflag:$0x2], $0x20, s1, s13, $0xb8;
	[tilespmem:$0x1F000] =	vst v63  }
0x158: {  	_ = 	snop  }
0x159: {  	[spmem:s2] =	stream.indirect.scatter.add.f32 [tilespmem:s20], [sflag:$0x2], $0x20, s3, s13, $0xb8;
	[tilespmem:$0x1F000] =	vst v63  }
0x15a: {  	_ =	swait.ge [sflag:s22], $0x1000  }
0x15b: {  	[sflag:s22] =	ssyncset.done $0x0  }
0x15c: {  	[sflag:s22] =	ssyncadd.s32 $0xFFFFF000  }
0x15d: {  	_ =	swait.ge [sflag:s22], $0x1000  }
0x15e: {  	[sflag:s22] =	ssyncset.done $0x0  }
0x15f: {  	[sflag:s22] =	ssyncadd.s32 $0xFFFFF000  }
0x160: {  	_ =	swait.ge [sflag:s22], $0x1000  }
0x161: {  	[sflag:s22] =	ssyncset.done $0x0  }
0x162: {  	[sflag:s22] =	ssyncadd.s32 $0xFFFFF000  }
0x163: {  	_ =	swait.ge [sflag:s22], $0x1000  }
0x164: {  	[sflag:s22] =	ssyncset.done $0x0  }
0x165: {  	[sflag:s22] =	ssyncadd.s32 $0xFFFFF000  }
0x166: {  	_ =	swait.ge [sflag:s22], $0x1000  }
0x167: {  	[sflag:s22] =	ssyncset.done $0x0  }
0x168: {  	[sflag:s22] =	ssyncadd.s32 $0xFFFFF000  }
0x169: {  	_ =	swait.ge [sflag:s22], $0x1000  }
0x16a: {  	[sflag:s22] =	ssyncset.done $0x0  }
.Ltmp1:
0x16b: {  	[sflag:s22] =	ssyncadd.s32 $0xFFFFF000;
	(pc) =	sbr.rel @p0 .LBB2_4-.Ltmp1, $4  }
0x16c: {  	_ =	swait.ge [sflag:s22], $0x1000  }
0x16d: {  	[sflag:s22] =	ssyncset.done $0x0  }
0x16e: {  	[sflag:s22] =	ssyncadd.s32 $0xFFFFF000  }
0x16f: {  	_ =	swait.ge [sflag:s22], $0x1000  }
0x170: {  	[sflag:s22] =	ssyncset.done $0x0  }
0x171: {  	[sflag:s22] =	ssyncadd.s32 $0xFFFFF000  }
0x172: {  	s1 =	stileid.u32;
	[bflag:$0x0] =	sbarrier.arrive $0xFFFF  }
0x173: {  	s1 =	sshll.u32 s1, $0x6;
	s5 =	rddreg [dreg:$0x4]  }
0x174: {  	s1 =	sor.u32 $0x1C03, s1;
	s6 =	rddreg [dreg:$0x7];
	s3 =	sshrl.u32 s5, $0x3  }
0x175: {  	[hbm:s6], [sflag:s1] =	dma.local [spmem:s3], $0xA00  }
0x176: {  	s6 =	simm.s32 $0x3  }
0x177: {  	_ =	swait.ge [sflag:s6], $0xA00  }
0x178: {  	s9 =	rddreg [dreg:$0x3]  }
0x179: {  	s26 =	rddreg [dreg:$0x8];
	s9 =	sadd.s32 $0x1, s9  }
0x17a: {  	p0 =	sne.s32 s9, s26  }
.Ltmp2:
0x17b: {  	_ = 	snop;
	(pc) =	sbr.rel @p0 .LBB2_1-.Ltmp2, $3  }
0x17c: {  	_ =	sdelay $0x1  }
0x17d: {  	[sflag:s6] =	ssyncset.done $0x0  }
0x17e: {  	[sflag:s6] =	ssyncadd.s32 $0xFFFFF600  }
0x17f: {  	_ =	sfence.sel $0x180000  }
0x180: {  	[bflag:$0x0] =	sbarrier.arrive $0xFFFF  }
0x181: {  	_ =	strace $0x9000004A  }
0x182: {  	s0 =	stileid.u32;
	[bflag:$0x2] =	sbarrier.arrive $0xFFFF  }
0x183: {  	p0 =	sne.s32 s0, $0x0;
	s0 =	rddreg [dreg:$0x2]  }
0x184: {  	s0 =	sadd.s32 @!p0 $0x100000, s0  }
0x185: {  	[sflag:s0] =	ssyncadd.tile.s32 @!p0 $0x1;
	_ =	shalt  }
.Lfunc_end2:
_tile_overlayer_lowered:
.L_overlay_start_2:
0x186: {  	(tag) =	ssettag $0x2  }
0x187: {  	s0 =	rddreg [dreg:$0x0];
	s2 =	stileid.u32  }
0x188: {  	s1 =	rddreg [dreg:$0x1];
	p0 =	sne.s32 s2, $0x0  }
0x189: {  	s3 =	rddreg [dreg:$0x2];
	[bflag:$0x3] =	sbarrier.arrive $0xFFFF;
	s2 =	simm.s32 @!p0 $0x1C03  }
0x18a: {  	[timem:s3], [sflag:s2] =	dma.local @!p0 [hbm:s0], s1  }
0x18b: {  	s0 =	simm.s32 @!p0 $0x3  }
0x18c: {  	_ =	swait.ge @!p0 [sflag:s0], s1  }
0x18d: {  	s1 =	ssub.s32 @!p0 $0x0, s1;
	[sflag:s0] =	ssyncset.done @!p0 $0x0  }
0x18e: {  	[sflag:s0] =	ssyncadd.s32 @!p0 s1  }
0x18f: {  	[bflag:$0x3] =	sbarrier.arrive $0xFFFF  }
0x190: {  	_ =	shalt  }

// kernel: kernel.7.cloned.1.call-start
scs
__scs_entry_jumppad:
0x0: {  	(pc) =	sbr.rel $0x88, $3  }
0x1: {  	(tag) =	ssettag $0x0;
	lr =	simm.s32 $0x1  }
0x2: {  	[smem:$0x3F94] =	sst lr;
	_ =	strace $0xD0000000  }
0x3: {  	_ = 	snop  }
0x4: {  	_ = 	snop  }
0x5: {  	_ = 	snop  }
0x6: {  	_ = 	snop  }
0x7: {  	_ = 	snop  }
__scs_overlays_trampoline_lowered:
0x8: {  	[smem:$0x3FA3] =	sst s0  }
0x9: {  	[smem:$0x3FA4] =	sst s1  }
0xa: {  	[smem:$0x3FA5] =	sst s2  }
0xb: {  	[smem:$0x3FA6] =	sst s3  }
0xc: {  	[smem:$0x3FA7] =	sst s4  }
0xd: {  	[smem:$0x3FA8] =	sst s5  }
0xe: {  	[smem:$0x3FA9] =	sst s6  }
0xf: {  	[smem:$0x3FAA] =	sst s7  }
0x10: {  	[smem:$0x3FAB] =	sst s8  }
0x11: {  	[smem:$0x3FAC] =	sst s9;
	s0 =	simm.s32 @!p0 $0x0  }
0x12: {  	s1 =	sld [smem:$0x3F92];
	s0 =	simm.s32 @p0 $0x1  }
0x13: {  	[smem:$0x3FAD] =	sst s0;
	s0 =	simm.s32 @!p1 $0x0  }
0x14: {  	s2 =	sld [smem:$0x3F91];
	s0 =	simm.s32 @p1 $0x1  }
0x15: {  	[smem:$0x3FAE] =	sst s0;
	s0 =	simm.s32 @!p2 $0x0  }
0x16: {  	s3 =	sld [smem:$0x3FDB];
	s0 =	simm.s32 @p2 $0x1  }
0x17: {  	s4 =	simm.s32 $0x1BF5;
	[smem:$0x3FB0] =	sst s0  }
0x18: {  	s0 =	sld [smem:$0x3F93];
	_ =	swait.ge [sflag:s4], $0x0  }
0x19: {  	s7 =	sld [smem:$0x3F94]  }
0x1a: {  	s8 =	sadd.s32 $0xFFFFE003, lr  }
0x1b: {  	s9 =	sadd.s32 $0xFFFFFEF7, lr;
	s5 =	simm.s32 $0xFFFFFFFF;
	p2 =	slt.u32 s8, $0xFFFFF086  }
0x1c: {  	p1 =	slt.u32 s9, $0xF7A;
	s5 =	simm.s32 @!p2 $0x0  }
0x1d: {  	s5 =	simm.s32 @p1 $0x1;
	p0 =	seq.s32 s7, s2  }
0x1e: {  	s7 =	smul.u32 @!p0 $0xF7A, s2;
	p2 =	seq.s32 @!p0 s5, $0x0  }
0x1f: {  	s9 =	smul.u32 $0xF7A, s1;
	s8 =	simm.s32 @!p0 $0x1BF5;
	p2 =	por !p2, p0  }
0x20: {  	[sflag:s8] =	ssyncset.s32 @!p0 $0xFFFFF086;
	s6 =	sadd.s32 @!p0 s3, s7;
	s7 =	simm.s32 @!p0 $0x108  }
0x21: {  	s3 =	sadd.s32 s3, s9;
	s6 =	sadd.s32 @!p0 $0x88, s6;
	s7 =	simm.s32 @p2 $0x1082  }
0x22: {  	[simem:s7], [sflag:s8] =	dma.local @!p0 [hbm:s6], $0xF7A  }
0x23: {  	s9 =	sor.u32 $0xD0000000, s2;
	s6 =	simm.s32 $0x108;
	_ =	swait.ge @!p0 [sflag:s8], $0x0  }
0x24: {  	s3 =	sadd.s32 $0x88, s3;
	s6 =	simm.s32 @!p1 $0x1082;
	[sflag:s4] =	ssyncset.s32 $0xFFFFF086  }
0x25: {  	[simem:s6], [sflag:s4] =	dma.local [hbm:s3], $0xF7A  }
0x26: {  	[smem:$0x3F94] =	sst s1;
	(tag) =	ssettag s2;
	_ =	strace s9  }
0x27: {  	s1 =	sld [smem:$0x3FA4]  }
0x28: {  	s2 =	sld [smem:$0x3FA5]  }
0x29: {  	s4 =	sld [smem:$0x3FA7]  }
0x2a: {  	p0 =	seq.s32 s5, $0x0;
	s5 =	sld [smem:$0x3FA8]  }
0x2b: {  	s6 =	sld [smem:$0x3FA9]  }
0x2c: {  	s7 =	sld [smem:$0x3FAA]  }
0x2d: {  	s3 =	simm.s32 $0x108;
	s8 =	sld [smem:$0x3FAB]  }
0x2e: {  	s3 =	simm.s32 @!p0 $0x1082;
	s9 =	sld [smem:$0x3FAC]  }
0x2f: {  	lr =	sadd.s32 s0, s3;
	s0 =	sld [smem:$0x3FA3]  }
0x30: {  	s3 =	sld [smem:$0x3FA6]  }
0x31: {  	[smem:$0x3FAF] =	sst s10  }
0x32: {  	s10 =	sld [smem:$0x3FAD];
	_ =	sdelay $0x3  }
0x33: {  	p0 =	seq.s32 s10, $0x1;
	s10 =	sld [smem:$0x3FAF];
	_ =	sdelay $0x3  }
0x34: {  	[smem:$0x3FAF] =	sst s10  }
0x35: {  	s10 =	sld [smem:$0x3FAE];
	_ =	sdelay $0x3  }
0x36: {  	p1 =	seq.s32 s10, $0x1;
	s10 =	sld [smem:$0x3FAF];
	_ =	sdelay $0x3  }
0x37: {  	[smem:$0x3FAF] =	sst s10  }
0x38: {  	s10 =	sld [smem:$0x3FB0]  }
0x39: {  	_ = 	snop;
	(pc) =	sbr.ind lr, $3  }
0x3a: {  	_ = 	snop  }
0x3b: {  	_ = 	snop  }
0x3c: {  	p2 =	seq.s32 s10, $0x1;
	s10 =	sld [smem:$0x3FAF]  }
0x3d: {  	_ =	shalt  }
0x3e: {  	_ =	shalt  }
0x3f: {  	_ =	shalt  }
0x40: {  	_ =	shalt  }
0x41: {  	_ =	shalt  }
0x42: {  	_ =	shalt  }
0x43: {  	_ =	shalt  }
0x44: {  	_ =	shalt  }
0x45: {  	_ =	shalt  }
0x46: {  	_ =	shalt  }
0x47: {  	_ =	shalt  }
0x48: {  	_ =	shalt  }
0x49: {  	_ =	shalt  }
0x4a: {  	_ =	shalt  }
0x4b: {  	_ =	shalt  }
0x4c: {  	_ =	shalt  }
0x4d: {  	_ =	shalt  }
0x4e: {  	_ =	shalt  }
0x4f: {  	_ =	shalt  }
0x50: {  	_ =	shalt  }
0x51: {  	_ =	shalt  }
0x52: {  	_ =	shalt  }
0x53: {  	_ =	shalt  }
0x54: {  	_ =	shalt  }
0x55: {  	_ =	shalt  }
0x56: {  	_ =	shalt  }
0x57: {  	_ =	shalt  }
0x58: {  	_ =	shalt  }
0x59: {  	_ =	shalt  }
0x5a: {  	_ =	shalt  }
0x5b: {  	_ =	shalt  }
0x5c: {  	_ =	shalt  }
0x5d: {  	_ =	shalt  }
0x5e: {  	_ =	shalt  }
0x5f: {  	_ =	shalt  }
0x60: {  	_ =	shalt  }
0x61: {  	_ =	shalt  }
0x62: {  	_ =	shalt  }
0x63: {  	_ =	shalt  }
0x64: {  	_ =	shalt  }
0x65: {  	_ =	shalt  }
0x66: {  	_ =	shalt  }
0x67: {  	_ =	shalt  }
0x68: {  	_ =	shalt  }
0x69: {  	_ =	shalt  }
0x6a: {  	_ =	shalt  }
0x6b: {  	_ =	shalt  }
0x6c: {  	_ =	shalt  }
0x6d: {  	_ =	shalt  }
0x6e: {  	_ =	shalt  }
0x6f: {  	_ =	shalt  }
0x70: {  	_ =	shalt  }
0x71: {  	_ =	shalt  }
0x72: {  	_ =	shalt  }
0x73: {  	_ =	shalt  }
0x74: {  	_ =	shalt  }
0x75: {  	_ =	shalt  }
0x76: {  	_ =	shalt  }
0x77: {  	_ =	shalt  }
0x78: {  	_ =	shalt  }
0x79: {  	_ =	shalt  }
0x7a: {  	_ =	shalt  }
0x7b: {  	_ =	shalt  }
0x7c: {  	_ =	shalt  }
0x7d: {  	_ =	shalt  }
0x7e: {  	_ =	shalt  }
0x7f: {  	_ =	shalt  }
0x80: {  	_ =	shalt  }
0x81: {  	_ =	shalt  }
0x82: {  	_ =	shalt  }
0x83: {  	_ =	shalt  }
0x84: {  	_ =	shalt  }
0x85: {  	_ =	shalt  }
0x86: {  	_ =	shalt  }
0x87: {  	_ =	shalt  }
.Lfunc_end0:
.L_simem_size_0:
called_computation_lowered:
.L_overlay_start_0:
0x88: {  	s2 =	sld [smem:$0x3FD9]  }
0x89: {  	s3 =	sld [smem:$0x3FFE];
	_ =	sdelay $0x1  }
0x8a: {  	s1 =	srdreg.scid  }
0x8b: {  	s0 =	sand.u32 $0x1, s1  }
0x8c: {  	s16 =	sshll.u32 s0, $0xA;
	s2 =	sadd.s32 s3, s2  }
0x8d: {  	s2 =	sadd.s32 s2, s16  }
0x8e: {  	[smem:$0x3FBB] =	sst s2  }
0x8f: {  	_ = 	snop  }
0x90: {  	(tm) =	ssettm $0x1  }
0x91: {  	s17 =	sld [smem:$0x3FFB];
	_ =	sdelay $0x3  }
0x92: {  	_ =	strace s17  }
0x93: {  	s2 =	sld [smem:$0x3FFC];
	_ =	sdelay $0x3  }
0x94: {  	_ =	strace s2  }
0x95: {  	s2 =	sld [smem:$0x3FFD];
	_ =	sdelay $0x3  }
0x96: {  	_ =	strace s2  }
0x97: {  	_ =	strace $0x8FFFFFFF  }
0x98: {  	s18 =	sld [smem:$0x3FDB];
	_ =	sdelay $0x1  }
0x99: {  	s19 =	simm.s32 $_scs_section_size  }
0x9a: {  	s4 =	simm.s32 $_size__tile_overlayer_lowered;
	s5 =	simm.s32 $_tile_overlayer_lowered  }
0x9b: {  	s22 =	simm.s32 $0x1BFF;
	s21 =	sshll.u32 s5, $0x1;
	s2 =	sadd.s32 s19, s18  }
0x9c: {  	s6 =	simm.s32 $0x0;
	s20 =	sshll.u32 s4, $0x1;
	s4 =	sadd.s32 s21, s2  }
0x9d: {  	[timem:s6], [sflag:s22] =	dma.local [hbm:s4], s20  }
0x9e: {  	_ =	swait.ge [sflag:s22], s20  }
0x9f: {  	s3 =	ssub.s32 $0x0, s20;
	[sflag:s22] =	ssyncset.done $0x0  }
0xa0: {  	[sflag:s22] =	ssyncadd.s32 s3;
	_ =	sdelay $0x1  }
0xa1: {  	s23 =	simm.s32 $0x1B8B  }
0xa2: {  	_ =	swait.ge [sflag:s23], $0x1  }
0xa3: {  	[sflag:s23] =	ssyncset.done $0x0  }
0xa4: {  	s25 =	simm.s32 $0x1B8E;
	s24 =	sld [smem:$0x3FFE];
	[sflag:s23] =	ssyncadd.s32 $0xFFFFFFFF  }
0xa5: {  	s26 =	simm.s32 $execute0_lowered;
	[smem:$0x3FD2] =	sst s25  }
0xa6: {  	s4 =	sshll.u32 s26, $0x1;
	_ =	strace $0x80000046;
	[dreg:$0x1] =	wrdreg $0xFFFFFFFF  }
0xa7: {  	s28 =	simm.s32 $_size_execute0_lowered;
	s2 =	sadd.s32 s2, s4;
	[dreg:$0x0] =	wrdreg $0x0  }
0xa8: {  	s4 =	sshll.u32 s28, $0x1;
	[dreg:$0x2] =	wrdreg s2  }
0xa9: {  	[dreg:$0x3] =	wrdreg s4  }
0xaa: {  	[dreg:$0x4] =	wrdreg $0xC0  }
0xab: {  	_ =	task [dreg:s6], $0x5FFFF  }
0xac: {  	[dreg:$0x1] =	wrdreg $0xFFFFFFFF  }
0xad: {  	[dreg:$0x0] =	wrdreg $0x60  }
0xae: {  	[dreg:$0x2] =	wrdreg s24  }
0xaf: {  	[dreg:$0x3] =	wrdreg $0x1A0000  }
0xb0: {  	[dreg:$0x4] =	wrdreg $0x9  }
0xb1: {  	_ =	task.clear_ibuf [dreg:s6], $0x5FFFF;
	_ =	strace $0x90000046  }
0xb2: {  	s29 =	simm.s32 $0x9;
	_ =	strace $0x80000048  }
0xb3: {  	_ =	swait.ge [sflag:s29], $0x1  }
0xb4: {  	[sflag:s29] =	ssyncadd.s32 $0xFFFFFFFF  }
0xb5: {  	_ =	strace $0x90000048  }
0xb6: {  	_ =	sfence  }
0xb7: {  	s30 =	sld [smem:$0x0];
	_ =	sdelay $0x2  }
0xb8: {  	s31 =	sshll.u32 s1, $0xD;
	s1 =	sshrl.u32 s1, $0x2  }
0xb9: {  	s3 =	sand.u32 $0x4000, s31;
	s1 =	sadd.s32 s1, s30  }
0xba: {  	s0 =	sor.u32 s3, s0;
	s1 =	sshll.u32 s1, $0x11  }
0xbb: {  	s0 =	sor.u32 s1, s0  }
0xbc: {  	s0 =	sadd.s32 $0x8F2B, s0  }
0xbd: {  	[sflag:s0] =	ssyncadd.remote.s32 $0x1  }
0xbe: {  	_ =	sfence.sel $0xFFFF  }
0xbf: {  	[dreg:$0x0] =	wrdreg $0xFFFFFFFF;
	(pc) =	sbr.abs _section_cstart, $3  }
0xc0: {  	[dreg:$0x1] =	wrdreg $0xFFFFFFFF  }
0xc1: {  	_ =	task.clear_ibuf [dreg:s6], $0x2FFFF;
	_ =	strace $0x9FFFFFFF  }
0xc2: {  	(tm) =	ssettm $0x7FFFFFFF  }
0xc3: {  	_ =	shalt  }
tec
execute0_lowered:
.L_overlay_start_1:
0x0: {  	(tag) =	ssettag $0x1  }
0x1: {  	s0 =	rddreg [dreg:$0x0]  }
0x2: {  	s2 =	rddreg [dreg:$0x1];
	s1 =	srdreg.scid  }
0x3: {  	s3 =	stileid.u32;
	s9 =	simm.s32 $0x0;
	s13 =	simm.s32 $0x80  }
0x4: {  	s14 =	simm.s32 $0x5000;
	s15 =	simm.s32 $0x6000;
	s17 =	simm.s32 $0x7000  }
0x5: {  	s19 =	simm.s32 $0x8000;
	s21 =	simm.s32 $0x9000;
	s23 =	simm.s32 $0xA000  }
0x6: {  	s28 =	simm.s32 $0xC000;
	s29 =	simm.s32 $0x1;
	s30 =	simm.s32 $0xD000  }
0x7: {  	s31 =	simm.s32 $0xE000;
	s10 =	simm.s32 $0x10000;
	s12 =	simm.s32 $0x11000  }
0x8: {  	s16 =	simm.s32 $0x12000;
	s18 =	simm.s32 $0x13000;
	s20 =	simm.s32 $0x14000  }
0x9: {  	s22 =	simm.s32 $0x2;
	s1 =	sand.u32 $0x1, s1;
	s5 =	smul.u32 $0x5000, s3  }
0xa: {  	[smem:$0x7FF] =	sst s9;
	s4 =	sshll.u32 s1, $0x4;
	s6 =	smul.u32 $0x50000, s1  }
0xb: {  	_ =	strace $0x80000047;
	s1 =	ssub.s32 $0x2, s1;
	s4 =	sor.u32 s3, s4  }
0xc: {  	s8 =	sshrl.u32 s1, $0x1;
	s7 =	smul.u32 $0x500, s4;
	s6 =	sadd.s32 s5, s6  }
0xd: {  	s4 =	sadd.s32 $0x2000, s0;
	s1 =	ssub.s32 s1, s8;
	s5 =	sadd.s32 s5, s2  }
0xe: {  	s26 =	smax.u32 s1, $0x1;
	[dreg:$0x4] =	wrdreg s5;
	s7 =	sadd.s32 s7, s0  }
0xf: {  	s6 =	sshrl.u32 s6, $0x3;
	[dreg:$0x8] =	wrdreg s26;
	s24 =	sadd.s32 $0xBE00, s7  }
0x10: {  	s0 =	sadd.s32 s6, s0;
	s25 =	sadd.s32 $0x15E00, s7;
	[dreg:$0x5] =	wrdreg s24  }
0x11: {  	s6 =	simm.s32 $0x3;
	s0 =	sadd.s32 $0x1FE00, s0;
	[dreg:$0x6] =	wrdreg s25  }
0x12: {  	v0 =	vimm.f32 $0.0e+00;
	[dreg:$0x7] =	wrdreg s0;
	s25 =	simm.s32 $0xB000;
	s0 =	simm.s32 $0xF000  }
.LBB2_1:
0x13: {  	[dreg:$0x3] =	wrdreg s9;
	s1 =	simm.s32 $0x80;
	s24 =	simm.s32 $0x0  }
.LBB2_2:
0x14: {  	p0 =	sne.s32 s1, $0x13F80;
	[tilespmem:s24+$0x15000] =	vst v0;
	s26 =	smov.u32 s1;
	s1 =	sadd.s32 $0x80, s1  }
.Ltmp0:
0x15: {  	[tilespmem:s24+$0x15010] =	vst v0;
	(pc) =	sbr.rel @p0 .LBB2_2-.Ltmp0, $2  }
0x16: {  	_ =	sdelay $0x2  }
0x17: {  	s24 =	sshra.s32 s26, $0x2  }
0x18: {  	[tilespmem:s24+$0x15000] =	vst v0  }
0x19: {  	[tilespmem:s24+$0x15010] =	vst v0;
	s1 =	simm.s32 $0x15000  }
0x1a: {  	[spmem:s5] =	stream.linear.scatter [tilespmem:s1], [sflag:$0x3], $0x5000, $0x38;
	[tilespmem:$0x1F000] =	vst v63  }
0x1b: {  	_ =	swait.ge [sflag:s6], $0x5000  }
0x1c: {  	[sflag:s6] =	ssyncset.done $0x0  }
0x1d: {  	s7 =	simm.s32 $0x0;
	s3 =	rddreg [dreg:$0x5];
	[sflag:s6] =	ssyncadd.s32 $0xFFFFB000  }
0x1e: {  	[tilespmem:s7], [sflag:$0x3] =	stream.linear.gather [hbm4b:s3+s7], $0x2800, $0x38;
	[tilespmem:$0x1F000] =	vst v63  }
0x1f: {  	_ =	swait.ge [sflag:s6], $0x2800  }
0x20: {  	[sflag:s6] =	ssyncset.done $0x0  }
0x21: {  	s9 =	simm.s32 $0x2800;
	s8 =	rddreg [dreg:$0x6];
	[sflag:s6] =	ssyncadd.s32 $0xFFFFD800  }
0x22: {  	[tilespmem:s9], [sflag:$0x3] =	stream.linear.gather [hbm4b:s8+s7], $0x2800, $0x38;
	[tilespmem:$0x1F000] =	vst v63  }
0x23: {  	_ =	swait.ge [sflag:s6], $0x2800  }
0x24: {  	[sflag:s6] =	ssyncset.done $0x0  }
0x25: {  	[sflag:s6] =	ssyncadd.s32 $0xFFFFD800  }
0x26: {  	[bflag:$0x0] =	sbarrier.arrive $0xFFFF  }
0x27: {  	[tilespmem:s14], [sflag:$0x1] =	stream.indirect.gather [hbm4b:s4+s13], $0x20, s7, s13, $0xb8;
	[tilespmem:$0x1F000] =	vst v63  }
0x28: {  	_ = 	snop  }
0x29: {  	[tilespmem:s15], [sflag:$0x1] =	stream.indirect.gather [hbm4b:s4+s13], $0x20, s13, s13, $0xb8;
	[tilespmem:$0x1F000] =	vst v63  }
0x2a: {  	s11 =	simm.s32 $0x100  }
0x2b: {  	[tilespmem:s17], [sflag:$0x1] =	stream.indirect.gather [hbm4b:s4+s13], $0x20, s11, s13, $0xb8;
	[tilespmem:$0x1F000] =	vst v63  }
0x2c: {  	s24 =	simm.s32 $0x180  }
0x2d: {  	[tilespmem:s19], [sflag:$0x1] =	stream.indirect.gather [hbm4b:s4+s13], $0x20, s24, s13, $0xb8;
	[tilespmem:$0x1F000] =	vst v63  }
0x2e: {  	s26 =	simm.s32 $0x200  }
0x2f: {  	[tilespmem:s21], [sflag:$0x1] =	stream.indirect.gather [hbm4b:s4+s13], $0x20, s26, s13, $0xb8;
	[tilespmem:$0x1F000] =	vst v63  }
0x30: {  	s3 =	simm.s32 $0x280  }
0x31: {  	[tilespmem:s23], [sflag:$0x1] =	stream.indirect.gather [hbm4b:s4+s13], $0x20, s3, s13, $0xb8;
	[tilespmem:$0x1F000] =	vst v63  }
0x32: {  	s5 =	simm.s32 $0x300  }
0x33: {  	[tilespmem:s25], [sflag:$0x1] =	stream.indirect.gather [hbm4b:s4+s13], $0x20, s5, s13, $0xb8;
	[tilespmem:$0x1F000] =	vst v63  }
0x34: {  	s6 =	simm.s32 $0x380  }
0x35: {  	[tilespmem:s28], [sflag:$0x1] =	stream.indirect.gather [hbm4b:s4+s13], $0x20, s6, s13, $0xb8;
	[tilespmem:$0x1F000] =	vst v63  }
0x36: {  	_ =	swait.ge [sflag:s29], $0x1000  }
0x37: {  	[sflag:s29] =	ssyncset.done $0x0  }
0x38: {  	[sflag:s29] =	ssyncadd.s32 $0xFFFFF000  }
0x39: {  	_ =	swait.ge [sflag:s29], $0x1000  }
0x3a: {  	[sflag:s29] =	ssyncset.done $0x0  }
0x3b: {  	[sflag:s29] =	ssyncadd.s32 $0xFFFFF000  }
0x3c: {  	_ =	swait.ge [sflag:s29], $0x1000  }
0x3d: {  	[sflag:s29] =	ssyncset.done $0x0  }
0x3e: {  	[sflag:s29] =	ssyncadd.s32 $0xFFFFF000  }
0x3f: {  	_ =	swait.ge [sflag:s29], $0x1000  }
0x40: {  	[sflag:s29] =	ssyncset.done $0x0  }
0x41: {  	[sflag:s29] =	ssyncadd.s32 $0xFFFFF000  }
0x42: {  	_ =	swait.ge [sflag:s29], $0x1000  }
0x43: {  	[sflag:s29] =	ssyncset.done $0x0  }
0x44: {  	[sflag:s29] =	ssyncadd.s32 $0xFFFFF000  }
0x45: {  	_ =	swait.ge [sflag:s29], $0x1000  }
0x46: {  	[sflag:s29] =	ssyncset.done $0x0  }
0x47: {  	[sflag:s29] =	ssyncadd.s32 $0xFFFFF000  }
0x48: {  	_ =	swait.ge [sflag:s29], $0x1000  }
0x49: {  	[sflag:s29] =	ssyncset.done $0x0  }
0x4a: {  	[sflag:s29] =	ssyncadd.s32 $0xFFFFF000  }
0x4b: {  	_ =	swait.ge [sflag:s29], $0x1000  }
0x4c: {  	[sflag:s29] =	ssyncset.done $0x0  }
0x4d: {  	s7 =	simm.s32 $0x400;
	[sflag:s29] =	ssyncadd.s32 $0xFFFFF000  }
0x4e: {  	[tilespmem:s30], [sflag:$0x1] =	stream.indirect.gather [hbm4b:s4+s13], $0x20, s7, s13, $0xb8;
	[tilespmem:$0x1F000] =	vst v63  }
0x4f: {  	s8 =	simm.s32 $0x480  }
0x50: {  	[tilespmem:s31], [sflag:$0x1] =	stream.indirect.gather [hbm4b:s4+s13], $0x20, s8, s13, $0xb8;
	[tilespmem:$0x1F000] =	vst v63  }
0x51: {  	s9 =	simm.s32 $0x500  }
0x52: {  	[tilespmem:s0], [sflag:$0x1] =	stream.indirect.gather [hbm4b:s4+s13], $0x20, s9, s13, $0xb8;
	[tilespmem:$0x1F000] =	vst v63  }
0x53: {  	s11 =	simm.s32 $0x580  }
0x54: {  	[tilespmem:s10], [sflag:$0x1] =	stream.indirect.gather [hbm4b:s4+s13], $0x20, s11, s13, $0xb8;
	[tilespmem:$0x1F000] =	vst v63  }
0x55: {  	s24 =	simm.s32 $0x600  }
0x56: {  	[tilespmem:s12], [sflag:$0x1] =	stream.indirect.gather [hbm4b:s4+s13], $0x20, s24, s13, $0xb8;
	[tilespmem:$0x1F000] =	vst v63  }
0x57: {  	s26 =	simm.s32 $0x680  }
0x58: {  	[tilespmem:s16], [sflag:$0x1] =	stream.indirect.gather [hbm4b:s4+s13], $0x20, s26, s13, $0xb8;
	[tilespmem:$0x1F000] =	vst v63  }
0x59: {  	s3 =	simm.s32 $0x700  }
0x5a: {  	[tilespmem:s18], [sflag:$0x1] =	stream.indirect.gather [hbm4b:s4+s13], $0x20, s3, s13, $0xb8;
	[tilespmem:$0x1F000] =	vst v63  }
0x5b: {  	s5 =	simm.s32 $0x780  }
0x5c: {  	[tilespmem:s20], [sflag:$0x1] =	stream.indirect.gather [hbm4b:s4+s13], $0x20, s5, s13, $0xb8;
	[tilespmem:$0x1F000] =	vst v63  }
0x5d: {  	s6 =	simm.s32 $0x2800  }
0x5e: {  	[spmem:s2] =	stream.indirect.scatter.add.f32 [tilespmem:s14], [sflag:$0x2], $0x20, s6, s13, $0xb8;
	[tilespmem:$0x1F000] =	vst v63  }
0x5f: {  	s7 =	simm.s32 $0x2880  }
0x60: {  	[spmem:s2] =	stream.indirect.scatter.add.f32 [tilespmem:s15], [sflag:$0x2], $0x20, s7, s13, $0xb8;
	[tilespmem:$0x1F000] =	vst v63  }
0x61: {  	s8 =	simm.s32 $0x2900  }
0x62: {  	[spmem:s2] =	stream.indirect.scatter.add.f32 [tilespmem:s17], [sflag:$0x2], $0x20, s8, s13, $0xb8;
	[tilespmem:$0x1F000] =	vst v63  }
0x63: {  	s9 =	simm.s32 $0x2980  }
0x64: {  	[spmem:s2] =	stream.indirect.scatter.add.f32 [tilespmem:s19], [sflag:$0x2], $0x20, s9, s13, $0xb8;
	[tilespmem:$0x1F000] =	vst v63  }
0x65: {  	s11 =	simm.s32 $0x2A00  }
0x66: {  	[spmem:s2] =	stream.indirect.scatter.add.f32 [tilespmem:s21], [sflag:$0x2], $0x20, s11, s13, $0xb8;
	[tilespmem:$0x1F000] =	vst v63  }
0x67: {  	s24 =	simm.s32 $0x2A80  }
0x68: {  	[spmem:s2] =	stream.indirect.scatter.add.f32 [tilespmem:s23], [sflag:$0x2], $0x20, s24, s13, $0xb8;
	[tilespmem:$0x1F000] =	vst v63  }
0x69: {  	s26 =	simm.s32 $0x2B00  }
0x6a: {  	[spmem:s2] =	stream.indirect.scatter.add.f32 [tilespmem:s25], [sflag:$0x2], $0x20, s26, s13, $0xb8;
	[tilespmem:$0x1F000] =	vst v63  }
0x6b: {  	s3 =	simm.s32 $0x2B80  }
0x6c: {  	[spmem:s2] =	stream.indirect.scatter.add.f32 [tilespmem:s28], [sflag:$0x2], $0x20, s3, s13, $0xb8;
	[tilespmem:$0x1F000] =	vst v63  }
0x6d: {  	_ =	swait.ge [sflag:s29], $0x1000  }
0x6e: {  	[sflag:s29] =	ssyncset.done $0x0  }
0x6f: {  	[sflag:s29] =	ssyncadd.s32 $0xFFFFF000  }
0x70: {  	_ =	swait.ge [sflag:s29], $0x1000  }
0x71: {  	[sflag:s29] =	ssyncset.done $0x0  }
0x72: {  	[sflag:s29] =	ssyncadd.s32 $0xFFFFF000  }
0x73: {  	_ =	swait.ge [sflag:s29], $0x1000  }
0x74: {  	[sflag:s29] =	ssyncset.done $0x0  }
0x75: {  	[sflag:s29] =	ssyncadd.s32 $0xFFFFF000  }
0x76: {  	_ =	swait.ge [sflag:s29], $0x1000  }
0x77: {  	[sflag:s29] =	ssyncset.done $0x0  }
0x78: {  	[sflag:s29] =	ssyncadd.s32 $0xFFFFF000  }
0x79: {  	_ =	swait.ge [sflag:s29], $0x1000  }
0x7a: {  	[sflag:s29] =	ssyncset.done $0x0  }
0x7b: {  	[sflag:s29] =	ssyncadd.s32 $0xFFFFF000  }
0x7c: {  	_ =	swait.ge [sflag:s29], $0x1000  }
0x7d: {  	[sflag:s29] =	ssyncset.done $0x0  }
0x7e: {  	[sflag:s29] =	ssyncadd.s32 $0xFFFFF000  }
0x7f: {  	_ =	swait.ge [sflag:s29], $0x1000  }
0x80: {  	[sflag:s29] =	ssyncset.done $0x0  }
0x81: {  	[sflag:s29] =	ssyncadd.s32 $0xFFFFF000  }
0x82: {  	_ =	swait.ge [sflag:s29], $0x1000  }
0x83: {  	[sflag:s29] =	ssyncset.done $0x0  }
0x84: {  	[sflag:s29] =	ssyncadd.s32 $0xFFFFF000  }
0x85: {  	_ =	swait.ge [sflag:s22], $0x1000  }
0x86: {  	[sflag:s22] =	ssyncset.done $0x0  }
0x87: {  	[sflag:s22] =	ssyncadd.s32 $0xFFFFF000  }
0x88: {  	_ =	swait.ge [sflag:s22], $0x1000  }
0x89: {  	[sflag:s22] =	ssyncset.done $0x0  }
0x8a: {  	[sflag:s22] =	ssyncadd.s32 $0xFFFFF000  }
0x8b: {  	_ =	swait.ge [sflag:s22], $0x1000  }
0x8c: {  	[sflag:s22] =	ssyncset.done $0x0  }
0x8d: {  	[sflag:s22] =	ssyncadd.s32 $0xFFFFF000  }
0x8e: {  	_ =	swait.ge [sflag:s22], $0x1000  }
0x8f: {  	[sflag:s22] =	ssyncset.done $0x0  }
0x90: {  	[sflag:s22] =	ssyncadd.s32 $0xFFFFF000  }
0x91: {  	_ =	swait.ge [sflag:s22], $0x1000  }
0x92: {  	[sflag:s22] =	ssyncset.done $0x0  }
0x93: {  	[sflag:s22] =	ssyncadd.s32 $0xFFFFF000  }
0x94: {  	_ =	swait.ge [sflag:s22], $0x1000  }
0x95: {  	[sflag:s22] =	ssyncset.done $0x0  }
0x96: {  	[sflag:s22] =	ssyncadd.s32 $0xFFFFF000  }
0x97: {  	_ =	swait.ge [sflag:s22], $0x1000  }
0x98: {  	[sflag:s22] =	ssyncset.done $0x0  }
0x99: {  	[sflag:s22] =	ssyncadd.s32 $0xFFFFF000  }
0x9a: {  	p0 =	por $0x0, $0x0;
	_ =	swait.ge [sflag:s22], $0x1000  }
0x9b: {  	s1 =	simm.s32 @!p0 $0x80;
	[sflag:s22] =	ssyncset.done $0x0  }
0x9c: {  	s24 =	simm.s32 @!p0 $0x800;
	s26 =	simm.s32 @!p0 $0x5000;
	[sflag:s22] =	ssyncadd.s32 $0xFFFFF000  }
0x9d: {  	[tilespmem:s26], [sflag:$0x1] =	stream.indirect.gather @!p0 [hbm4b:s4+s1], $0x20, s24, s1, $0xb8;
	[tilespmem:$0x1F000] =	vst v63  }
0x9e: {  	s24 =	simm.s32 @!p0 $0x6000;
	s26 =	simm.s32 @!p0 $0x880  }
0x9f: {  	[tilespmem:s24], [sflag:$0x1] =	stream.indirect.gather @!p0 [hbm4b:s4+s1], $0x20, s26, s1, $0xb8;
	[tilespmem:$0x1F000] =	vst v63  }
0xa0: {  	s24 =	simm.s32 @!p0 $0x900;
	s26 =	simm.s32 @!p0 $0x7000  }
0xa1: {  	[tilespmem:s26], [sflag:$0x1] =	stream.indirect.gather @!p0 [hbm4b:s4+s1], $0x20, s24, s1, $0xb8;
	[tilespmem:$0x1F000] =	vst v63  }
0xa2: {  	s24 =	simm.s32 @!p0 $0x980;
	s26 =	simm.s32 @!p0 $0x8000  }
0xa3: {  	[tilespmem:s26], [sflag:$0x1] =	stream.indirect.gather @!p0 [hbm4b:s4+s1], $0x20, s24, s1, $0xb8;
	[tilespmem:$0x1F000] =	vst v63  }
0xa4: {  	s24 =	simm.s32 @!p0 $0xA00;
	s26 =	simm.s32 @!p0 $0x9000  }
0xa5: {  	[tilespmem:s26], [sflag:$0x1] =	stream.indirect.gather @!p0 [hbm4b:s4+s1], $0x20, s24, s1, $0xb8;
	[tilespmem:$0x1F000] =	vst v63  }
0xa6: {  	s24 =	simm.s32 @!p0 $0xA80;
	s26 =	simm.s32 @!p0 $0xA000  }
0xa7: {  	[tilespmem:s26], [sflag:$0x1] =	stream.indirect.gather @!p0 [hbm4b:s4+s1], $0x20, s24, s1, $0xb8;
	[tilespmem:$0x1F000] =	vst v63  }
0xa8: {  	s24 =	simm.s32 @!p0 $0xB00;
	s26 =	simm.s32 @!p0 $0xB000  }
0xa9: {  	[tilespmem:s26], [sflag:$0x1] =	stream.indirect.gather @!p0 [hbm4b:s4+s1], $0x20, s24, s1, $0xb8;
	[tilespmem:$0x1F000] =	vst v63  }
0xaa: {  	s24 =	simm.s32 @!p0 $0xB80;
	s26 =	simm.s32 @!p0 $0xC000  }
0xab: {  	[tilespmem:s26], [sflag:$0x1] =	stream.indirect.gather @!p0 [hbm4b:s4+s1], $0x20, s24, s1, $0xb8;
	[tilespmem:$0x1F000] =	vst v63  }
0xac: {  	s5 =	simm.s32 $0x2C00  }
0xad: {  	[spmem:s2] =	stream.indirect.scatter.add.f32 [tilespmem:s30], [sflag:$0x2], $0x20, s5, s13, $0xb8;
	[tilespmem:$0x1F000] =	vst v63  }
0xae: {  	s6 =	simm.s32 $0x2C80  }
0xaf: {  	[spmem:s2] =	stream.indirect.scatter.add.f32 [tilespmem:s31], [sflag:$0x2], $0x20, s6, s13, $0xb8;
	[tilespmem:$0x1F000] =	vst v63  }
0xb0: {  	s7 =	simm.s32 $0x2D00  }
0xb1: {  	[spmem:s2] =	stream.indirect.scatter.add.f32 [tilespmem:s0], [sflag:$0x2], $0x20, s7, s13, $0xb8;
	[tilespmem:$0x1F000] =	vst v63  }
0xb2: {  	s8 =	simm.s32 $0x2D80  }
0xb3: {  	[spmem:s2] =	stream.indirect.scatter.add.f32 [tilespmem:s10], [sflag:$0x2], $0x20, s8, s13, $0xb8;
	[tilespmem:$0x1F000] =	vst v63  }
0xb4: {  	s9 =	simm.s32 $0x2E00  }
0xb5: {  	[spmem:s2] =	stream.indirect.scatter.add.f32 [tilespmem:s12], [sflag:$0x2], $0x20, s9, s13, $0xb8;
	[tilespmem:$0x1F000] =	vst v63  }
0xb6: {  	s11 =	simm.s32 $0x2E80  }
0xb7: {  	[spmem:s2] =	stream.indirect.scatter.add.f32 [tilespmem:s16], [sflag:$0x2], $0x20, s11, s13, $0xb8;
	[tilespmem:$0x1F000] =	vst v63  }
0xb8: {  	s24 =	simm.s32 $0x2F00  }
0xb9: {  	[spmem:s2] =	stream.indirect.scatter.add.f32 [tilespmem:s18], [sflag:$0x2], $0x20, s24, s13, $0xb8;
	[tilespmem:$0x1F000] =	vst v63  }
0xba: {  	s26 =	simm.s32 $0x2F80  }
0xbb: {  	[spmem:s2] =	stream.indirect.scatter.add.f32 [tilespmem:s20], [sflag:$0x2], $0x20, s26, s13, $0xb8;
	[tilespmem:$0x1F000] =	vst v63  }
0xbc: {  	_ =	swait.ge [sflag:s22], $0x1000  }
0xbd: {  	[sflag:s22] =	ssyncset.done $0x0  }
0xbe: {  	[sflag:s22] =	ssyncadd.s32 $0xFFFFF000  }
0xbf: {  	_ =	swait.ge [sflag:s22], $0x1000  }
0xc0: {  	[sflag:s22] =	ssyncset.done $0x0  }
0xc1: {  	[sflag:s22] =	ssyncadd.s32 $0xFFFFF000  }
0xc2: {  	_ =	swait.ge [sflag:s22], $0x1000  }
0xc3: {  	[sflag:s22] =	ssyncset.done $0x0  }
0xc4: {  	[sflag:s22] =	ssyncadd.s32 $0xFFFFF000  }
0xc5: {  	_ =	swait.ge [sflag:s22], $0x1000  }
0xc6: {  	[sflag:s22] =	ssyncset.done $0x0  }
0xc7: {  	[sflag:s22] =	ssyncadd.s32 $0xFFFFF000  }
0xc8: {  	_ =	swait.ge [sflag:s22], $0x1000  }
0xc9: {  	[sflag:s22] =	ssyncset.done $0x0  }
0xca: {  	[sflag:s22] =	ssyncadd.s32 $0xFFFFF000  }
0xcb: {  	_ =	swait.ge [sflag:s22], $0x1000  }
0xcc: {  	[sflag:s22] =	ssyncset.done $0x0  }
0xcd: {  	[sflag:s22] =	ssyncadd.s32 $0xFFFFF000  }
0xce: {  	_ =	swait.ge [sflag:s22], $0x1000  }
0xcf: {  	[sflag:s22] =	ssyncset.done $0x0  }
0xd0: {  	[sflag:s22] =	ssyncadd.s32 $0xFFFFF000  }
0xd1: {  	s24 =	simm.s32 $0x2000;
	_ =	swait.ge [sflag:s22], $0x1000  }
.LBB2_4:
0xd2: {  	[sflag:s22] =	ssyncset.done $0x0;
	s1 =	smov.u32 s24;
	s24 =	sadd.s32 $0x2000, s24  }
0xd3: {  	p0 =	sne.s32 s24, $0xA000;
	[sflag:s22] =	ssyncadd.s32 $0xFFFFF000  }
0xd4: {  	_ =	swait.ge [sflag:s29], $0x1000  }
0xd5: {  	[sflag:s29] =	ssyncset.done $0x0  }
0xd6: {  	[sflag:s29] =	ssyncadd.s32 $0xFFFFF000  }
0xd7: {  	_ =	swait.ge [sflag:s29], $0x1000  }
0xd8: {  	[sflag:s29] =	ssyncset.done $0x0  }
0xd9: {  	[sflag:s29] =	ssyncadd.s32 $0xFFFFF000  }
0xda: {  	_ =	swait.ge [sflag:s29], $0x1000  }
0xdb: {  	[sflag:s29] =	ssyncset.done $0x0  }
0xdc: {  	[sflag:s29] =	ssyncadd.s32 $0xFFFFF000  }
0xdd: {  	_ =	swait.ge [sflag:s29], $0x1000  }
0xde: {  	[sflag:s29] =	ssyncset.done $0x0  }
0xdf: {  	[sflag:s29] =	ssyncadd.s32 $0xFFFFF000  }
0xe0: {  	_ =	swait.ge [sflag:s29], $0x1000  }
0xe1: {  	[sflag:s29] =	ssyncset.done $0x0  }
0xe2: {  	[sflag:s29] =	ssyncadd.s32 $0xFFFFF000  }
0xe3: {  	_ =	swait.ge [sflag:s29], $0x1000  }
0xe4: {  	[sflag:s29] =	ssyncset.done $0x0  }
0xe5: {  	[sflag:s29] =	ssyncadd.s32 $0xFFFFF000  }
0xe6: {  	_ =	swait.ge [sflag:s29], $0x1000  }
0xe7: {  	[sflag:s29] =	ssyncset.done $0x0  }
0xe8: {  	[sflag:s29] =	ssyncadd.s32 $0xFFFFF000  }
0xe9: {  	s26 =	sshra.s32 s1, $0x2;
	_ =	swait.ge [sflag:s29], $0x1000  }
0xea: {  	s6 =	sadd.s32 $0x400, s26;
	[sflag:s29] =	ssyncset.done $0x0  }
0xeb: {  	[sflag:s29] =	ssyncadd.s32 $0xFFFFF000  }
0xec: {  	[tilespmem:s30], [sflag:$0x1] =	stream.indirect.gather [hbm4b:s4+s13], $0x20, s6, s13, $0xb8;
	[tilespmem:$0x1F000] =	vst v63  }
0xed: {  	s6 =	sadd.s32 $0x480, s26  }
0xee: {  	[tilespmem:s31], [sflag:$0x1] =	stream.indirect.gather [hbm4b:s4+s13], $0x20, s6, s13, $0xb8;
	[tilespmem:$0x1F000] =	vst v63  }
0xef: {  	s6 =	sadd.s32 $0x500, s26  }
0xf0: {  	[tilespmem:s0], [sflag:$0x1] =	stream.indirect.gather [hbm4b:s4+s13], $0x20, s6, s13, $0xb8;
	[tilespmem:$0x1F000] =	vst v63  }
0xf1: {  	s6 =	sadd.s32 $0x580, s26  }
0xf2: {  	[tilespmem:s10], [sflag:$0x1] =	stream.indirect.gather [hbm4b:s4+s13], $0x20, s6, s13, $0xb8;
	[tilespmem:$0x1F000] =	vst v63  }
0xf3: {  	s6 =	sadd.s32 $0x600, s26  }
0xf4: {  	[tilespmem:s12], [sflag:$0x1] =	stream.indirect.gather [hbm4b:s4+s13], $0x20, s6, s13, $0xb8;
	[tilespmem:$0x1F000] =	vst v63  }
0xf5: {  	s6 =	sadd.s32 $0x680, s26  }
0xf6: {  	[tilespmem:s16], [sflag:$0x1] =	stream.indirect.gather [hbm4b:s4+s13], $0x20, s6, s13, $0xb8;
	[tilespmem:$0x1F000] =	vst v63  }
0xf7: {  	s6 =	sadd.s32 $0x700, s26  }
0xf8: {  	[tilespmem:s18], [sflag:$0x1] =	stream.indirect.gather [hbm4b:s4+s13], $0x20, s6, s13, $0xb8;
	[tilespmem:$0x1F000] =	vst v63  }
0xf9: {  	s6 =	sadd.s32 $0x780, s26  }
0xfa: {  	[tilespmem:s20], [sflag:$0x1] =	stream.indirect.gather [hbm4b:s4+s13], $0x20, s6, s13, $0xb8;
	[tilespmem:$0x1F000] =	vst v63  }
0xfb: {  	s6 =	sadd.s32 $0x2800, s26  }
0xfc: {  	[spmem:s2] =	stream.indirect.scatter.add.f32 [tilespmem:s14], [sflag:$0x2], $0x20, s6, s13, $0xb8;
	[tilespmem:$0x1F000] =	vst v63  }
0xfd: {  	s6 =	sadd.s32 $0x2880, s26  }
0xfe: {  	[spmem:s2] =	stream.indirect.scatter.add.f32 [tilespmem:s15], [sflag:$0x2], $0x20, s6, s13, $0xb8;
	[tilespmem:$0x1F000] =	vst v63  }
0xff: {  	s6 =	sadd.s32 $0x2900, s26  }
0x100: {  	[spmem:s2] =	stream.indirect.scatter.add.f32 [tilespmem:s17], [sflag:$0x2], $0x20, s6, s13, $0xb8;
	[tilespmem:$0x1F000] =	vst v63  }
0x101: {  	s6 =	sadd.s32 $0x2980, s26  }
0x102: {  	[spmem:s2] =	stream.indirect.scatter.add.f32 [tilespmem:s19], [sflag:$0x2], $0x20, s6, s13, $0xb8;
	[tilespmem:$0x1F000] =	vst v63  }
0x103: {  	s6 =	sadd.s32 $0x2A00, s26  }
0x104: {  	[spmem:s2] =	stream.indirect.scatter.add.f32 [tilespmem:s21], [sflag:$0x2], $0x20, s6, s13, $0xb8;
	[tilespmem:$0x1F000] =	vst v63  }
0x105: {  	s6 =	sadd.s32 $0x2A80, s26  }
0x106: {  	[spmem:s2] =	stream.indirect.scatter.add.f32 [tilespmem:s23], [sflag:$0x2], $0x20, s6, s13, $0xb8;
	[tilespmem:$0x1F000] =	vst v63  }
0x107: {  	s6 =	sadd.s32 $0x2B00, s26  }
0x108: {  	[spmem:s2] =	stream.indirect.scatter.add.f32 [tilespmem:s25], [sflag:$0x2], $0x20, s6, s13, $0xb8;
	[tilespmem:$0x1F000] =	vst v63  }
0x109: {  	s6 =	sadd.s32 $0x2B80, s26  }
0x10a: {  	[spmem:s2] =	stream.indirect.scatter.add.f32 [tilespmem:s28], [sflag:$0x2], $0x20, s6, s13, $0xb8;
	[tilespmem:$0x1F000] =	vst v63  }
0x10b: {  	_ =	swait.ge [sflag:s29], $0x1000  }
0x10c: {  	[sflag:s29] =	ssyncset.done $0x0  }
0x10d: {  	[sflag:s29] =	ssyncadd.s32 $0xFFFFF000  }
0x10e: {  	_ =	swait.ge [sflag:s29], $0x1000  }
0x10f: {  	[sflag:s29] =	ssyncset.done $0x0  }
0x110: {  	[sflag:s29] =	ssyncadd.s32 $0xFFFFF000  }
0x111: {  	_ =	swait.ge [sflag:s29], $0x1000  }
0x112: {  	[sflag:s29] =	ssyncset.done $0x0  }
0x113: {  	[sflag:s29] =	ssyncadd.s32 $0xFFFFF000  }
0x114: {  	_ =	swait.ge [sflag:s29], $0x1000  }
0x115: {  	[sflag:s29] =	ssyncset.done $0x0  }
0x116: {  	[sflag:s29] =	ssyncadd.s32 $0xFFFFF000  }
0x117: {  	_ =	swait.ge [sflag:s29], $0x1000  }
0x118: {  	[sflag:s29] =	ssyncset.done $0x0  }
0x119: {  	[sflag:s29] =	ssyncadd.s32 $0xFFFFF000  }
0x11a: {  	_ =	swait.ge [sflag:s29], $0x1000  }
0x11b: {  	[sflag:s29] =	ssyncset.done $0x0  }
0x11c: {  	[sflag:s29] =	ssyncadd.s32 $0xFFFFF000  }
0x11d: {  	_ =	swait.ge [sflag:s29], $0x1000  }
0x11e: {  	[sflag:s29] =	ssyncset.done $0x0  }
0x11f: {  	[sflag:s29] =	ssyncadd.s32 $0xFFFFF000  }
0x120: {  	_ =	swait.ge [sflag:s29], $0x1000  }
0x121: {  	[sflag:s29] =	ssyncset.done $0x0  }
0x122: {  	[sflag:s29] =	ssyncadd.s32 $0xFFFFF000  }
0x123: {  	_ =	swait.ge [sflag:s22], $0x1000  }
0x124: {  	[sflag:s22] =	ssyncset.done $0x0  }
0x125: {  	[sflag:s22] =	ssyncadd.s32 $0xFFFFF000  }
0x126: {  	_ =	swait.ge [sflag:s22], $0x1000  }
0x127: {  	[sflag:s22] =	ssyncset.done $0x0  }
0x128: {  	[sflag:s22] =	ssyncadd.s32 $0xFFFFF000  }
0x129: {  	_ =	swait.ge [sflag:s22], $0x1000  }
0x12a: {  	[sflag:s22] =	ssyncset.done $0x0  }
0x12b: {  	[sflag:s22] =	ssyncadd.s32 $0xFFFFF000  }
0x12c: {  	_ =	swait.ge [sflag:s22], $0x1000  }
0x12d: {  	[sflag:s22] =	ssyncset.done $0x0  }
0x12e: {  	[sflag:s22] =	ssyncadd.s32 $0xFFFFF000  }
0x12f: {  	_ =	swait.ge [sflag:s22], $0x1000  }
0x130: {  	[sflag:s22] =	ssyncset.done $0x0  }
0x131: {  	[sflag:s22] =	ssyncadd.s32 $0xFFFFF000  }
0x132: {  	_ =	swait.ge [sflag:s22], $0x1000  }
0x133: {  	[sflag:s22] =	ssyncset.done $0x0  }
0x134: {  	[sflag:s22] =	ssyncadd.s32 $0xFFFFF000  }
0x135: {  	_ =	swait.ge [sflag:s22], $0x1000  }
0x136: {  	[sflag:s22] =	ssyncset.done $0x0  }
0x137: {  	p1 =	seq.s32 s1, $0x8000;
	[sflag:s22] =	ssyncadd.s32 $0xFFFFF000  }
0x138: {  	s1 =	sshra.s32 @!p1 s1, $0x2;
	s6 =	simm.s32 @!p1 $0x80;
	_ =	swait.ge [sflag:s22], $0x1000  }
0x139: {  	s8 =	simm.s32 @!p1 $0x6000;
	s7 =	sadd.s32 @!p1 $0x800, s1;
	[sflag:s22] =	ssyncset.done $0x0  }
0x13a: {  	s9 =	simm.s32 @!p1 $0x5000;
	s5 =	sadd.s32 @!p1 $0x880, s1;
	[sflag:s22] =	ssyncadd.s32 $0xFFFFF000  }
0x13b: {  	[tilespmem:s9], [sflag:$0x1] =	stream.indirect.gather @!p1 [hbm4b:s4+s6], $0x20, s7, s6, $0xb8;
	[tilespmem:$0x1F000] =	vst v63  }
0x13c: {  	s11 =	sadd.s32 @!p1 $0xA00, s1;
	s7 =	sadd.s32 @!p1 $0x900, s1;
	s9 =	sadd.s32 @!p1 $0x980, s1  }
0x13d: {  	[tilespmem:s8], [sflag:$0x1] =	stream.indirect.gather @!p1 [hbm4b:s4+s6], $0x20, s5, s6, $0xb8;
	[tilespmem:$0x1F000] =	vst v63  }
0x13e: {  	s3 =	sadd.s32 @!p1 $0xB00, s1;
	s5 =	simm.s32 @!p1 $0x7000;
	s8 =	sadd.s32 @!p1 $0xA80, s1  }
0x13f: {  	[tilespmem:s5], [sflag:$0x1] =	stream.indirect.gather @!p1 [hbm4b:s4+s6], $0x20, s7, s6, $0xb8;
	[tilespmem:$0x1F000] =	vst v63  }
0x140: {  	s1 =	sadd.s32 @!p1 $0xB80, s1;
	s5 =	simm.s32 @!p1 $0x8000  }
0x141: {  	[tilespmem:s5], [sflag:$0x1] =	stream.indirect.gather @!p1 [hbm4b:s4+s6], $0x20, s9, s6, $0xb8;
	[tilespmem:$0x1F000] =	vst v63  }
0x142: {  	s5 =	simm.s32 @!p1 $0x9000  }
0x143: {  	[tilespmem:s5], [sflag:$0x1] =	stream.indirect.gather @!p1 [hbm4b:s4+s6], $0x20, s11, s6, $0xb8;
	[tilespmem:$0x1F000] =	vst v63  }
0x144: {  	s5 =	simm.s32 @!p1 $0xA000  }
0x145: {  	[tilespmem:s5], [sflag:$0x1] =	stream.indirect.gather @!p1 [hbm4b:s4+s6], $0x20, s8, s6, $0xb8;
	[tilespmem:$0x1F000] =	vst v63  }
0x146: {  	s7 =	simm.s32 @!p1 $0xC000;
	s5 =	simm.s32 @!p1 $0xB000  }
0x147: {  	[tilespmem:s5], [sflag:$0x1] =	stream.indirect.gather @!p1 [hbm4b:s4+s6], $0x20, s3, s6, $0xb8;
	[tilespmem:$0x1F000] =	vst v63  }
0x148: {  	_ = 	snop  }
0x149: {  	[tilespmem:s7], [sflag:$0x1] =	stream.indirect.gather @!p1 [hbm4b:s4+s6], $0x20, s1, s6, $0xb8;
	[tilespmem:$0x1F000] =	vst v63  }
0x14a: {  	s1 =	sadd.s32 $0x2C00, s26  }
0x14b: {  	[spmem:s2] =	stream.indirect.scatter.add.f32 [tilespmem:s30], [sflag:$0x2], $0x20, s1, s13, $0xb8;
	[tilespmem:$0x1F000] =	vst v63  }
0x14c: {  	s1 =	sadd.s32 $0x2C80, s26  }
0x14d: {  	[spmem:s2] =	stream.indirect.scatter.add.f32 [tilespmem:s31], [sflag:$0x2], $0x20, s1, s13, $0xb8;
	[tilespmem:$0x1F000] =	vst v63  }
0x14e: {  	s3 =	sadd.s32 $0x2D80, s26;
	s1 =	sadd.s32 $0x2D00, s26  }
0x14f: {  	[spmem:s2] =	stream.indirect.scatter.add.f32 [tilespmem:s0], [sflag:$0x2], $0x20, s1, s13, $0xb8;
	[tilespmem:$0x1F000] =	vst v63  }
0x150: {  	s1 =	sadd.s32 $0x2E00, s26  }
0x151: {  	[spmem:s2] =	stream.indirect.scatter.add.f32 [tilespmem:s10], [sflag:$0x2], $0x20, s3, s13, $0xb8;
	[tilespmem:$0x1F000] =	vst v63  }
0x152: {  	s3 =	sadd.s32 $0x2E80, s26  }
0x153: {  	[spmem:s2] =	stream.indirect.scatter.add.f32 [tilespmem:s12], [sflag:$0x2], $0x20, s1, s13, $0xb8;
	[tilespmem:$0x1F000] =	vst v63  }
0x154: {  	s1 =	sadd.s32 $0x2F00, s26  }
0x155: {  	[spmem:s2] =	stream.indirect.scatter.add.f32 [tilespmem:s16], [sflag:$0x2], $0x20, s3, s13, $0xb8;
	[tilespmem:$0x1F000] =	vst v63  }
0x156: {  	s3 =	sadd.s32 $0x2F80, s26  }
0x157: {  	[spmem:s2] =	stream.indirect.scatter.add.f32 [tilespmem:s18], [sflag:$0x2], $0x20, s1, s13, $0xb8;
	[tilespmem:$0x1F000] =	vst v63  }
0x158: {  	_ = 	snop  }
0x159: {  	[spmem:s2] =	stream.indirect.scatter.add.f32 [tilespmem:s20], [sflag:$0x2], $0x20, s3, s13, $0xb8;
	[tilespmem:$0x1F000] =	vst v63  }
0x15a: {  	_ =	swait.ge [sflag:s22], $0x1000  }
0x15b: {  	[sflag:s22] =	ssyncset.done $0x0  }
0x15c: {  	[sflag:s22] =	ssyncadd.s32 $0xFFFFF000  }
0x15d: {  	_ =	swait.ge [sflag:s22], $0x1000  }
0x15e: {  	[sflag:s22] =	ssyncset.done $0x0  }
0x15f: {  	[sflag:s22] =	ssyncadd.s32 $0xFFFFF000  }
0x160: {  	_ =	swait.ge [sflag:s22], $0x1000  }
0x161: {  	[sflag:s22] =	ssyncset.done $0x0  }
0x162: {  	[sflag:s22] =	ssyncadd.s32 $0xFFFFF000  }
0x163: {  	_ =	swait.ge [sflag:s22], $0x1000  }
0x164: {  	[sflag:s22] =	ssyncset.done $0x0  }
0x165: {  	[sflag:s22] =	ssyncadd.s32 $0xFFFFF000  }
0x166: {  	_ =	swait.ge [sflag:s22], $0x1000  }
0x167: {  	[sflag:s22] =	ssyncset.done $0x0  }
0x168: {  	[sflag:s22] =	ssyncadd.s32 $0xFFFFF000  }
0x169: {  	_ =	swait.ge [sflag:s22], $0x1000  }
0x16a: {  	[sflag:s22] =	ssyncset.done $0x0  }
.Ltmp1:
0x16b: {  	[sflag:s22] =	ssyncadd.s32 $0xFFFFF000;
	(pc) =	sbr.rel @p0 .LBB2_4-.Ltmp1, $4  }
0x16c: {  	_ =	swait.ge [sflag:s22], $0x1000  }
0x16d: {  	[sflag:s22] =	ssyncset.done $0x0  }
0x16e: {  	[sflag:s22] =	ssyncadd.s32 $0xFFFFF000  }
0x16f: {  	_ =	swait.ge [sflag:s22], $0x1000  }
0x170: {  	[sflag:s22] =	ssyncset.done $0x0  }
0x171: {  	[sflag:s22] =	ssyncadd.s32 $0xFFFFF000  }
0x172: {  	s1 =	stileid.u32;
	[bflag:$0x0] =	sbarrier.arrive $0xFFFF  }
0x173: {  	s1 =	sshll.u32 s1, $0x6;
	s5 =	rddreg [dreg:$0x4]  }
0x174: {  	s1 =	sor.u32 $0x1C03, s1;
	s6 =	rddreg [dreg:$0x7];
	s3 =	sshrl.u32 s5, $0x3  }
0x175: {  	[hbm:s6], [sflag:s1] =	dma.local [spmem:s3], $0xA00  }
0x176: {  	s6 =	simm.s32 $0x3  }
0x177: {  	_ =	swait.ge [sflag:s6], $0xA00  }
0x178: {  	s9 =	rddreg [dreg:$0x3]  }
0x179: {  	s26 =	rddreg [dreg:$0x8];
	s9 =	sadd.s32 $0x1, s9  }
0x17a: {  	p0 =	sne.s32 s9, s26  }
.Ltmp2:
0x17b: {  	_ = 	snop;
	(pc) =	sbr.rel @p0 .LBB2_1-.Ltmp2, $3  }
0x17c: {  	_ =	sdelay $0x1  }
0x17d: {  	[sflag:s6] =	ssyncset.done $0x0  }
0x17e: {  	[sflag:s6] =	ssyncadd.s32 $0xFFFFF600  }
0x17f: {  	_ =	sfence.sel $0x180000  }
0x180: {  	[bflag:$0x0] =	sbarrier.arrive $0xFFFF  }
0x181: {  	_ =	strace $0x90000047  }
0x182: {  	s0 =	stileid.u32;
	[bflag:$0x2] =	sbarrier.arrive $0xFFFF  }
0x183: {  	p0 =	sne.s32 s0, $0x0;
	s0 =	rddreg [dreg:$0x2]  }
0x184: {  	s0 =	sadd.s32 @!p0 $0x100000, s0  }
0x185: {  	[sflag:s0] =	ssyncadd.tile.s32 @!p0 $0x1;
	_ =	shalt  }
.Lfunc_end2:
_tile_overlayer_lowered:
.L_overlay_start_2:
0x186: {  	(tag) =	ssettag $0x2  }
0x187: {  	s0 =	rddreg [dreg:$0x0];
	s2 =	stileid.u32  }
0x188: {  	s1 =	rddreg [dreg:$0x1];
	p0 =	sne.s32 s2, $0x0  }
0x189: {  	s3 =	rddreg [dreg:$0x2];
	[bflag:$0x3] =	sbarrier.arrive $0xFFFF;
	s2 =	simm.s32 @!p0 $0x1C03  }
0x18a: {  	[timem:s3], [sflag:s2] =	dma.local @!p0 [hbm:s0], s1  }
0x18b: {  	s0 =	simm.s32 @!p0 $0x3  }
0x18c: {  	_ =	swait.ge @!p0 [sflag:s0], s1  }
0x18d: {  	s1 =	ssub.s32 @!p0 $0x0, s1;
	[sflag:s0] =	ssyncset.done @!p0 $0x0  }
0x18e: {  	[sflag:s0] =	ssyncadd.s32 @!p0 s1  }
0x18f: {  	[bflag:$0x3] =	sbarrier.arrive $0xFFFF  }
0x190: {  	_ =	shalt  }

</sc_bundles>
